<compile_context>
chip_gen: v7x
topology: tpu7x:2x2x1
jax: 0.10.2.dev20260603
libtpu: 0.0.44.dev20260713+nightly
codegen_flags: <defaults>
</compile_context>

<pallas_src>
import functools

import jax
import jax.numpy as jnp
from jax import lax
from jax.experimental import pallas as pl
from jax.experimental.pallas import tpu as pltpu
from jax.experimental.pallas import tpu_sc as plsc

D = 128
NC, NS = 2, 16
NW = NC * NS
CHUNK = 128
ROW_CHUNKS = 79
N_PAD = ROW_CHUNKS * CHUNK
PT = 80
E_PAD = NW * PT * CHUNK
IDXB = 40
NBLK = PT // IDXB

_MESH = plsc.VectorSubcoreMesh(
    core_axis_name="c", subcore_axis_name="s", num_cores=NC, num_subcores=NS)



_ZK = (ROW_CHUNKS + NS - 1) // NS


@functools.partial(
    pl.kernel,
    out_type=jax.ShapeDtypeStruct((2, NC, N_PAD, D), jnp.float32),
    mesh=_MESH,
    scratch_types=[
        pltpu.VMEM((CHUNK,), jnp.int32),
        pltpu.VMEM((CHUNK, D), jnp.float32),
        pltpu.VMEM_SHARED((N_PAD, D), jnp.float32),
    ],
)
def _deg_pass(src_hbm, dst_hbm, ones_hbm, z_hbm, out_hbm, idxv, ones_v, acc):
    cid = lax.axis_index("c")
    sid = lax.axis_index("s")
    wid = sid * NC + cid
    pltpu.sync_copy(ones_hbm, ones_v)
    for phase, idx_hbm in enumerate((src_hbm, dst_hbm)):
        for k in range(_ZK):
            c = sid + NS * k
            @pl.when(c < ROW_CHUNKS)
            def _():
                pltpu.sync_copy(z_hbm, acc.at[pl.ds(c * CHUNK, CHUNK)])
        plsc.subcore_barrier()

        def body(i, _):
            base = (wid * PT + i) * CHUNK
            pltpu.sync_copy(idx_hbm.at[pl.ds(base, CHUNK)], idxv)
            pltpu.sync_copy(ones_v, acc.at[idxv], add=True)
            return ()
        lax.fori_loop(0, PT, body, ())

        plsc.subcore_barrier()
        for k in range(_ZK):
            c = sid + NS * k
            @pl.when(c < ROW_CHUNKS)
            def _():
                rows = pl.ds(c * CHUNK, CHUNK)
                pltpu.sync_copy(acc.at[rows], out_hbm.at[phase, cid, rows])
        plsc.subcore_barrier()


@functools.partial(
    pl.kernel,
    out_type=jax.ShapeDtypeStruct((NC, N_PAD, D), jnp.float32),
    mesh=_MESH,
    scratch_types=[
        pltpu.VMEM((IDXB, CHUNK), jnp.int32),
        pltpu.VMEM((CHUNK,), jnp.int32),
        pltpu.VMEM((CHUNK,), jnp.int32),
        pltpu.VMEM((CHUNK, D), jnp.float32),
        pltpu.VMEM((CHUNK, D), jnp.float32),
        pltpu.VMEM_SHARED((N_PAD, D), jnp.float32),
        pltpu.SemaphoreType.DMA,
        pltpu.SemaphoreType.DMA,
    ],
)
def _edge_pass(h_hbm, src_hbm, dst_hbm, z_hbm, out_hbm,
               sidx, didx_a, didx_b, rows_a, rows_b, acc, sem_a, sem_b):
    cid = lax.axis_index("c")
    sid = lax.axis_index("s")
    wid = sid * NC + cid
    for k in range(_ZK):
        c = sid + NS * k
        @pl.when(c < ROW_CHUNKS)
        def _():
            pltpu.sync_copy(z_hbm, acc.at[pl.ds(c * CHUNK, CHUNK)])
    plsc.subcore_barrier()

    for blk in range(NBLK):
        cbase = wid * PT + blk * IDXB
        pltpu.sync_copy(src_hbm.at[pl.ds(cbase, IDXB)], sidx)
        pltpu.async_copy(h_hbm.at[sidx.at[0]], rows_a, sem_a)

        def body(j, _):
            i0 = 2 * j
            pltpu.async_copy(h_hbm.at[sidx.at[i0 + 1]], rows_b, sem_b)
            pltpu.sync_copy(dst_hbm.at[pl.ds((cbase + i0) * CHUNK, CHUNK)],
                            didx_a)
            pltpu.make_async_copy(h_hbm.at[sidx.at[i0]], rows_a, sem_a).wait()
            pltpu.sync_copy(rows_a, acc.at[didx_a], add=True)
            @pl.when(i0 + 2 < IDXB)
            def _():
                pltpu.async_copy(h_hbm.at[sidx.at[i0 + 2]], rows_a, sem_a)
            pltpu.sync_copy(dst_hbm.at[pl.ds((cbase + i0 + 1) * CHUNK, CHUNK)],
                            didx_b)
            pltpu.make_async_copy(h_hbm.at[sidx.at[i0 + 1]], rows_b, sem_b).wait()
            pltpu.sync_copy(rows_b, acc.at[didx_b], add=True)
            return ()
        lax.fori_loop(0, IDXB // 2, body, ())

    plsc.subcore_barrier()
    for k in range(_ZK):
        c = sid + NS * k
        @pl.when(c < ROW_CHUNKS)
        def _():
            rows = pl.ds(c * CHUNK, CHUNK)
            pltpu.sync_copy(acc.at[rows], out_hbm.at[cid, rows])



def _norm(d0, d1):
    return lax.rsqrt(jnp.clip(d0 + d1, 1.0, None))


def _scale_body(x_ref, ds0, ds1, o_ref):
    o_ref[...] = x_ref[...] * _norm(ds0[...], ds1[...])


def _post_elu_body(p0, p1, dd0, dd1, ds0, ds1, w, b, hact, hsc):
    rst = (p0[...] + p1[...]) * _norm(dd0[...], dd1[...])
    y = jnp.dot(rst, w[...], preferred_element_type=jnp.float32) + b[...]
    a = jnp.where(y > 0, y, jnp.exp(jnp.minimum(y, 0.0)) - 1.0)
    hact[...] = a
    hsc[...] = a * _norm(ds0[...], ds1[...])


def _post_softmax_body(p0, p1, dd0, dd1, w, b, out):
    rst = (p0[...] + p1[...]) * _norm(dd0[...], dd1[...])
    y = jnp.dot(rst, w[...], preferred_element_type=jnp.float32) + b[...]
    m = jnp.max(y, axis=1, keepdims=True)
    e = jnp.exp(y - m)
    out[...] = e / jnp.sum(e, axis=1, keepdims=True)


_row_blk = pl.BlockSpec((CHUNK, D), lambda i: (i, 0))
_vec_blk = pl.BlockSpec((CHUNK, 1), lambda i: (i, 0))
_w_blk = pl.BlockSpec((D, D), lambda i: (0, 0))
_b_blk = pl.BlockSpec((1, D), lambda i: (0, 0))

_scale = pl.pallas_call(
    _scale_body,
    grid=(ROW_CHUNKS,),
    in_specs=[_row_blk, _vec_blk, _vec_blk],
    out_specs=_row_blk,
    out_shape=jax.ShapeDtypeStruct((N_PAD, D), jnp.float32),
)

_post_elu = pl.pallas_call(
    _post_elu_body,
    grid=(ROW_CHUNKS,),
    in_specs=[_row_blk, _row_blk, _vec_blk, _vec_blk, _vec_blk, _vec_blk,
              _w_blk, _b_blk],
    out_specs=[_row_blk, _row_blk],
    out_shape=[jax.ShapeDtypeStruct((N_PAD, D), jnp.float32),
               jax.ShapeDtypeStruct((N_PAD, D), jnp.float32)],
)

_post_softmax = pl.pallas_call(
    _post_softmax_body,
    grid=(ROW_CHUNKS,),
    in_specs=[_row_blk, _row_blk, _vec_blk, _vec_blk, _w_blk, _b_blk],
    out_specs=_row_blk,
    out_shape=jax.ShapeDtypeStruct((N_PAD, D), jnp.float32),
)



def kernel(x, edge_index, W1, b1, W2, b2, W3, b3):
    n = x.shape[0]
    e = edge_index.shape[1]
    src = edge_index[0].astype(jnp.int32)
    dst = edge_index[1].astype(jnp.int32)
    pad = n + (jnp.arange(E_PAD - e, dtype=jnp.int32) % (N_PAD - n))
    src_f = jnp.concatenate([src, pad])
    dst_f = jnp.concatenate([dst, pad])
    src2d = src_f.reshape(NW * PT, CHUNK)

    zrow = jnp.zeros((CHUNK, D), jnp.float32)
    ones_r = jnp.ones((CHUNK, D), jnp.float32)

    degs = _deg_pass(src_f, dst_f, ones_r, zrow)
    ds0 = degs[0, 0, :, 0].reshape(N_PAD, 1)
    ds1 = degs[0, 1, :, 0].reshape(N_PAD, 1)
    dd0 = degs[1, 0, :, 0].reshape(N_PAD, 1)
    dd1 = degs[1, 1, :, 0].reshape(N_PAD, 1)

    x_pad = jnp.pad(x, ((0, N_PAD - n), (0, 0)))
    b1r = b1.reshape(1, D)
    b2r = b2.reshape(1, D)
    b3r = b3.reshape(1, D)

    h = _scale(x_pad, ds0, ds1)
    parts = _edge_pass(h, src2d, dst_f, zrow)
    h1, h = _post_elu(parts[0], parts[1], dd0, dd1, ds0, ds1, W1, b1r)
    parts = _edge_pass(h, src2d, dst_f, zrow)
    h2, h = _post_elu(parts[0], parts[1], dd0, dd1, ds0, ds1, W2, b2r)
    parts = _edge_pass(h, src2d, dst_f, zrow)
    h3 = _post_softmax(parts[0], parts[1], dd0, dd1, W3, b3r)

    d = x.shape[1]
    return (h1[:n].reshape(-1, n, d), h2[:n].reshape(-1, n, d),
            h3[:n].reshape(-1, n, d))

# --- scband reference (transcript-rebuilt; emitter-appended) ---
"""Pipeline reference for scband-three-gcn-25357486916245 (READ-ONLY COPY).

The authoritative reference and input builder live on the scoring server;
editing this copy changes nothing except your own understanding.
"""

import jax, jax.numpy as jnp
import numpy as np

N_NODES = 10000
N_EDGES = 320000
D_IN = 128
D_OUT = 128

def setup_inputs(seed: int = 0) -> dict:
    key = jax.random.key(seed)
    ks = jax.random.split(key, 8)
    x = jax.random.normal(ks[0], (N_NODES, D_IN), dtype=jnp.float32)
    edge_index = jax.random.randint(ks[1], (2, N_EDGES), 0, N_NODES, dtype=jnp.int64)
    W1 = jax.random.normal(ks[2], (D_IN, D_OUT), dtype=jnp.float32) * 0.05
    b1 = jnp.zeros((D_OUT,), dtype=jnp.float32)
    W2 = jax.random.normal(ks[3], (D_OUT, D_OUT), dtype=jnp.float32) * 0.05
    b2 = jnp.zeros((D_OUT,), dtype=jnp.float32)
    W3 = jax.random.normal(ks[4], (D_OUT, D_OUT), dtype=jnp.float32) * 0.05
    b3 = jnp.zeros((D_OUT,), dtype=jnp.float32)
    return {"x": x, "edge_index": edge_index, "W1": W1, "b1": b1, "W2": W2, "b2": b2, "W3": W3, "b3": b3}

def _graph_conv(feat, W, b, src, dst, n):
    # DGL GraphConv, norm='both': D_dst^{-1/2} A D_src^{-1/2} X W + b
    ones = jnp.ones((src.shape[0],), dtype=feat.dtype)
    out_deg = jax.ops.segment_sum(ones, src, num_segments=n)
    in_deg = jax.ops.segment_sum(ones, dst, num_segments=n)
    out_deg = jnp.clip(out_deg, 1.0, None)
    in_deg = jnp.clip(in_deg, 1.0, None)
    norm_src = jax.lax.rsqrt(out_deg)
    norm_dst = jax.lax.rsqrt(in_deg)
    h = feat * norm_src[:, None]
    msgs = jnp.take(h, src, axis=0)
    agg = jax.ops.segment_sum(msgs, dst, num_segments=n)
    rst = agg * norm_dst[:, None]
    return rst @ W + b

def reference(x, edge_index, W1, b1, W2, b2, W3, b3):
    n = x.shape[0]
    src = edge_index[0]
    dst = edge_index[1]
    y = _graph_conv(x, W1, b1, src, dst, n)
    h1 = jax.nn.elu(y)
    y = _graph_conv(h1, W2, b2, src, dst, n)
    h2 = jax.nn.elu(y)
    y = _graph_conv(h2, W3, b3, src, dst, n)
    h3 = jax.nn.softmax(y, axis=1)
    d = h3.shape[1]
    return (h1.reshape(-1, n, d), h2.reshape(-1, n, d), h3.reshape(-1, n, d))

if __name__ == "__main__":
    import jax
    _d = setup_inputs()
    print(jax.jit(kernel)(*tuple(_d.values())))

</pallas_src>

<mosaic_0001>
#map = affine_map<(d0, d1) -> (0)>
#map1 = affine_map<(d0, d1) -> (0, 0)>
#map2 = affine_map<(d0, d1) -> (0, 0, 0, 0)>
module attributes {stable_mosaic.version = 14 : i64} {
  func.func @_deg_pass(%arg0: i32, %arg1: i32, %arg2: memref<327680xi32, #tpu.memory_space<hbm>>, %arg3: memref<327680xi32, #tpu.memory_space<hbm>>, %arg4: memref<128x128xf32, #tpu.memory_space<hbm>>, %arg5: memref<128x128xf32, #tpu.memory_space<hbm>>, %arg6: memref<2x2x10112x128xf32, #tpu.memory_space<hbm>>, %arg7: memref<128xi32, #tpu.memory_space<vmem>>, %arg8: memref<128x128xf32, #tpu.memory_space<vmem>>, %arg9: memref<10112x128xf32, #tpu.memory_space<vmem_shared>>) attributes {dimension_semantics = [#tpu.dimension_semantics<core_parallel>, #tpu.dimension_semantics<subcore_parallel>], iteration_bounds = array<i64: 2, 16>, scalar_prefetch = 0 : i64, scratch_operands = 3 : i64, tpu.core_type = #tpu.core_type<sc_vector_subcore>, window_params = [{transform_indices = #map}, {transform_indices = #map}, {transform_indices = #map1}, {transform_indices = #map1}, {transform_indices = #map2}]} {
    %mul3A = arith.constant 2 : i32
    %mul3A_0 = arith.muli %arg1, %mul3A : i32
    %add3A = arith.addi %mul3A_0, %arg0 : i32
    "tpu.region"() ({
      %run_scoped3A = tpu.sem_alloc : memref<!tpu.dma_semaphore, #tpu.memory_space<semaphore_mem>>
      tpu.enqueue_dma source(%arg4 : memref<128x128xf32, #tpu.memory_space<hbm>>) target(%arg8 : memref<128x128xf32, #tpu.memory_space<vmem>>) target_semaphore(%run_scoped3A : memref<!tpu.dma_semaphore, #tpu.memory_space<semaphore_mem>>)
      tpu.wait_dma2 semaphore(%run_scoped3A : memref<!tpu.dma_semaphore, #tpu.memory_space<semaphore_mem>>) src(%arg4 : memref<128x128xf32, #tpu.memory_space<hbm>>) dst(%arg8 : memref<128x128xf32, #tpu.memory_space<vmem>>)
      tpu.yield
    }) : () -> ()
    %add3A_1 = arith.constant 0 : i32
    %add3A_2 = arith.addi %arg1, %add3A_1 : i32
    %lt3A = arith.constant 79 : i32
    %lt3A_3 = arith.cmpi slt, %add3A_2, %lt3A : i32
    %convert_element_type3A = arith.extui %lt3A_3 : i1 to i32
    %cond3A = arith.constant 0 : i32
    %cond3A_4 = arith.cmpi ne, %convert_element_type3A, %cond3A : i32
    scf.if %cond3A_4 {
      %mul3A_152 = arith.constant 128 : i32
      %mul3A_153 = arith.muli %add3A_2, %mul3A_152 : i32
      "tpu.region"() ({
        %run_scoped3A = tpu.sem_alloc : memref<!tpu.dma_semaphore, #tpu.memory_space<semaphore_mem>>
        %dma_start3A = arith.constant 0 : i32
        %dma_start3A_154 = tpu.memref_slice %arg9[%mul3A_153, %dma_start3A] : memref<10112x128xf32, #tpu.memory_space<vmem_shared>> -> memref<128x128xf32, #tpu.memory_space<vmem_shared>>
        tpu.enqueue_dma source(%arg5 : memref<128x128xf32, #tpu.memory_space<hbm>>) target(%dma_start3A_154 : memref<128x128xf32, #tpu.memory_space<vmem_shared>>) target_semaphore(%run_scoped3A : memref<!tpu.dma_semaphore, #tpu.memory_space<semaphore_mem>>)
        %dma_wait3A = arith.constant 0 : i32
        %dma_wait3A_155 = tpu.memref_slice %arg9[%mul3A_153, %dma_wait3A] : memref<10112x128xf32, #tpu.memory_space<vmem_shared>> -> memref<128x128xf32, #tpu.memory_space<vmem_shared>>
        tpu.wait_dma2 semaphore(%run_scoped3A : memref<!tpu.dma_semaphore, #tpu.memory_space<semaphore_mem>>) src(%arg5 : memref<128x128xf32, #tpu.memory_space<hbm>>) dst(%dma_wait3A_155 : memref<128x128xf32, #tpu.memory_space<vmem_shared>>)
        tpu.yield
      }) : () -> ()
    } else {
    }
    %add3A_5 = arith.constant 16 : i32
    %add3A_6 = arith.addi %arg1, %add3A_5 : i32
    %lt3A_7 = arith.constant 79 : i32
    %lt3A_8 = arith.cmpi slt, %add3A_6, %lt3A_7 : i32
    %convert_element_type3A_9 = arith.extui %lt3A_8 : i1 to i32
    %cond3A_10 = arith.constant 0 : i32
    %cond3A_11 = arith.cmpi ne, %convert_element_type3A_9, %cond3A_10 : i32
    scf.if %cond3A_11 {
      %mul3A_152 = arith.constant 128 : i32
      %mul3A_153 = arith.muli %add3A_6, %mul3A_152 : i32
      "tpu.region"() ({
        %run_scoped3A = tpu.sem_alloc : memref<!tpu.dma_semaphore, #tpu.memory_space<semaphore_mem>>
        %dma_start3A = arith.constant 0 : i32
        %dma_start3A_154 = tpu.memref_slice %arg9[%mul3A_153, %dma_start3A] : memref<10112x128xf32, #tpu.memory_space<vmem_shared>> -> memref<128x128xf32, #tpu.memory_space<vmem_shared>>
        tpu.enqueue_dma source(%arg5 : memref<128x128xf32, #tpu.memory_space<hbm>>) target(%dma_start3A_154 : memref<128x128xf32, #tpu.memory_space<vmem_shared>>) target_semaphore(%run_scoped3A : memref<!tpu.dma_semaphore, #tpu.memory_space<semaphore_mem>>)
        %dma_wait3A = arith.constant 0 : i32
        %dma_wait3A_155 = tpu.memref_slice %arg9[%mul3A_153, %dma_wait3A] : memref<10112x128xf32, #tpu.memory_space<vmem_shared>> -> memref<128x128xf32, #tpu.memory_space<vmem_shared>>
        tpu.wait_dma2 semaphore(%run_scoped3A : memref<!tpu.dma_semaphore, #tpu.memory_space<semaphore_mem>>) src(%arg5 : memref<128x128xf32, #tpu.memory_space<hbm>>) dst(%dma_wait3A_155 : memref<128x128xf32, #tpu.memory_space<vmem_shared>>)
        tpu.yield
      }) : () -> ()
    } else {
    }
    %add3A_12 = arith.constant 32 : i32
    %add3A_13 = arith.addi %arg1, %add3A_12 : i32
    %lt3A_14 = arith.constant 79 : i32
    %lt3A_15 = arith.cmpi slt, %add3A_13, %lt3A_14 : i32
    %convert_element_type3A_16 = arith.extui %lt3A_15 : i1 to i32
    %cond3A_17 = arith.constant 0 : i32
    %cond3A_18 = arith.cmpi ne, %convert_element_type3A_16, %cond3A_17 : i32
    scf.if %cond3A_18 {
      %mul3A_152 = arith.constant 128 : i32
      %mul3A_153 = arith.muli %add3A_13, %mul3A_152 : i32
      "tpu.region"() ({
        %run_scoped3A = tpu.sem_alloc : memref<!tpu.dma_semaphore, #tpu.memory_space<semaphore_mem>>
        %dma_start3A = arith.constant 0 : i32
        %dma_start3A_154 = tpu.memref_slice %arg9[%mul3A_153, %dma_start3A] : memref<10112x128xf32, #tpu.memory_space<vmem_shared>> -> memref<128x128xf32, #tpu.memory_space<vmem_shared>>
        tpu.enqueue_dma source(%arg5 : memref<128x128xf32, #tpu.memory_space<hbm>>) target(%dma_start3A_154 : memref<128x128xf32, #tpu.memory_space<vmem_shared>>) target_semaphore(%run_scoped3A : memref<!tpu.dma_semaphore, #tpu.memory_space<semaphore_mem>>)
        %dma_wait3A = arith.constant 0 : i32
        %dma_wait3A_155 = tpu.memref_slice %arg9[%mul3A_153, %dma_wait3A] : memref<10112x128xf32, #tpu.memory_space<vmem_shared>> -> memref<128x128xf32, #tpu.memory_space<vmem_shared>>
        tpu.wait_dma2 semaphore(%run_scoped3A : memref<!tpu.dma_semaphore, #tpu.memory_space<semaphore_mem>>) src(%arg5 : memref<128x128xf32, #tpu.memory_space<hbm>>) dst(%dma_wait3A_155 : memref<128x128xf32, #tpu.memory_space<vmem_shared>>)
        tpu.yield
      }) : () -> ()
    } else {
    }
    %add3A_19 = arith.constant 48 : i32
    %add3A_20 = arith.addi %arg1, %add3A_19 : i32
    %lt3A_21 = arith.constant 79 : i32
    %lt3A_22 = arith.cmpi slt, %add3A_20, %lt3A_21 : i32
    %convert_element_type3A_23 = arith.extui %lt3A_22 : i1 to i32
    %cond3A_24 = arith.constant 0 : i32
    %cond3A_25 = arith.cmpi ne, %convert_element_type3A_23, %cond3A_24 : i32
    scf.if %cond3A_25 {
      %mul3A_152 = arith.constant 128 : i32
      %mul3A_153 = arith.muli %add3A_20, %mul3A_152 : i32
      "tpu.region"() ({
        %run_scoped3A = tpu.sem_alloc : memref<!tpu.dma_semaphore, #tpu.memory_space<semaphore_mem>>
        %dma_start3A = arith.constant 0 : i32
        %dma_start3A_154 = tpu.memref_slice %arg9[%mul3A_153, %dma_start3A] : memref<10112x128xf32, #tpu.memory_space<vmem_shared>> -> memref<128x128xf32, #tpu.memory_space<vmem_shared>>
        tpu.enqueue_dma source(%arg5 : memref<128x128xf32, #tpu.memory_space<hbm>>) target(%dma_start3A_154 : memref<128x128xf32, #tpu.memory_space<vmem_shared>>) target_semaphore(%run_scoped3A : memref<!tpu.dma_semaphore, #tpu.memory_space<semaphore_mem>>)
        %dma_wait3A = arith.constant 0 : i32
        %dma_wait3A_155 = tpu.memref_slice %arg9[%mul3A_153, %dma_wait3A] : memref<10112x128xf32, #tpu.memory_space<vmem_shared>> -> memref<128x128xf32, #tpu.memory_space<vmem_shared>>
        tpu.wait_dma2 semaphore(%run_scoped3A : memref<!tpu.dma_semaphore, #tpu.memory_space<semaphore_mem>>) src(%arg5 : memref<128x128xf32, #tpu.memory_space<hbm>>) dst(%dma_wait3A_155 : memref<128x128xf32, #tpu.memory_space<vmem_shared>>)
        tpu.yield
      }) : () -> ()
    } else {
    }
    %add3A_26 = arith.constant 64 : i32
    %add3A_27 = arith.addi %arg1, %add3A_26 : i32
    %lt3A_28 = arith.constant 79 : i32
    %lt3A_29 = arith.cmpi slt, %add3A_27, %lt3A_28 : i32
    %convert_element_type3A_30 = arith.extui %lt3A_29 : i1 to i32
    %cond3A_31 = arith.constant 0 : i32
    %cond3A_32 = arith.cmpi ne, %convert_element_type3A_30, %cond3A_31 : i32
    scf.if %cond3A_32 {
      %mul3A_152 = arith.constant 128 : i32
      %mul3A_153 = arith.muli %add3A_27, %mul3A_152 : i32
      "tpu.region"() ({
        %run_scoped3A = tpu.sem_alloc : memref<!tpu.dma_semaphore, #tpu.memory_space<semaphore_mem>>
        %dma_start3A = arith.constant 0 : i32
        %dma_start3A_154 = tpu.memref_slice %arg9[%mul3A_153, %dma_start3A] : memref<10112x128xf32, #tpu.memory_space<vmem_shared>> -> memref<128x128xf32, #tpu.memory_space<vmem_shared>>
        tpu.enqueue_dma source(%arg5 : memref<128x128xf32, #tpu.memory_space<hbm>>) target(%dma_start3A_154 : memref<128x128xf32, #tpu.memory_space<vmem_shared>>) target_semaphore(%run_scoped3A : memref<!tpu.dma_semaphore, #tpu.memory_space<semaphore_mem>>)
        %dma_wait3A = arith.constant 0 : i32
        %dma_wait3A_155 = tpu.memref_slice %arg9[%mul3A_153, %dma_wait3A] : memref<10112x128xf32, #tpu.memory_space<vmem_shared>> -> memref<128x128xf32, #tpu.memory_space<vmem_shared>>
        tpu.wait_dma2 semaphore(%run_scoped3A : memref<!tpu.dma_semaphore, #tpu.memory_space<semaphore_mem>>) src(%arg5 : memref<128x128xf32, #tpu.memory_space<hbm>>) dst(%dma_wait3A_155 : memref<128x128xf32, #tpu.memory_space<vmem_shared>>)
        tpu.yield
      }) : () -> ()
    } else {
    }
    %barrier3A = arith.constant 0 : index
    tpu.barrier barrier_id(%barrier3A)
    %scan3A = arith.constant 0 : i32
    %scan3A_33 = arith.constant 80 : i32
    %scan3A_34 = arith.addi %scan3A, %scan3A_33 : i32
    %scan3A_35 = arith.constant 1 : i32
    scf.for %scan3A_152 = %scan3A to %scan3A_34 step %scan3A_35  : i32 {
      %mul3A_153 = arith.constant 80 : i32
      %mul3A_154 = arith.muli %add3A, %mul3A_153 : i32
      %add3A_155 = arith.addi %mul3A_154, %scan3A_152 : i32
      %mul3A_156 = arith.constant 128 : i32
      %mul3A_157 = arith.muli %add3A_155, %mul3A_156 : i32
      "tpu.region"() ({
        %run_scoped3A = tpu.sem_alloc : memref<!tpu.dma_semaphore, #tpu.memory_space<semaphore_mem>>
        %dma_start3A = tpu.memref_slice %arg2[%mul3A_157] : memref<327680xi32, #tpu.memory_space<hbm>> -> memref<128xi32, #tpu.memory_space<hbm>>
        %dma_start3A_158 = tpu.memref_slice %arg2[%mul3A_157] : memref<327680xi32, #tpu.memory_space<hbm>> -> memref<128xi32, #tpu.memory_space<hbm>>
        tpu.enqueue_dma source(%dma_start3A_158 : memref<128xi32, #tpu.memory_space<hbm>>) target(%arg7 : memref<128xi32, #tpu.memory_space<vmem>>) target_semaphore(%run_scoped3A : memref<!tpu.dma_semaphore, #tpu.memory_space<semaphore_mem>>)
        %dma_wait3A = tpu.memref_slice %arg2[%mul3A_157] : memref<327680xi32, #tpu.memory_space<hbm>> -> memref<128xi32, #tpu.memory_space<hbm>>
        %dma_wait3A_159 = tpu.memref_slice %arg2[%mul3A_157] : memref<327680xi32, #tpu.memory_space<hbm>> -> memref<128xi32, #tpu.memory_space<hbm>>
        tpu.wait_dma2 semaphore(%run_scoped3A : memref<!tpu.dma_semaphore, #tpu.memory_space<semaphore_mem>>) src(%dma_wait3A_159 : memref<128xi32, #tpu.memory_space<hbm>>) dst(%arg7 : memref<128xi32, #tpu.memory_space<vmem>>)
        tpu.yield
      }) : () -> ()
      "tpu.region"() ({
        %run_scoped3A = tpu.sem_alloc : memref<!tpu.dma_semaphore, #tpu.memory_space<semaphore_mem>>
        %dma_start3A = arith.constant 0 : i32
        %dma_start3A_158 = arith.constant 0 : i32
        %dma_start3A_159 = tpu.memref_slice %arg9[%dma_start3A, %dma_start3A_158] : memref<10112x128xf32, #tpu.memory_space<vmem_shared>> -> memref<10112x128xf32, #tpu.memory_space<vmem_shared>>
        tpu.enqueue_indirect_dma source(%arg8 : memref<128x128xf32, #tpu.memory_space<vmem>>) target(%dma_start3A_159 : memref<10112x128xf32, #tpu.memory_space<vmem_shared>>) offsets(%arg7 : memref<128xi32, #tpu.memory_space<vmem>>) semaphore(%run_scoped3A : memref<!tpu.dma_semaphore, #tpu.memory_space<semaphore_mem>>) {add = true}
        %dma_wait3A = arith.constant 0 : i32
        %dma_wait3A_160 = arith.constant 0 : i32
        %dma_wait3A_161 = tpu.memref_slice %arg9[%dma_wait3A, %dma_wait3A_160] : memref<10112x128xf32, #tpu.memory_space<vmem_shared>> -> memref<10112x128xf32, #tpu.memory_space<vmem_shared>>
        tpu.wait_indirect_dma semaphore(%run_scoped3A : memref<!tpu.dma_semaphore, #tpu.memory_space<semaphore_mem>>) src(%arg8 : memref<128x128xf32, #tpu.memory_space<vmem>>) dst(%dma_wait3A_161 : memref<10112x128xf32, #tpu.memory_space<vmem_shared>>)
        tpu.yield
      }) : () -> ()
    }
    %scan3A_36 = arith.constant 80 : i32
    %barrier3A_37 = arith.constant 0 : index
    tpu.barrier barrier_id(%barrier3A_37)
    %add3A_38 = arith.constant 0 : i32
    %add3A_39 = arith.addi %arg1, %add3A_38 : i32
    %lt3A_40 = arith.constant 79 : i32
    %lt3A_41 = arith.cmpi slt, %add3A_39, %lt3A_40 : i32
    %convert_element_type3A_42 = arith.extui %lt3A_41 : i1 to i32
    %cond3A_43 = arith.constant 0 : i32
    %cond3A_44 = arith.cmpi ne, %convert_element_type3A_42, %cond3A_43 : i32
    scf.if %cond3A_44 {
      %mul3A_152 = arith.constant 128 : i32
      %mul3A_153 = arith.muli %add3A_39, %mul3A_152 : i32
      %run_scoped3A = arith.constant 0 : i32
      "tpu.region"() ({
        %run_scoped3A_154 = tpu.sem_alloc : memref<!tpu.dma_semaphore, #tpu.memory_space<semaphore_mem>>
        %dma_start3A = arith.constant 0 : i32
        %dma_start3A_155 = tpu.memref_slice %arg6[%run_scoped3A, %arg0, %mul3A_153, %dma_start3A] : memref<2x2x10112x128xf32, #tpu.memory_space<hbm>> -> memref<1x1x128x128xf32, #tpu.memory_space<hbm>>
        %dma_start3A_156 = tpu.memref_squeeze %dma_start3A_155 : memref<1x1x128x128xf32, #tpu.memory_space<hbm>> -> memref<128x128xf32, #tpu.memory_space<hbm>>
        %dma_start3A_157 = arith.constant 0 : i32
        %dma_start3A_158 = tpu.memref_slice %arg9[%mul3A_153, %dma_start3A_157] : memref<10112x128xf32, #tpu.memory_space<vmem_shared>> -> memref<128x128xf32, #tpu.memory_space<vmem_shared>>
        tpu.enqueue_dma source(%dma_start3A_158 : memref<128x128xf32, #tpu.memory_space<vmem_shared>>) target(%dma_start3A_156 : memref<128x128xf32, #tpu.memory_space<hbm>>) target_semaphore(%run_scoped3A_154 : memref<!tpu.dma_semaphore, #tpu.memory_space<semaphore_mem>>)
        %dma_wait3A = arith.constant 0 : i32
        %dma_wait3A_159 = tpu.memref_slice %arg6[%run_scoped3A, %arg0, %mul3A_153, %dma_wait3A] : memref<2x2x10112x128xf32, #tpu.memory_space<hbm>> -> memref<1x1x128x128xf32, #tpu.memory_space<hbm>>
        %dma_wait3A_160 = tpu.memref_squeeze %dma_wait3A_159 : memref<1x1x128x128xf32, #tpu.memory_space<hbm>> -> memref<128x128xf32, #tpu.memory_space<hbm>>
        %dma_wait3A_161 = arith.constant 0 : i32
        %dma_wait3A_162 = tpu.memref_slice %arg9[%mul3A_153, %dma_wait3A_161] : memref<10112x128xf32, #tpu.memory_space<vmem_shared>> -> memref<128x128xf32, #tpu.memory_space<vmem_shared>>
        tpu.wait_dma2 semaphore(%run_scoped3A_154 : memref<!tpu.dma_semaphore, #tpu.memory_space<semaphore_mem>>) src(%dma_wait3A_162 : memref<128x128xf32, #tpu.memory_space<vmem_shared>>) dst(%dma_wait3A_160 : memref<128x128xf32, #tpu.memory_space<hbm>>)
        tpu.yield
      }) : () -> ()
    } else {
    }
    %add3A_45 = arith.constant 16 : i32
    %add3A_46 = arith.addi %arg1, %add3A_45 : i32
    %lt3A_47 = arith.constant 79 : i32
    %lt3A_48 = arith.cmpi slt, %add3A_46, %lt3A_47 : i32
    %convert_element_type3A_49 = arith.extui %lt3A_48 : i1 to i32
    %cond3A_50 = arith.constant 0 : i32
    %cond3A_51 = arith.cmpi ne, %convert_element_type3A_49, %cond3A_50 : i32
    scf.if %cond3A_51 {
      %mul3A_152 = arith.constant 128 : i32
      %mul3A_153 = arith.muli %add3A_46, %mul3A_152 : i32
      %run_scoped3A = arith.constant 0 : i32
      "tpu.region"() ({
        %run_scoped3A_154 = tpu.sem_alloc : memref<!tpu.dma_semaphore, #tpu.memory_space<semaphore_mem>>
        %dma_start3A = arith.constant 0 : i32
        %dma_start3A_155 = tpu.memref_slice %arg6[%run_scoped3A, %arg0, %mul3A_153, %dma_start3A] : memref<2x2x10112x128xf32, #tpu.memory_space<hbm>> -> memref<1x1x128x128xf32, #tpu.memory_space<hbm>>
        %dma_start3A_156 = tpu.memref_squeeze %dma_start3A_155 : memref<1x1x128x128xf32, #tpu.memory_space<hbm>> -> memref<128x128xf32, #tpu.memory_space<hbm>>
        %dma_start3A_157 = arith.constant 0 : i32
        %dma_start3A_158 = tpu.memref_slice %arg9[%mul3A_153, %dma_start3A_157] : memref<10112x128xf32, #tpu.memory_space<vmem_shared>> -> memref<128x128xf32, #tpu.memory_space<vmem_shared>>
        tpu.enqueue_dma source(%dma_start3A_158 : memref<128x128xf32, #tpu.memory_space<vmem_shared>>) target(%dma_start3A_156 : memref<128x128xf32, #tpu.memory_space<hbm>>) target_semaphore(%run_scoped3A_154 : memref<!tpu.dma_semaphore, #tpu.memory_space<semaphore_mem>>)
        %dma_wait3A = arith.constant 0 : i32
        %dma_wait3A_159 = tpu.memref_slice %arg6[%run_scoped3A, %arg0, %mul3A_153, %dma_wait3A] : memref<2x2x10112x128xf32, #tpu.memory_space<hbm>> -> memref<1x1x128x128xf32, #tpu.memory_space<hbm>>
        %dma_wait3A_160 = tpu.memref_squeeze %dma_wait3A_159 : memref<1x1x128x128xf32, #tpu.memory_space<hbm>> -> memref<128x128xf32, #tpu.memory_space<hbm>>
        %dma_wait3A_161 = arith.constant 0 : i32
        %dma_wait3A_162 = tpu.memref_slice %arg9[%mul3A_153, %dma_wait3A_161] : memref<10112x128xf32, #tpu.memory_space<vmem_shared>> -> memref<128x128xf32, #tpu.memory_space<vmem_shared>>
        tpu.wait_dma2 semaphore(%run_scoped3A_154 : memref<!tpu.dma_semaphore, #tpu.memory_space<semaphore_mem>>) src(%dma_wait3A_162 : memref<128x128xf32, #tpu.memory_space<vmem_shared>>) dst(%dma_wait3A_160 : memref<128x128xf32, #tpu.memory_space<hbm>>)
        tpu.yield
      }) : () -> ()
    } else {
    }
    %add3A_52 = arith.constant 32 : i32
    %add3A_53 = arith.addi %arg1, %add3A_52 : i32
    %lt3A_54 = arith.constant 79 : i32
    %lt3A_55 = arith.cmpi slt, %add3A_53, %lt3A_54 : i32
    %convert_element_type3A_56 = arith.extui %lt3A_55 : i1 to i32
    %cond3A_57 = arith.constant 0 : i32
    %cond3A_58 = arith.cmpi ne, %convert_element_type3A_56, %cond3A_57 : i32
    scf.if %cond3A_58 {
      %mul3A_152 = arith.constant 128 : i32
      %mul3A_153 = arith.muli %add3A_53, %mul3A_152 : i32
      %run_scoped3A = arith.constant 0 : i32
      "tpu.region"() ({
        %run_scoped3A_154 = tpu.sem_alloc : memref<!tpu.dma_semaphore, #tpu.memory_space<semaphore_mem>>
        %dma_start3A = arith.constant 0 : i32
        %dma_start3A_155 = tpu.memref_slice %arg6[%run_scoped3A, %arg0, %mul3A_153, %dma_start3A] : memref<2x2x10112x128xf32, #tpu.memory_space<hbm>> -> memref<1x1x128x128xf32, #tpu.memory_space<hbm>>
        %dma_start3A_156 = tpu.memref_squeeze %dma_start3A_155 : memref<1x1x128x128xf32, #tpu.memory_space<hbm>> -> memref<128x128xf32, #tpu.memory_space<hbm>>
        %dma_start3A_157 = arith.constant 0 : i32
        %dma_start3A_158 = tpu.memref_slice %arg9[%mul3A_153, %dma_start3A_157] : memref<10112x128xf32, #tpu.memory_space<vmem_shared>> -> memref<128x128xf32, #tpu.memory_space<vmem_shared>>
        tpu.enqueue_dma source(%dma_start3A_158 : memref<128x128xf32, #tpu.memory_space<vmem_shared>>) target(%dma_start3A_156 : memref<128x128xf32, #tpu.memory_space<hbm>>) target_semaphore(%run_scoped3A_154 : memref<!tpu.dma_semaphore, #tpu.memory_space<semaphore_mem>>)
        %dma_wait3A = arith.constant 0 : i32
        %dma_wait3A_159 = tpu.memref_slice %arg6[%run_scoped3A, %arg0, %mul3A_153, %dma_wait3A] : memref<2x2x10112x128xf32, #tpu.memory_space<hbm>> -> memref<1x1x128x128xf32, #tpu.memory_space<hbm>>
        %dma_wait3A_160 = tpu.memref_squeeze %dma_wait3A_159 : memref<1x1x128x128xf32, #tpu.memory_space<hbm>> -> memref<128x128xf32, #tpu.memory_space<hbm>>
        %dma_wait3A_161 = arith.constant 0 : i32
        %dma_wait3A_162 = tpu.memref_slice %arg9[%mul3A_153, %dma_wait3A_161] : memref<10112x128xf32, #tpu.memory_space<vmem_shared>> -> memref<128x128xf32, #tpu.memory_space<vmem_shared>>
        tpu.wait_dma2 semaphore(%run_scoped3A_154 : memref<!tpu.dma_semaphore, #tpu.memory_space<semaphore_mem>>) src(%dma_wait3A_162 : memref<128x128xf32, #tpu.memory_space<vmem_shared>>) dst(%dma_wait3A_160 : memref<128x128xf32, #tpu.memory_space<hbm>>)
        tpu.yield
      }) : () -> ()
    } else {
    }
    %add3A_59 = arith.constant 48 : i32
    %add3A_60 = arith.addi %arg1, %add3A_59 : i32
    %lt3A_61 = arith.constant 79 : i32
    %lt3A_62 = arith.cmpi slt, %add3A_60, %lt3A_61 : i32
    %convert_element_type3A_63 = arith.extui %lt3A_62 : i1 to i32
    %cond3A_64 = arith.constant 0 : i32
    %cond3A_65 = arith.cmpi ne, %convert_element_type3A_63, %cond3A_64 : i32
    scf.if %cond3A_65 {
      %mul3A_152 = arith.constant 128 : i32
      %mul3A_153 = arith.muli %add3A_60, %mul3A_152 : i32
      %run_scoped3A = arith.constant 0 : i32
      "tpu.region"() ({
        %run_scoped3A_154 = tpu.sem_alloc : memref<!tpu.dma_semaphore, #tpu.memory_space<semaphore_mem>>
        %dma_start3A = arith.constant 0 : i32
        %dma_start3A_155 = tpu.memref_slice %arg6[%run_scoped3A, %arg0, %mul3A_153, %dma_start3A] : memref<2x2x10112x128xf32, #tpu.memory_space<hbm>> -> memref<1x1x128x128xf32, #tpu.memory_space<hbm>>
        %dma_start3A_156 = tpu.memref_squeeze %dma_start3A_155 : memref<1x1x128x128xf32, #tpu.memory_space<hbm>> -> memref<128x128xf32, #tpu.memory_space<hbm>>
        %dma_start3A_157 = arith.constant 0 : i32
        %dma_start3A_158 = tpu.memref_slice %arg9[%mul3A_153, %dma_start3A_157] : memref<10112x128xf32, #tpu.memory_space<vmem_shared>> -> memref<128x128xf32, #tpu.memory_space<vmem_shared>>
        tpu.enqueue_dma source(%dma_start3A_158 : memref<128x128xf32, #tpu.memory_space<vmem_shared>>) target(%dma_start3A_156 : memref<128x128xf32, #tpu.memory_space<hbm>>) target_semaphore(%run_scoped3A_154 : memref<!tpu.dma_semaphore, #tpu.memory_space<semaphore_mem>>)
        %dma_wait3A = arith.constant 0 : i32
        %dma_wait3A_159 = tpu.memref_slice %arg6[%run_scoped3A, %arg0, %mul3A_153, %dma_wait3A] : memref<2x2x10112x128xf32, #tpu.memory_space<hbm>> -> memref<1x1x128x128xf32, #tpu.memory_space<hbm>>
        %dma_wait3A_160 = tpu.memref_squeeze %dma_wait3A_159 : memref<1x1x128x128xf32, #tpu.memory_space<hbm>> -> memref<128x128xf32, #tpu.memory_space<hbm>>
        %dma_wait3A_161 = arith.constant 0 : i32
        %dma_wait3A_162 = tpu.memref_slice %arg9[%mul3A_153, %dma_wait3A_161] : memref<10112x128xf32, #tpu.memory_space<vmem_shared>> -> memref<128x128xf32, #tpu.memory_space<vmem_shared>>
        tpu.wait_dma2 semaphore(%run_scoped3A_154 : memref<!tpu.dma_semaphore, #tpu.memory_space<semaphore_mem>>) src(%dma_wait3A_162 : memref<128x128xf32, #tpu.memory_space<vmem_shared>>) dst(%dma_wait3A_160 : memref<128x128xf32, #tpu.memory_space<hbm>>)
        tpu.yield
      }) : () -> ()
    } else {
    }
    %add3A_66 = arith.constant 64 : i32
    %add3A_67 = arith.addi %arg1, %add3A_66 : i32
    %lt3A_68 = arith.constant 79 : i32
    %lt3A_69 = arith.cmpi slt, %add3A_67, %lt3A_68 : i32
    %convert_element_type3A_70 = arith.extui %lt3A_69 : i1 to i32
    %cond3A_71 = arith.constant 0 : i32
    %cond3A_72 = arith.cmpi ne, %convert_element_type3A_70, %cond3A_71 : i32
    scf.if %cond3A_72 {
      %mul3A_152 = arith.constant 128 : i32
      %mul3A_153 = arith.muli %add3A_67, %mul3A_152 : i32
      %run_scoped3A = arith.constant 0 : i32
      "tpu.region"() ({
        %run_scoped3A_154 = tpu.sem_alloc : memref<!tpu.dma_semaphore, #tpu.memory_space<semaphore_mem>>
        %dma_start3A = arith.constant 0 : i32
        %dma_start3A_155 = tpu.memref_slice %arg6[%run_scoped3A, %arg0, %mul3A_153, %dma_start3A] : memref<2x2x10112x128xf32, #tpu.memory_space<hbm>> -> memref<1x1x128x128xf32, #tpu.memory_space<hbm>>
        %dma_start3A_156 = tpu.memref_squeeze %dma_start3A_155 : memref<1x1x128x128xf32, #tpu.memory_space<hbm>> -> memref<128x128xf32, #tpu.memory_space<hbm>>
        %dma_start3A_157 = arith.constant 0 : i32
        %dma_start3A_158 = tpu.memref_slice %arg9[%mul3A_153, %dma_start3A_157] : memref<10112x128xf32, #tpu.memory_space<vmem_shared>> -> memref<128x128xf32, #tpu.memory_space<vmem_shared>>
        tpu.enqueue_dma source(%dma_start3A_158 : memref<128x128xf32, #tpu.memory_space<vmem_shared>>) target(%dma_start3A_156 : memref<128x128xf32, #tpu.memory_space<hbm>>) target_semaphore(%run_scoped3A_154 : memref<!tpu.dma_semaphore, #tpu.memory_space<semaphore_mem>>)
        %dma_wait3A = arith.constant 0 : i32
        %dma_wait3A_159 = tpu.memref_slice %arg6[%run_scoped3A, %arg0, %mul3A_153, %dma_wait3A] : memref<2x2x10112x128xf32, #tpu.memory_space<hbm>> -> memref<1x1x128x128xf32, #tpu.memory_space<hbm>>
        %dma_wait3A_160 = tpu.memref_squeeze %dma_wait3A_159 : memref<1x1x128x128xf32, #tpu.memory_space<hbm>> -> memref<128x128xf32, #tpu.memory_space<hbm>>
        %dma_wait3A_161 = arith.constant 0 : i32
        %dma_wait3A_162 = tpu.memref_slice %arg9[%mul3A_153, %dma_wait3A_161] : memref<10112x128xf32, #tpu.memory_space<vmem_shared>> -> memref<128x128xf32, #tpu.memory_space<vmem_shared>>
        tpu.wait_dma2 semaphore(%run_scoped3A_154 : memref<!tpu.dma_semaphore, #tpu.memory_space<semaphore_mem>>) src(%dma_wait3A_162 : memref<128x128xf32, #tpu.memory_space<vmem_shared>>) dst(%dma_wait3A_160 : memref<128x128xf32, #tpu.memory_space<hbm>>)
        tpu.yield
      }) : () -> ()
    } else {
    }
    %barrier3A_73 = arith.constant 0 : index
    tpu.barrier barrier_id(%barrier3A_73)
    %add3A_74 = arith.constant 0 : i32
    %add3A_75 = arith.addi %arg1, %add3A_74 : i32
    %lt3A_76 = arith.constant 79 : i32
    %lt3A_77 = arith.cmpi slt, %add3A_75, %lt3A_76 : i32
    %convert_element_type3A_78 = arith.extui %lt3A_77 : i1 to i32
    %cond3A_79 = arith.constant 0 : i32
    %cond3A_80 = arith.cmpi ne, %convert_element_type3A_78, %cond3A_79 : i32
    scf.if %cond3A_80 {
      %mul3A_152 = arith.constant 128 : i32
      %mul3A_153 = arith.muli %add3A_75, %mul3A_152 : i32
      "tpu.region"() ({
        %run_scoped3A = tpu.sem_alloc : memref<!tpu.dma_semaphore, #tpu.memory_space<semaphore_mem>>
        %dma_start3A = arith.constant 0 : i32
        %dma_start3A_154 = tpu.memref_slice %arg9[%mul3A_153, %dma_start3A] : memref<10112x128xf32, #tpu.memory_space<vmem_shared>> -> memref<128x128xf32, #tpu.memory_space<vmem_shared>>
        tpu.enqueue_dma source(%arg5 : memref<128x128xf32, #tpu.memory_space<hbm>>) target(%dma_start3A_154 : memref<128x128xf32, #tpu.memory_space<vmem_shared>>) target_semaphore(%run_scoped3A : memref<!tpu.dma_semaphore, #tpu.memory_space<semaphore_mem>>)
        %dma_wait3A = arith.constant 0 : i32
        %dma_wait3A_155 = tpu.memref_slice %arg9[%mul3A_153, %dma_wait3A] : memref<10112x128xf32, #tpu.memory_space<vmem_shared>> -> memref<128x128xf32, #tpu.memory_space<vmem_shared>>
        tpu.wait_dma2 semaphore(%run_scoped3A : memref<!tpu.dma_semaphore, #tpu.memory_space<semaphore_mem>>) src(%arg5 : memref<128x128xf32, #tpu.memory_space<hbm>>) dst(%dma_wait3A_155 : memref<128x128xf32, #tpu.memory_space<vmem_shared>>)
        tpu.yield
      }) : () -> ()
    } else {
    }
    %add3A_81 = arith.constant 16 : i32
    %add3A_82 = arith.addi %arg1, %add3A_81 : i32
    %lt3A_83 = arith.constant 79 : i32
    %lt3A_84 = arith.cmpi slt, %add3A_82, %lt3A_83 : i32
    %convert_element_type3A_85 = arith.extui %lt3A_84 : i1 to i32
    %cond3A_86 = arith.constant 0 : i32
    %cond3A_87 = arith.cmpi ne, %convert_element_type3A_85, %cond3A_86 : i32
    scf.if %cond3A_87 {
      %mul3A_152 = arith.constant 128 : i32
      %mul3A_153 = arith.muli %add3A_82, %mul3A_152 : i32
      "tpu.region"() ({
        %run_scoped3A = tpu.sem_alloc : memref<!tpu.dma_semaphore, #tpu.memory_space<semaphore_mem>>
        %dma_start3A = arith.constant 0 : i32
        %dma_start3A_154 = tpu.memref_slice %arg9[%mul3A_153, %dma_start3A] : memref<10112x128xf32, #tpu.memory_space<vmem_shared>> -> memref<128x128xf32, #tpu.memory_space<vmem_shared>>
        tpu.enqueue_dma source(%arg5 : memref<128x128xf32, #tpu.memory_space<hbm>>) target(%dma_start3A_154 : memref<128x128xf32, #tpu.memory_space<vmem_shared>>) target_semaphore(%run_scoped3A : memref<!tpu.dma_semaphore, #tpu.memory_space<semaphore_mem>>)
        %dma_wait3A = arith.constant 0 : i32
        %dma_wait3A_155 = tpu.memref_slice %arg9[%mul3A_153, %dma_wait3A] : memref<10112x128xf32, #tpu.memory_space<vmem_shared>> -> memref<128x128xf32, #tpu.memory_space<vmem_shared>>
        tpu.wait_dma2 semaphore(%run_scoped3A : memref<!tpu.dma_semaphore, #tpu.memory_space<semaphore_mem>>) src(%arg5 : memref<128x128xf32, #tpu.memory_space<hbm>>) dst(%dma_wait3A_155 : memref<128x128xf32, #tpu.memory_space<vmem_shared>>)
        tpu.yield
      }) : () -> ()
    } else {
    }
    %add3A_88 = arith.constant 32 : i32
    %add3A_89 = arith.addi %arg1, %add3A_88 : i32
    %lt3A_90 = arith.constant 79 : i32
    %lt3A_91 = arith.cmpi slt, %add3A_89, %lt3A_90 : i32
    %convert_element_type3A_92 = arith.extui %lt3A_91 : i1 to i32
    %cond3A_93 = arith.constant 0 : i32
    %cond3A_94 = arith.cmpi ne, %convert_element_type3A_92, %cond3A_93 : i32
    scf.if %cond3A_94 {
      %mul3A_152 = arith.constant 128 : i32
      %mul3A_153 = arith.muli %add3A_89, %mul3A_152 : i32
      "tpu.region"() ({
        %run_scoped3A = tpu.sem_alloc : memref<!tpu.dma_semaphore, #tpu.memory_space<semaphore_mem>>
        %dma_start3A = arith.constant 0 : i32
        %dma_start3A_154 = tpu.memref_slice %arg9[%mul3A_153, %dma_start3A] : memref<10112x128xf32, #tpu.memory_space<vmem_shared>> -> memref<128x128xf32, #tpu.memory_space<vmem_shared>>
        tpu.enqueue_dma source(%arg5 : memref<128x128xf32, #tpu.memory_space<hbm>>) target(%dma_start3A_154 : memref<128x128xf32, #tpu.memory_space<vmem_shared>>) target_semaphore(%run_scoped3A : memref<!tpu.dma_semaphore, #tpu.memory_space<semaphore_mem>>)
        %dma_wait3A = arith.constant 0 : i32
        %dma_wait3A_155 = tpu.memref_slice %arg9[%mul3A_153, %dma_wait3A] : memref<10112x128xf32, #tpu.memory_space<vmem_shared>> -> memref<128x128xf32, #tpu.memory_space<vmem_shared>>
        tpu.wait_dma2 semaphore(%run_scoped3A : memref<!tpu.dma_semaphore, #tpu.memory_space<semaphore_mem>>) src(%arg5 : memref<128x128xf32, #tpu.memory_space<hbm>>) dst(%dma_wait3A_155 : memref<128x128xf32, #tpu.memory_space<vmem_shared>>)
        tpu.yield
      }) : () -> ()
    } else {
    }
    %add3A_95 = arith.constant 48 : i32
    %add3A_96 = arith.addi %arg1, %add3A_95 : i32
    %lt3A_97 = arith.constant 79 : i32
    %lt3A_98 = arith.cmpi slt, %add3A_96, %lt3A_97 : i32
    %convert_element_type3A_99 = arith.extui %lt3A_98 : i1 to i32
    %cond3A_100 = arith.constant 0 : i32
    %cond3A_101 = arith.cmpi ne, %convert_element_type3A_99, %cond3A_100 : i32
    scf.if %cond3A_101 {
      %mul3A_152 = arith.constant 128 : i32
      %mul3A_153 = arith.muli %add3A_96, %mul3A_152 : i32
      "tpu.region"() ({
        %run_scoped3A = tpu.sem_alloc : memref<!tpu.dma_semaphore, #tpu.memory_space<semaphore_mem>>
        %dma_start3A = arith.constant 0 : i32
        %dma_start3A_154 = tpu.memref_slice %arg9[%mul3A_153, %dma_start3A] : memref<10112x128xf32, #tpu.memory_space<vmem_shared>> -> memref<128x128xf32, #tpu.memory_space<vmem_shared>>
        tpu.enqueue_dma source(%arg5 : memref<128x128xf32, #tpu.memory_space<hbm>>) target(%dma_start3A_154 : memref<128x128xf32, #tpu.memory_space<vmem_shared>>) target_semaphore(%run_scoped3A : memref<!tpu.dma_semaphore, #tpu.memory_space<semaphore_mem>>)
        %dma_wait3A = arith.constant 0 : i32
        %dma_wait3A_155 = tpu.memref_slice %arg9[%mul3A_153, %dma_wait3A] : memref<10112x128xf32, #tpu.memory_space<vmem_shared>> -> memref<128x128xf32, #tpu.memory_space<vmem_shared>>
        tpu.wait_dma2 semaphore(%run_scoped3A : memref<!tpu.dma_semaphore, #tpu.memory_space<semaphore_mem>>) src(%arg5 : memref<128x128xf32, #tpu.memory_space<hbm>>) dst(%dma_wait3A_155 : memref<128x128xf32, #tpu.memory_space<vmem_shared>>)
        tpu.yield
      }) : () -> ()
    } else {
    }
    %add3A_102 = arith.constant 64 : i32
    %add3A_103 = arith.addi %arg1, %add3A_102 : i32
    %lt3A_104 = arith.constant 79 : i32
    %lt3A_105 = arith.cmpi slt, %add3A_103, %lt3A_104 : i32
    %convert_element_type3A_106 = arith.extui %lt3A_105 : i1 to i32
    %cond3A_107 = arith.constant 0 : i32
    %cond3A_108 = arith.cmpi ne, %convert_element_type3A_106, %cond3A_107 : i32
    scf.if %cond3A_108 {
      %mul3A_152 = arith.constant 128 : i32
      %mul3A_153 = arith.muli %add3A_103, %mul3A_152 : i32
      "tpu.region"() ({
        %run_scoped3A = tpu.sem_alloc : memref<!tpu.dma_semaphore, #tpu.memory_space<semaphore_mem>>
        %dma_start3A = arith.constant 0 : i32
        %dma_start3A_154 = tpu.memref_slice %arg9[%mul3A_153, %dma_start3A] : memref<10112x128xf32, #tpu.memory_space<vmem_shared>> -> memref<128x128xf32, #tpu.memory_space<vmem_shared>>
        tpu.enqueue_dma source(%arg5 : memref<128x128xf32, #tpu.memory_space<hbm>>) target(%dma_start3A_154 : memref<128x128xf32, #tpu.memory_space<vmem_shared>>) target_semaphore(%run_scoped3A : memref<!tpu.dma_semaphore, #tpu.memory_space<semaphore_mem>>)
        %dma_wait3A = arith.constant 0 : i32
        %dma_wait3A_155 = tpu.memref_slice %arg9[%mul3A_153, %dma_wait3A] : memref<10112x128xf32, #tpu.memory_space<vmem_shared>> -> memref<128x128xf32, #tpu.memory_space<vmem_shared>>
        tpu.wait_dma2 semaphore(%run_scoped3A : memref<!tpu.dma_semaphore, #tpu.memory_space<semaphore_mem>>) src(%arg5 : memref<128x128xf32, #tpu.memory_space<hbm>>) dst(%dma_wait3A_155 : memref<128x128xf32, #tpu.memory_space<vmem_shared>>)
        tpu.yield
      }) : () -> ()
    } else {
    }
    %barrier3A_109 = arith.constant 0 : index
    tpu.barrier barrier_id(%barrier3A_109)
    %scan3A_110 = arith.constant 0 : i32
    %scan3A_111 = arith.constant 80 : i32
    %scan3A_112 = arith.addi %scan3A_110, %scan3A_111 : i32
    %scan3A_113 = arith.constant 1 : i32
    scf.for %scan3A_152 = %scan3A_110 to %scan3A_112 step %scan3A_113  : i32 {
      %mul3A_153 = arith.constant 80 : i32
      %mul3A_154 = arith.muli %add3A, %mul3A_153 : i32
      %add3A_155 = arith.addi %mul3A_154, %scan3A_152 : i32
      %mul3A_156 = arith.constant 128 : i32
      %mul3A_157 = arith.muli %add3A_155, %mul3A_156 : i32
      "tpu.region"() ({
        %run_scoped3A = tpu.sem_alloc : memref<!tpu.dma_semaphore, #tpu.memory_space<semaphore_mem>>
        %dma_start3A = tpu.memref_slice %arg3[%mul3A_157] : memref<327680xi32, #tpu.memory_space<hbm>> -> memref<128xi32, #tpu.memory_space<hbm>>
        %dma_start3A_158 = tpu.memref_slice %arg3[%mul3A_157] : memref<327680xi32, #tpu.memory_space<hbm>> -> memref<128xi32, #tpu.memory_space<hbm>>
        tpu.enqueue_dma source(%dma_start3A_158 : memref<128xi32, #tpu.memory_space<hbm>>) target(%arg7 : memref<128xi32, #tpu.memory_space<vmem>>) target_semaphore(%run_scoped3A : memref<!tpu.dma_semaphore, #tpu.memory_space<semaphore_mem>>)
        %dma_wait3A = tpu.memref_slice %arg3[%mul3A_157] : memref<327680xi32, #tpu.memory_space<hbm>> -> memref<128xi32, #tpu.memory_space<hbm>>
        %dma_wait3A_159 = tpu.memref_slice %arg3[%mul3A_157] : memref<327680xi32, #tpu.memory_space<hbm>> -> memref<128xi32, #tpu.memory_space<hbm>>
        tpu.wait_dma2 semaphore(%run_scoped3A : memref<!tpu.dma_semaphore, #tpu.memory_space<semaphore_mem>>) src(%dma_wait3A_159 : memref<128xi32, #tpu.memory_space<hbm>>) dst(%arg7 : memref<128xi32, #tpu.memory_space<vmem>>)
        tpu.yield
      }) : () -> ()
      "tpu.region"() ({
        %run_scoped3A = tpu.sem_alloc : memref<!tpu.dma_semaphore, #tpu.memory_space<semaphore_mem>>
        %dma_start3A = arith.constant 0 : i32
        %dma_start3A_158 = arith.constant 0 : i32
        %dma_start3A_159 = tpu.memref_slice %arg9[%dma_start3A, %dma_start3A_158] : memref<10112x128xf32, #tpu.memory_space<vmem_shared>> -> memref<10112x128xf32, #tpu.memory_space<vmem_shared>>
        tpu.enqueue_indirect_dma source(%arg8 : memref<128x128xf32, #tpu.memory_space<vmem>>) target(%dma_start3A_159 : memref<10112x128xf32, #tpu.memory_space<vmem_shared>>) offsets(%arg7 : memref<128xi32, #tpu.memory_space<vmem>>) semaphore(%run_scoped3A : memref<!tpu.dma_semaphore, #tpu.memory_space<semaphore_mem>>) {add = true}
        %dma_wait3A = arith.constant 0 : i32
        %dma_wait3A_160 = arith.constant 0 : i32
        %dma_wait3A_161 = tpu.memref_slice %arg9[%dma_wait3A, %dma_wait3A_160] : memref<10112x128xf32, #tpu.memory_space<vmem_shared>> -> memref<10112x128xf32, #tpu.memory_space<vmem_shared>>
        tpu.wait_indirect_dma semaphore(%run_scoped3A : memref<!tpu.dma_semaphore, #tpu.memory_space<semaphore_mem>>) src(%arg8 : memref<128x128xf32, #tpu.memory_space<vmem>>) dst(%dma_wait3A_161 : memref<10112x128xf32, #tpu.memory_space<vmem_shared>>)
        tpu.yield
      }) : () -> ()
    }
    %scan3A_114 = arith.constant 80 : i32
    %barrier3A_115 = arith.constant 0 : index
    tpu.barrier barrier_id(%barrier3A_115)
    %add3A_116 = arith.constant 0 : i32
    %add3A_117 = arith.addi %arg1, %add3A_116 : i32
    %lt3A_118 = arith.constant 79 : i32
    %lt3A_119 = arith.cmpi slt, %add3A_117, %lt3A_118 : i32
    %convert_element_type3A_120 = arith.extui %lt3A_119 : i1 to i32
    %cond3A_121 = arith.constant 0 : i32
    %cond3A_122 = arith.cmpi ne, %convert_element_type3A_120, %cond3A_121 : i32
    scf.if %cond3A_122 {
      %mul3A_152 = arith.constant 128 : i32
      %mul3A_153 = arith.muli %add3A_117, %mul3A_152 : i32
      %run_scoped3A = arith.constant 1 : i32
      "tpu.region"() ({
        %run_scoped3A_154 = tpu.sem_alloc : memref<!tpu.dma_semaphore, #tpu.memory_space<semaphore_mem>>
        %dma_start3A = arith.constant 0 : i32
        %dma_start3A_155 = tpu.memref_slice %arg6[%run_scoped3A, %arg0, %mul3A_153, %dma_start3A] : memref<2x2x10112x128xf32, #tpu.memory_space<hbm>> -> memref<1x1x128x128xf32, #tpu.memory_space<hbm>>
        %dma_start3A_156 = tpu.memref_squeeze %dma_start3A_155 : memref<1x1x128x128xf32, #tpu.memory_space<hbm>> -> memref<128x128xf32, #tpu.memory_space<hbm>>
        %dma_start3A_157 = arith.constant 0 : i32
        %dma_start3A_158 = tpu.memref_slice %arg9[%mul3A_153, %dma_start3A_157] : memref<10112x128xf32, #tpu.memory_space<vmem_shared>> -> memref<128x128xf32, #tpu.memory_space<vmem_shared>>
        tpu.enqueue_dma source(%dma_start3A_158 : memref<128x128xf32, #tpu.memory_space<vmem_shared>>) target(%dma_start3A_156 : memref<128x128xf32, #tpu.memory_space<hbm>>) target_semaphore(%run_scoped3A_154 : memref<!tpu.dma_semaphore, #tpu.memory_space<semaphore_mem>>)
        %dma_wait3A = arith.constant 0 : i32
        %dma_wait3A_159 = tpu.memref_slice %arg6[%run_scoped3A, %arg0, %mul3A_153, %dma_wait3A] : memref<2x2x10112x128xf32, #tpu.memory_space<hbm>> -> memref<1x1x128x128xf32, #tpu.memory_space<hbm>>
        %dma_wait3A_160 = tpu.memref_squeeze %dma_wait3A_159 : memref<1x1x128x128xf32, #tpu.memory_space<hbm>> -> memref<128x128xf32, #tpu.memory_space<hbm>>
        %dma_wait3A_161 = arith.constant 0 : i32
        %dma_wait3A_162 = tpu.memref_slice %arg9[%mul3A_153, %dma_wait3A_161] : memref<10112x128xf32, #tpu.memory_space<vmem_shared>> -> memref<128x128xf32, #tpu.memory_space<vmem_shared>>
        tpu.wait_dma2 semaphore(%run_scoped3A_154 : memref<!tpu.dma_semaphore, #tpu.memory_space<semaphore_mem>>) src(%dma_wait3A_162 : memref<128x128xf32, #tpu.memory_space<vmem_shared>>) dst(%dma_wait3A_160 : memref<128x128xf32, #tpu.memory_space<hbm>>)
        tpu.yield
      }) : () -> ()
    } else {
    }
    %add3A_123 = arith.constant 16 : i32
    %add3A_124 = arith.addi %arg1, %add3A_123 : i32
    %lt3A_125 = arith.constant 79 : i32
    %lt3A_126 = arith.cmpi slt, %add3A_124, %lt3A_125 : i32
    %convert_element_type3A_127 = arith.extui %lt3A_126 : i1 to i32
    %cond3A_128 = arith.constant 0 : i32
    %cond3A_129 = arith.cmpi ne, %convert_element_type3A_127, %cond3A_128 : i32
    scf.if %cond3A_129 {
      %mul3A_152 = arith.constant 128 : i32
      %mul3A_153 = arith.muli %add3A_124, %mul3A_152 : i32
      %run_scoped3A = arith.constant 1 : i32
      "tpu.region"() ({
        %run_scoped3A_154 = tpu.sem_alloc : memref<!tpu.dma_semaphore, #tpu.memory_space<semaphore_mem>>
        %dma_start3A = arith.constant 0 : i32
        %dma_start3A_155 = tpu.memref_slice %arg6[%run_scoped3A, %arg0, %mul3A_153, %dma_start3A] : memref<2x2x10112x128xf32, #tpu.memory_space<hbm>> -> memref<1x1x128x128xf32, #tpu.memory_space<hbm>>
        %dma_start3A_156 = tpu.memref_squeeze %dma_start3A_155 : memref<1x1x128x128xf32, #tpu.memory_space<hbm>> -> memref<128x128xf32, #tpu.memory_space<hbm>>
        %dma_start3A_157 = arith.constant 0 : i32
        %dma_start3A_158 = tpu.memref_slice %arg9[%mul3A_153, %dma_start3A_157] : memref<10112x128xf32, #tpu.memory_space<vmem_shared>> -> memref<128x128xf32, #tpu.memory_space<vmem_shared>>
        tpu.enqueue_dma source(%dma_start3A_158 : memref<128x128xf32, #tpu.memory_space<vmem_shared>>) target(%dma_start3A_156 : memref<128x128xf32, #tpu.memory_space<hbm>>) target_semaphore(%run_scoped3A_154 : memref<!tpu.dma_semaphore, #tpu.memory_space<semaphore_mem>>)
        %dma_wait3A = arith.constant 0 : i32
        %dma_wait3A_159 = tpu.memref_slice %arg6[%run_scoped3A, %arg0, %mul3A_153, %dma_wait3A] : memref<2x2x10112x128xf32, #tpu.memory_space<hbm>> -> memref<1x1x128x128xf32, #tpu.memory_space<hbm>>
        %dma_wait3A_160 = tpu.memref_squeeze %dma_wait3A_159 : memref<1x1x128x128xf32, #tpu.memory_space<hbm>> -> memref<128x128xf32, #tpu.memory_space<hbm>>
        %dma_wait3A_161 = arith.constant 0 : i32
        %dma_wait3A_162 = tpu.memref_slice %arg9[%mul3A_153, %dma_wait3A_161] : memref<10112x128xf32, #tpu.memory_space<vmem_shared>> -> memref<128x128xf32, #tpu.memory_space<vmem_shared>>
        tpu.wait_dma2 semaphore(%run_scoped3A_154 : memref<!tpu.dma_semaphore, #tpu.memory_space<semaphore_mem>>) src(%dma_wait3A_162 : memref<128x128xf32, #tpu.memory_space<vmem_shared>>) dst(%dma_wait3A_160 : memref<128x128xf32, #tpu.memory_space<hbm>>)
        tpu.yield
      }) : () -> ()
    } else {
    }
    %add3A_130 = arith.constant 32 : i32
    %add3A_131 = arith.addi %arg1, %add3A_130 : i32
    %lt3A_132 = arith.constant 79 : i32
    %lt3A_133 = arith.cmpi slt, %add3A_131, %lt3A_132 : i32
    %convert_element_type3A_134 = arith.extui %lt3A_133 : i1 to i32
    %cond3A_135 = arith.constant 0 : i32
    %cond3A_136 = arith.cmpi ne, %convert_element_type3A_134, %cond3A_135 : i32
    scf.if %cond3A_136 {
      %mul3A_152 = arith.constant 128 : i32
      %mul3A_153 = arith.muli %add3A_131, %mul3A_152 : i32
      %run_scoped3A = arith.constant 1 : i32
      "tpu.region"() ({
        %run_scoped3A_154 = tpu.sem_alloc : memref<!tpu.dma_semaphore, #tpu.memory_space<semaphore_mem>>
        %dma_start3A = arith.constant 0 : i32
        %dma_start3A_155 = tpu.memref_slice %arg6[%run_scoped3A, %arg0, %mul3A_153, %dma_start3A] : memref<2x2x10112x128xf32, #tpu.memory_space<hbm>> -> memref<1x1x128x128xf32, #tpu.memory_space<hbm>>
        %dma_start3A_156 = tpu.memref_squeeze %dma_start3A_155 : memref<1x1x128x128xf32, #tpu.memory_space<hbm>> -> memref<128x128xf32, #tpu.memory_space<hbm>>
        %dma_start3A_157 = arith.constant 0 : i32
        %dma_start3A_158 = tpu.memref_slice %arg9[%mul3A_153, %dma_start3A_157] : memref<10112x128xf32, #tpu.memory_space<vmem_shared>> -> memref<128x128xf32, #tpu.memory_space<vmem_shared>>
        tpu.enqueue_dma source(%dma_start3A_158 : memref<128x128xf32, #tpu.memory_space<vmem_shared>>) target(%dma_start3A_156 : memref<128x128xf32, #tpu.memory_space<hbm>>) target_semaphore(%run_scoped3A_154 : memref<!tpu.dma_semaphore, #tpu.memory_space<semaphore_mem>>)
        %dma_wait3A = arith.constant 0 : i32
        %dma_wait3A_159 = tpu.memref_slice %arg6[%run_scoped3A, %arg0, %mul3A_153, %dma_wait3A] : memref<2x2x10112x128xf32, #tpu.memory_space<hbm>> -> memref<1x1x128x128xf32, #tpu.memory_space<hbm>>
        %dma_wait3A_160 = tpu.memref_squeeze %dma_wait3A_159 : memref<1x1x128x128xf32, #tpu.memory_space<hbm>> -> memref<128x128xf32, #tpu.memory_space<hbm>>
        %dma_wait3A_161 = arith.constant 0 : i32
        %dma_wait3A_162 = tpu.memref_slice %arg9[%mul3A_153, %dma_wait3A_161] : memref<10112x128xf32, #tpu.memory_space<vmem_shared>> -> memref<128x128xf32, #tpu.memory_space<vmem_shared>>
        tpu.wait_dma2 semaphore(%run_scoped3A_154 : memref<!tpu.dma_semaphore, #tpu.memory_space<semaphore_mem>>) src(%dma_wait3A_162 : memref<128x128xf32, #tpu.memory_space<vmem_shared>>) dst(%dma_wait3A_160 : memref<128x128xf32, #tpu.memory_space<hbm>>)
        tpu.yield
      }) : () -> ()
    } else {
    }
    %add3A_137 = arith.constant 48 : i32
    %add3A_138 = arith.addi %arg1, %add3A_137 : i32
    %lt3A_139 = arith.constant 79 : i32
    %lt3A_140 = arith.cmpi slt, %add3A_138, %lt3A_139 : i32
    %convert_element_type3A_141 = arith.extui %lt3A_140 : i1 to i32
    %cond3A_142 = arith.constant 0 : i32
    %cond3A_143 = arith.cmpi ne, %convert_element_type3A_141, %cond3A_142 : i32
    scf.if %cond3A_143 {
      %mul3A_152 = arith.constant 128 : i32
      %mul3A_153 = arith.muli %add3A_138, %mul3A_152 : i32
      %run_scoped3A = arith.constant 1 : i32
      "tpu.region"() ({
        %run_scoped3A_154 = tpu.sem_alloc : memref<!tpu.dma_semaphore, #tpu.memory_space<semaphore_mem>>
        %dma_start3A = arith.constant 0 : i32
        %dma_start3A_155 = tpu.memref_slice %arg6[%run_scoped3A, %arg0, %mul3A_153, %dma_start3A] : memref<2x2x10112x128xf32, #tpu.memory_space<hbm>> -> memref<1x1x128x128xf32, #tpu.memory_space<hbm>>
        %dma_start3A_156 = tpu.memref_squeeze %dma_start3A_155 : memref<1x1x128x128xf32, #tpu.memory_space<hbm>> -> memref<128x128xf32, #tpu.memory_space<hbm>>
        %dma_start3A_157 = arith.constant 0 : i32
        %dma_start3A_158 = tpu.memref_slice %arg9[%mul3A_153, %dma_start3A_157] : memref<10112x128xf32, #tpu.memory_space<vmem_shared>> -> memref<128x128xf32, #tpu.memory_space<vmem_shared>>
        tpu.enqueue_dma source(%dma_start3A_158 : memref<128x128xf32, #tpu.memory_space<vmem_shared>>) target(%dma_start3A_156 : memref<128x128xf32, #tpu.memory_space<hbm>>) target_semaphore(%run_scoped3A_154 : memref<!tpu.dma_semaphore, #tpu.memory_space<semaphore_mem>>)
        %dma_wait3A = arith.constant 0 : i32
        %dma_wait3A_159 = tpu.memref_slice %arg6[%run_scoped3A, %arg0, %mul3A_153, %dma_wait3A] : memref<2x2x10112x128xf32, #tpu.memory_space<hbm>> -> memref<1x1x128x128xf32, #tpu.memory_space<hbm>>
        %dma_wait3A_160 = tpu.memref_squeeze %dma_wait3A_159 : memref<1x1x128x128xf32, #tpu.memory_space<hbm>> -> memref<128x128xf32, #tpu.memory_space<hbm>>
        %dma_wait3A_161 = arith.constant 0 : i32
        %dma_wait3A_162 = tpu.memref_slice %arg9[%mul3A_153, %dma_wait3A_161] : memref<10112x128xf32, #tpu.memory_space<vmem_shared>> -> memref<128x128xf32, #tpu.memory_space<vmem_shared>>
        tpu.wait_dma2 semaphore(%run_scoped3A_154 : memref<!tpu.dma_semaphore, #tpu.memory_space<semaphore_mem>>) src(%dma_wait3A_162 : memref<128x128xf32, #tpu.memory_space<vmem_shared>>) dst(%dma_wait3A_160 : memref<128x128xf32, #tpu.memory_space<hbm>>)
        tpu.yield
      }) : () -> ()
    } else {
    }
    %add3A_144 = arith.constant 64 : i32
    %add3A_145 = arith.addi %arg1, %add3A_144 : i32
    %lt3A_146 = arith.constant 79 : i32
    %lt3A_147 = arith.cmpi slt, %add3A_145, %lt3A_146 : i32
    %convert_element_type3A_148 = arith.extui %lt3A_147 : i1 to i32
    %cond3A_149 = arith.constant 0 : i32
    %cond3A_150 = arith.cmpi ne, %convert_element_type3A_148, %cond3A_149 : i32
    scf.if %cond3A_150 {
      %mul3A_152 = arith.constant 128 : i32
      %mul3A_153 = arith.muli %add3A_145, %mul3A_152 : i32
      %run_scoped3A = arith.constant 1 : i32
      "tpu.region"() ({
        %run_scoped3A_154 = tpu.sem_alloc : memref<!tpu.dma_semaphore, #tpu.memory_space<semaphore_mem>>
        %dma_start3A = arith.constant 0 : i32
        %dma_start3A_155 = tpu.memref_slice %arg6[%run_scoped3A, %arg0, %mul3A_153, %dma_start3A] : memref<2x2x10112x128xf32, #tpu.memory_space<hbm>> -> memref<1x1x128x128xf32, #tpu.memory_space<hbm>>
        %dma_start3A_156 = tpu.memref_squeeze %dma_start3A_155 : memref<1x1x128x128xf32, #tpu.memory_space<hbm>> -> memref<128x128xf32, #tpu.memory_space<hbm>>
        %dma_start3A_157 = arith.constant 0 : i32
        %dma_start3A_158 = tpu.memref_slice %arg9[%mul3A_153, %dma_start3A_157] : memref<10112x128xf32, #tpu.memory_space<vmem_shared>> -> memref<128x128xf32, #tpu.memory_space<vmem_shared>>
        tpu.enqueue_dma source(%dma_start3A_158 : memref<128x128xf32, #tpu.memory_space<vmem_shared>>) target(%dma_start3A_156 : memref<128x128xf32, #tpu.memory_space<hbm>>) target_semaphore(%run_scoped3A_154 : memref<!tpu.dma_semaphore, #tpu.memory_space<semaphore_mem>>)
        %dma_wait3A = arith.constant 0 : i32
        %dma_wait3A_159 = tpu.memref_slice %arg6[%run_scoped3A, %arg0, %mul3A_153, %dma_wait3A] : memref<2x2x10112x128xf32, #tpu.memory_space<hbm>> -> memref<1x1x128x128xf32, #tpu.memory_space<hbm>>
        %dma_wait3A_160 = tpu.memref_squeeze %dma_wait3A_159 : memref<1x1x128x128xf32, #tpu.memory_space<hbm>> -> memref<128x128xf32, #tpu.memory_space<hbm>>
        %dma_wait3A_161 = arith.constant 0 : i32
        %dma_wait3A_162 = tpu.memref_slice %arg9[%mul3A_153, %dma_wait3A_161] : memref<10112x128xf32, #tpu.memory_space<vmem_shared>> -> memref<128x128xf32, #tpu.memory_space<vmem_shared>>
        tpu.wait_dma2 semaphore(%run_scoped3A_154 : memref<!tpu.dma_semaphore, #tpu.memory_space<semaphore_mem>>) src(%dma_wait3A_162 : memref<128x128xf32, #tpu.memory_space<vmem_shared>>) dst(%dma_wait3A_160 : memref<128x128xf32, #tpu.memory_space<hbm>>)
        tpu.yield
      }) : () -> ()
    } else {
    }
    %barrier3A_151 = arith.constant 0 : index
    tpu.barrier barrier_id(%barrier3A_151)
    return
  }
}

#map = affine_map<(d0, d1) -> (0, 0)>
#map1 = affine_map<(d0, d1) -> (0)>
#map2 = affine_map<(d0, d1) -> (0, 0, 0)>
module attributes {stable_mosaic.version = 14 : i64} {
  func.func @_edge_pass(%arg0: i32, %arg1: i32, %arg2: memref<10112x128xf32, #tpu.memory_space<hbm>>, %arg3: memref<2560x128xi32, #tpu.memory_space<hbm>>, %arg4: memref<327680xi32, #tpu.memory_space<hbm>>, %arg5: memref<128x128xf32, #tpu.memory_space<hbm>>, %arg6: memref<2x10112x128xf32, #tpu.memory_space<hbm>>, %arg7: memref<40x128xi32, #tpu.memory_space<vmem>>, %arg8: memref<128xi32, #tpu.memory_space<vmem>>, %arg9: memref<128xi32, #tpu.memory_space<vmem>>, %arg10: memref<128x128xf32, #tpu.memory_space<vmem>>, %arg11: memref<128x128xf32, #tpu.memory_space<vmem>>, %arg12: memref<10112x128xf32, #tpu.memory_space<vmem_shared>>, %arg13: memref<!tpu.dma_semaphore, #tpu.memory_space<semaphore_mem>>, %arg14: memref<!tpu.dma_semaphore, #tpu.memory_space<semaphore_mem>>) attributes {dimension_semantics = [#tpu.dimension_semantics<core_parallel>, #tpu.dimension_semantics<subcore_parallel>], iteration_bounds = array<i64: 2, 16>, scalar_prefetch = 0 : i64, scratch_operands = 8 : i64, tpu.core_type = #tpu.core_type<sc_vector_subcore>, window_params = [{transform_indices = #map}, {transform_indices = #map}, {transform_indices = #map1}, {transform_indices = #map}, {transform_indices = #map2}]} {
    %mul3A = arith.constant 2 : i32
    %mul3A_0 = arith.muli %arg1, %mul3A : i32
    %add3A = arith.addi %mul3A_0, %arg0 : i32
    %add3A_1 = arith.constant 0 : i32
    %add3A_2 = arith.addi %arg1, %add3A_1 : i32
    %lt3A = arith.constant 79 : i32
    %lt3A_3 = arith.cmpi slt, %add3A_2, %lt3A : i32
    %convert_element_type3A = arith.extui %lt3A_3 : i1 to i32
    %cond3A = arith.constant 0 : i32
    %cond3A_4 = arith.cmpi ne, %convert_element_type3A, %cond3A : i32
    scf.if %cond3A_4 {
      %mul3A_99 = arith.constant 128 : i32
      %mul3A_100 = arith.muli %add3A_2, %mul3A_99 : i32
      "tpu.region"() ({
        %run_scoped3A = tpu.sem_alloc : memref<!tpu.dma_semaphore, #tpu.memory_space<semaphore_mem>>
        %dma_start3A_101 = arith.constant 0 : i32
        %dma_start3A_102 = tpu.memref_slice %arg12[%mul3A_100, %dma_start3A_101] : memref<10112x128xf32, #tpu.memory_space<vmem_shared>> -> memref<128x128xf32, #tpu.memory_space<vmem_shared>>
        tpu.enqueue_dma source(%arg5 : memref<128x128xf32, #tpu.memory_space<hbm>>) target(%dma_start3A_102 : memref<128x128xf32, #tpu.memory_space<vmem_shared>>) target_semaphore(%run_scoped3A : memref<!tpu.dma_semaphore, #tpu.memory_space<semaphore_mem>>)
        %dma_wait3A = arith.constant 0 : i32
        %dma_wait3A_103 = tpu.memref_slice %arg12[%mul3A_100, %dma_wait3A] : memref<10112x128xf32, #tpu.memory_space<vmem_shared>> -> memref<128x128xf32, #tpu.memory_space<vmem_shared>>
        tpu.wait_dma2 semaphore(%run_scoped3A : memref<!tpu.dma_semaphore, #tpu.memory_space<semaphore_mem>>) src(%arg5 : memref<128x128xf32, #tpu.memory_space<hbm>>) dst(%dma_wait3A_103 : memref<128x128xf32, #tpu.memory_space<vmem_shared>>)
        tpu.yield
      }) : () -> ()
    } else {
    }
    %add3A_5 = arith.constant 16 : i32
    %add3A_6 = arith.addi %arg1, %add3A_5 : i32
    %lt3A_7 = arith.constant 79 : i32
    %lt3A_8 = arith.cmpi slt, %add3A_6, %lt3A_7 : i32
    %convert_element_type3A_9 = arith.extui %lt3A_8 : i1 to i32
    %cond3A_10 = arith.constant 0 : i32
    %cond3A_11 = arith.cmpi ne, %convert_element_type3A_9, %cond3A_10 : i32
    scf.if %cond3A_11 {
      %mul3A_99 = arith.constant 128 : i32
      %mul3A_100 = arith.muli %add3A_6, %mul3A_99 : i32
      "tpu.region"() ({
        %run_scoped3A = tpu.sem_alloc : memref<!tpu.dma_semaphore, #tpu.memory_space<semaphore_mem>>
        %dma_start3A_101 = arith.constant 0 : i32
        %dma_start3A_102 = tpu.memref_slice %arg12[%mul3A_100, %dma_start3A_101] : memref<10112x128xf32, #tpu.memory_space<vmem_shared>> -> memref<128x128xf32, #tpu.memory_space<vmem_shared>>
        tpu.enqueue_dma source(%arg5 : memref<128x128xf32, #tpu.memory_space<hbm>>) target(%dma_start3A_102 : memref<128x128xf32, #tpu.memory_space<vmem_shared>>) target_semaphore(%run_scoped3A : memref<!tpu.dma_semaphore, #tpu.memory_space<semaphore_mem>>)
        %dma_wait3A = arith.constant 0 : i32
        %dma_wait3A_103 = tpu.memref_slice %arg12[%mul3A_100, %dma_wait3A] : memref<10112x128xf32, #tpu.memory_space<vmem_shared>> -> memref<128x128xf32, #tpu.memory_space<vmem_shared>>
        tpu.wait_dma2 semaphore(%run_scoped3A : memref<!tpu.dma_semaphore, #tpu.memory_space<semaphore_mem>>) src(%arg5 : memref<128x128xf32, #tpu.memory_space<hbm>>) dst(%dma_wait3A_103 : memref<128x128xf32, #tpu.memory_space<vmem_shared>>)
        tpu.yield
      }) : () -> ()
    } else {
    }
    %add3A_12 = arith.constant 32 : i32
    %add3A_13 = arith.addi %arg1, %add3A_12 : i32
    %lt3A_14 = arith.constant 79 : i32
    %lt3A_15 = arith.cmpi slt, %add3A_13, %lt3A_14 : i32
    %convert_element_type3A_16 = arith.extui %lt3A_15 : i1 to i32
    %cond3A_17 = arith.constant 0 : i32
    %cond3A_18 = arith.cmpi ne, %convert_element_type3A_16, %cond3A_17 : i32
    scf.if %cond3A_18 {
      %mul3A_99 = arith.constant 128 : i32
      %mul3A_100 = arith.muli %add3A_13, %mul3A_99 : i32
      "tpu.region"() ({
        %run_scoped3A = tpu.sem_alloc : memref<!tpu.dma_semaphore, #tpu.memory_space<semaphore_mem>>
        %dma_start3A_101 = arith.constant 0 : i32
        %dma_start3A_102 = tpu.memref_slice %arg12[%mul3A_100, %dma_start3A_101] : memref<10112x128xf32, #tpu.memory_space<vmem_shared>> -> memref<128x128xf32, #tpu.memory_space<vmem_shared>>
        tpu.enqueue_dma source(%arg5 : memref<128x128xf32, #tpu.memory_space<hbm>>) target(%dma_start3A_102 : memref<128x128xf32, #tpu.memory_space<vmem_shared>>) target_semaphore(%run_scoped3A : memref<!tpu.dma_semaphore, #tpu.memory_space<semaphore_mem>>)
        %dma_wait3A = arith.constant 0 : i32
        %dma_wait3A_103 = tpu.memref_slice %arg12[%mul3A_100, %dma_wait3A] : memref<10112x128xf32, #tpu.memory_space<vmem_shared>> -> memref<128x128xf32, #tpu.memory_space<vmem_shared>>
        tpu.wait_dma2 semaphore(%run_scoped3A : memref<!tpu.dma_semaphore, #tpu.memory_space<semaphore_mem>>) src(%arg5 : memref<128x128xf32, #tpu.memory_space<hbm>>) dst(%dma_wait3A_103 : memref<128x128xf32, #tpu.memory_space<vmem_shared>>)
        tpu.yield
      }) : () -> ()
    } else {
    }
    %add3A_19 = arith.constant 48 : i32
    %add3A_20 = arith.addi %arg1, %add3A_19 : i32
    %lt3A_21 = arith.constant 79 : i32
    %lt3A_22 = arith.cmpi slt, %add3A_20, %lt3A_21 : i32
    %convert_element_type3A_23 = arith.extui %lt3A_22 : i1 to i32
    %cond3A_24 = arith.constant 0 : i32
    %cond3A_25 = arith.cmpi ne, %convert_element_type3A_23, %cond3A_24 : i32
    scf.if %cond3A_25 {
      %mul3A_99 = arith.constant 128 : i32
      %mul3A_100 = arith.muli %add3A_20, %mul3A_99 : i32
      "tpu.region"() ({
        %run_scoped3A = tpu.sem_alloc : memref<!tpu.dma_semaphore, #tpu.memory_space<semaphore_mem>>
        %dma_start3A_101 = arith.constant 0 : i32
        %dma_start3A_102 = tpu.memref_slice %arg12[%mul3A_100, %dma_start3A_101] : memref<10112x128xf32, #tpu.memory_space<vmem_shared>> -> memref<128x128xf32, #tpu.memory_space<vmem_shared>>
        tpu.enqueue_dma source(%arg5 : memref<128x128xf32, #tpu.memory_space<hbm>>) target(%dma_start3A_102 : memref<128x128xf32, #tpu.memory_space<vmem_shared>>) target_semaphore(%run_scoped3A : memref<!tpu.dma_semaphore, #tpu.memory_space<semaphore_mem>>)
        %dma_wait3A = arith.constant 0 : i32
        %dma_wait3A_103 = tpu.memref_slice %arg12[%mul3A_100, %dma_wait3A] : memref<10112x128xf32, #tpu.memory_space<vmem_shared>> -> memref<128x128xf32, #tpu.memory_space<vmem_shared>>
        tpu.wait_dma2 semaphore(%run_scoped3A : memref<!tpu.dma_semaphore, #tpu.memory_space<semaphore_mem>>) src(%arg5 : memref<128x128xf32, #tpu.memory_space<hbm>>) dst(%dma_wait3A_103 : memref<128x128xf32, #tpu.memory_space<vmem_shared>>)
        tpu.yield
      }) : () -> ()
    } else {
    }
    %add3A_26 = arith.constant 64 : i32
    %add3A_27 = arith.addi %arg1, %add3A_26 : i32
    %lt3A_28 = arith.constant 79 : i32
    %lt3A_29 = arith.cmpi slt, %add3A_27, %lt3A_28 : i32
    %convert_element_type3A_30 = arith.extui %lt3A_29 : i1 to i32
    %cond3A_31 = arith.constant 0 : i32
    %cond3A_32 = arith.cmpi ne, %convert_element_type3A_30, %cond3A_31 : i32
    scf.if %cond3A_32 {
      %mul3A_99 = arith.constant 128 : i32
      %mul3A_100 = arith.muli %add3A_27, %mul3A_99 : i32
      "tpu.region"() ({
        %run_scoped3A = tpu.sem_alloc : memref<!tpu.dma_semaphore, #tpu.memory_space<semaphore_mem>>
        %dma_start3A_101 = arith.constant 0 : i32
        %dma_start3A_102 = tpu.memref_slice %arg12[%mul3A_100, %dma_start3A_101] : memref<10112x128xf32, #tpu.memory_space<vmem_shared>> -> memref<128x128xf32, #tpu.memory_space<vmem_shared>>
        tpu.enqueue_dma source(%arg5 : memref<128x128xf32, #tpu.memory_space<hbm>>) target(%dma_start3A_102 : memref<128x128xf32, #tpu.memory_space<vmem_shared>>) target_semaphore(%run_scoped3A : memref<!tpu.dma_semaphore, #tpu.memory_space<semaphore_mem>>)
        %dma_wait3A = arith.constant 0 : i32
        %dma_wait3A_103 = tpu.memref_slice %arg12[%mul3A_100, %dma_wait3A] : memref<10112x128xf32, #tpu.memory_space<vmem_shared>> -> memref<128x128xf32, #tpu.memory_space<vmem_shared>>
        tpu.wait_dma2 semaphore(%run_scoped3A : memref<!tpu.dma_semaphore, #tpu.memory_space<semaphore_mem>>) src(%arg5 : memref<128x128xf32, #tpu.memory_space<hbm>>) dst(%dma_wait3A_103 : memref<128x128xf32, #tpu.memory_space<vmem_shared>>)
        tpu.yield
      }) : () -> ()
    } else {
    }
    %barrier3A = arith.constant 0 : index
    tpu.barrier barrier_id(%barrier3A)
    %mul3A_33 = arith.constant 80 : i32
    %mul3A_34 = arith.muli %add3A, %mul3A_33 : i32
    %add3A_35 = arith.constant 0 : i32
    %add3A_36 = arith.addi %mul3A_34, %add3A_35 : i32
    "tpu.region"() ({
      %run_scoped3A = tpu.sem_alloc : memref<!tpu.dma_semaphore, #tpu.memory_space<semaphore_mem>>
      %dma_start3A_99 = arith.constant 0 : i32
      %dma_start3A_100 = tpu.memref_slice %arg3[%add3A_36, %dma_start3A_99] : memref<2560x128xi32, #tpu.memory_space<hbm>> -> memref<40x128xi32, #tpu.memory_space<hbm>>
      %dma_start3A_101 = arith.constant 0 : i32
      %dma_start3A_102 = tpu.memref_slice %arg3[%add3A_36, %dma_start3A_101] : memref<2560x128xi32, #tpu.memory_space<hbm>> -> memref<40x128xi32, #tpu.memory_space<hbm>>
      tpu.enqueue_dma source(%dma_start3A_102 : memref<40x128xi32, #tpu.memory_space<hbm>>) target(%arg7 : memref<40x128xi32, #tpu.memory_space<vmem>>) target_semaphore(%run_scoped3A : memref<!tpu.dma_semaphore, #tpu.memory_space<semaphore_mem>>)
      %dma_wait3A = arith.constant 0 : i32
      %dma_wait3A_103 = tpu.memref_slice %arg3[%add3A_36, %dma_wait3A] : memref<2560x128xi32, #tpu.memory_space<hbm>> -> memref<40x128xi32, #tpu.memory_space<hbm>>
      %dma_wait3A_104 = arith.constant 0 : i32
      %dma_wait3A_105 = tpu.memref_slice %arg3[%add3A_36, %dma_wait3A_104] : memref<2560x128xi32, #tpu.memory_space<hbm>> -> memref<40x128xi32, #tpu.memory_space<hbm>>
      tpu.wait_dma2 semaphore(%run_scoped3A : memref<!tpu.dma_semaphore, #tpu.memory_space<semaphore_mem>>) src(%dma_wait3A_105 : memref<40x128xi32, #tpu.memory_space<hbm>>) dst(%arg7 : memref<40x128xi32, #tpu.memory_space<vmem>>)
      tpu.yield
    }) : () -> ()
    %dma_start3A = arith.constant 0 : i32
    %dma_start3A_37 = arith.constant 0 : i32
    %dma_start3A_38 = tpu.memref_slice %arg7[%dma_start3A, %dma_start3A_37] : memref<40x128xi32, #tpu.memory_space<vmem>> -> memref<1x128xi32, #tpu.memory_space<vmem>>
    %dma_start3A_39 = tpu.memref_squeeze %dma_start3A_38 : memref<1x128xi32, #tpu.memory_space<vmem>> -> memref<128xi32, #tpu.memory_space<vmem>>
    %dma_start3A_40 = arith.constant 0 : i32
    %dma_start3A_41 = arith.constant 0 : i32
    %dma_start3A_42 = tpu.memref_slice %arg2[%dma_start3A_40, %dma_start3A_41] : memref<10112x128xf32, #tpu.memory_space<hbm>> -> memref<10112x128xf32, #tpu.memory_space<hbm>>
    tpu.enqueue_indirect_dma source(%dma_start3A_42 : memref<10112x128xf32, #tpu.memory_space<hbm>>) target(%arg10 : memref<128x128xf32, #tpu.memory_space<vmem>>) offsets(%dma_start3A_39 : memref<128xi32, #tpu.memory_space<vmem>>) semaphore(%arg13 : memref<!tpu.dma_semaphore, #tpu.memory_space<semaphore_mem>>)
    %scan3A = arith.constant 0 : i32
    %scan3A_43 = arith.constant 20 : i32
    %scan3A_44 = arith.addi %scan3A, %scan3A_43 : i32
    %scan3A_45 = arith.constant 1 : i32
    scf.for %scan3A_99 = %scan3A to %scan3A_44 step %scan3A_45  : i32 {
      %mul3A_100 = arith.constant 2 : i32
      %mul3A_101 = arith.muli %mul3A_100, %scan3A_99 : i32
      %add3A_102 = arith.constant 1 : i32
      %add3A_103 = arith.addi %mul3A_101, %add3A_102 : i32
      %dma_start3A_104 = arith.constant 0 : i32
      %dma_start3A_105 = tpu.memref_slice %arg7[%add3A_103, %dma_start3A_104] : memref<40x128xi32, #tpu.memory_space<vmem>> -> memref<1x128xi32, #tpu.memory_space<vmem>>
      %dma_start3A_106 = tpu.memref_squeeze %dma_start3A_105 : memref<1x128xi32, #tpu.memory_space<vmem>> -> memref<128xi32, #tpu.memory_space<vmem>>
      %dma_start3A_107 = arith.constant 0 : i32
      %dma_start3A_108 = arith.constant 0 : i32
      %dma_start3A_109 = tpu.memref_slice %arg2[%dma_start3A_107, %dma_start3A_108] : memref<10112x128xf32, #tpu.memory_space<hbm>> -> memref<10112x128xf32, #tpu.memory_space<hbm>>
      tpu.enqueue_indirect_dma source(%dma_start3A_109 : memref<10112x128xf32, #tpu.memory_space<hbm>>) target(%arg11 : memref<128x128xf32, #tpu.memory_space<vmem>>) offsets(%dma_start3A_106 : memref<128xi32, #tpu.memory_space<vmem>>) semaphore(%arg14 : memref<!tpu.dma_semaphore, #tpu.memory_space<semaphore_mem>>)
      %add3A_110 = arith.addi %add3A_36, %mul3A_101 : i32
      %mul3A_111 = arith.constant 128 : i32
      %mul3A_112 = arith.muli %add3A_110, %mul3A_111 : i32
      "tpu.region"() ({
        %run_scoped3A = tpu.sem_alloc : memref<!tpu.dma_semaphore, #tpu.memory_space<semaphore_mem>>
        %dma_start3A_138 = tpu.memref_slice %arg4[%mul3A_112] : memref<327680xi32, #tpu.memory_space<hbm>> -> memref<128xi32, #tpu.memory_space<hbm>>
        %dma_start3A_139 = tpu.memref_slice %arg4[%mul3A_112] : memref<327680xi32, #tpu.memory_space<hbm>> -> memref<128xi32, #tpu.memory_space<hbm>>
        tpu.enqueue_dma source(%dma_start3A_139 : memref<128xi32, #tpu.memory_space<hbm>>) target(%arg8 : memref<128xi32, #tpu.memory_space<vmem>>) target_semaphore(%run_scoped3A : memref<!tpu.dma_semaphore, #tpu.memory_space<semaphore_mem>>)
        %dma_wait3A_140 = tpu.memref_slice %arg4[%mul3A_112] : memref<327680xi32, #tpu.memory_space<hbm>> -> memref<128xi32, #tpu.memory_space<hbm>>
        %dma_wait3A_141 = tpu.memref_slice %arg4[%mul3A_112] : memref<327680xi32, #tpu.memory_space<hbm>> -> memref<128xi32, #tpu.memory_space<hbm>>
        tpu.wait_dma2 semaphore(%run_scoped3A : memref<!tpu.dma_semaphore, #tpu.memory_space<semaphore_mem>>) src(%dma_wait3A_141 : memref<128xi32, #tpu.memory_space<hbm>>) dst(%arg8 : memref<128xi32, #tpu.memory_space<vmem>>)
        tpu.yield
      }) : () -> ()
      %dma_wait3A = arith.constant 0 : i32
      %dma_wait3A_113 = tpu.memref_slice %arg7[%mul3A_101, %dma_wait3A] : memref<40x128xi32, #tpu.memory_space<vmem>> -> memref<1x128xi32, #tpu.memory_space<vmem>>
      %dma_wait3A_114 = tpu.memref_squeeze %dma_wait3A_113 : memref<1x128xi32, #tpu.memory_space<vmem>> -> memref<128xi32, #tpu.memory_space<vmem>>
      %dma_wait3A_115 = arith.constant 0 : i32
      %dma_wait3A_116 = arith.constant 0 : i32
      %dma_wait3A_117 = tpu.memref_slice %arg2[%dma_wait3A_115, %dma_wait3A_116] : memref<10112x128xf32, #tpu.memory_space<hbm>> -> memref<10112x128xf32, #tpu.memory_space<hbm>>
      tpu.wait_indirect_dma semaphore(%arg13 : memref<!tpu.dma_semaphore, #tpu.memory_space<semaphore_mem>>) src(%dma_wait3A_117 : memref<10112x128xf32, #tpu.memory_space<hbm>>) dst(%arg10 : memref<128x128xf32, #tpu.memory_space<vmem>>)
      "tpu.region"() ({
        %run_scoped3A = tpu.sem_alloc : memref<!tpu.dma_semaphore, #tpu.memory_space<semaphore_mem>>
        %dma_start3A_138 = arith.constant 0 : i32
        %dma_start3A_139 = arith.constant 0 : i32
        %dma_start3A_140 = tpu.memref_slice %arg12[%dma_start3A_138, %dma_start3A_139] : memref<10112x128xf32, #tpu.memory_space<vmem_shared>> -> memref<10112x128xf32, #tpu.memory_space<vmem_shared>>
        tpu.enqueue_indirect_dma source(%arg10 : memref<128x128xf32, #tpu.memory_space<vmem>>) target(%dma_start3A_140 : memref<10112x128xf32, #tpu.memory_space<vmem_shared>>) offsets(%arg8 : memref<128xi32, #tpu.memory_space<vmem>>) semaphore(%run_scoped3A : memref<!tpu.dma_semaphore, #tpu.memory_space<semaphore_mem>>) {add = true}
        %dma_wait3A_141 = arith.constant 0 : i32
        %dma_wait3A_142 = arith.constant 0 : i32
        %dma_wait3A_143 = tpu.memref_slice %arg12[%dma_wait3A_141, %dma_wait3A_142] : memref<10112x128xf32, #tpu.memory_space<vmem_shared>> -> memref<10112x128xf32, #tpu.memory_space<vmem_shared>>
        tpu.wait_indirect_dma semaphore(%run_scoped3A : memref<!tpu.dma_semaphore, #tpu.memory_space<semaphore_mem>>) src(%arg10 : memref<128x128xf32, #tpu.memory_space<vmem>>) dst(%dma_wait3A_143 : memref<10112x128xf32, #tpu.memory_space<vmem_shared>>)
        tpu.yield
      }) : () -> ()
      %add3A_118 = arith.constant 2 : i32
      %add3A_119 = arith.addi %mul3A_101, %add3A_118 : i32
      %lt3A_120 = arith.constant 40 : i32
      %lt3A_121 = arith.cmpi slt, %add3A_119, %lt3A_120 : i32
      %convert_element_type3A_122 = arith.extui %lt3A_121 : i1 to i32
      %cond3A_123 = arith.constant 0 : i32
      %cond3A_124 = arith.cmpi ne, %convert_element_type3A_122, %cond3A_123 : i32
      scf.if %cond3A_124 {
        %add3A_138 = arith.constant 2 : i32
        %add3A_139 = arith.addi %mul3A_101, %add3A_138 : i32
        %dma_start3A_140 = arith.constant 0 : i32
        %dma_start3A_141 = tpu.memref_slice %arg7[%add3A_139, %dma_start3A_140] : memref<40x128xi32, #tpu.memory_space<vmem>> -> memref<1x128xi32, #tpu.memory_space<vmem>>
        %dma_start3A_142 = tpu.memref_squeeze %dma_start3A_141 : memref<1x128xi32, #tpu.memory_space<vmem>> -> memref<128xi32, #tpu.memory_space<vmem>>
        %dma_start3A_143 = arith.constant 0 : i32
        %dma_start3A_144 = arith.constant 0 : i32
        %dma_start3A_145 = tpu.memref_slice %arg2[%dma_start3A_143, %dma_start3A_144] : memref<10112x128xf32, #tpu.memory_space<hbm>> -> memref<10112x128xf32, #tpu.memory_space<hbm>>
        tpu.enqueue_indirect_dma source(%dma_start3A_145 : memref<10112x128xf32, #tpu.memory_space<hbm>>) target(%arg10 : memref<128x128xf32, #tpu.memory_space<vmem>>) offsets(%dma_start3A_142 : memref<128xi32, #tpu.memory_space<vmem>>) semaphore(%arg13 : memref<!tpu.dma_semaphore, #tpu.memory_space<semaphore_mem>>)
      } else {
      }
      %add3A_125 = arith.addi %add3A_36, %mul3A_101 : i32
      %add3A_126 = arith.constant 1 : i32
      %add3A_127 = arith.addi %add3A_125, %add3A_126 : i32
      %mul3A_128 = arith.constant 128 : i32
      %mul3A_129 = arith.muli %add3A_127, %mul3A_128 : i32
      "tpu.region"() ({
        %run_scoped3A = tpu.sem_alloc : memref<!tpu.dma_semaphore, #tpu.memory_space<semaphore_mem>>
        %dma_start3A_138 = tpu.memref_slice %arg4[%mul3A_129] : memref<327680xi32, #tpu.memory_space<hbm>> -> memref<128xi32, #tpu.memory_space<hbm>>
        %dma_start3A_139 = tpu.memref_slice %arg4[%mul3A_129] : memref<327680xi32, #tpu.memory_space<hbm>> -> memref<128xi32, #tpu.memory_space<hbm>>
        tpu.enqueue_dma source(%dma_start3A_139 : memref<128xi32, #tpu.memory_space<hbm>>) target(%arg9 : memref<128xi32, #tpu.memory_space<vmem>>) target_semaphore(%run_scoped3A : memref<!tpu.dma_semaphore, #tpu.memory_space<semaphore_mem>>)
        %dma_wait3A_140 = tpu.memref_slice %arg4[%mul3A_129] : memref<327680xi32, #tpu.memory_space<hbm>> -> memref<128xi32, #tpu.memory_space<hbm>>
        %dma_wait3A_141 = tpu.memref_slice %arg4[%mul3A_129] : memref<327680xi32, #tpu.memory_space<hbm>> -> memref<128xi32, #tpu.memory_space<hbm>>
        tpu.wait_dma2 semaphore(%run_scoped3A : memref<!tpu.dma_semaphore, #tpu.memory_space<semaphore_mem>>) src(%dma_wait3A_141 : memref<128xi32, #tpu.memory_space<hbm>>) dst(%arg9 : memref<128xi32, #tpu.memory_space<vmem>>)
        tpu.yield
      }) : () -> ()
      %add3A_130 = arith.constant 1 : i32
      %add3A_131 = arith.addi %mul3A_101, %add3A_130 : i32
      %dma_wait3A_132 = arith.constant 0 : i32
      %dma_wait3A_133 = tpu.memref_slice %arg7[%add3A_131, %dma_wait3A_132] : memref<40x128xi32, #tpu.memory_space<vmem>> -> memref<1x128xi32, #tpu.memory_space<vmem>>
      %dma_wait3A_134 = tpu.memref_squeeze %dma_wait3A_133 : memref<1x128xi32, #tpu.memory_space<vmem>> -> memref<128xi32, #tpu.memory_space<vmem>>
      %dma_wait3A_135 = arith.constant 0 : i32
      %dma_wait3A_136 = arith.constant 0 : i32
      %dma_wait3A_137 = tpu.memref_slice %arg2[%dma_wait3A_135, %dma_wait3A_136] : memref<10112x128xf32, #tpu.memory_space<hbm>> -> memref<10112x128xf32, #tpu.memory_space<hbm>>
      tpu.wait_indirect_dma semaphore(%arg14 : memref<!tpu.dma_semaphore, #tpu.memory_space<semaphore_mem>>) src(%dma_wait3A_137 : memref<10112x128xf32, #tpu.memory_space<hbm>>) dst(%arg11 : memref<128x128xf32, #tpu.memory_space<vmem>>)
      "tpu.region"() ({
        %run_scoped3A = tpu.sem_alloc : memref<!tpu.dma_semaphore, #tpu.memory_space<semaphore_mem>>
        %dma_start3A_138 = arith.constant 0 : i32
        %dma_start3A_139 = arith.constant 0 : i32
        %dma_start3A_140 = tpu.memref_slice %arg12[%dma_start3A_138, %dma_start3A_139] : memref<10112x128xf32, #tpu.memory_space<vmem_shared>> -> memref<10112x128xf32, #tpu.memory_space<vmem_shared>>
        tpu.enqueue_indirect_dma source(%arg11 : memref<128x128xf32, #tpu.memory_space<vmem>>) target(%dma_start3A_140 : memref<10112x128xf32, #tpu.memory_space<vmem_shared>>) offsets(%arg9 : memref<128xi32, #tpu.memory_space<vmem>>) semaphore(%run_scoped3A : memref<!tpu.dma_semaphore, #tpu.memory_space<semaphore_mem>>) {add = true}
        %dma_wait3A_141 = arith.constant 0 : i32
        %dma_wait3A_142 = arith.constant 0 : i32
        %dma_wait3A_143 = tpu.memref_slice %arg12[%dma_wait3A_141, %dma_wait3A_142] : memref<10112x128xf32, #tpu.memory_space<vmem_shared>> -> memref<10112x128xf32, #tpu.memory_space<vmem_shared>>
        tpu.wait_indirect_dma semaphore(%run_scoped3A : memref<!tpu.dma_semaphore, #tpu.memory_space<semaphore_mem>>) src(%arg11 : memref<128x128xf32, #tpu.memory_space<vmem>>) dst(%dma_wait3A_143 : memref<10112x128xf32, #tpu.memory_space<vmem_shared>>)
        tpu.yield
      }) : () -> ()
    }
    %scan3A_46 = arith.constant 20 : i32
    %mul3A_47 = arith.constant 80 : i32
    %mul3A_48 = arith.muli %add3A, %mul3A_47 : i32
    %add3A_49 = arith.constant 40 : i32
    %add3A_50 = arith.addi %mul3A_48, %add3A_49 : i32
    "tpu.region"() ({
      %run_scoped3A = tpu.sem_alloc : memref<!tpu.dma_semaphore, #tpu.memory_space<semaphore_mem>>
      %dma_start3A_99 = arith.constant 0 : i32
      %dma_start3A_100 = tpu.memref_slice %arg3[%add3A_50, %dma_start3A_99] : memref<2560x128xi32, #tpu.memory_space<hbm>> -> memref<40x128xi32, #tpu.memory_space<hbm>>
      %dma_start3A_101 = arith.constant 0 : i32
      %dma_start3A_102 = tpu.memref_slice %arg3[%add3A_50, %dma_start3A_101] : memref<2560x128xi32, #tpu.memory_space<hbm>> -> memref<40x128xi32, #tpu.memory_space<hbm>>
      tpu.enqueue_dma source(%dma_start3A_102 : memref<40x128xi32, #tpu.memory_space<hbm>>) target(%arg7 : memref<40x128xi32, #tpu.memory_space<vmem>>) target_semaphore(%run_scoped3A : memref<!tpu.dma_semaphore, #tpu.memory_space<semaphore_mem>>)
      %dma_wait3A = arith.constant 0 : i32
      %dma_wait3A_103 = tpu.memref_slice %arg3[%add3A_50, %dma_wait3A] : memref<2560x128xi32, #tpu.memory_space<hbm>> -> memref<40x128xi32, #tpu.memory_space<hbm>>
      %dma_wait3A_104 = arith.constant 0 : i32
      %dma_wait3A_105 = tpu.memref_slice %arg3[%add3A_50, %dma_wait3A_104] : memref<2560x128xi32, #tpu.memory_space<hbm>> -> memref<40x128xi32, #tpu.memory_space<hbm>>
      tpu.wait_dma2 semaphore(%run_scoped3A : memref<!tpu.dma_semaphore, #tpu.memory_space<semaphore_mem>>) src(%dma_wait3A_105 : memref<40x128xi32, #tpu.memory_space<hbm>>) dst(%arg7 : memref<40x128xi32, #tpu.memory_space<vmem>>)
      tpu.yield
    }) : () -> ()
    %dma_start3A_51 = arith.constant 0 : i32
    %dma_start3A_52 = arith.constant 0 : i32
    %dma_start3A_53 = tpu.memref_slice %arg7[%dma_start3A_51, %dma_start3A_52] : memref<40x128xi32, #tpu.memory_space<vmem>> -> memref<1x128xi32, #tpu.memory_space<vmem>>
    %dma_start3A_54 = tpu.memref_squeeze %dma_start3A_53 : memref<1x128xi32, #tpu.memory_space<vmem>> -> memref<128xi32, #tpu.memory_space<vmem>>
    %dma_start3A_55 = arith.constant 0 : i32
    %dma_start3A_56 = arith.constant 0 : i32
    %dma_start3A_57 = tpu.memref_slice %arg2[%dma_start3A_55, %dma_start3A_56] : memref<10112x128xf32, #tpu.memory_space<hbm>> -> memref<10112x128xf32, #tpu.memory_space<hbm>>
    tpu.enqueue_indirect_dma source(%dma_start3A_57 : memref<10112x128xf32, #tpu.memory_space<hbm>>) target(%arg10 : memref<128x128xf32, #tpu.memory_space<vmem>>) offsets(%dma_start3A_54 : memref<128xi32, #tpu.memory_space<vmem>>) semaphore(%arg13 : memref<!tpu.dma_semaphore, #tpu.memory_space<semaphore_mem>>)
    %scan3A_58 = arith.constant 0 : i32
    %scan3A_59 = arith.constant 20 : i32
    %scan3A_60 = arith.addi %scan3A_58, %scan3A_59 : i32
    %scan3A_61 = arith.constant 1 : i32
    scf.for %scan3A_99 = %scan3A_58 to %scan3A_60 step %scan3A_61  : i32 {
      %mul3A_100 = arith.constant 2 : i32
      %mul3A_101 = arith.muli %mul3A_100, %scan3A_99 : i32
      %add3A_102 = arith.constant 1 : i32
      %add3A_103 = arith.addi %mul3A_101, %add3A_102 : i32
      %dma_start3A_104 = arith.constant 0 : i32
      %dma_start3A_105 = tpu.memref_slice %arg7[%add3A_103, %dma_start3A_104] : memref<40x128xi32, #tpu.memory_space<vmem>> -> memref<1x128xi32, #tpu.memory_space<vmem>>
      %dma_start3A_106 = tpu.memref_squeeze %dma_start3A_105 : memref<1x128xi32, #tpu.memory_space<vmem>> -> memref<128xi32, #tpu.memory_space<vmem>>
      %dma_start3A_107 = arith.constant 0 : i32
      %dma_start3A_108 = arith.constant 0 : i32
      %dma_start3A_109 = tpu.memref_slice %arg2[%dma_start3A_107, %dma_start3A_108] : memref<10112x128xf32, #tpu.memory_space<hbm>> -> memref<10112x128xf32, #tpu.memory_space<hbm>>
      tpu.enqueue_indirect_dma source(%dma_start3A_109 : memref<10112x128xf32, #tpu.memory_space<hbm>>) target(%arg11 : memref<128x128xf32, #tpu.memory_space<vmem>>) offsets(%dma_start3A_106 : memref<128xi32, #tpu.memory_space<vmem>>) semaphore(%arg14 : memref<!tpu.dma_semaphore, #tpu.memory_space<semaphore_mem>>)
      %add3A_110 = arith.addi %add3A_50, %mul3A_101 : i32
      %mul3A_111 = arith.constant 128 : i32
      %mul3A_112 = arith.muli %add3A_110, %mul3A_111 : i32
      "tpu.region"() ({
        %run_scoped3A = tpu.sem_alloc : memref<!tpu.dma_semaphore, #tpu.memory_space<semaphore_mem>>
        %dma_start3A_138 = tpu.memref_slice %arg4[%mul3A_112] : memref<327680xi32, #tpu.memory_space<hbm>> -> memref<128xi32, #tpu.memory_space<hbm>>
        %dma_start3A_139 = tpu.memref_slice %arg4[%mul3A_112] : memref<327680xi32, #tpu.memory_space<hbm>> -> memref<128xi32, #tpu.memory_space<hbm>>
        tpu.enqueue_dma source(%dma_start3A_139 : memref<128xi32, #tpu.memory_space<hbm>>) target(%arg8 : memref<128xi32, #tpu.memory_space<vmem>>) target_semaphore(%run_scoped3A : memref<!tpu.dma_semaphore, #tpu.memory_space<semaphore_mem>>)
        %dma_wait3A_140 = tpu.memref_slice %arg4[%mul3A_112] : memref<327680xi32, #tpu.memory_space<hbm>> -> memref<128xi32, #tpu.memory_space<hbm>>
        %dma_wait3A_141 = tpu.memref_slice %arg4[%mul3A_112] : memref<327680xi32, #tpu.memory_space<hbm>> -> memref<128xi32, #tpu.memory_space<hbm>>
        tpu.wait_dma2 semaphore(%run_scoped3A : memref<!tpu.dma_semaphore, #tpu.memory_space<semaphore_mem>>) src(%dma_wait3A_141 : memref<128xi32, #tpu.memory_space<hbm>>) dst(%arg8 : memref<128xi32, #tpu.memory_space<vmem>>)
        tpu.yield
      }) : () -> ()
      %dma_wait3A = arith.constant 0 : i32
      %dma_wait3A_113 = tpu.memref_slice %arg7[%mul3A_101, %dma_wait3A] : memref<40x128xi32, #tpu.memory_space<vmem>> -> memref<1x128xi32, #tpu.memory_space<vmem>>
      %dma_wait3A_114 = tpu.memref_squeeze %dma_wait3A_113 : memref<1x128xi32, #tpu.memory_space<vmem>> -> memref<128xi32, #tpu.memory_space<vmem>>
      %dma_wait3A_115 = arith.constant 0 : i32
      %dma_wait3A_116 = arith.constant 0 : i32
      %dma_wait3A_117 = tpu.memref_slice %arg2[%dma_wait3A_115, %dma_wait3A_116] : memref<10112x128xf32, #tpu.memory_space<hbm>> -> memref<10112x128xf32, #tpu.memory_space<hbm>>
      tpu.wait_indirect_dma semaphore(%arg13 : memref<!tpu.dma_semaphore, #tpu.memory_space<semaphore_mem>>) src(%dma_wait3A_117 : memref<10112x128xf32, #tpu.memory_space<hbm>>) dst(%arg10 : memref<128x128xf32, #tpu.memory_space<vmem>>)
      "tpu.region"() ({
        %run_scoped3A = tpu.sem_alloc : memref<!tpu.dma_semaphore, #tpu.memory_space<semaphore_mem>>
        %dma_start3A_138 = arith.constant 0 : i32
        %dma_start3A_139 = arith.constant 0 : i32
        %dma_start3A_140 = tpu.memref_slice %arg12[%dma_start3A_138, %dma_start3A_139] : memref<10112x128xf32, #tpu.memory_space<vmem_shared>> -> memref<10112x128xf32, #tpu.memory_space<vmem_shared>>
        tpu.enqueue_indirect_dma source(%arg10 : memref<128x128xf32, #tpu.memory_space<vmem>>) target(%dma_start3A_140 : memref<10112x128xf32, #tpu.memory_space<vmem_shared>>) offsets(%arg8 : memref<128xi32, #tpu.memory_space<vmem>>) semaphore(%run_scoped3A : memref<!tpu.dma_semaphore, #tpu.memory_space<semaphore_mem>>) {add = true}
        %dma_wait3A_141 = arith.constant 0 : i32
        %dma_wait3A_142 = arith.constant 0 : i32
        %dma_wait3A_143 = tpu.memref_slice %arg12[%dma_wait3A_141, %dma_wait3A_142] : memref<10112x128xf32, #tpu.memory_space<vmem_shared>> -> memref<10112x128xf32, #tpu.memory_space<vmem_shared>>
        tpu.wait_indirect_dma semaphore(%run_scoped3A : memref<!tpu.dma_semaphore, #tpu.memory_space<semaphore_mem>>) src(%arg10 : memref<128x128xf32, #tpu.memory_space<vmem>>) dst(%dma_wait3A_143 : memref<10112x128xf32, #tpu.memory_space<vmem_shared>>)
        tpu.yield
      }) : () -> ()
      %add3A_118 = arith.constant 2 : i32
      %add3A_119 = arith.addi %mul3A_101, %add3A_118 : i32
      %lt3A_120 = arith.constant 40 : i32
      %lt3A_121 = arith.cmpi slt, %add3A_119, %lt3A_120 : i32
      %convert_element_type3A_122 = arith.extui %lt3A_121 : i1 to i32
      %cond3A_123 = arith.constant 0 : i32
      %cond3A_124 = arith.cmpi ne, %convert_element_type3A_122, %cond3A_123 : i32
      scf.if %cond3A_124 {
        %add3A_138 = arith.constant 2 : i32
        %add3A_139 = arith.addi %mul3A_101, %add3A_138 : i32
        %dma_start3A_140 = arith.constant 0 : i32
        %dma_start3A_141 = tpu.memref_slice %arg7[%add3A_139, %dma_start3A_140] : memref<40x128xi32, #tpu.memory_space<vmem>> -> memref<1x128xi32, #tpu.memory_space<vmem>>
        %dma_start3A_142 = tpu.memref_squeeze %dma_start3A_141 : memref<1x128xi32, #tpu.memory_space<vmem>> -> memref<128xi32, #tpu.memory_space<vmem>>
        %dma_start3A_143 = arith.constant 0 : i32
        %dma_start3A_144 = arith.constant 0 : i32
        %dma_start3A_145 = tpu.memref_slice %arg2[%dma_start3A_143, %dma_start3A_144] : memref<10112x128xf32, #tpu.memory_space<hbm>> -> memref<10112x128xf32, #tpu.memory_space<hbm>>
        tpu.enqueue_indirect_dma source(%dma_start3A_145 : memref<10112x128xf32, #tpu.memory_space<hbm>>) target(%arg10 : memref<128x128xf32, #tpu.memory_space<vmem>>) offsets(%dma_start3A_142 : memref<128xi32, #tpu.memory_space<vmem>>) semaphore(%arg13 : memref<!tpu.dma_semaphore, #tpu.memory_space<semaphore_mem>>)
      } else {
      }
      %add3A_125 = arith.addi %add3A_50, %mul3A_101 : i32
      %add3A_126 = arith.constant 1 : i32
      %add3A_127 = arith.addi %add3A_125, %add3A_126 : i32
      %mul3A_128 = arith.constant 128 : i32
      %mul3A_129 = arith.muli %add3A_127, %mul3A_128 : i32
      "tpu.region"() ({
        %run_scoped3A = tpu.sem_alloc : memref<!tpu.dma_semaphore, #tpu.memory_space<semaphore_mem>>
        %dma_start3A_138 = tpu.memref_slice %arg4[%mul3A_129] : memref<327680xi32, #tpu.memory_space<hbm>> -> memref<128xi32, #tpu.memory_space<hbm>>
        %dma_start3A_139 = tpu.memref_slice %arg4[%mul3A_129] : memref<327680xi32, #tpu.memory_space<hbm>> -> memref<128xi32, #tpu.memory_space<hbm>>
        tpu.enqueue_dma source(%dma_start3A_139 : memref<128xi32, #tpu.memory_space<hbm>>) target(%arg9 : memref<128xi32, #tpu.memory_space<vmem>>) target_semaphore(%run_scoped3A : memref<!tpu.dma_semaphore, #tpu.memory_space<semaphore_mem>>)
        %dma_wait3A_140 = tpu.memref_slice %arg4[%mul3A_129] : memref<327680xi32, #tpu.memory_space<hbm>> -> memref<128xi32, #tpu.memory_space<hbm>>
        %dma_wait3A_141 = tpu.memref_slice %arg4[%mul3A_129] : memref<327680xi32, #tpu.memory_space<hbm>> -> memref<128xi32, #tpu.memory_space<hbm>>
        tpu.wait_dma2 semaphore(%run_scoped3A : memref<!tpu.dma_semaphore, #tpu.memory_space<semaphore_mem>>) src(%dma_wait3A_141 : memref<128xi32, #tpu.memory_space<hbm>>) dst(%arg9 : memref<128xi32, #tpu.memory_space<vmem>>)
        tpu.yield
      }) : () -> ()
      %add3A_130 = arith.constant 1 : i32
      %add3A_131 = arith.addi %mul3A_101, %add3A_130 : i32
      %dma_wait3A_132 = arith.constant 0 : i32
      %dma_wait3A_133 = tpu.memref_slice %arg7[%add3A_131, %dma_wait3A_132] : memref<40x128xi32, #tpu.memory_space<vmem>> -> memref<1x128xi32, #tpu.memory_space<vmem>>
      %dma_wait3A_134 = tpu.memref_squeeze %dma_wait3A_133 : memref<1x128xi32, #tpu.memory_space<vmem>> -> memref<128xi32, #tpu.memory_space<vmem>>
      %dma_wait3A_135 = arith.constant 0 : i32
      %dma_wait3A_136 = arith.constant 0 : i32
      %dma_wait3A_137 = tpu.memref_slice %arg2[%dma_wait3A_135, %dma_wait3A_136] : memref<10112x128xf32, #tpu.memory_space<hbm>> -> memref<10112x128xf32, #tpu.memory_space<hbm>>
      tpu.wait_indirect_dma semaphore(%arg14 : memref<!tpu.dma_semaphore, #tpu.memory_space<semaphore_mem>>) src(%dma_wait3A_137 : memref<10112x128xf32, #tpu.memory_space<hbm>>) dst(%arg11 : memref<128x128xf32, #tpu.memory_space<vmem>>)
      "tpu.region"() ({
        %run_scoped3A = tpu.sem_alloc : memref<!tpu.dma_semaphore, #tpu.memory_space<semaphore_mem>>
        %dma_start3A_138 = arith.constant 0 : i32
        %dma_start3A_139 = arith.constant 0 : i32
        %dma_start3A_140 = tpu.memref_slice %arg12[%dma_start3A_138, %dma_start3A_139] : memref<10112x128xf32, #tpu.memory_space<vmem_shared>> -> memref<10112x128xf32, #tpu.memory_space<vmem_shared>>
        tpu.enqueue_indirect_dma source(%arg11 : memref<128x128xf32, #tpu.memory_space<vmem>>) target(%dma_start3A_140 : memref<10112x128xf32, #tpu.memory_space<vmem_shared>>) offsets(%arg9 : memref<128xi32, #tpu.memory_space<vmem>>) semaphore(%run_scoped3A : memref<!tpu.dma_semaphore, #tpu.memory_space<semaphore_mem>>) {add = true}
        %dma_wait3A_141 = arith.constant 0 : i32
        %dma_wait3A_142 = arith.constant 0 : i32
        %dma_wait3A_143 = tpu.memref_slice %arg12[%dma_wait3A_141, %dma_wait3A_142] : memref<10112x128xf32, #tpu.memory_space<vmem_shared>> -> memref<10112x128xf32, #tpu.memory_space<vmem_shared>>
        tpu.wait_indirect_dma semaphore(%run_scoped3A : memref<!tpu.dma_semaphore, #tpu.memory_space<semaphore_mem>>) src(%arg11 : memref<128x128xf32, #tpu.memory_space<vmem>>) dst(%dma_wait3A_143 : memref<10112x128xf32, #tpu.memory_space<vmem_shared>>)
        tpu.yield
      }) : () -> ()
    }
    %scan3A_62 = arith.constant 20 : i32
    %barrier3A_63 = arith.constant 0 : index
    tpu.barrier barrier_id(%barrier3A_63)
    %add3A_64 = arith.constant 0 : i32
    %add3A_65 = arith.addi %arg1, %add3A_64 : i32
    %lt3A_66 = arith.constant 79 : i32
    %lt3A_67 = arith.cmpi slt, %add3A_65, %lt3A_66 : i32
    %convert_element_type3A_68 = arith.extui %lt3A_67 : i1 to i32
    %cond3A_69 = arith.constant 0 : i32
    %cond3A_70 = arith.cmpi ne, %convert_element_type3A_68, %cond3A_69 : i32
    scf.if %cond3A_70 {
      %mul3A_99 = arith.constant 128 : i32
      %mul3A_100 = arith.muli %add3A_65, %mul3A_99 : i32
      "tpu.region"() ({
        %run_scoped3A = tpu.sem_alloc : memref<!tpu.dma_semaphore, #tpu.memory_space<semaphore_mem>>
        %dma_start3A_101 = arith.constant 0 : i32
        %dma_start3A_102 = tpu.memref_slice %arg6[%arg0, %mul3A_100, %dma_start3A_101] : memref<2x10112x128xf32, #tpu.memory_space<hbm>> -> memref<1x128x128xf32, #tpu.memory_space<hbm>>
        %dma_start3A_103 = tpu.memref_squeeze %dma_start3A_102 : memref<1x128x128xf32, #tpu.memory_space<hbm>> -> memref<128x128xf32, #tpu.memory_space<hbm>>
        %dma_start3A_104 = arith.constant 0 : i32
        %dma_start3A_105 = tpu.memref_slice %arg12[%mul3A_100, %dma_start3A_104] : memref<10112x128xf32, #tpu.memory_space<vmem_shared>> -> memref<128x128xf32, #tpu.memory_space<vmem_shared>>
        tpu.enqueue_dma source(%dma_start3A_105 : memref<128x128xf32, #tpu.memory_space<vmem_shared>>) target(%dma_start3A_103 : memref<128x128xf32, #tpu.memory_space<hbm>>) target_semaphore(%run_scoped3A : memref<!tpu.dma_semaphore, #tpu.memory_space<semaphore_mem>>)
        %dma_wait3A = arith.constant 0 : i32
        %dma_wait3A_106 = tpu.memref_slice %arg6[%arg0, %mul3A_100, %dma_wait3A] : memref<2x10112x128xf32, #tpu.memory_space<hbm>> -> memref<1x128x128xf32, #tpu.memory_space<hbm>>
        %dma_wait3A_107 = tpu.memref_squeeze %dma_wait3A_106 : memref<1x128x128xf32, #tpu.memory_space<hbm>> -> memref<128x128xf32, #tpu.memory_space<hbm>>
        %dma_wait3A_108 = arith.constant 0 : i32
        %dma_wait3A_109 = tpu.memref_slice %arg12[%mul3A_100, %dma_wait3A_108] : memref<10112x128xf32, #tpu.memory_space<vmem_shared>> -> memref<128x128xf32, #tpu.memory_space<vmem_shared>>
        tpu.wait_dma2 semaphore(%run_scoped3A : memref<!tpu.dma_semaphore, #tpu.memory_space<semaphore_mem>>) src(%dma_wait3A_109 : memref<128x128xf32, #tpu.memory_space<vmem_shared>>) dst(%dma_wait3A_107 : memref<128x128xf32, #tpu.memory_space<hbm>>)
        tpu.yield
      }) : () -> ()
    } else {
    }
    %add3A_71 = arith.constant 16 : i32
    %add3A_72 = arith.addi %arg1, %add3A_71 : i32
    %lt3A_73 = arith.constant 79 : i32
    %lt3A_74 = arith.cmpi slt, %add3A_72, %lt3A_73 : i32
    %convert_element_type3A_75 = arith.extui %lt3A_74 : i1 to i32
    %cond3A_76 = arith.constant 0 : i32
    %cond3A_77 = arith.cmpi ne, %convert_element_type3A_75, %cond3A_76 : i32
    scf.if %cond3A_77 {
      %mul3A_99 = arith.constant 128 : i32
      %mul3A_100 = arith.muli %add3A_72, %mul3A_99 : i32
      "tpu.region"() ({
        %run_scoped3A = tpu.sem_alloc : memref<!tpu.dma_semaphore, #tpu.memory_space<semaphore_mem>>
        %dma_start3A_101 = arith.constant 0 : i32
        %dma_start3A_102 = tpu.memref_slice %arg6[%arg0, %mul3A_100, %dma_start3A_101] : memref<2x10112x128xf32, #tpu.memory_space<hbm>> -> memref<1x128x128xf32, #tpu.memory_space<hbm>>
        %dma_start3A_103 = tpu.memref_squeeze %dma_start3A_102 : memref<1x128x128xf32, #tpu.memory_space<hbm>> -> memref<128x128xf32, #tpu.memory_space<hbm>>
        %dma_start3A_104 = arith.constant 0 : i32
        %dma_start3A_105 = tpu.memref_slice %arg12[%mul3A_100, %dma_start3A_104] : memref<10112x128xf32, #tpu.memory_space<vmem_shared>> -> memref<128x128xf32, #tpu.memory_space<vmem_shared>>
        tpu.enqueue_dma source(%dma_start3A_105 : memref<128x128xf32, #tpu.memory_space<vmem_shared>>) target(%dma_start3A_103 : memref<128x128xf32, #tpu.memory_space<hbm>>) target_semaphore(%run_scoped3A : memref<!tpu.dma_semaphore, #tpu.memory_space<semaphore_mem>>)
        %dma_wait3A = arith.constant 0 : i32
        %dma_wait3A_106 = tpu.memref_slice %arg6[%arg0, %mul3A_100, %dma_wait3A] : memref<2x10112x128xf32, #tpu.memory_space<hbm>> -> memref<1x128x128xf32, #tpu.memory_space<hbm>>
        %dma_wait3A_107 = tpu.memref_squeeze %dma_wait3A_106 : memref<1x128x128xf32, #tpu.memory_space<hbm>> -> memref<128x128xf32, #tpu.memory_space<hbm>>
        %dma_wait3A_108 = arith.constant 0 : i32
        %dma_wait3A_109 = tpu.memref_slice %arg12[%mul3A_100, %dma_wait3A_108] : memref<10112x128xf32, #tpu.memory_space<vmem_shared>> -> memref<128x128xf32, #tpu.memory_space<vmem_shared>>
        tpu.wait_dma2 semaphore(%run_scoped3A : memref<!tpu.dma_semaphore, #tpu.memory_space<semaphore_mem>>) src(%dma_wait3A_109 : memref<128x128xf32, #tpu.memory_space<vmem_shared>>) dst(%dma_wait3A_107 : memref<128x128xf32, #tpu.memory_space<hbm>>)
        tpu.yield
      }) : () -> ()
    } else {
    }
    %add3A_78 = arith.constant 32 : i32
    %add3A_79 = arith.addi %arg1, %add3A_78 : i32
    %lt3A_80 = arith.constant 79 : i32
    %lt3A_81 = arith.cmpi slt, %add3A_79, %lt3A_80 : i32
    %convert_element_type3A_82 = arith.extui %lt3A_81 : i1 to i32
    %cond3A_83 = arith.constant 0 : i32
    %cond3A_84 = arith.cmpi ne, %convert_element_type3A_82, %cond3A_83 : i32
    scf.if %cond3A_84 {
      %mul3A_99 = arith.constant 128 : i32
      %mul3A_100 = arith.muli %add3A_79, %mul3A_99 : i32
      "tpu.region"() ({
        %run_scoped3A = tpu.sem_alloc : memref<!tpu.dma_semaphore, #tpu.memory_space<semaphore_mem>>
        %dma_start3A_101 = arith.constant 0 : i32
        %dma_start3A_102 = tpu.memref_slice %arg6[%arg0, %mul3A_100, %dma_start3A_101] : memref<2x10112x128xf32, #tpu.memory_space<hbm>> -> memref<1x128x128xf32, #tpu.memory_space<hbm>>
        %dma_start3A_103 = tpu.memref_squeeze %dma_start3A_102 : memref<1x128x128xf32, #tpu.memory_space<hbm>> -> memref<128x128xf32, #tpu.memory_space<hbm>>
        %dma_start3A_104 = arith.constant 0 : i32
        %dma_start3A_105 = tpu.memref_slice %arg12[%mul3A_100, %dma_start3A_104] : memref<10112x128xf32, #tpu.memory_space<vmem_shared>> -> memref<128x128xf32, #tpu.memory_space<vmem_shared>>
        tpu.enqueue_dma source(%dma_start3A_105 : memref<128x128xf32, #tpu.memory_space<vmem_shared>>) target(%dma_start3A_103 : memref<128x128xf32, #tpu.memory_space<hbm>>) target_semaphore(%run_scoped3A : memref<!tpu.dma_semaphore, #tpu.memory_space<semaphore_mem>>)
        %dma_wait3A = arith.constant 0 : i32
        %dma_wait3A_106 = tpu.memref_slice %arg6[%arg0, %mul3A_100, %dma_wait3A] : memref<2x10112x128xf32, #tpu.memory_space<hbm>> -> memref<1x128x128xf32, #tpu.memory_space<hbm>>
        %dma_wait3A_107 = tpu.memref_squeeze %dma_wait3A_106 : memref<1x128x128xf32, #tpu.memory_space<hbm>> -> memref<128x128xf32, #tpu.memory_space<hbm>>
        %dma_wait3A_108 = arith.constant 0 : i32
        %dma_wait3A_109 = tpu.memref_slice %arg12[%mul3A_100, %dma_wait3A_108] : memref<10112x128xf32, #tpu.memory_space<vmem_shared>> -> memref<128x128xf32, #tpu.memory_space<vmem_shared>>
        tpu.wait_dma2 semaphore(%run_scoped3A : memref<!tpu.dma_semaphore, #tpu.memory_space<semaphore_mem>>) src(%dma_wait3A_109 : memref<128x128xf32, #tpu.memory_space<vmem_shared>>) dst(%dma_wait3A_107 : memref<128x128xf32, #tpu.memory_space<hbm>>)
        tpu.yield
      }) : () -> ()
    } else {
    }
    %add3A_85 = arith.constant 48 : i32
    %add3A_86 = arith.addi %arg1, %add3A_85 : i32
    %lt3A_87 = arith.constant 79 : i32
    %lt3A_88 = arith.cmpi slt, %add3A_86, %lt3A_87 : i32
    %convert_element_type3A_89 = arith.extui %lt3A_88 : i1 to i32
    %cond3A_90 = arith.constant 0 : i32
    %cond3A_91 = arith.cmpi ne, %convert_element_type3A_89, %cond3A_90 : i32
    scf.if %cond3A_91 {
      %mul3A_99 = arith.constant 128 : i32
      %mul3A_100 = arith.muli %add3A_86, %mul3A_99 : i32
      "tpu.region"() ({
        %run_scoped3A = tpu.sem_alloc : memref<!tpu.dma_semaphore, #tpu.memory_space<semaphore_mem>>
        %dma_start3A_101 = arith.constant 0 : i32
        %dma_start3A_102 = tpu.memref_slice %arg6[%arg0, %mul3A_100, %dma_start3A_101] : memref<2x10112x128xf32, #tpu.memory_space<hbm>> -> memref<1x128x128xf32, #tpu.memory_space<hbm>>
        %dma_start3A_103 = tpu.memref_squeeze %dma_start3A_102 : memref<1x128x128xf32, #tpu.memory_space<hbm>> -> memref<128x128xf32, #tpu.memory_space<hbm>>
        %dma_start3A_104 = arith.constant 0 : i32
        %dma_start3A_105 = tpu.memref_slice %arg12[%mul3A_100, %dma_start3A_104] : memref<10112x128xf32, #tpu.memory_space<vmem_shared>> -> memref<128x128xf32, #tpu.memory_space<vmem_shared>>
        tpu.enqueue_dma source(%dma_start3A_105 : memref<128x128xf32, #tpu.memory_space<vmem_shared>>) target(%dma_start3A_103 : memref<128x128xf32, #tpu.memory_space<hbm>>) target_semaphore(%run_scoped3A : memref<!tpu.dma_semaphore, #tpu.memory_space<semaphore_mem>>)
        %dma_wait3A = arith.constant 0 : i32
        %dma_wait3A_106 = tpu.memref_slice %arg6[%arg0, %mul3A_100, %dma_wait3A] : memref<2x10112x128xf32, #tpu.memory_space<hbm>> -> memref<1x128x128xf32, #tpu.memory_space<hbm>>
        %dma_wait3A_107 = tpu.memref_squeeze %dma_wait3A_106 : memref<1x128x128xf32, #tpu.memory_space<hbm>> -> memref<128x128xf32, #tpu.memory_space<hbm>>
        %dma_wait3A_108 = arith.constant 0 : i32
        %dma_wait3A_109 = tpu.memref_slice %arg12[%mul3A_100, %dma_wait3A_108] : memref<10112x128xf32, #tpu.memory_space<vmem_shared>> -> memref<128x128xf32, #tpu.memory_space<vmem_shared>>
        tpu.wait_dma2 semaphore(%run_scoped3A : memref<!tpu.dma_semaphore, #tpu.memory_space<semaphore_mem>>) src(%dma_wait3A_109 : memref<128x128xf32, #tpu.memory_space<vmem_shared>>) dst(%dma_wait3A_107 : memref<128x128xf32, #tpu.memory_space<hbm>>)
        tpu.yield
      }) : () -> ()
    } else {
    }
    %add3A_92 = arith.constant 64 : i32
    %add3A_93 = arith.addi %arg1, %add3A_92 : i32
    %lt3A_94 = arith.constant 79 : i32
    %lt3A_95 = arith.cmpi slt, %add3A_93, %lt3A_94 : i32
    %convert_element_type3A_96 = arith.extui %lt3A_95 : i1 to i32
    %cond3A_97 = arith.constant 0 : i32
    %cond3A_98 = arith.cmpi ne, %convert_element_type3A_96, %cond3A_97 : i32
    scf.if %cond3A_98 {
      %mul3A_99 = arith.constant 128 : i32
      %mul3A_100 = arith.muli %add3A_93, %mul3A_99 : i32
      "tpu.region"() ({
        %run_scoped3A = tpu.sem_alloc : memref<!tpu.dma_semaphore, #tpu.memory_space<semaphore_mem>>
        %dma_start3A_101 = arith.constant 0 : i32
        %dma_start3A_102 = tpu.memref_slice %arg6[%arg0, %mul3A_100, %dma_start3A_101] : memref<2x10112x128xf32, #tpu.memory_space<hbm>> -> memref<1x128x128xf32, #tpu.memory_space<hbm>>
        %dma_start3A_103 = tpu.memref_squeeze %dma_start3A_102 : memref<1x128x128xf32, #tpu.memory_space<hbm>> -> memref<128x128xf32, #tpu.memory_space<hbm>>
        %dma_start3A_104 = arith.constant 0 : i32
        %dma_start3A_105 = tpu.memref_slice %arg12[%mul3A_100, %dma_start3A_104] : memref<10112x128xf32, #tpu.memory_space<vmem_shared>> -> memref<128x128xf32, #tpu.memory_space<vmem_shared>>
        tpu.enqueue_dma source(%dma_start3A_105 : memref<128x128xf32, #tpu.memory_space<vmem_shared>>) target(%dma_start3A_103 : memref<128x128xf32, #tpu.memory_space<hbm>>) target_semaphore(%run_scoped3A : memref<!tpu.dma_semaphore, #tpu.memory_space<semaphore_mem>>)
        %dma_wait3A = arith.constant 0 : i32
        %dma_wait3A_106 = tpu.memref_slice %arg6[%arg0, %mul3A_100, %dma_wait3A] : memref<2x10112x128xf32, #tpu.memory_space<hbm>> -> memref<1x128x128xf32, #tpu.memory_space<hbm>>
        %dma_wait3A_107 = tpu.memref_squeeze %dma_wait3A_106 : memref<1x128x128xf32, #tpu.memory_space<hbm>> -> memref<128x128xf32, #tpu.memory_space<hbm>>
        %dma_wait3A_108 = arith.constant 0 : i32
        %dma_wait3A_109 = tpu.memref_slice %arg12[%mul3A_100, %dma_wait3A_108] : memref<10112x128xf32, #tpu.memory_space<vmem_shared>> -> memref<128x128xf32, #tpu.memory_space<vmem_shared>>
        tpu.wait_dma2 semaphore(%run_scoped3A : memref<!tpu.dma_semaphore, #tpu.memory_space<semaphore_mem>>) src(%dma_wait3A_109 : memref<128x128xf32, #tpu.memory_space<vmem_shared>>) dst(%dma_wait3A_107 : memref<128x128xf32, #tpu.memory_space<hbm>>)
        tpu.yield
      }) : () -> ()
    } else {
    }
    return
  }
}

#map = affine_map<(d0, d1) -> (0, 0)>
#map1 = affine_map<(d0, d1) -> (0)>
#map2 = affine_map<(d0, d1) -> (0, 0, 0)>
module attributes {stable_mosaic.version = 14 : i64} {
  func.func @_edge_pass(%arg0: i32, %arg1: i32, %arg2: memref<10112x128xf32, #tpu.memory_space<hbm>>, %arg3: memref<2560x128xi32, #tpu.memory_space<hbm>>, %arg4: memref<327680xi32, #tpu.memory_space<hbm>>, %arg5: memref<128x128xf32, #tpu.memory_space<hbm>>, %arg6: memref<2x10112x128xf32, #tpu.memory_space<hbm>>, %arg7: memref<40x128xi32, #tpu.memory_space<vmem>>, %arg8: memref<128xi32, #tpu.memory_space<vmem>>, %arg9: memref<128xi32, #tpu.memory_space<vmem>>, %arg10: memref<128x128xf32, #tpu.memory_space<vmem>>, %arg11: memref<128x128xf32, #tpu.memory_space<vmem>>, %arg12: memref<10112x128xf32, #tpu.memory_space<vmem_shared>>, %arg13: memref<!tpu.dma_semaphore, #tpu.memory_space<semaphore_mem>>, %arg14: memref<!tpu.dma_semaphore, #tpu.memory_space<semaphore_mem>>) attributes {dimension_semantics = [#tpu.dimension_semantics<core_parallel>, #tpu.dimension_semantics<subcore_parallel>], iteration_bounds = array<i64: 2, 16>, scalar_prefetch = 0 : i64, scratch_operands = 8 : i64, tpu.core_type = #tpu.core_type<sc_vector_subcore>, window_params = [{transform_indices = #map}, {transform_indices = #map}, {transform_indices = #map1}, {transform_indices = #map}, {transform_indices = #map2}]} {
    %mul3A = arith.constant 2 : i32
    %mul3A_0 = arith.muli %arg1, %mul3A : i32
    %add3A = arith.addi %mul3A_0, %arg0 : i32
    %add3A_1 = arith.constant 0 : i32
    %add3A_2 = arith.addi %arg1, %add3A_1 : i32
    %lt3A = arith.constant 79 : i32
    %lt3A_3 = arith.cmpi slt, %add3A_2, %lt3A : i32
    %convert_element_type3A = arith.extui %lt3A_3 : i1 to i32
    %cond3A = arith.constant 0 : i32
    %cond3A_4 = arith.cmpi ne, %convert_element_type3A, %cond3A : i32
    scf.if %cond3A_4 {
      %mul3A_99 = arith.constant 128 : i32
      %mul3A_100 = arith.muli %add3A_2, %mul3A_99 : i32
      "tpu.region"() ({
        %run_scoped3A = tpu.sem_alloc : memref<!tpu.dma_semaphore, #tpu.memory_space<semaphore_mem>>
        %dma_start3A_101 = arith.constant 0 : i32
        %dma_start3A_102 = tpu.memref_slice %arg12[%mul3A_100, %dma_start3A_101] : memref<10112x128xf32, #tpu.memory_space<vmem_shared>> -> memref<128x128xf32, #tpu.memory_space<vmem_shared>>
        tpu.enqueue_dma source(%arg5 : memref<128x128xf32, #tpu.memory_space<hbm>>) target(%dma_start3A_102 : memref<128x128xf32, #tpu.memory_space<vmem_shared>>) target_semaphore(%run_scoped3A : memref<!tpu.dma_semaphore, #tpu.memory_space<semaphore_mem>>)
        %dma_wait3A = arith.constant 0 : i32
        %dma_wait3A_103 = tpu.memref_slice %arg12[%mul3A_100, %dma_wait3A] : memref<10112x128xf32, #tpu.memory_space<vmem_shared>> -> memref<128x128xf32, #tpu.memory_space<vmem_shared>>
        tpu.wait_dma2 semaphore(%run_scoped3A : memref<!tpu.dma_semaphore, #tpu.memory_space<semaphore_mem>>) src(%arg5 : memref<128x128xf32, #tpu.memory_space<hbm>>) dst(%dma_wait3A_103 : memref<128x128xf32, #tpu.memory_space<vmem_shared>>)
        tpu.yield
      }) : () -> ()
    } else {
    }
    %add3A_5 = arith.constant 16 : i32
    %add3A_6 = arith.addi %arg1, %add3A_5 : i32
    %lt3A_7 = arith.constant 79 : i32
    %lt3A_8 = arith.cmpi slt, %add3A_6, %lt3A_7 : i32
    %convert_element_type3A_9 = arith.extui %lt3A_8 : i1 to i32
    %cond3A_10 = arith.constant 0 : i32
    %cond3A_11 = arith.cmpi ne, %convert_element_type3A_9, %cond3A_10 : i32
    scf.if %cond3A_11 {
      %mul3A_99 = arith.constant 128 : i32
      %mul3A_100 = arith.muli %add3A_6, %mul3A_99 : i32
      "tpu.region"() ({
        %run_scoped3A = tpu.sem_alloc : memref<!tpu.dma_semaphore, #tpu.memory_space<semaphore_mem>>
        %dma_start3A_101 = arith.constant 0 : i32
        %dma_start3A_102 = tpu.memref_slice %arg12[%mul3A_100, %dma_start3A_101] : memref<10112x128xf32, #tpu.memory_space<vmem_shared>> -> memref<128x128xf32, #tpu.memory_space<vmem_shared>>
        tpu.enqueue_dma source(%arg5 : memref<128x128xf32, #tpu.memory_space<hbm>>) target(%dma_start3A_102 : memref<128x128xf32, #tpu.memory_space<vmem_shared>>) target_semaphore(%run_scoped3A : memref<!tpu.dma_semaphore, #tpu.memory_space<semaphore_mem>>)
        %dma_wait3A = arith.constant 0 : i32
        %dma_wait3A_103 = tpu.memref_slice %arg12[%mul3A_100, %dma_wait3A] : memref<10112x128xf32, #tpu.memory_space<vmem_shared>> -> memref<128x128xf32, #tpu.memory_space<vmem_shared>>
        tpu.wait_dma2 semaphore(%run_scoped3A : memref<!tpu.dma_semaphore, #tpu.memory_space<semaphore_mem>>) src(%arg5 : memref<128x128xf32, #tpu.memory_space<hbm>>) dst(%dma_wait3A_103 : memref<128x128xf32, #tpu.memory_space<vmem_shared>>)
        tpu.yield
      }) : () -> ()
    } else {
    }
    %add3A_12 = arith.constant 32 : i32
    %add3A_13 = arith.addi %arg1, %add3A_12 : i32
    %lt3A_14 = arith.constant 79 : i32
    %lt3A_15 = arith.cmpi slt, %add3A_13, %lt3A_14 : i32
    %convert_element_type3A_16 = arith.extui %lt3A_15 : i1 to i32
    %cond3A_17 = arith.constant 0 : i32
    %cond3A_18 = arith.cmpi ne, %convert_element_type3A_16, %cond3A_17 : i32
    scf.if %cond3A_18 {
      %mul3A_99 = arith.constant 128 : i32
      %mul3A_100 = arith.muli %add3A_13, %mul3A_99 : i32
      "tpu.region"() ({
        %run_scoped3A = tpu.sem_alloc : memref<!tpu.dma_semaphore, #tpu.memory_space<semaphore_mem>>
        %dma_start3A_101 = arith.constant 0 : i32
        %dma_start3A_102 = tpu.memref_slice %arg12[%mul3A_100, %dma_start3A_101] : memref<10112x128xf32, #tpu.memory_space<vmem_shared>> -> memref<128x128xf32, #tpu.memory_space<vmem_shared>>
        tpu.enqueue_dma source(%arg5 : memref<128x128xf32, #tpu.memory_space<hbm>>) target(%dma_start3A_102 : memref<128x128xf32, #tpu.memory_space<vmem_shared>>) target_semaphore(%run_scoped3A : memref<!tpu.dma_semaphore, #tpu.memory_space<semaphore_mem>>)
        %dma_wait3A = arith.constant 0 : i32
        %dma_wait3A_103 = tpu.memref_slice %arg12[%mul3A_100, %dma_wait3A] : memref<10112x128xf32, #tpu.memory_space<vmem_shared>> -> memref<128x128xf32, #tpu.memory_space<vmem_shared>>
        tpu.wait_dma2 semaphore(%run_scoped3A : memref<!tpu.dma_semaphore, #tpu.memory_space<semaphore_mem>>) src(%arg5 : memref<128x128xf32, #tpu.memory_space<hbm>>) dst(%dma_wait3A_103 : memref<128x128xf32, #tpu.memory_space<vmem_shared>>)
        tpu.yield
      }) : () -> ()
    } else {
    }
    %add3A_19 = arith.constant 48 : i32
    %add3A_20 = arith.addi %arg1, %add3A_19 : i32
    %lt3A_21 = arith.constant 79 : i32
    %lt3A_22 = arith.cmpi slt, %add3A_20, %lt3A_21 : i32
    %convert_element_type3A_23 = arith.extui %lt3A_22 : i1 to i32
    %cond3A_24 = arith.constant 0 : i32
    %cond3A_25 = arith.cmpi ne, %convert_element_type3A_23, %cond3A_24 : i32
    scf.if %cond3A_25 {
      %mul3A_99 = arith.constant 128 : i32
      %mul3A_100 = arith.muli %add3A_20, %mul3A_99 : i32
      "tpu.region"() ({
        %run_scoped3A = tpu.sem_alloc : memref<!tpu.dma_semaphore, #tpu.memory_space<semaphore_mem>>
        %dma_start3A_101 = arith.constant 0 : i32
        %dma_start3A_102 = tpu.memref_slice %arg12[%mul3A_100, %dma_start3A_101] : memref<10112x128xf32, #tpu.memory_space<vmem_shared>> -> memref<128x128xf32, #tpu.memory_space<vmem_shared>>
        tpu.enqueue_dma source(%arg5 : memref<128x128xf32, #tpu.memory_space<hbm>>) target(%dma_start3A_102 : memref<128x128xf32, #tpu.memory_space<vmem_shared>>) target_semaphore(%run_scoped3A : memref<!tpu.dma_semaphore, #tpu.memory_space<semaphore_mem>>)
        %dma_wait3A = arith.constant 0 : i32
        %dma_wait3A_103 = tpu.memref_slice %arg12[%mul3A_100, %dma_wait3A] : memref<10112x128xf32, #tpu.memory_space<vmem_shared>> -> memref<128x128xf32, #tpu.memory_space<vmem_shared>>
        tpu.wait_dma2 semaphore(%run_scoped3A : memref<!tpu.dma_semaphore, #tpu.memory_space<semaphore_mem>>) src(%arg5 : memref<128x128xf32, #tpu.memory_space<hbm>>) dst(%dma_wait3A_103 : memref<128x128xf32, #tpu.memory_space<vmem_shared>>)
        tpu.yield
      }) : () -> ()
    } else {
    }
    %add3A_26 = arith.constant 64 : i32
    %add3A_27 = arith.addi %arg1, %add3A_26 : i32
    %lt3A_28 = arith.constant 79 : i32
    %lt3A_29 = arith.cmpi slt, %add3A_27, %lt3A_28 : i32
    %convert_element_type3A_30 = arith.extui %lt3A_29 : i1 to i32
    %cond3A_31 = arith.constant 0 : i32
    %cond3A_32 = arith.cmpi ne, %convert_element_type3A_30, %cond3A_31 : i32
    scf.if %cond3A_32 {
      %mul3A_99 = arith.constant 128 : i32
      %mul3A_100 = arith.muli %add3A_27, %mul3A_99 : i32
      "tpu.region"() ({
        %run_scoped3A = tpu.sem_alloc : memref<!tpu.dma_semaphore, #tpu.memory_space<semaphore_mem>>
        %dma_start3A_101 = arith.constant 0 : i32
        %dma_start3A_102 = tpu.memref_slice %arg12[%mul3A_100, %dma_start3A_101] : memref<10112x128xf32, #tpu.memory_space<vmem_shared>> -> memref<128x128xf32, #tpu.memory_space<vmem_shared>>
        tpu.enqueue_dma source(%arg5 : memref<128x128xf32, #tpu.memory_space<hbm>>) target(%dma_start3A_102 : memref<128x128xf32, #tpu.memory_space<vmem_shared>>) target_semaphore(%run_scoped3A : memref<!tpu.dma_semaphore, #tpu.memory_space<semaphore_mem>>)
        %dma_wait3A = arith.constant 0 : i32
        %dma_wait3A_103 = tpu.memref_slice %arg12[%mul3A_100, %dma_wait3A] : memref<10112x128xf32, #tpu.memory_space<vmem_shared>> -> memref<128x128xf32, #tpu.memory_space<vmem_shared>>
        tpu.wait_dma2 semaphore(%run_scoped3A : memref<!tpu.dma_semaphore, #tpu.memory_space<semaphore_mem>>) src(%arg5 : memref<128x128xf32, #tpu.memory_space<hbm>>) dst(%dma_wait3A_103 : memref<128x128xf32, #tpu.memory_space<vmem_shared>>)
        tpu.yield
      }) : () -> ()
    } else {
    }
    %barrier3A = arith.constant 0 : index
    tpu.barrier barrier_id(%barrier3A)
    %mul3A_33 = arith.constant 80 : i32
    %mul3A_34 = arith.muli %add3A, %mul3A_33 : i32
    %add3A_35 = arith.constant 0 : i32
    %add3A_36 = arith.addi %mul3A_34, %add3A_35 : i32
    "tpu.region"() ({
      %run_scoped3A = tpu.sem_alloc : memref<!tpu.dma_semaphore, #tpu.memory_space<semaphore_mem>>
      %dma_start3A_99 = arith.constant 0 : i32
      %dma_start3A_100 = tpu.memref_slice %arg3[%add3A_36, %dma_start3A_99] : memref<2560x128xi32, #tpu.memory_space<hbm>> -> memref<40x128xi32, #tpu.memory_space<hbm>>
      %dma_start3A_101 = arith.constant 0 : i32
      %dma_start3A_102 = tpu.memref_slice %arg3[%add3A_36, %dma_start3A_101] : memref<2560x128xi32, #tpu.memory_space<hbm>> -> memref<40x128xi32, #tpu.memory_space<hbm>>
      tpu.enqueue_dma source(%dma_start3A_102 : memref<40x128xi32, #tpu.memory_space<hbm>>) target(%arg7 : memref<40x128xi32, #tpu.memory_space<vmem>>) target_semaphore(%run_scoped3A : memref<!tpu.dma_semaphore, #tpu.memory_space<semaphore_mem>>)
      %dma_wait3A = arith.constant 0 : i32
      %dma_wait3A_103 = tpu.memref_slice %arg3[%add3A_36, %dma_wait3A] : memref<2560x128xi32, #tpu.memory_space<hbm>> -> memref<40x128xi32, #tpu.memory_space<hbm>>
      %dma_wait3A_104 = arith.constant 0 : i32
      %dma_wait3A_105 = tpu.memref_slice %arg3[%add3A_36, %dma_wait3A_104] : memref<2560x128xi32, #tpu.memory_space<hbm>> -> memref<40x128xi32, #tpu.memory_space<hbm>>
      tpu.wait_dma2 semaphore(%run_scoped3A : memref<!tpu.dma_semaphore, #tpu.memory_space<semaphore_mem>>) src(%dma_wait3A_105 : memref<40x128xi32, #tpu.memory_space<hbm>>) dst(%arg7 : memref<40x128xi32, #tpu.memory_space<vmem>>)
      tpu.yield
    }) : () -> ()
    %dma_start3A = arith.constant 0 : i32
    %dma_start3A_37 = arith.constant 0 : i32
    %dma_start3A_38 = tpu.memref_slice %arg7[%dma_start3A, %dma_start3A_37] : memref<40x128xi32, #tpu.memory_space<vmem>> -> memref<1x128xi32, #tpu.memory_space<vmem>>
    %dma_start3A_39 = tpu.memref_squeeze %dma_start3A_38 : memref<1x128xi32, #tpu.memory_space<vmem>> -> memref<128xi32, #tpu.memory_space<vmem>>
    %dma_start3A_40 = arith.constant 0 : i32
    %dma_start3A_41 = arith.constant 0 : i32
    %dma_start3A_42 = tpu.memref_slice %arg2[%dma_start3A_40, %dma_start3A_41] : memref<10112x128xf32, #tpu.memory_space<hbm>> -> memref<10112x128xf32, #tpu.memory_space<hbm>>
    tpu.enqueue_indirect_dma source(%dma_start3A_42 : memref<10112x128xf32, #tpu.memory_space<hbm>>) target(%arg10 : memref<128x128xf32, #tpu.memory_space<vmem>>) offsets(%dma_start3A_39 : memref<128xi32, #tpu.memory_space<vmem>>) semaphore(%arg13 : memref<!tpu.dma_semaphore, #tpu.memory_space<semaphore_mem>>)
    %scan3A = arith.constant 0 : i32
    %scan3A_43 = arith.constant 20 : i32
    %scan3A_44 = arith.addi %scan3A, %scan3A_43 : i32
    %scan3A_45 = arith.constant 1 : i32
    scf.for %scan3A_99 = %scan3A to %scan3A_44 step %scan3A_45  : i32 {
      %mul3A_100 = arith.constant 2 : i32
      %mul3A_101 = arith.muli %mul3A_100, %scan3A_99 : i32
      %add3A_102 = arith.constant 1 : i32
      %add3A_103 = arith.addi %mul3A_101, %add3A_102 : i32
      %dma_start3A_104 = arith.constant 0 : i32
      %dma_start3A_105 = tpu.memref_slice %arg7[%add3A_103, %dma_start3A_104] : memref<40x128xi32, #tpu.memory_space<vmem>> -> memref<1x128xi32, #tpu.memory_space<vmem>>
      %dma_start3A_106 = tpu.memref_squeeze %dma_start3A_105 : memref<1x128xi32, #tpu.memory_space<vmem>> -> memref<128xi32, #tpu.memory_space<vmem>>
      %dma_start3A_107 = arith.constant 0 : i32
      %dma_start3A_108 = arith.constant 0 : i32
      %dma_start3A_109 = tpu.memref_slice %arg2[%dma_start3A_107, %dma_start3A_108] : memref<10112x128xf32, #tpu.memory_space<hbm>> -> memref<10112x128xf32, #tpu.memory_space<hbm>>
      tpu.enqueue_indirect_dma source(%dma_start3A_109 : memref<10112x128xf32, #tpu.memory_space<hbm>>) target(%arg11 : memref<128x128xf32, #tpu.memory_space<vmem>>) offsets(%dma_start3A_106 : memref<128xi32, #tpu.memory_space<vmem>>) semaphore(%arg14 : memref<!tpu.dma_semaphore, #tpu.memory_space<semaphore_mem>>)
      %add3A_110 = arith.addi %add3A_36, %mul3A_101 : i32
      %mul3A_111 = arith.constant 128 : i32
      %mul3A_112 = arith.muli %add3A_110, %mul3A_111 : i32
      "tpu.region"() ({
        %run_scoped3A = tpu.sem_alloc : memref<!tpu.dma_semaphore, #tpu.memory_space<semaphore_mem>>
        %dma_start3A_138 = tpu.memref_slice %arg4[%mul3A_112] : memref<327680xi32, #tpu.memory_space<hbm>> -> memref<128xi32, #tpu.memory_space<hbm>>
        %dma_start3A_139 = tpu.memref_slice %arg4[%mul3A_112] : memref<327680xi32, #tpu.memory_space<hbm>> -> memref<128xi32, #tpu.memory_space<hbm>>
        tpu.enqueue_dma source(%dma_start3A_139 : memref<128xi32, #tpu.memory_space<hbm>>) target(%arg8 : memref<128xi32, #tpu.memory_space<vmem>>) target_semaphore(%run_scoped3A : memref<!tpu.dma_semaphore, #tpu.memory_space<semaphore_mem>>)
        %dma_wait3A_140 = tpu.memref_slice %arg4[%mul3A_112] : memref<327680xi32, #tpu.memory_space<hbm>> -> memref<128xi32, #tpu.memory_space<hbm>>
        %dma_wait3A_141 = tpu.memref_slice %arg4[%mul3A_112] : memref<327680xi32, #tpu.memory_space<hbm>> -> memref<128xi32, #tpu.memory_space<hbm>>
        tpu.wait_dma2 semaphore(%run_scoped3A : memref<!tpu.dma_semaphore, #tpu.memory_space<semaphore_mem>>) src(%dma_wait3A_141 : memref<128xi32, #tpu.memory_space<hbm>>) dst(%arg8 : memref<128xi32, #tpu.memory_space<vmem>>)
        tpu.yield
      }) : () -> ()
      %dma_wait3A = arith.constant 0 : i32
      %dma_wait3A_113 = tpu.memref_slice %arg7[%mul3A_101, %dma_wait3A] : memref<40x128xi32, #tpu.memory_space<vmem>> -> memref<1x128xi32, #tpu.memory_space<vmem>>
      %dma_wait3A_114 = tpu.memref_squeeze %dma_wait3A_113 : memref<1x128xi32, #tpu.memory_space<vmem>> -> memref<128xi32, #tpu.memory_space<vmem>>
      %dma_wait3A_115 = arith.constant 0 : i32
      %dma_wait3A_116 = arith.constant 0 : i32
      %dma_wait3A_117 = tpu.memref_slice %arg2[%dma_wait3A_115, %dma_wait3A_116] : memref<10112x128xf32, #tpu.memory_space<hbm>> -> memref<10112x128xf32, #tpu.memory_space<hbm>>
      tpu.wait_indirect_dma semaphore(%arg13 : memref<!tpu.dma_semaphore, #tpu.memory_space<semaphore_mem>>) src(%dma_wait3A_117 : memref<10112x128xf32, #tpu.memory_space<hbm>>) dst(%arg10 : memref<128x128xf32, #tpu.memory_space<vmem>>)
      "tpu.region"() ({
        %run_scoped3A = tpu.sem_alloc : memref<!tpu.dma_semaphore, #tpu.memory_space<semaphore_mem>>
        %dma_start3A_138 = arith.constant 0 : i32
        %dma_start3A_139 = arith.constant 0 : i32
        %dma_start3A_140 = tpu.memref_slice %arg12[%dma_start3A_138, %dma_start3A_139] : memref<10112x128xf32, #tpu.memory_space<vmem_shared>> -> memref<10112x128xf32, #tpu.memory_space<vmem_shared>>
        tpu.enqueue_indirect_dma source(%arg10 : memref<128x128xf32, #tpu.memory_space<vmem>>) target(%dma_start3A_140 : memref<10112x128xf32, #tpu.memory_space<vmem_shared>>) offsets(%arg8 : memref<128xi32, #tpu.memory_space<vmem>>) semaphore(%run_scoped3A : memref<!tpu.dma_semaphore, #tpu.memory_space<semaphore_mem>>) {add = true}
        %dma_wait3A_141 = arith.constant 0 : i32
        %dma_wait3A_142 = arith.constant 0 : i32
        %dma_wait3A_143 = tpu.memref_slice %arg12[%dma_wait3A_141, %dma_wait3A_142] : memref<10112x128xf32, #tpu.memory_space<vmem_shared>> -> memref<10112x128xf32, #tpu.memory_space<vmem_shared>>
        tpu.wait_indirect_dma semaphore(%run_scoped3A : memref<!tpu.dma_semaphore, #tpu.memory_space<semaphore_mem>>) src(%arg10 : memref<128x128xf32, #tpu.memory_space<vmem>>) dst(%dma_wait3A_143 : memref<10112x128xf32, #tpu.memory_space<vmem_shared>>)
        tpu.yield
      }) : () -> ()
      %add3A_118 = arith.constant 2 : i32
      %add3A_119 = arith.addi %mul3A_101, %add3A_118 : i32
      %lt3A_120 = arith.constant 40 : i32
      %lt3A_121 = arith.cmpi slt, %add3A_119, %lt3A_120 : i32
      %convert_element_type3A_122 = arith.extui %lt3A_121 : i1 to i32
      %cond3A_123 = arith.constant 0 : i32
      %cond3A_124 = arith.cmpi ne, %convert_element_type3A_122, %cond3A_123 : i32
      scf.if %cond3A_124 {
        %add3A_138 = arith.constant 2 : i32
        %add3A_139 = arith.addi %mul3A_101, %add3A_138 : i32
        %dma_start3A_140 = arith.constant 0 : i32
        %dma_start3A_141 = tpu.memref_slice %arg7[%add3A_139, %dma_start3A_140] : memref<40x128xi32, #tpu.memory_space<vmem>> -> memref<1x128xi32, #tpu.memory_space<vmem>>
        %dma_start3A_142 = tpu.memref_squeeze %dma_start3A_141 : memref<1x128xi32, #tpu.memory_space<vmem>> -> memref<128xi32, #tpu.memory_space<vmem>>
        %dma_start3A_143 = arith.constant 0 : i32
        %dma_start3A_144 = arith.constant 0 : i32
        %dma_start3A_145 = tpu.memref_slice %arg2[%dma_start3A_143, %dma_start3A_144] : memref<10112x128xf32, #tpu.memory_space<hbm>> -> memref<10112x128xf32, #tpu.memory_space<hbm>>
        tpu.enqueue_indirect_dma source(%dma_start3A_145 : memref<10112x128xf32, #tpu.memory_space<hbm>>) target(%arg10 : memref<128x128xf32, #tpu.memory_space<vmem>>) offsets(%dma_start3A_142 : memref<128xi32, #tpu.memory_space<vmem>>) semaphore(%arg13 : memref<!tpu.dma_semaphore, #tpu.memory_space<semaphore_mem>>)
      } else {
      }
      %add3A_125 = arith.addi %add3A_36, %mul3A_101 : i32
      %add3A_126 = arith.constant 1 : i32
      %add3A_127 = arith.addi %add3A_125, %add3A_126 : i32
      %mul3A_128 = arith.constant 128 : i32
      %mul3A_129 = arith.muli %add3A_127, %mul3A_128 : i32
      "tpu.region"() ({
        %run_scoped3A = tpu.sem_alloc : memref<!tpu.dma_semaphore, #tpu.memory_space<semaphore_mem>>
        %dma_start3A_138 = tpu.memref_slice %arg4[%mul3A_129] : memref<327680xi32, #tpu.memory_space<hbm>> -> memref<128xi32, #tpu.memory_space<hbm>>
        %dma_start3A_139 = tpu.memref_slice %arg4[%mul3A_129] : memref<327680xi32, #tpu.memory_space<hbm>> -> memref<128xi32, #tpu.memory_space<hbm>>
        tpu.enqueue_dma source(%dma_start3A_139 : memref<128xi32, #tpu.memory_space<hbm>>) target(%arg9 : memref<128xi32, #tpu.memory_space<vmem>>) target_semaphore(%run_scoped3A : memref<!tpu.dma_semaphore, #tpu.memory_space<semaphore_mem>>)
        %dma_wait3A_140 = tpu.memref_slice %arg4[%mul3A_129] : memref<327680xi32, #tpu.memory_space<hbm>> -> memref<128xi32, #tpu.memory_space<hbm>>
        %dma_wait3A_141 = tpu.memref_slice %arg4[%mul3A_129] : memref<327680xi32, #tpu.memory_space<hbm>> -> memref<128xi32, #tpu.memory_space<hbm>>
        tpu.wait_dma2 semaphore(%run_scoped3A : memref<!tpu.dma_semaphore, #tpu.memory_space<semaphore_mem>>) src(%dma_wait3A_141 : memref<128xi32, #tpu.memory_space<hbm>>) dst(%arg9 : memref<128xi32, #tpu.memory_space<vmem>>)
        tpu.yield
      }) : () -> ()
      %add3A_130 = arith.constant 1 : i32
      %add3A_131 = arith.addi %mul3A_101, %add3A_130 : i32
      %dma_wait3A_132 = arith.constant 0 : i32
      %dma_wait3A_133 = tpu.memref_slice %arg7[%add3A_131, %dma_wait3A_132] : memref<40x128xi32, #tpu.memory_space<vmem>> -> memref<1x128xi32, #tpu.memory_space<vmem>>
      %dma_wait3A_134 = tpu.memref_squeeze %dma_wait3A_133 : memref<1x128xi32, #tpu.memory_space<vmem>> -> memref<128xi32, #tpu.memory_space<vmem>>
      %dma_wait3A_135 = arith.constant 0 : i32
      %dma_wait3A_136 = arith.constant 0 : i32
      %dma_wait3A_137 = tpu.memref_slice %arg2[%dma_wait3A_135, %dma_wait3A_136] : memref<10112x128xf32, #tpu.memory_space<hbm>> -> memref<10112x128xf32, #tpu.memory_space<hbm>>
      tpu.wait_indirect_dma semaphore(%arg14 : memref<!tpu.dma_semaphore, #tpu.memory_space<semaphore_mem>>) src(%dma_wait3A_137 : memref<10112x128xf32, #tpu.memory_space<hbm>>) dst(%arg11 : memref<128x128xf32, #tpu.memory_space<vmem>>)
      "tpu.region"() ({
        %run_scoped3A = tpu.sem_alloc : memref<!tpu.dma_semaphore, #tpu.memory_space<semaphore_mem>>
        %dma_start3A_138 = arith.constant 0 : i32
        %dma_start3A_139 = arith.constant 0 : i32
        %dma_start3A_140 = tpu.memref_slice %arg12[%dma_start3A_138, %dma_start3A_139] : memref<10112x128xf32, #tpu.memory_space<vmem_shared>> -> memref<10112x128xf32, #tpu.memory_space<vmem_shared>>
        tpu.enqueue_indirect_dma source(%arg11 : memref<128x128xf32, #tpu.memory_space<vmem>>) target(%dma_start3A_140 : memref<10112x128xf32, #tpu.memory_space<vmem_shared>>) offsets(%arg9 : memref<128xi32, #tpu.memory_space<vmem>>) semaphore(%run_scoped3A : memref<!tpu.dma_semaphore, #tpu.memory_space<semaphore_mem>>) {add = true}
        %dma_wait3A_141 = arith.constant 0 : i32
        %dma_wait3A_142 = arith.constant 0 : i32
        %dma_wait3A_143 = tpu.memref_slice %arg12[%dma_wait3A_141, %dma_wait3A_142] : memref<10112x128xf32, #tpu.memory_space<vmem_shared>> -> memref<10112x128xf32, #tpu.memory_space<vmem_shared>>
        tpu.wait_indirect_dma semaphore(%run_scoped3A : memref<!tpu.dma_semaphore, #tpu.memory_space<semaphore_mem>>) src(%arg11 : memref<128x128xf32, #tpu.memory_space<vmem>>) dst(%dma_wait3A_143 : memref<10112x128xf32, #tpu.memory_space<vmem_shared>>)
        tpu.yield
      }) : () -> ()
    }
    %scan3A_46 = arith.constant 20 : i32
    %mul3A_47 = arith.constant 80 : i32
    %mul3A_48 = arith.muli %add3A, %mul3A_47 : i32
    %add3A_49 = arith.constant 40 : i32
    %add3A_50 = arith.addi %mul3A_48, %add3A_49 : i32
    "tpu.region"() ({
      %run_scoped3A = tpu.sem_alloc : memref<!tpu.dma_semaphore, #tpu.memory_space<semaphore_mem>>
      %dma_start3A_99 = arith.constant 0 : i32
      %dma_start3A_100 = tpu.memref_slice %arg3[%add3A_50, %dma_start3A_99] : memref<2560x128xi32, #tpu.memory_space<hbm>> -> memref<40x128xi32, #tpu.memory_space<hbm>>
      %dma_start3A_101 = arith.constant 0 : i32
      %dma_start3A_102 = tpu.memref_slice %arg3[%add3A_50, %dma_start3A_101] : memref<2560x128xi32, #tpu.memory_space<hbm>> -> memref<40x128xi32, #tpu.memory_space<hbm>>
      tpu.enqueue_dma source(%dma_start3A_102 : memref<40x128xi32, #tpu.memory_space<hbm>>) target(%arg7 : memref<40x128xi32, #tpu.memory_space<vmem>>) target_semaphore(%run_scoped3A : memref<!tpu.dma_semaphore, #tpu.memory_space<semaphore_mem>>)
      %dma_wait3A = arith.constant 0 : i32
      %dma_wait3A_103 = tpu.memref_slice %arg3[%add3A_50, %dma_wait3A] : memref<2560x128xi32, #tpu.memory_space<hbm>> -> memref<40x128xi32, #tpu.memory_space<hbm>>
      %dma_wait3A_104 = arith.constant 0 : i32
      %dma_wait3A_105 = tpu.memref_slice %arg3[%add3A_50, %dma_wait3A_104] : memref<2560x128xi32, #tpu.memory_space<hbm>> -> memref<40x128xi32, #tpu.memory_space<hbm>>
      tpu.wait_dma2 semaphore(%run_scoped3A : memref<!tpu.dma_semaphore, #tpu.memory_space<semaphore_mem>>) src(%dma_wait3A_105 : memref<40x128xi32, #tpu.memory_space<hbm>>) dst(%arg7 : memref<40x128xi32, #tpu.memory_space<vmem>>)
      tpu.yield
    }) : () -> ()
    %dma_start3A_51 = arith.constant 0 : i32
    %dma_start3A_52 = arith.constant 0 : i32
    %dma_start3A_53 = tpu.memref_slice %arg7[%dma_start3A_51, %dma_start3A_52] : memref<40x128xi32, #tpu.memory_space<vmem>> -> memref<1x128xi32, #tpu.memory_space<vmem>>
    %dma_start3A_54 = tpu.memref_squeeze %dma_start3A_53 : memref<1x128xi32, #tpu.memory_space<vmem>> -> memref<128xi32, #tpu.memory_space<vmem>>
    %dma_start3A_55 = arith.constant 0 : i32
    %dma_start3A_56 = arith.constant 0 : i32
    %dma_start3A_57 = tpu.memref_slice %arg2[%dma_start3A_55, %dma_start3A_56] : memref<10112x128xf32, #tpu.memory_space<hbm>> -> memref<10112x128xf32, #tpu.memory_space<hbm>>
    tpu.enqueue_indirect_dma source(%dma_start3A_57 : memref<10112x128xf32, #tpu.memory_space<hbm>>) target(%arg10 : memref<128x128xf32, #tpu.memory_space<vmem>>) offsets(%dma_start3A_54 : memref<128xi32, #tpu.memory_space<vmem>>) semaphore(%arg13 : memref<!tpu.dma_semaphore, #tpu.memory_space<semaphore_mem>>)
    %scan3A_58 = arith.constant 0 : i32
    %scan3A_59 = arith.constant 20 : i32
    %scan3A_60 = arith.addi %scan3A_58, %scan3A_59 : i32
    %scan3A_61 = arith.constant 1 : i32
    scf.for %scan3A_99 = %scan3A_58 to %scan3A_60 step %scan3A_61  : i32 {
      %mul3A_100 = arith.constant 2 : i32
      %mul3A_101 = arith.muli %mul3A_100, %scan3A_99 : i32
      %add3A_102 = arith.constant 1 : i32
      %add3A_103 = arith.addi %mul3A_101, %add3A_102 : i32
      %dma_start3A_104 = arith.constant 0 : i32
      %dma_start3A_105 = tpu.memref_slice %arg7[%add3A_103, %dma_start3A_104] : memref<40x128xi32, #tpu.memory_space<vmem>> -> memref<1x128xi32, #tpu.memory_space<vmem>>
      %dma_start3A_106 = tpu.memref_squeeze %dma_start3A_105 : memref<1x128xi32, #tpu.memory_space<vmem>> -> memref<128xi32, #tpu.memory_space<vmem>>
      %dma_start3A_107 = arith.constant 0 : i32
      %dma_start3A_108 = arith.constant 0 : i32
      %dma_start3A_109 = tpu.memref_slice %arg2[%dma_start3A_107, %dma_start3A_108] : memref<10112x128xf32, #tpu.memory_space<hbm>> -> memref<10112x128xf32, #tpu.memory_space<hbm>>
      tpu.enqueue_indirect_dma source(%dma_start3A_109 : memref<10112x128xf32, #tpu.memory_space<hbm>>) target(%arg11 : memref<128x128xf32, #tpu.memory_space<vmem>>) offsets(%dma_start3A_106 : memref<128xi32, #tpu.memory_space<vmem>>) semaphore(%arg14 : memref<!tpu.dma_semaphore, #tpu.memory_space<semaphore_mem>>)
      %add3A_110 = arith.addi %add3A_50, %mul3A_101 : i32
      %mul3A_111 = arith.constant 128 : i32
      %mul3A_112 = arith.muli %add3A_110, %mul3A_111 : i32
      "tpu.region"() ({
        %run_scoped3A = tpu.sem_alloc : memref<!tpu.dma_semaphore, #tpu.memory_space<semaphore_mem>>
        %dma_start3A_138 = tpu.memref_slice %arg4[%mul3A_112] : memref<327680xi32, #tpu.memory_space<hbm>> -> memref<128xi32, #tpu.memory_space<hbm>>
        %dma_start3A_139 = tpu.memref_slice %arg4[%mul3A_112] : memref<327680xi32, #tpu.memory_space<hbm>> -> memref<128xi32, #tpu.memory_space<hbm>>
        tpu.enqueue_dma source(%dma_start3A_139 : memref<128xi32, #tpu.memory_space<hbm>>) target(%arg8 : memref<128xi32, #tpu.memory_space<vmem>>) target_semaphore(%run_scoped3A : memref<!tpu.dma_semaphore, #tpu.memory_space<semaphore_mem>>)
        %dma_wait3A_140 = tpu.memref_slice %arg4[%mul3A_112] : memref<327680xi32, #tpu.memory_space<hbm>> -> memref<128xi32, #tpu.memory_space<hbm>>
        %dma_wait3A_141 = tpu.memref_slice %arg4[%mul3A_112] : memref<327680xi32, #tpu.memory_space<hbm>> -> memref<128xi32, #tpu.memory_space<hbm>>
        tpu.wait_dma2 semaphore(%run_scoped3A : memref<!tpu.dma_semaphore, #tpu.memory_space<semaphore_mem>>) src(%dma_wait3A_141 : memref<128xi32, #tpu.memory_space<hbm>>) dst(%arg8 : memref<128xi32, #tpu.memory_space<vmem>>)
        tpu.yield
      }) : () -> ()
      %dma_wait3A = arith.constant 0 : i32
      %dma_wait3A_113 = tpu.memref_slice %arg7[%mul3A_101, %dma_wait3A] : memref<40x128xi32, #tpu.memory_space<vmem>> -> memref<1x128xi32, #tpu.memory_space<vmem>>
      %dma_wait3A_114 = tpu.memref_squeeze %dma_wait3A_113 : memref<1x128xi32, #tpu.memory_space<vmem>> -> memref<128xi32, #tpu.memory_space<vmem>>
      %dma_wait3A_115 = arith.constant 0 : i32
      %dma_wait3A_116 = arith.constant 0 : i32
      %dma_wait3A_117 = tpu.memref_slice %arg2[%dma_wait3A_115, %dma_wait3A_116] : memref<10112x128xf32, #tpu.memory_space<hbm>> -> memref<10112x128xf32, #tpu.memory_space<hbm>>
      tpu.wait_indirect_dma semaphore(%arg13 : memref<!tpu.dma_semaphore, #tpu.memory_space<semaphore_mem>>) src(%dma_wait3A_117 : memref<10112x128xf32, #tpu.memory_space<hbm>>) dst(%arg10 : memref<128x128xf32, #tpu.memory_space<vmem>>)
      "tpu.region"() ({
        %run_scoped3A = tpu.sem_alloc : memref<!tpu.dma_semaphore, #tpu.memory_space<semaphore_mem>>
        %dma_start3A_138 = arith.constant 0 : i32
        %dma_start3A_139 = arith.constant 0 : i32
        %dma_start3A_140 = tpu.memref_slice %arg12[%dma_start3A_138, %dma_start3A_139] : memref<10112x128xf32, #tpu.memory_space<vmem_shared>> -> memref<10112x128xf32, #tpu.memory_space<vmem_shared>>
        tpu.enqueue_indirect_dma source(%arg10 : memref<128x128xf32, #tpu.memory_space<vmem>>) target(%dma_start3A_140 : memref<10112x128xf32, #tpu.memory_space<vmem_shared>>) offsets(%arg8 : memref<128xi32, #tpu.memory_space<vmem>>) semaphore(%run_scoped3A : memref<!tpu.dma_semaphore, #tpu.memory_space<semaphore_mem>>) {add = true}
        %dma_wait3A_141 = arith.constant 0 : i32
        %dma_wait3A_142 = arith.constant 0 : i32
        %dma_wait3A_143 = tpu.memref_slice %arg12[%dma_wait3A_141, %dma_wait3A_142] : memref<10112x128xf32, #tpu.memory_space<vmem_shared>> -> memref<10112x128xf32, #tpu.memory_space<vmem_shared>>
        tpu.wait_indirect_dma semaphore(%run_scoped3A : memref<!tpu.dma_semaphore, #tpu.memory_space<semaphore_mem>>) src(%arg10 : memref<128x128xf32, #tpu.memory_space<vmem>>) dst(%dma_wait3A_143 : memref<10112x128xf32, #tpu.memory_space<vmem_shared>>)
        tpu.yield
      }) : () -> ()
      %add3A_118 = arith.constant 2 : i32
      %add3A_119 = arith.addi %mul3A_101, %add3A_118 : i32
      %lt3A_120 = arith.constant 40 : i32
      %lt3A_121 = arith.cmpi slt, %add3A_119, %lt3A_120 : i32
      %convert_element_type3A_122 = arith.extui %lt3A_121 : i1 to i32
      %cond3A_123 = arith.constant 0 : i32
      %cond3A_124 = arith.cmpi ne, %convert_element_type3A_122, %cond3A_123 : i32
      scf.if %cond3A_124 {
        %add3A_138 = arith.constant 2 : i32
        %add3A_139 = arith.addi %mul3A_101, %add3A_138 : i32
        %dma_start3A_140 = arith.constant 0 : i32
        %dma_start3A_141 = tpu.memref_slice %arg7[%add3A_139, %dma_start3A_140] : memref<40x128xi32, #tpu.memory_space<vmem>> -> memref<1x128xi32, #tpu.memory_space<vmem>>
        %dma_start3A_142 = tpu.memref_squeeze %dma_start3A_141 : memref<1x128xi32, #tpu.memory_space<vmem>> -> memref<128xi32, #tpu.memory_space<vmem>>
        %dma_start3A_143 = arith.constant 0 : i32
        %dma_start3A_144 = arith.constant 0 : i32
        %dma_start3A_145 = tpu.memref_slice %arg2[%dma_start3A_143, %dma_start3A_144] : memref<10112x128xf32, #tpu.memory_space<hbm>> -> memref<10112x128xf32, #tpu.memory_space<hbm>>
        tpu.enqueue_indirect_dma source(%dma_start3A_145 : memref<10112x128xf32, #tpu.memory_space<hbm>>) target(%arg10 : memref<128x128xf32, #tpu.memory_space<vmem>>) offsets(%dma_start3A_142 : memref<128xi32, #tpu.memory_space<vmem>>) semaphore(%arg13 : memref<!tpu.dma_semaphore, #tpu.memory_space<semaphore_mem>>)
      } else {
      }
      %add3A_125 = arith.addi %add3A_50, %mul3A_101 : i32
      %add3A_126 = arith.constant 1 : i32
      %add3A_127 = arith.addi %add3A_125, %add3A_126 : i32
      %mul3A_128 = arith.constant 128 : i32
      %mul3A_129 = arith.muli %add3A_127, %mul3A_128 : i32
      "tpu.region"() ({
        %run_scoped3A = tpu.sem_alloc : memref<!tpu.dma_semaphore, #tpu.memory_space<semaphore_mem>>
        %dma_start3A_138 = tpu.memref_slice %arg4[%mul3A_129] : memref<327680xi32, #tpu.memory_space<hbm>> -> memref<128xi32, #tpu.memory_space<hbm>>
        %dma_start3A_139 = tpu.memref_slice %arg4[%mul3A_129] : memref<327680xi32, #tpu.memory_space<hbm>> -> memref<128xi32, #tpu.memory_space<hbm>>
        tpu.enqueue_dma source(%dma_start3A_139 : memref<128xi32, #tpu.memory_space<hbm>>) target(%arg9 : memref<128xi32, #tpu.memory_space<vmem>>) target_semaphore(%run_scoped3A : memref<!tpu.dma_semaphore, #tpu.memory_space<semaphore_mem>>)
        %dma_wait3A_140 = tpu.memref_slice %arg4[%mul3A_129] : memref<327680xi32, #tpu.memory_space<hbm>> -> memref<128xi32, #tpu.memory_space<hbm>>
        %dma_wait3A_141 = tpu.memref_slice %arg4[%mul3A_129] : memref<327680xi32, #tpu.memory_space<hbm>> -> memref<128xi32, #tpu.memory_space<hbm>>
        tpu.wait_dma2 semaphore(%run_scoped3A : memref<!tpu.dma_semaphore, #tpu.memory_space<semaphore_mem>>) src(%dma_wait3A_141 : memref<128xi32, #tpu.memory_space<hbm>>) dst(%arg9 : memref<128xi32, #tpu.memory_space<vmem>>)
        tpu.yield
      }) : () -> ()
      %add3A_130 = arith.constant 1 : i32
      %add3A_131 = arith.addi %mul3A_101, %add3A_130 : i32
      %dma_wait3A_132 = arith.constant 0 : i32
      %dma_wait3A_133 = tpu.memref_slice %arg7[%add3A_131, %dma_wait3A_132] : memref<40x128xi32, #tpu.memory_space<vmem>> -> memref<1x128xi32, #tpu.memory_space<vmem>>
      %dma_wait3A_134 = tpu.memref_squeeze %dma_wait3A_133 : memref<1x128xi32, #tpu.memory_space<vmem>> -> memref<128xi32, #tpu.memory_space<vmem>>
      %dma_wait3A_135 = arith.constant 0 : i32
      %dma_wait3A_136 = arith.constant 0 : i32
      %dma_wait3A_137 = tpu.memref_slice %arg2[%dma_wait3A_135, %dma_wait3A_136] : memref<10112x128xf32, #tpu.memory_space<hbm>> -> memref<10112x128xf32, #tpu.memory_space<hbm>>
      tpu.wait_indirect_dma semaphore(%arg14 : memref<!tpu.dma_semaphore, #tpu.memory_space<semaphore_mem>>) src(%dma_wait3A_137 : memref<10112x128xf32, #tpu.memory_space<hbm>>) dst(%arg11 : memref<128x128xf32, #tpu.memory_space<vmem>>)
      "tpu.region"() ({
        %run_scoped3A = tpu.sem_alloc : memref<!tpu.dma_semaphore, #tpu.memory_space<semaphore_mem>>
        %dma_start3A_138 = arith.constant 0 : i32
        %dma_start3A_139 = arith.constant 0 : i32
        %dma_start3A_140 = tpu.memref_slice %arg12[%dma_start3A_138, %dma_start3A_139] : memref<10112x128xf32, #tpu.memory_space<vmem_shared>> -> memref<10112x128xf32, #tpu.memory_space<vmem_shared>>
        tpu.enqueue_indirect_dma source(%arg11 : memref<128x128xf32, #tpu.memory_space<vmem>>) target(%dma_start3A_140 : memref<10112x128xf32, #tpu.memory_space<vmem_shared>>) offsets(%arg9 : memref<128xi32, #tpu.memory_space<vmem>>) semaphore(%run_scoped3A : memref<!tpu.dma_semaphore, #tpu.memory_space<semaphore_mem>>) {add = true}
        %dma_wait3A_141 = arith.constant 0 : i32
        %dma_wait3A_142 = arith.constant 0 : i32
        %dma_wait3A_143 = tpu.memref_slice %arg12[%dma_wait3A_141, %dma_wait3A_142] : memref<10112x128xf32, #tpu.memory_space<vmem_shared>> -> memref<10112x128xf32, #tpu.memory_space<vmem_shared>>
        tpu.wait_indirect_dma semaphore(%run_scoped3A : memref<!tpu.dma_semaphore, #tpu.memory_space<semaphore_mem>>) src(%arg11 : memref<128x128xf32, #tpu.memory_space<vmem>>) dst(%dma_wait3A_143 : memref<10112x128xf32, #tpu.memory_space<vmem_shared>>)
        tpu.yield
      }) : () -> ()
    }
    %scan3A_62 = arith.constant 20 : i32
    %barrier3A_63 = arith.constant 0 : index
    tpu.barrier barrier_id(%barrier3A_63)
    %add3A_64 = arith.constant 0 : i32
    %add3A_65 = arith.addi %arg1, %add3A_64 : i32
    %lt3A_66 = arith.constant 79 : i32
    %lt3A_67 = arith.cmpi slt, %add3A_65, %lt3A_66 : i32
    %convert_element_type3A_68 = arith.extui %lt3A_67 : i1 to i32
    %cond3A_69 = arith.constant 0 : i32
    %cond3A_70 = arith.cmpi ne, %convert_element_type3A_68, %cond3A_69 : i32
    scf.if %cond3A_70 {
      %mul3A_99 = arith.constant 128 : i32
      %mul3A_100 = arith.muli %add3A_65, %mul3A_99 : i32
      "tpu.region"() ({
        %run_scoped3A = tpu.sem_alloc : memref<!tpu.dma_semaphore, #tpu.memory_space<semaphore_mem>>
        %dma_start3A_101 = arith.constant 0 : i32
        %dma_start3A_102 = tpu.memref_slice %arg6[%arg0, %mul3A_100, %dma_start3A_101] : memref<2x10112x128xf32, #tpu.memory_space<hbm>> -> memref<1x128x128xf32, #tpu.memory_space<hbm>>
        %dma_start3A_103 = tpu.memref_squeeze %dma_start3A_102 : memref<1x128x128xf32, #tpu.memory_space<hbm>> -> memref<128x128xf32, #tpu.memory_space<hbm>>
        %dma_start3A_104 = arith.constant 0 : i32
        %dma_start3A_105 = tpu.memref_slice %arg12[%mul3A_100, %dma_start3A_104] : memref<10112x128xf32, #tpu.memory_space<vmem_shared>> -> memref<128x128xf32, #tpu.memory_space<vmem_shared>>
        tpu.enqueue_dma source(%dma_start3A_105 : memref<128x128xf32, #tpu.memory_space<vmem_shared>>) target(%dma_start3A_103 : memref<128x128xf32, #tpu.memory_space<hbm>>) target_semaphore(%run_scoped3A : memref<!tpu.dma_semaphore, #tpu.memory_space<semaphore_mem>>)
        %dma_wait3A = arith.constant 0 : i32
        %dma_wait3A_106 = tpu.memref_slice %arg6[%arg0, %mul3A_100, %dma_wait3A] : memref<2x10112x128xf32, #tpu.memory_space<hbm>> -> memref<1x128x128xf32, #tpu.memory_space<hbm>>
        %dma_wait3A_107 = tpu.memref_squeeze %dma_wait3A_106 : memref<1x128x128xf32, #tpu.memory_space<hbm>> -> memref<128x128xf32, #tpu.memory_space<hbm>>
        %dma_wait3A_108 = arith.constant 0 : i32
        %dma_wait3A_109 = tpu.memref_slice %arg12[%mul3A_100, %dma_wait3A_108] : memref<10112x128xf32, #tpu.memory_space<vmem_shared>> -> memref<128x128xf32, #tpu.memory_space<vmem_shared>>
        tpu.wait_dma2 semaphore(%run_scoped3A : memref<!tpu.dma_semaphore, #tpu.memory_space<semaphore_mem>>) src(%dma_wait3A_109 : memref<128x128xf32, #tpu.memory_space<vmem_shared>>) dst(%dma_wait3A_107 : memref<128x128xf32, #tpu.memory_space<hbm>>)
        tpu.yield
      }) : () -> ()
    } else {
    }
    %add3A_71 = arith.constant 16 : i32
    %add3A_72 = arith.addi %arg1, %add3A_71 : i32
    %lt3A_73 = arith.constant 79 : i32
    %lt3A_74 = arith.cmpi slt, %add3A_72, %lt3A_73 : i32
    %convert_element_type3A_75 = arith.extui %lt3A_74 : i1 to i32
    %cond3A_76 = arith.constant 0 : i32
    %cond3A_77 = arith.cmpi ne, %convert_element_type3A_75, %cond3A_76 : i32
    scf.if %cond3A_77 {
      %mul3A_99 = arith.constant 128 : i32
      %mul3A_100 = arith.muli %add3A_72, %mul3A_99 : i32
      "tpu.region"() ({
        %run_scoped3A = tpu.sem_alloc : memref<!tpu.dma_semaphore, #tpu.memory_space<semaphore_mem>>
        %dma_start3A_101 = arith.constant 0 : i32
        %dma_start3A_102 = tpu.memref_slice %arg6[%arg0, %mul3A_100, %dma_start3A_101] : memref<2x10112x128xf32, #tpu.memory_space<hbm>> -> memref<1x128x128xf32, #tpu.memory_space<hbm>>
        %dma_start3A_103 = tpu.memref_squeeze %dma_start3A_102 : memref<1x128x128xf32, #tpu.memory_space<hbm>> -> memref<128x128xf32, #tpu.memory_space<hbm>>
        %dma_start3A_104 = arith.constant 0 : i32
        %dma_start3A_105 = tpu.memref_slice %arg12[%mul3A_100, %dma_start3A_104] : memref<10112x128xf32, #tpu.memory_space<vmem_shared>> -> memref<128x128xf32, #tpu.memory_space<vmem_shared>>
        tpu.enqueue_dma source(%dma_start3A_105 : memref<128x128xf32, #tpu.memory_space<vmem_shared>>) target(%dma_start3A_103 : memref<128x128xf32, #tpu.memory_space<hbm>>) target_semaphore(%run_scoped3A : memref<!tpu.dma_semaphore, #tpu.memory_space<semaphore_mem>>)
        %dma_wait3A = arith.constant 0 : i32
        %dma_wait3A_106 = tpu.memref_slice %arg6[%arg0, %mul3A_100, %dma_wait3A] : memref<2x10112x128xf32, #tpu.memory_space<hbm>> -> memref<1x128x128xf32, #tpu.memory_space<hbm>>
        %dma_wait3A_107 = tpu.memref_squeeze %dma_wait3A_106 : memref<1x128x128xf32, #tpu.memory_space<hbm>> -> memref<128x128xf32, #tpu.memory_space<hbm>>
        %dma_wait3A_108 = arith.constant 0 : i32
        %dma_wait3A_109 = tpu.memref_slice %arg12[%mul3A_100, %dma_wait3A_108] : memref<10112x128xf32, #tpu.memory_space<vmem_shared>> -> memref<128x128xf32, #tpu.memory_space<vmem_shared>>
        tpu.wait_dma2 semaphore(%run_scoped3A : memref<!tpu.dma_semaphore, #tpu.memory_space<semaphore_mem>>) src(%dma_wait3A_109 : memref<128x128xf32, #tpu.memory_space<vmem_shared>>) dst(%dma_wait3A_107 : memref<128x128xf32, #tpu.memory_space<hbm>>)
        tpu.yield
      }) : () -> ()
    } else {
    }
    %add3A_78 = arith.constant 32 : i32
    %add3A_79 = arith.addi %arg1, %add3A_78 : i32
    %lt3A_80 = arith.constant 79 : i32
    %lt3A_81 = arith.cmpi slt, %add3A_79, %lt3A_80 : i32
    %convert_element_type3A_82 = arith.extui %lt3A_81 : i1 to i32
    %cond3A_83 = arith.constant 0 : i32
    %cond3A_84 = arith.cmpi ne, %convert_element_type3A_82, %cond3A_83 : i32
    scf.if %cond3A_84 {
      %mul3A_99 = arith.constant 128 : i32
      %mul3A_100 = arith.muli %add3A_79, %mul3A_99 : i32
      "tpu.region"() ({
        %run_scoped3A = tpu.sem_alloc : memref<!tpu.dma_semaphore, #tpu.memory_space<semaphore_mem>>
        %dma_start3A_101 = arith.constant 0 : i32
        %dma_start3A_102 = tpu.memref_slice %arg6[%arg0, %mul3A_100, %dma_start3A_101] : memref<2x10112x128xf32, #tpu.memory_space<hbm>> -> memref<1x128x128xf32, #tpu.memory_space<hbm>>
        %dma_start3A_103 = tpu.memref_squeeze %dma_start3A_102 : memref<1x128x128xf32, #tpu.memory_space<hbm>> -> memref<128x128xf32, #tpu.memory_space<hbm>>
        %dma_start3A_104 = arith.constant 0 : i32
        %dma_start3A_105 = tpu.memref_slice %arg12[%mul3A_100, %dma_start3A_104] : memref<10112x128xf32, #tpu.memory_space<vmem_shared>> -> memref<128x128xf32, #tpu.memory_space<vmem_shared>>
        tpu.enqueue_dma source(%dma_start3A_105 : memref<128x128xf32, #tpu.memory_space<vmem_shared>>) target(%dma_start3A_103 : memref<128x128xf32, #tpu.memory_space<hbm>>) target_semaphore(%run_scoped3A : memref<!tpu.dma_semaphore, #tpu.memory_space<semaphore_mem>>)
        %dma_wait3A = arith.constant 0 : i32
        %dma_wait3A_106 = tpu.memref_slice %arg6[%arg0, %mul3A_100, %dma_wait3A] : memref<2x10112x128xf32, #tpu.memory_space<hbm>> -> memref<1x128x128xf32, #tpu.memory_space<hbm>>
        %dma_wait3A_107 = tpu.memref_squeeze %dma_wait3A_106 : memref<1x128x128xf32, #tpu.memory_space<hbm>> -> memref<128x128xf32, #tpu.memory_space<hbm>>
        %dma_wait3A_108 = arith.constant 0 : i32
        %dma_wait3A_109 = tpu.memref_slice %arg12[%mul3A_100, %dma_wait3A_108] : memref<10112x128xf32, #tpu.memory_space<vmem_shared>> -> memref<128x128xf32, #tpu.memory_space<vmem_shared>>
        tpu.wait_dma2 semaphore(%run_scoped3A : memref<!tpu.dma_semaphore, #tpu.memory_space<semaphore_mem>>) src(%dma_wait3A_109 : memref<128x128xf32, #tpu.memory_space<vmem_shared>>) dst(%dma_wait3A_107 : memref<128x128xf32, #tpu.memory_space<hbm>>)
        tpu.yield
      }) : () -> ()
    } else {
    }
    %add3A_85 = arith.constant 48 : i32
    %add3A_86 = arith.addi %arg1, %add3A_85 : i32
    %lt3A_87 = arith.constant 79 : i32
    %lt3A_88 = arith.cmpi slt, %add3A_86, %lt3A_87 : i32
    %convert_element_type3A_89 = arith.extui %lt3A_88 : i1 to i32
    %cond3A_90 = arith.constant 0 : i32
    %cond3A_91 = arith.cmpi ne, %convert_element_type3A_89, %cond3A_90 : i32
    scf.if %cond3A_91 {
      %mul3A_99 = arith.constant 128 : i32
      %mul3A_100 = arith.muli %add3A_86, %mul3A_99 : i32
      "tpu.region"() ({
        %run_scoped3A = tpu.sem_alloc : memref<!tpu.dma_semaphore, #tpu.memory_space<semaphore_mem>>
        %dma_start3A_101 = arith.constant 0 : i32
        %dma_start3A_102 = tpu.memref_slice %arg6[%arg0, %mul3A_100, %dma_start3A_101] : memref<2x10112x128xf32, #tpu.memory_space<hbm>> -> memref<1x128x128xf32, #tpu.memory_space<hbm>>
        %dma_start3A_103 = tpu.memref_squeeze %dma_start3A_102 : memref<1x128x128xf32, #tpu.memory_space<hbm>> -> memref<128x128xf32, #tpu.memory_space<hbm>>
        %dma_start3A_104 = arith.constant 0 : i32
        %dma_start3A_105 = tpu.memref_slice %arg12[%mul3A_100, %dma_start3A_104] : memref<10112x128xf32, #tpu.memory_space<vmem_shared>> -> memref<128x128xf32, #tpu.memory_space<vmem_shared>>
        tpu.enqueue_dma source(%dma_start3A_105 : memref<128x128xf32, #tpu.memory_space<vmem_shared>>) target(%dma_start3A_103 : memref<128x128xf32, #tpu.memory_space<hbm>>) target_semaphore(%run_scoped3A : memref<!tpu.dma_semaphore, #tpu.memory_space<semaphore_mem>>)
        %dma_wait3A = arith.constant 0 : i32
        %dma_wait3A_106 = tpu.memref_slice %arg6[%arg0, %mul3A_100, %dma_wait3A] : memref<2x10112x128xf32, #tpu.memory_space<hbm>> -> memref<1x128x128xf32, #tpu.memory_space<hbm>>
        %dma_wait3A_107 = tpu.memref_squeeze %dma_wait3A_106 : memref<1x128x128xf32, #tpu.memory_space<hbm>> -> memref<128x128xf32, #tpu.memory_space<hbm>>
        %dma_wait3A_108 = arith.constant 0 : i32
        %dma_wait3A_109 = tpu.memref_slice %arg12[%mul3A_100, %dma_wait3A_108] : memref<10112x128xf32, #tpu.memory_space<vmem_shared>> -> memref<128x128xf32, #tpu.memory_space<vmem_shared>>
        tpu.wait_dma2 semaphore(%run_scoped3A : memref<!tpu.dma_semaphore, #tpu.memory_space<semaphore_mem>>) src(%dma_wait3A_109 : memref<128x128xf32, #tpu.memory_space<vmem_shared>>) dst(%dma_wait3A_107 : memref<128x128xf32, #tpu.memory_space<hbm>>)
        tpu.yield
      }) : () -> ()
    } else {
    }
    %add3A_92 = arith.constant 64 : i32
    %add3A_93 = arith.addi %arg1, %add3A_92 : i32
    %lt3A_94 = arith.constant 79 : i32
    %lt3A_95 = arith.cmpi slt, %add3A_93, %lt3A_94 : i32
    %convert_element_type3A_96 = arith.extui %lt3A_95 : i1 to i32
    %cond3A_97 = arith.constant 0 : i32
    %cond3A_98 = arith.cmpi ne, %convert_element_type3A_96, %cond3A_97 : i32
    scf.if %cond3A_98 {
      %mul3A_99 = arith.constant 128 : i32
      %mul3A_100 = arith.muli %add3A_93, %mul3A_99 : i32
      "tpu.region"() ({
        %run_scoped3A = tpu.sem_alloc : memref<!tpu.dma_semaphore, #tpu.memory_space<semaphore_mem>>
        %dma_start3A_101 = arith.constant 0 : i32
        %dma_start3A_102 = tpu.memref_slice %arg6[%arg0, %mul3A_100, %dma_start3A_101] : memref<2x10112x128xf32, #tpu.memory_space<hbm>> -> memref<1x128x128xf32, #tpu.memory_space<hbm>>
        %dma_start3A_103 = tpu.memref_squeeze %dma_start3A_102 : memref<1x128x128xf32, #tpu.memory_space<hbm>> -> memref<128x128xf32, #tpu.memory_space<hbm>>
        %dma_start3A_104 = arith.constant 0 : i32
        %dma_start3A_105 = tpu.memref_slice %arg12[%mul3A_100, %dma_start3A_104] : memref<10112x128xf32, #tpu.memory_space<vmem_shared>> -> memref<128x128xf32, #tpu.memory_space<vmem_shared>>
        tpu.enqueue_dma source(%dma_start3A_105 : memref<128x128xf32, #tpu.memory_space<vmem_shared>>) target(%dma_start3A_103 : memref<128x128xf32, #tpu.memory_space<hbm>>) target_semaphore(%run_scoped3A : memref<!tpu.dma_semaphore, #tpu.memory_space<semaphore_mem>>)
        %dma_wait3A = arith.constant 0 : i32
        %dma_wait3A_106 = tpu.memref_slice %arg6[%arg0, %mul3A_100, %dma_wait3A] : memref<2x10112x128xf32, #tpu.memory_space<hbm>> -> memref<1x128x128xf32, #tpu.memory_space<hbm>>
        %dma_wait3A_107 = tpu.memref_squeeze %dma_wait3A_106 : memref<1x128x128xf32, #tpu.memory_space<hbm>> -> memref<128x128xf32, #tpu.memory_space<hbm>>
        %dma_wait3A_108 = arith.constant 0 : i32
        %dma_wait3A_109 = tpu.memref_slice %arg12[%mul3A_100, %dma_wait3A_108] : memref<10112x128xf32, #tpu.memory_space<vmem_shared>> -> memref<128x128xf32, #tpu.memory_space<vmem_shared>>
        tpu.wait_dma2 semaphore(%run_scoped3A : memref<!tpu.dma_semaphore, #tpu.memory_space<semaphore_mem>>) src(%dma_wait3A_109 : memref<128x128xf32, #tpu.memory_space<vmem_shared>>) dst(%dma_wait3A_107 : memref<128x128xf32, #tpu.memory_space<hbm>>)
        tpu.yield
      }) : () -> ()
    } else {
    }
    return
  }
}

#map = affine_map<(d0, d1) -> (0, 0)>
#map1 = affine_map<(d0, d1) -> (0)>
#map2 = affine_map<(d0, d1) -> (0, 0, 0)>
module attributes {stable_mosaic.version = 14 : i64} {
  func.func @_edge_pass(%arg0: i32, %arg1: i32, %arg2: memref<10112x128xf32, #tpu.memory_space<hbm>>, %arg3: memref<2560x128xi32, #tpu.memory_space<hbm>>, %arg4: memref<327680xi32, #tpu.memory_space<hbm>>, %arg5: memref<128x128xf32, #tpu.memory_space<hbm>>, %arg6: memref<2x10112x128xf32, #tpu.memory_space<hbm>>, %arg7: memref<40x128xi32, #tpu.memory_space<vmem>>, %arg8: memref<128xi32, #tpu.memory_space<vmem>>, %arg9: memref<128xi32, #tpu.memory_space<vmem>>, %arg10: memref<128x128xf32, #tpu.memory_space<vmem>>, %arg11: memref<128x128xf32, #tpu.memory_space<vmem>>, %arg12: memref<10112x128xf32, #tpu.memory_space<vmem_shared>>, %arg13: memref<!tpu.dma_semaphore, #tpu.memory_space<semaphore_mem>>, %arg14: memref<!tpu.dma_semaphore, #tpu.memory_space<semaphore_mem>>) attributes {dimension_semantics = [#tpu.dimension_semantics<core_parallel>, #tpu.dimension_semantics<subcore_parallel>], iteration_bounds = array<i64: 2, 16>, scalar_prefetch = 0 : i64, scratch_operands = 8 : i64, tpu.core_type = #tpu.core_type<sc_vector_subcore>, window_params = [{transform_indices = #map}, {transform_indices = #map}, {transform_indices = #map1}, {transform_indices = #map}, {transform_indices = #map2}]} {
    %mul3A = arith.constant 2 : i32
    %mul3A_0 = arith.muli %arg1, %mul3A : i32
    %add3A = arith.addi %mul3A_0, %arg0 : i32
    %add3A_1 = arith.constant 0 : i32
    %add3A_2 = arith.addi %arg1, %add3A_1 : i32
    %lt3A = arith.constant 79 : i32
    %lt3A_3 = arith.cmpi slt, %add3A_2, %lt3A : i32
    %convert_element_type3A = arith.extui %lt3A_3 : i1 to i32
    %cond3A = arith.constant 0 : i32
    %cond3A_4 = arith.cmpi ne, %convert_element_type3A, %cond3A : i32
    scf.if %cond3A_4 {
      %mul3A_99 = arith.constant 128 : i32
      %mul3A_100 = arith.muli %add3A_2, %mul3A_99 : i32
      "tpu.region"() ({
        %run_scoped3A = tpu.sem_alloc : memref<!tpu.dma_semaphore, #tpu.memory_space<semaphore_mem>>
        %dma_start3A_101 = arith.constant 0 : i32
        %dma_start3A_102 = tpu.memref_slice %arg12[%mul3A_100, %dma_start3A_101] : memref<10112x128xf32, #tpu.memory_space<vmem_shared>> -> memref<128x128xf32, #tpu.memory_space<vmem_shared>>
        tpu.enqueue_dma source(%arg5 : memref<128x128xf32, #tpu.memory_space<hbm>>) target(%dma_start3A_102 : memref<128x128xf32, #tpu.memory_space<vmem_shared>>) target_semaphore(%run_scoped3A : memref<!tpu.dma_semaphore, #tpu.memory_space<semaphore_mem>>)
        %dma_wait3A = arith.constant 0 : i32
        %dma_wait3A_103 = tpu.memref_slice %arg12[%mul3A_100, %dma_wait3A] : memref<10112x128xf32, #tpu.memory_space<vmem_shared>> -> memref<128x128xf32, #tpu.memory_space<vmem_shared>>
        tpu.wait_dma2 semaphore(%run_scoped3A : memref<!tpu.dma_semaphore, #tpu.memory_space<semaphore_mem>>) src(%arg5 : memref<128x128xf32, #tpu.memory_space<hbm>>) dst(%dma_wait3A_103 : memref<128x128xf32, #tpu.memory_space<vmem_shared>>)
        tpu.yield
      }) : () -> ()
    } else {
    }
    %add3A_5 = arith.constant 16 : i32
    %add3A_6 = arith.addi %arg1, %add3A_5 : i32
    %lt3A_7 = arith.constant 79 : i32
    %lt3A_8 = arith.cmpi slt, %add3A_6, %lt3A_7 : i32
    %convert_element_type3A_9 = arith.extui %lt3A_8 : i1 to i32
    %cond3A_10 = arith.constant 0 : i32
    %cond3A_11 = arith.cmpi ne, %convert_element_type3A_9, %cond3A_10 : i32
    scf.if %cond3A_11 {
      %mul3A_99 = arith.constant 128 : i32
      %mul3A_100 = arith.muli %add3A_6, %mul3A_99 : i32
      "tpu.region"() ({
        %run_scoped3A = tpu.sem_alloc : memref<!tpu.dma_semaphore, #tpu.memory_space<semaphore_mem>>
        %dma_start3A_101 = arith.constant 0 : i32
        %dma_start3A_102 = tpu.memref_slice %arg12[%mul3A_100, %dma_start3A_101] : memref<10112x128xf32, #tpu.memory_space<vmem_shared>> -> memref<128x128xf32, #tpu.memory_space<vmem_shared>>
        tpu.enqueue_dma source(%arg5 : memref<128x128xf32, #tpu.memory_space<hbm>>) target(%dma_start3A_102 : memref<128x128xf32, #tpu.memory_space<vmem_shared>>) target_semaphore(%run_scoped3A : memref<!tpu.dma_semaphore, #tpu.memory_space<semaphore_mem>>)
        %dma_wait3A = arith.constant 0 : i32
        %dma_wait3A_103 = tpu.memref_slice %arg12[%mul3A_100, %dma_wait3A] : memref<10112x128xf32, #tpu.memory_space<vmem_shared>> -> memref<128x128xf32, #tpu.memory_space<vmem_shared>>
        tpu.wait_dma2 semaphore(%run_scoped3A : memref<!tpu.dma_semaphore, #tpu.memory_space<semaphore_mem>>) src(%arg5 : memref<128x128xf32, #tpu.memory_space<hbm>>) dst(%dma_wait3A_103 : memref<128x128xf32, #tpu.memory_space<vmem_shared>>)
        tpu.yield
      }) : () -> ()
    } else {
    }
    %add3A_12 = arith.constant 32 : i32
    %add3A_13 = arith.addi %arg1, %add3A_12 : i32
    %lt3A_14 = arith.constant 79 : i32
    %lt3A_15 = arith.cmpi slt, %add3A_13, %lt3A_14 : i32
    %convert_element_type3A_16 = arith.extui %lt3A_15 : i1 to i32
    %cond3A_17 = arith.constant 0 : i32
    %cond3A_18 = arith.cmpi ne, %convert_element_type3A_16, %cond3A_17 : i32
    scf.if %cond3A_18 {
      %mul3A_99 = arith.constant 128 : i32
      %mul3A_100 = arith.muli %add3A_13, %mul3A_99 : i32
      "tpu.region"() ({
        %run_scoped3A = tpu.sem_alloc : memref<!tpu.dma_semaphore, #tpu.memory_space<semaphore_mem>>
        %dma_start3A_101 = arith.constant 0 : i32
        %dma_start3A_102 = tpu.memref_slice %arg12[%mul3A_100, %dma_start3A_101] : memref<10112x128xf32, #tpu.memory_space<vmem_shared>> -> memref<128x128xf32, #tpu.memory_space<vmem_shared>>
        tpu.enqueue_dma source(%arg5 : memref<128x128xf32, #tpu.memory_space<hbm>>) target(%dma_start3A_102 : memref<128x128xf32, #tpu.memory_space<vmem_shared>>) target_semaphore(%run_scoped3A : memref<!tpu.dma_semaphore, #tpu.memory_space<semaphore_mem>>)
        %dma_wait3A = arith.constant 0 : i32
        %dma_wait3A_103 = tpu.memref_slice %arg12[%mul3A_100, %dma_wait3A] : memref<10112x128xf32, #tpu.memory_space<vmem_shared>> -> memref<128x128xf32, #tpu.memory_space<vmem_shared>>
        tpu.wait_dma2 semaphore(%run_scoped3A : memref<!tpu.dma_semaphore, #tpu.memory_space<semaphore_mem>>) src(%arg5 : memref<128x128xf32, #tpu.memory_space<hbm>>) dst(%dma_wait3A_103 : memref<128x128xf32, #tpu.memory_space<vmem_shared>>)
        tpu.yield
      }) : () -> ()
    } else {
    }
    %add3A_19 = arith.constant 48 : i32
    %add3A_20 = arith.addi %arg1, %add3A_19 : i32
    %lt3A_21 = arith.constant 79 : i32
    %lt3A_22 = arith.cmpi slt, %add3A_20, %lt3A_21 : i32
    %convert_element_type3A_23 = arith.extui %lt3A_22 : i1 to i32
    %cond3A_24 = arith.constant 0 : i32
    %cond3A_25 = arith.cmpi ne, %convert_element_type3A_23, %cond3A_24 : i32
    scf.if %cond3A_25 {
      %mul3A_99 = arith.constant 128 : i32
      %mul3A_100 = arith.muli %add3A_20, %mul3A_99 : i32
      "tpu.region"() ({
        %run_scoped3A = tpu.sem_alloc : memref<!tpu.dma_semaphore, #tpu.memory_space<semaphore_mem>>
        %dma_start3A_101 = arith.constant 0 : i32
        %dma_start3A_102 = tpu.memref_slice %arg12[%mul3A_100, %dma_start3A_101] : memref<10112x128xf32, #tpu.memory_space<vmem_shared>> -> memref<128x128xf32, #tpu.memory_space<vmem_shared>>
        tpu.enqueue_dma source(%arg5 : memref<128x128xf32, #tpu.memory_space<hbm>>) target(%dma_start3A_102 : memref<128x128xf32, #tpu.memory_space<vmem_shared>>) target_semaphore(%run_scoped3A : memref<!tpu.dma_semaphore, #tpu.memory_space<semaphore_mem>>)
        %dma_wait3A = arith.constant 0 : i32
        %dma_wait3A_103 = tpu.memref_slice %arg12[%mul3A_100, %dma_wait3A] : memref<10112x128xf32, #tpu.memory_space<vmem_shared>> -> memref<128x128xf32, #tpu.memory_space<vmem_shared>>
        tpu.wait_dma2 semaphore(%run_scoped3A : memref<!tpu.dma_semaphore, #tpu.memory_space<semaphore_mem>>) src(%arg5 : memref<128x128xf32, #tpu.memory_space<hbm>>) dst(%dma_wait3A_103 : memref<128x128xf32, #tpu.memory_space<vmem_shared>>)
        tpu.yield
      }) : () -> ()
    } else {
    }
    %add3A_26 = arith.constant 64 : i32
    %add3A_27 = arith.addi %arg1, %add3A_26 : i32
    %lt3A_28 = arith.constant 79 : i32
    %lt3A_29 = arith.cmpi slt, %add3A_27, %lt3A_28 : i32
    %convert_element_type3A_30 = arith.extui %lt3A_29 : i1 to i32
    %cond3A_31 = arith.constant 0 : i32
    %cond3A_32 = arith.cmpi ne, %convert_element_type3A_30, %cond3A_31 : i32
    scf.if %cond3A_32 {
      %mul3A_99 = arith.constant 128 : i32
      %mul3A_100 = arith.muli %add3A_27, %mul3A_99 : i32
      "tpu.region"() ({
        %run_scoped3A = tpu.sem_alloc : memref<!tpu.dma_semaphore, #tpu.memory_space<semaphore_mem>>
        %dma_start3A_101 = arith.constant 0 : i32
        %dma_start3A_102 = tpu.memref_slice %arg12[%mul3A_100, %dma_start3A_101] : memref<10112x128xf32, #tpu.memory_space<vmem_shared>> -> memref<128x128xf32, #tpu.memory_space<vmem_shared>>
        tpu.enqueue_dma source(%arg5 : memref<128x128xf32, #tpu.memory_space<hbm>>) target(%dma_start3A_102 : memref<128x128xf32, #tpu.memory_space<vmem_shared>>) target_semaphore(%run_scoped3A : memref<!tpu.dma_semaphore, #tpu.memory_space<semaphore_mem>>)
        %dma_wait3A = arith.constant 0 : i32
        %dma_wait3A_103 = tpu.memref_slice %arg12[%mul3A_100, %dma_wait3A] : memref<10112x128xf32, #tpu.memory_space<vmem_shared>> -> memref<128x128xf32, #tpu.memory_space<vmem_shared>>
        tpu.wait_dma2 semaphore(%run_scoped3A : memref<!tpu.dma_semaphore, #tpu.memory_space<semaphore_mem>>) src(%arg5 : memref<128x128xf32, #tpu.memory_space<hbm>>) dst(%dma_wait3A_103 : memref<128x128xf32, #tpu.memory_space<vmem_shared>>)
        tpu.yield
      }) : () -> ()
    } else {
    }
    %barrier3A = arith.constant 0 : index
    tpu.barrier barrier_id(%barrier3A)
    %mul3A_33 = arith.constant 80 : i32
    %mul3A_34 = arith.muli %add3A, %mul3A_33 : i32
    %add3A_35 = arith.constant 0 : i32
    %add3A_36 = arith.addi %mul3A_34, %add3A_35 : i32
    "tpu.region"() ({
      %run_scoped3A = tpu.sem_alloc : memref<!tpu.dma_semaphore, #tpu.memory_space<semaphore_mem>>
      %dma_start3A_99 = arith.constant 0 : i32
      %dma_start3A_100 = tpu.memref_slice %arg3[%add3A_36, %dma_start3A_99] : memref<2560x128xi32, #tpu.memory_space<hbm>> -> memref<40x128xi32, #tpu.memory_space<hbm>>
      %dma_start3A_101 = arith.constant 0 : i32
      %dma_start3A_102 = tpu.memref_slice %arg3[%add3A_36, %dma_start3A_101] : memref<2560x128xi32, #tpu.memory_space<hbm>> -> memref<40x128xi32, #tpu.memory_space<hbm>>
      tpu.enqueue_dma source(%dma_start3A_102 : memref<40x128xi32, #tpu.memory_space<hbm>>) target(%arg7 : memref<40x128xi32, #tpu.memory_space<vmem>>) target_semaphore(%run_scoped3A : memref<!tpu.dma_semaphore, #tpu.memory_space<semaphore_mem>>)
      %dma_wait3A = arith.constant 0 : i32
      %dma_wait3A_103 = tpu.memref_slice %arg3[%add3A_36, %dma_wait3A] : memref<2560x128xi32, #tpu.memory_space<hbm>> -> memref<40x128xi32, #tpu.memory_space<hbm>>
      %dma_wait3A_104 = arith.constant 0 : i32
      %dma_wait3A_105 = tpu.memref_slice %arg3[%add3A_36, %dma_wait3A_104] : memref<2560x128xi32, #tpu.memory_space<hbm>> -> memref<40x128xi32, #tpu.memory_space<hbm>>
      tpu.wait_dma2 semaphore(%run_scoped3A : memref<!tpu.dma_semaphore, #tpu.memory_space<semaphore_mem>>) src(%dma_wait3A_105 : memref<40x128xi32, #tpu.memory_space<hbm>>) dst(%arg7 : memref<40x128xi32, #tpu.memory_space<vmem>>)
      tpu.yield
    }) : () -> ()
    %dma_start3A = arith.constant 0 : i32
    %dma_start3A_37 = arith.constant 0 : i32
    %dma_start3A_38 = tpu.memref_slice %arg7[%dma_start3A, %dma_start3A_37] : memref<40x128xi32, #tpu.memory_space<vmem>> -> memref<1x128xi32, #tpu.memory_space<vmem>>
    %dma_start3A_39 = tpu.memref_squeeze %dma_start3A_38 : memref<1x128xi32, #tpu.memory_space<vmem>> -> memref<128xi32, #tpu.memory_space<vmem>>
    %dma_start3A_40 = arith.constant 0 : i32
    %dma_start3A_41 = arith.constant 0 : i32
    %dma_start3A_42 = tpu.memref_slice %arg2[%dma_start3A_40, %dma_start3A_41] : memref<10112x128xf32, #tpu.memory_space<hbm>> -> memref<10112x128xf32, #tpu.memory_space<hbm>>
    tpu.enqueue_indirect_dma source(%dma_start3A_42 : memref<10112x128xf32, #tpu.memory_space<hbm>>) target(%arg10 : memref<128x128xf32, #tpu.memory_space<vmem>>) offsets(%dma_start3A_39 : memref<128xi32, #tpu.memory_space<vmem>>) semaphore(%arg13 : memref<!tpu.dma_semaphore, #tpu.memory_space<semaphore_mem>>)
    %scan3A = arith.constant 0 : i32
    %scan3A_43 = arith.constant 20 : i32
    %scan3A_44 = arith.addi %scan3A, %scan3A_43 : i32
    %scan3A_45 = arith.constant 1 : i32
    scf.for %scan3A_99 = %scan3A to %scan3A_44 step %scan3A_45  : i32 {
      %mul3A_100 = arith.constant 2 : i32
      %mul3A_101 = arith.muli %mul3A_100, %scan3A_99 : i32
      %add3A_102 = arith.constant 1 : i32
      %add3A_103 = arith.addi %mul3A_101, %add3A_102 : i32
      %dma_start3A_104 = arith.constant 0 : i32
      %dma_start3A_105 = tpu.memref_slice %arg7[%add3A_103, %dma_start3A_104] : memref<40x128xi32, #tpu.memory_space<vmem>> -> memref<1x128xi32, #tpu.memory_space<vmem>>
      %dma_start3A_106 = tpu.memref_squeeze %dma_start3A_105 : memref<1x128xi32, #tpu.memory_space<vmem>> -> memref<128xi32, #tpu.memory_space<vmem>>
      %dma_start3A_107 = arith.constant 0 : i32
      %dma_start3A_108 = arith.constant 0 : i32
      %dma_start3A_109 = tpu.memref_slice %arg2[%dma_start3A_107, %dma_start3A_108] : memref<10112x128xf32, #tpu.memory_space<hbm>> -> memref<10112x128xf32, #tpu.memory_space<hbm>>
      tpu.enqueue_indirect_dma source(%dma_start3A_109 : memref<10112x128xf32, #tpu.memory_space<hbm>>) target(%arg11 : memref<128x128xf32, #tpu.memory_space<vmem>>) offsets(%dma_start3A_106 : memref<128xi32, #tpu.memory_space<vmem>>) semaphore(%arg14 : memref<!tpu.dma_semaphore, #tpu.memory_space<semaphore_mem>>)
      %add3A_110 = arith.addi %add3A_36, %mul3A_101 : i32
      %mul3A_111 = arith.constant 128 : i32
      %mul3A_112 = arith.muli %add3A_110, %mul3A_111 : i32
      "tpu.region"() ({
        %run_scoped3A = tpu.sem_alloc : memref<!tpu.dma_semaphore, #tpu.memory_space<semaphore_mem>>
        %dma_start3A_138 = tpu.memref_slice %arg4[%mul3A_112] : memref<327680xi32, #tpu.memory_space<hbm>> -> memref<128xi32, #tpu.memory_space<hbm>>
        %dma_start3A_139 = tpu.memref_slice %arg4[%mul3A_112] : memref<327680xi32, #tpu.memory_space<hbm>> -> memref<128xi32, #tpu.memory_space<hbm>>
        tpu.enqueue_dma source(%dma_start3A_139 : memref<128xi32, #tpu.memory_space<hbm>>) target(%arg8 : memref<128xi32, #tpu.memory_space<vmem>>) target_semaphore(%run_scoped3A : memref<!tpu.dma_semaphore, #tpu.memory_space<semaphore_mem>>)
        %dma_wait3A_140 = tpu.memref_slice %arg4[%mul3A_112] : memref<327680xi32, #tpu.memory_space<hbm>> -> memref<128xi32, #tpu.memory_space<hbm>>
        %dma_wait3A_141 = tpu.memref_slice %arg4[%mul3A_112] : memref<327680xi32, #tpu.memory_space<hbm>> -> memref<128xi32, #tpu.memory_space<hbm>>
        tpu.wait_dma2 semaphore(%run_scoped3A : memref<!tpu.dma_semaphore, #tpu.memory_space<semaphore_mem>>) src(%dma_wait3A_141 : memref<128xi32, #tpu.memory_space<hbm>>) dst(%arg8 : memref<128xi32, #tpu.memory_space<vmem>>)
        tpu.yield
      }) : () -> ()
      %dma_wait3A = arith.constant 0 : i32
      %dma_wait3A_113 = tpu.memref_slice %arg7[%mul3A_101, %dma_wait3A] : memref<40x128xi32, #tpu.memory_space<vmem>> -> memref<1x128xi32, #tpu.memory_space<vmem>>
      %dma_wait3A_114 = tpu.memref_squeeze %dma_wait3A_113 : memref<1x128xi32, #tpu.memory_space<vmem>> -> memref<128xi32, #tpu.memory_space<vmem>>
      %dma_wait3A_115 = arith.constant 0 : i32
      %dma_wait3A_116 = arith.constant 0 : i32
      %dma_wait3A_117 = tpu.memref_slice %arg2[%dma_wait3A_115, %dma_wait3A_116] : memref<10112x128xf32, #tpu.memory_space<hbm>> -> memref<10112x128xf32, #tpu.memory_space<hbm>>
      tpu.wait_indirect_dma semaphore(%arg13 : memref<!tpu.dma_semaphore, #tpu.memory_space<semaphore_mem>>) src(%dma_wait3A_117 : memref<10112x128xf32, #tpu.memory_space<hbm>>) dst(%arg10 : memref<128x128xf32, #tpu.memory_space<vmem>>)
      "tpu.region"() ({
        %run_scoped3A = tpu.sem_alloc : memref<!tpu.dma_semaphore, #tpu.memory_space<semaphore_mem>>
        %dma_start3A_138 = arith.constant 0 : i32
        %dma_start3A_139 = arith.constant 0 : i32
        %dma_start3A_140 = tpu.memref_slice %arg12[%dma_start3A_138, %dma_start3A_139] : memref<10112x128xf32, #tpu.memory_space<vmem_shared>> -> memref<10112x128xf32, #tpu.memory_space<vmem_shared>>
        tpu.enqueue_indirect_dma source(%arg10 : memref<128x128xf32, #tpu.memory_space<vmem>>) target(%dma_start3A_140 : memref<10112x128xf32, #tpu.memory_space<vmem_shared>>) offsets(%arg8 : memref<128xi32, #tpu.memory_space<vmem>>) semaphore(%run_scoped3A : memref<!tpu.dma_semaphore, #tpu.memory_space<semaphore_mem>>) {add = true}
        %dma_wait3A_141 = arith.constant 0 : i32
        %dma_wait3A_142 = arith.constant 0 : i32
        %dma_wait3A_143 = tpu.memref_slice %arg12[%dma_wait3A_141, %dma_wait3A_142] : memref<10112x128xf32, #tpu.memory_space<vmem_shared>> -> memref<10112x128xf32, #tpu.memory_space<vmem_shared>>
        tpu.wait_indirect_dma semaphore(%run_scoped3A : memref<!tpu.dma_semaphore, #tpu.memory_space<semaphore_mem>>) src(%arg10 : memref<128x128xf32, #tpu.memory_space<vmem>>) dst(%dma_wait3A_143 : memref<10112x128xf32, #tpu.memory_space<vmem_shared>>)
        tpu.yield
      }) : () -> ()
      %add3A_118 = arith.constant 2 : i32
      %add3A_119 = arith.addi %mul3A_101, %add3A_118 : i32
      %lt3A_120 = arith.constant 40 : i32
      %lt3A_121 = arith.cmpi slt, %add3A_119, %lt3A_120 : i32
      %convert_element_type3A_122 = arith.extui %lt3A_121 : i1 to i32
      %cond3A_123 = arith.constant 0 : i32
      %cond3A_124 = arith.cmpi ne, %convert_element_type3A_122, %cond3A_123 : i32
      scf.if %cond3A_124 {
        %add3A_138 = arith.constant 2 : i32
        %add3A_139 = arith.addi %mul3A_101, %add3A_138 : i32
        %dma_start3A_140 = arith.constant 0 : i32
        %dma_start3A_141 = tpu.memref_slice %arg7[%add3A_139, %dma_start3A_140] : memref<40x128xi32, #tpu.memory_space<vmem>> -> memref<1x128xi32, #tpu.memory_space<vmem>>
        %dma_start3A_142 = tpu.memref_squeeze %dma_start3A_141 : memref<1x128xi32, #tpu.memory_space<vmem>> -> memref<128xi32, #tpu.memory_space<vmem>>
        %dma_start3A_143 = arith.constant 0 : i32
        %dma_start3A_144 = arith.constant 0 : i32
        %dma_start3A_145 = tpu.memref_slice %arg2[%dma_start3A_143, %dma_start3A_144] : memref<10112x128xf32, #tpu.memory_space<hbm>> -> memref<10112x128xf32, #tpu.memory_space<hbm>>
        tpu.enqueue_indirect_dma source(%dma_start3A_145 : memref<10112x128xf32, #tpu.memory_space<hbm>>) target(%arg10 : memref<128x128xf32, #tpu.memory_space<vmem>>) offsets(%dma_start3A_142 : memref<128xi32, #tpu.memory_space<vmem>>) semaphore(%arg13 : memref<!tpu.dma_semaphore, #tpu.memory_space<semaphore_mem>>)
      } else {
      }
      %add3A_125 = arith.addi %add3A_36, %mul3A_101 : i32
      %add3A_126 = arith.constant 1 : i32
      %add3A_127 = arith.addi %add3A_125, %add3A_126 : i32
      %mul3A_128 = arith.constant 128 : i32
      %mul3A_129 = arith.muli %add3A_127, %mul3A_128 : i32
      "tpu.region"() ({
        %run_scoped3A = tpu.sem_alloc : memref<!tpu.dma_semaphore, #tpu.memory_space<semaphore_mem>>
        %dma_start3A_138 = tpu.memref_slice %arg4[%mul3A_129] : memref<327680xi32, #tpu.memory_space<hbm>> -> memref<128xi32, #tpu.memory_space<hbm>>
        %dma_start3A_139 = tpu.memref_slice %arg4[%mul3A_129] : memref<327680xi32, #tpu.memory_space<hbm>> -> memref<128xi32, #tpu.memory_space<hbm>>
        tpu.enqueue_dma source(%dma_start3A_139 : memref<128xi32, #tpu.memory_space<hbm>>) target(%arg9 : memref<128xi32, #tpu.memory_space<vmem>>) target_semaphore(%run_scoped3A : memref<!tpu.dma_semaphore, #tpu.memory_space<semaphore_mem>>)
        %dma_wait3A_140 = tpu.memref_slice %arg4[%mul3A_129] : memref<327680xi32, #tpu.memory_space<hbm>> -> memref<128xi32, #tpu.memory_space<hbm>>
        %dma_wait3A_141 = tpu.memref_slice %arg4[%mul3A_129] : memref<327680xi32, #tpu.memory_space<hbm>> -> memref<128xi32, #tpu.memory_space<hbm>>
        tpu.wait_dma2 semaphore(%run_scoped3A : memref<!tpu.dma_semaphore, #tpu.memory_space<semaphore_mem>>) src(%dma_wait3A_141 : memref<128xi32, #tpu.memory_space<hbm>>) dst(%arg9 : memref<128xi32, #tpu.memory_space<vmem>>)
        tpu.yield
      }) : () -> ()
      %add3A_130 = arith.constant 1 : i32
      %add3A_131 = arith.addi %mul3A_101, %add3A_130 : i32
      %dma_wait3A_132 = arith.constant 0 : i32
      %dma_wait3A_133 = tpu.memref_slice %arg7[%add3A_131, %dma_wait3A_132] : memref<40x128xi32, #tpu.memory_space<vmem>> -> memref<1x128xi32, #tpu.memory_space<vmem>>
      %dma_wait3A_134 = tpu.memref_squeeze %dma_wait3A_133 : memref<1x128xi32, #tpu.memory_space<vmem>> -> memref<128xi32, #tpu.memory_space<vmem>>
      %dma_wait3A_135 = arith.constant 0 : i32
      %dma_wait3A_136 = arith.constant 0 : i32
      %dma_wait3A_137 = tpu.memref_slice %arg2[%dma_wait3A_135, %dma_wait3A_136] : memref<10112x128xf32, #tpu.memory_space<hbm>> -> memref<10112x128xf32, #tpu.memory_space<hbm>>
      tpu.wait_indirect_dma semaphore(%arg14 : memref<!tpu.dma_semaphore, #tpu.memory_space<semaphore_mem>>) src(%dma_wait3A_137 : memref<10112x128xf32, #tpu.memory_space<hbm>>) dst(%arg11 : memref<128x128xf32, #tpu.memory_space<vmem>>)
      "tpu.region"() ({
        %run_scoped3A = tpu.sem_alloc : memref<!tpu.dma_semaphore, #tpu.memory_space<semaphore_mem>>
        %dma_start3A_138 = arith.constant 0 : i32
        %dma_start3A_139 = arith.constant 0 : i32
        %dma_start3A_140 = tpu.memref_slice %arg12[%dma_start3A_138, %dma_start3A_139] : memref<10112x128xf32, #tpu.memory_space<vmem_shared>> -> memref<10112x128xf32, #tpu.memory_space<vmem_shared>>
        tpu.enqueue_indirect_dma source(%arg11 : memref<128x128xf32, #tpu.memory_space<vmem>>) target(%dma_start3A_140 : memref<10112x128xf32, #tpu.memory_space<vmem_shared>>) offsets(%arg9 : memref<128xi32, #tpu.memory_space<vmem>>) semaphore(%run_scoped3A : memref<!tpu.dma_semaphore, #tpu.memory_space<semaphore_mem>>) {add = true}
        %dma_wait3A_141 = arith.constant 0 : i32
        %dma_wait3A_142 = arith.constant 0 : i32
        %dma_wait3A_143 = tpu.memref_slice %arg12[%dma_wait3A_141, %dma_wait3A_142] : memref<10112x128xf32, #tpu.memory_space<vmem_shared>> -> memref<10112x128xf32, #tpu.memory_space<vmem_shared>>
        tpu.wait_indirect_dma semaphore(%run_scoped3A : memref<!tpu.dma_semaphore, #tpu.memory_space<semaphore_mem>>) src(%arg11 : memref<128x128xf32, #tpu.memory_space<vmem>>) dst(%dma_wait3A_143 : memref<10112x128xf32, #tpu.memory_space<vmem_shared>>)
        tpu.yield
      }) : () -> ()
    }
    %scan3A_46 = arith.constant 20 : i32
    %mul3A_47 = arith.constant 80 : i32
    %mul3A_48 = arith.muli %add3A, %mul3A_47 : i32
    %add3A_49 = arith.constant 40 : i32
    %add3A_50 = arith.addi %mul3A_48, %add3A_49 : i32
    "tpu.region"() ({
      %run_scoped3A = tpu.sem_alloc : memref<!tpu.dma_semaphore, #tpu.memory_space<semaphore_mem>>
      %dma_start3A_99 = arith.constant 0 : i32
      %dma_start3A_100 = tpu.memref_slice %arg3[%add3A_50, %dma_start3A_99] : memref<2560x128xi32, #tpu.memory_space<hbm>> -> memref<40x128xi32, #tpu.memory_space<hbm>>
      %dma_start3A_101 = arith.constant 0 : i32
      %dma_start3A_102 = tpu.memref_slice %arg3[%add3A_50, %dma_start3A_101] : memref<2560x128xi32, #tpu.memory_space<hbm>> -> memref<40x128xi32, #tpu.memory_space<hbm>>
      tpu.enqueue_dma source(%dma_start3A_102 : memref<40x128xi32, #tpu.memory_space<hbm>>) target(%arg7 : memref<40x128xi32, #tpu.memory_space<vmem>>) target_semaphore(%run_scoped3A : memref<!tpu.dma_semaphore, #tpu.memory_space<semaphore_mem>>)
      %dma_wait3A = arith.constant 0 : i32
      %dma_wait3A_103 = tpu.memref_slice %arg3[%add3A_50, %dma_wait3A] : memref<2560x128xi32, #tpu.memory_space<hbm>> -> memref<40x128xi32, #tpu.memory_space<hbm>>
      %dma_wait3A_104 = arith.constant 0 : i32
      %dma_wait3A_105 = tpu.memref_slice %arg3[%add3A_50, %dma_wait3A_104] : memref<2560x128xi32, #tpu.memory_space<hbm>> -> memref<40x128xi32, #tpu.memory_space<hbm>>
      tpu.wait_dma2 semaphore(%run_scoped3A : memref<!tpu.dma_semaphore, #tpu.memory_space<semaphore_mem>>) src(%dma_wait3A_105 : memref<40x128xi32, #tpu.memory_space<hbm>>) dst(%arg7 : memref<40x128xi32, #tpu.memory_space<vmem>>)
      tpu.yield
    }) : () -> ()
    %dma_start3A_51 = arith.constant 0 : i32
    %dma_start3A_52 = arith.constant 0 : i32
    %dma_start3A_53 = tpu.memref_slice %arg7[%dma_start3A_51, %dma_start3A_52] : memref<40x128xi32, #tpu.memory_space<vmem>> -> memref<1x128xi32, #tpu.memory_space<vmem>>
    %dma_start3A_54 = tpu.memref_squeeze %dma_start3A_53 : memref<1x128xi32, #tpu.memory_space<vmem>> -> memref<128xi32, #tpu.memory_space<vmem>>
    %dma_start3A_55 = arith.constant 0 : i32
    %dma_start3A_56 = arith.constant 0 : i32
    %dma_start3A_57 = tpu.memref_slice %arg2[%dma_start3A_55, %dma_start3A_56] : memref<10112x128xf32, #tpu.memory_space<hbm>> -> memref<10112x128xf32, #tpu.memory_space<hbm>>
    tpu.enqueue_indirect_dma source(%dma_start3A_57 : memref<10112x128xf32, #tpu.memory_space<hbm>>) target(%arg10 : memref<128x128xf32, #tpu.memory_space<vmem>>) offsets(%dma_start3A_54 : memref<128xi32, #tpu.memory_space<vmem>>) semaphore(%arg13 : memref<!tpu.dma_semaphore, #tpu.memory_space<semaphore_mem>>)
    %scan3A_58 = arith.constant 0 : i32
    %scan3A_59 = arith.constant 20 : i32
    %scan3A_60 = arith.addi %scan3A_58, %scan3A_59 : i32
    %scan3A_61 = arith.constant 1 : i32
    scf.for %scan3A_99 = %scan3A_58 to %scan3A_60 step %scan3A_61  : i32 {
      %mul3A_100 = arith.constant 2 : i32
      %mul3A_101 = arith.muli %mul3A_100, %scan3A_99 : i32
      %add3A_102 = arith.constant 1 : i32
      %add3A_103 = arith.addi %mul3A_101, %add3A_102 : i32
      %dma_start3A_104 = arith.constant 0 : i32
      %dma_start3A_105 = tpu.memref_slice %arg7[%add3A_103, %dma_start3A_104] : memref<40x128xi32, #tpu.memory_space<vmem>> -> memref<1x128xi32, #tpu.memory_space<vmem>>
      %dma_start3A_106 = tpu.memref_squeeze %dma_start3A_105 : memref<1x128xi32, #tpu.memory_space<vmem>> -> memref<128xi32, #tpu.memory_space<vmem>>
      %dma_start3A_107 = arith.constant 0 : i32
      %dma_start3A_108 = arith.constant 0 : i32
      %dma_start3A_109 = tpu.memref_slice %arg2[%dma_start3A_107, %dma_start3A_108] : memref<10112x128xf32, #tpu.memory_space<hbm>> -> memref<10112x128xf32, #tpu.memory_space<hbm>>
      tpu.enqueue_indirect_dma source(%dma_start3A_109 : memref<10112x128xf32, #tpu.memory_space<hbm>>) target(%arg11 : memref<128x128xf32, #tpu.memory_space<vmem>>) offsets(%dma_start3A_106 : memref<128xi32, #tpu.memory_space<vmem>>) semaphore(%arg14 : memref<!tpu.dma_semaphore, #tpu.memory_space<semaphore_mem>>)
      %add3A_110 = arith.addi %add3A_50, %mul3A_101 : i32
      %mul3A_111 = arith.constant 128 : i32
      %mul3A_112 = arith.muli %add3A_110, %mul3A_111 : i32
      "tpu.region"() ({
        %run_scoped3A = tpu.sem_alloc : memref<!tpu.dma_semaphore, #tpu.memory_space<semaphore_mem>>
        %dma_start3A_138 = tpu.memref_slice %arg4[%mul3A_112] : memref<327680xi32, #tpu.memory_space<hbm>> -> memref<128xi32, #tpu.memory_space<hbm>>
        %dma_start3A_139 = tpu.memref_slice %arg4[%mul3A_112] : memref<327680xi32, #tpu.memory_space<hbm>> -> memref<128xi32, #tpu.memory_space<hbm>>
        tpu.enqueue_dma source(%dma_start3A_139 : memref<128xi32, #tpu.memory_space<hbm>>) target(%arg8 : memref<128xi32, #tpu.memory_space<vmem>>) target_semaphore(%run_scoped3A : memref<!tpu.dma_semaphore, #tpu.memory_space<semaphore_mem>>)
        %dma_wait3A_140 = tpu.memref_slice %arg4[%mul3A_112] : memref<327680xi32, #tpu.memory_space<hbm>> -> memref<128xi32, #tpu.memory_space<hbm>>
        %dma_wait3A_141 = tpu.memref_slice %arg4[%mul3A_112] : memref<327680xi32, #tpu.memory_space<hbm>> -> memref<128xi32, #tpu.memory_space<hbm>>
        tpu.wait_dma2 semaphore(%run_scoped3A : memref<!tpu.dma_semaphore, #tpu.memory_space<semaphore_mem>>) src(%dma_wait3A_141 : memref<128xi32, #tpu.memory_space<hbm>>) dst(%arg8 : memref<128xi32, #tpu.memory_space<vmem>>)
        tpu.yield
      }) : () -> ()
      %dma_wait3A = arith.constant 0 : i32
      %dma_wait3A_113 = tpu.memref_slice %arg7[%mul3A_101, %dma_wait3A] : memref<40x128xi32, #tpu.memory_space<vmem>> -> memref<1x128xi32, #tpu.memory_space<vmem>>
      %dma_wait3A_114 = tpu.memref_squeeze %dma_wait3A_113 : memref<1x128xi32, #tpu.memory_space<vmem>> -> memref<128xi32, #tpu.memory_space<vmem>>
      %dma_wait3A_115 = arith.constant 0 : i32
      %dma_wait3A_116 = arith.constant 0 : i32
      %dma_wait3A_117 = tpu.memref_slice %arg2[%dma_wait3A_115, %dma_wait3A_116] : memref<10112x128xf32, #tpu.memory_space<hbm>> -> memref<10112x128xf32, #tpu.memory_space<hbm>>
      tpu.wait_indirect_dma semaphore(%arg13 : memref<!tpu.dma_semaphore, #tpu.memory_space<semaphore_mem>>) src(%dma_wait3A_117 : memref<10112x128xf32, #tpu.memory_space<hbm>>) dst(%arg10 : memref<128x128xf32, #tpu.memory_space<vmem>>)
      "tpu.region"() ({
        %run_scoped3A = tpu.sem_alloc : memref<!tpu.dma_semaphore, #tpu.memory_space<semaphore_mem>>
        %dma_start3A_138 = arith.constant 0 : i32
        %dma_start3A_139 = arith.constant 0 : i32
        %dma_start3A_140 = tpu.memref_slice %arg12[%dma_start3A_138, %dma_start3A_139] : memref<10112x128xf32, #tpu.memory_space<vmem_shared>> -> memref<10112x128xf32, #tpu.memory_space<vmem_shared>>
        tpu.enqueue_indirect_dma source(%arg10 : memref<128x128xf32, #tpu.memory_space<vmem>>) target(%dma_start3A_140 : memref<10112x128xf32, #tpu.memory_space<vmem_shared>>) offsets(%arg8 : memref<128xi32, #tpu.memory_space<vmem>>) semaphore(%run_scoped3A : memref<!tpu.dma_semaphore, #tpu.memory_space<semaphore_mem>>) {add = true}
        %dma_wait3A_141 = arith.constant 0 : i32
        %dma_wait3A_142 = arith.constant 0 : i32
        %dma_wait3A_143 = tpu.memref_slice %arg12[%dma_wait3A_141, %dma_wait3A_142] : memref<10112x128xf32, #tpu.memory_space<vmem_shared>> -> memref<10112x128xf32, #tpu.memory_space<vmem_shared>>
        tpu.wait_indirect_dma semaphore(%run_scoped3A : memref<!tpu.dma_semaphore, #tpu.memory_space<semaphore_mem>>) src(%arg10 : memref<128x128xf32, #tpu.memory_space<vmem>>) dst(%dma_wait3A_143 : memref<10112x128xf32, #tpu.memory_space<vmem_shared>>)
        tpu.yield
      }) : () -> ()
      %add3A_118 = arith.constant 2 : i32
      %add3A_119 = arith.addi %mul3A_101, %add3A_118 : i32
      %lt3A_120 = arith.constant 40 : i32
      %lt3A_121 = arith.cmpi slt, %add3A_119, %lt3A_120 : i32
      %convert_element_type3A_122 = arith.extui %lt3A_121 : i1 to i32
      %cond3A_123 = arith.constant 0 : i32
      %cond3A_124 = arith.cmpi ne, %convert_element_type3A_122, %cond3A_123 : i32
      scf.if %cond3A_124 {
        %add3A_138 = arith.constant 2 : i32
        %add3A_139 = arith.addi %mul3A_101, %add3A_138 : i32
        %dma_start3A_140 = arith.constant 0 : i32
        %dma_start3A_141 = tpu.memref_slice %arg7[%add3A_139, %dma_start3A_140] : memref<40x128xi32, #tpu.memory_space<vmem>> -> memref<1x128xi32, #tpu.memory_space<vmem>>
        %dma_start3A_142 = tpu.memref_squeeze %dma_start3A_141 : memref<1x128xi32, #tpu.memory_space<vmem>> -> memref<128xi32, #tpu.memory_space<vmem>>
        %dma_start3A_143 = arith.constant 0 : i32
        %dma_start3A_144 = arith.constant 0 : i32
        %dma_start3A_145 = tpu.memref_slice %arg2[%dma_start3A_143, %dma_start3A_144] : memref<10112x128xf32, #tpu.memory_space<hbm>> -> memref<10112x128xf32, #tpu.memory_space<hbm>>
        tpu.enqueue_indirect_dma source(%dma_start3A_145 : memref<10112x128xf32, #tpu.memory_space<hbm>>) target(%arg10 : memref<128x128xf32, #tpu.memory_space<vmem>>) offsets(%dma_start3A_142 : memref<128xi32, #tpu.memory_space<vmem>>) semaphore(%arg13 : memref<!tpu.dma_semaphore, #tpu.memory_space<semaphore_mem>>)
      } else {
      }
      %add3A_125 = arith.addi %add3A_50, %mul3A_101 : i32
      %add3A_126 = arith.constant 1 : i32
      %add3A_127 = arith.addi %add3A_125, %add3A_126 : i32
      %mul3A_128 = arith.constant 128 : i32
      %mul3A_129 = arith.muli %add3A_127, %mul3A_128 : i32
      "tpu.region"() ({
        %run_scoped3A = tpu.sem_alloc : memref<!tpu.dma_semaphore, #tpu.memory_space<semaphore_mem>>
        %dma_start3A_138 = tpu.memref_slice %arg4[%mul3A_129] : memref<327680xi32, #tpu.memory_space<hbm>> -> memref<128xi32, #tpu.memory_space<hbm>>
        %dma_start3A_139 = tpu.memref_slice %arg4[%mul3A_129] : memref<327680xi32, #tpu.memory_space<hbm>> -> memref<128xi32, #tpu.memory_space<hbm>>
        tpu.enqueue_dma source(%dma_start3A_139 : memref<128xi32, #tpu.memory_space<hbm>>) target(%arg9 : memref<128xi32, #tpu.memory_space<vmem>>) target_semaphore(%run_scoped3A : memref<!tpu.dma_semaphore, #tpu.memory_space<semaphore_mem>>)
        %dma_wait3A_140 = tpu.memref_slice %arg4[%mul3A_129] : memref<327680xi32, #tpu.memory_space<hbm>> -> memref<128xi32, #tpu.memory_space<hbm>>
        %dma_wait3A_141 = tpu.memref_slice %arg4[%mul3A_129] : memref<327680xi32, #tpu.memory_space<hbm>> -> memref<128xi32, #tpu.memory_space<hbm>>
        tpu.wait_dma2 semaphore(%run_scoped3A : memref<!tpu.dma_semaphore, #tpu.memory_space<semaphore_mem>>) src(%dma_wait3A_141 : memref<128xi32, #tpu.memory_space<hbm>>) dst(%arg9 : memref<128xi32, #tpu.memory_space<vmem>>)
        tpu.yield
      }) : () -> ()
      %add3A_130 = arith.constant 1 : i32
      %add3A_131 = arith.addi %mul3A_101, %add3A_130 : i32
      %dma_wait3A_132 = arith.constant 0 : i32
      %dma_wait3A_133 = tpu.memref_slice %arg7[%add3A_131, %dma_wait3A_132] : memref<40x128xi32, #tpu.memory_space<vmem>> -> memref<1x128xi32, #tpu.memory_space<vmem>>
      %dma_wait3A_134 = tpu.memref_squeeze %dma_wait3A_133 : memref<1x128xi32, #tpu.memory_space<vmem>> -> memref<128xi32, #tpu.memory_space<vmem>>
      %dma_wait3A_135 = arith.constant 0 : i32
      %dma_wait3A_136 = arith.constant 0 : i32
      %dma_wait3A_137 = tpu.memref_slice %arg2[%dma_wait3A_135, %dma_wait3A_136] : memref<10112x128xf32, #tpu.memory_space<hbm>> -> memref<10112x128xf32, #tpu.memory_space<hbm>>
      tpu.wait_indirect_dma semaphore(%arg14 : memref<!tpu.dma_semaphore, #tpu.memory_space<semaphore_mem>>) src(%dma_wait3A_137 : memref<10112x128xf32, #tpu.memory_space<hbm>>) dst(%arg11 : memref<128x128xf32, #tpu.memory_space<vmem>>)
      "tpu.region"() ({
        %run_scoped3A = tpu.sem_alloc : memref<!tpu.dma_semaphore, #tpu.memory_space<semaphore_mem>>
        %dma_start3A_138 = arith.constant 0 : i32
        %dma_start3A_139 = arith.constant 0 : i32
        %dma_start3A_140 = tpu.memref_slice %arg12[%dma_start3A_138, %dma_start3A_139] : memref<10112x128xf32, #tpu.memory_space<vmem_shared>> -> memref<10112x128xf32, #tpu.memory_space<vmem_shared>>
        tpu.enqueue_indirect_dma source(%arg11 : memref<128x128xf32, #tpu.memory_space<vmem>>) target(%dma_start3A_140 : memref<10112x128xf32, #tpu.memory_space<vmem_shared>>) offsets(%arg9 : memref<128xi32, #tpu.memory_space<vmem>>) semaphore(%run_scoped3A : memref<!tpu.dma_semaphore, #tpu.memory_space<semaphore_mem>>) {add = true}
        %dma_wait3A_141 = arith.constant 0 : i32
        %dma_wait3A_142 = arith.constant 0 : i32
        %dma_wait3A_143 = tpu.memref_slice %arg12[%dma_wait3A_141, %dma_wait3A_142] : memref<10112x128xf32, #tpu.memory_space<vmem_shared>> -> memref<10112x128xf32, #tpu.memory_space<vmem_shared>>
        tpu.wait_indirect_dma semaphore(%run_scoped3A : memref<!tpu.dma_semaphore, #tpu.memory_space<semaphore_mem>>) src(%arg11 : memref<128x128xf32, #tpu.memory_space<vmem>>) dst(%dma_wait3A_143 : memref<10112x128xf32, #tpu.memory_space<vmem_shared>>)
        tpu.yield
      }) : () -> ()
    }
    %scan3A_62 = arith.constant 20 : i32
    %barrier3A_63 = arith.constant 0 : index
    tpu.barrier barrier_id(%barrier3A_63)
    %add3A_64 = arith.constant 0 : i32
    %add3A_65 = arith.addi %arg1, %add3A_64 : i32
    %lt3A_66 = arith.constant 79 : i32
    %lt3A_67 = arith.cmpi slt, %add3A_65, %lt3A_66 : i32
    %convert_element_type3A_68 = arith.extui %lt3A_67 : i1 to i32
    %cond3A_69 = arith.constant 0 : i32
    %cond3A_70 = arith.cmpi ne, %convert_element_type3A_68, %cond3A_69 : i32
    scf.if %cond3A_70 {
      %mul3A_99 = arith.constant 128 : i32
      %mul3A_100 = arith.muli %add3A_65, %mul3A_99 : i32
      "tpu.region"() ({
        %run_scoped3A = tpu.sem_alloc : memref<!tpu.dma_semaphore, #tpu.memory_space<semaphore_mem>>
        %dma_start3A_101 = arith.constant 0 : i32
        %dma_start3A_102 = tpu.memref_slice %arg6[%arg0, %mul3A_100, %dma_start3A_101] : memref<2x10112x128xf32, #tpu.memory_space<hbm>> -> memref<1x128x128xf32, #tpu.memory_space<hbm>>
        %dma_start3A_103 = tpu.memref_squeeze %dma_start3A_102 : memref<1x128x128xf32, #tpu.memory_space<hbm>> -> memref<128x128xf32, #tpu.memory_space<hbm>>
        %dma_start3A_104 = arith.constant 0 : i32
        %dma_start3A_105 = tpu.memref_slice %arg12[%mul3A_100, %dma_start3A_104] : memref<10112x128xf32, #tpu.memory_space<vmem_shared>> -> memref<128x128xf32, #tpu.memory_space<vmem_shared>>
        tpu.enqueue_dma source(%dma_start3A_105 : memref<128x128xf32, #tpu.memory_space<vmem_shared>>) target(%dma_start3A_103 : memref<128x128xf32, #tpu.memory_space<hbm>>) target_semaphore(%run_scoped3A : memref<!tpu.dma_semaphore, #tpu.memory_space<semaphore_mem>>)
        %dma_wait3A = arith.constant 0 : i32
        %dma_wait3A_106 = tpu.memref_slice %arg6[%arg0, %mul3A_100, %dma_wait3A] : memref<2x10112x128xf32, #tpu.memory_space<hbm>> -> memref<1x128x128xf32, #tpu.memory_space<hbm>>
        %dma_wait3A_107 = tpu.memref_squeeze %dma_wait3A_106 : memref<1x128x128xf32, #tpu.memory_space<hbm>> -> memref<128x128xf32, #tpu.memory_space<hbm>>
        %dma_wait3A_108 = arith.constant 0 : i32
        %dma_wait3A_109 = tpu.memref_slice %arg12[%mul3A_100, %dma_wait3A_108] : memref<10112x128xf32, #tpu.memory_space<vmem_shared>> -> memref<128x128xf32, #tpu.memory_space<vmem_shared>>
        tpu.wait_dma2 semaphore(%run_scoped3A : memref<!tpu.dma_semaphore, #tpu.memory_space<semaphore_mem>>) src(%dma_wait3A_109 : memref<128x128xf32, #tpu.memory_space<vmem_shared>>) dst(%dma_wait3A_107 : memref<128x128xf32, #tpu.memory_space<hbm>>)
        tpu.yield
      }) : () -> ()
    } else {
    }
    %add3A_71 = arith.constant 16 : i32
    %add3A_72 = arith.addi %arg1, %add3A_71 : i32
    %lt3A_73 = arith.constant 79 : i32
    %lt3A_74 = arith.cmpi slt, %add3A_72, %lt3A_73 : i32
    %convert_element_type3A_75 = arith.extui %lt3A_74 : i1 to i32
    %cond3A_76 = arith.constant 0 : i32
    %cond3A_77 = arith.cmpi ne, %convert_element_type3A_75, %cond3A_76 : i32
    scf.if %cond3A_77 {
      %mul3A_99 = arith.constant 128 : i32
      %mul3A_100 = arith.muli %add3A_72, %mul3A_99 : i32
      "tpu.region"() ({
        %run_scoped3A = tpu.sem_alloc : memref<!tpu.dma_semaphore, #tpu.memory_space<semaphore_mem>>
        %dma_start3A_101 = arith.constant 0 : i32
        %dma_start3A_102 = tpu.memref_slice %arg6[%arg0, %mul3A_100, %dma_start3A_101] : memref<2x10112x128xf32, #tpu.memory_space<hbm>> -> memref<1x128x128xf32, #tpu.memory_space<hbm>>
        %dma_start3A_103 = tpu.memref_squeeze %dma_start3A_102 : memref<1x128x128xf32, #tpu.memory_space<hbm>> -> memref<128x128xf32, #tpu.memory_space<hbm>>
        %dma_start3A_104 = arith.constant 0 : i32
        %dma_start3A_105 = tpu.memref_slice %arg12[%mul3A_100, %dma_start3A_104] : memref<10112x128xf32, #tpu.memory_space<vmem_shared>> -> memref<128x128xf32, #tpu.memory_space<vmem_shared>>
        tpu.enqueue_dma source(%dma_start3A_105 : memref<128x128xf32, #tpu.memory_space<vmem_shared>>) target(%dma_start3A_103 : memref<128x128xf32, #tpu.memory_space<hbm>>) target_semaphore(%run_scoped3A : memref<!tpu.dma_semaphore, #tpu.memory_space<semaphore_mem>>)
        %dma_wait3A = arith.constant 0 : i32
        %dma_wait3A_106 = tpu.memref_slice %arg6[%arg0, %mul3A_100, %dma_wait3A] : memref<2x10112x128xf32, #tpu.memory_space<hbm>> -> memref<1x128x128xf32, #tpu.memory_space<hbm>>
        %dma_wait3A_107 = tpu.memref_squeeze %dma_wait3A_106 : memref<1x128x128xf32, #tpu.memory_space<hbm>> -> memref<128x128xf32, #tpu.memory_space<hbm>>
        %dma_wait3A_108 = arith.constant 0 : i32
        %dma_wait3A_109 = tpu.memref_slice %arg12[%mul3A_100, %dma_wait3A_108] : memref<10112x128xf32, #tpu.memory_space<vmem_shared>> -> memref<128x128xf32, #tpu.memory_space<vmem_shared>>
        tpu.wait_dma2 semaphore(%run_scoped3A : memref<!tpu.dma_semaphore, #tpu.memory_space<semaphore_mem>>) src(%dma_wait3A_109 : memref<128x128xf32, #tpu.memory_space<vmem_shared>>) dst(%dma_wait3A_107 : memref<128x128xf32, #tpu.memory_space<hbm>>)
        tpu.yield
      }) : () -> ()
    } else {
    }
    %add3A_78 = arith.constant 32 : i32
    %add3A_79 = arith.addi %arg1, %add3A_78 : i32
    %lt3A_80 = arith.constant 79 : i32
    %lt3A_81 = arith.cmpi slt, %add3A_79, %lt3A_80 : i32
    %convert_element_type3A_82 = arith.extui %lt3A_81 : i1 to i32
    %cond3A_83 = arith.constant 0 : i32
    %cond3A_84 = arith.cmpi ne, %convert_element_type3A_82, %cond3A_83 : i32
    scf.if %cond3A_84 {
      %mul3A_99 = arith.constant 128 : i32
      %mul3A_100 = arith.muli %add3A_79, %mul3A_99 : i32
      "tpu.region"() ({
        %run_scoped3A = tpu.sem_alloc : memref<!tpu.dma_semaphore, #tpu.memory_space<semaphore_mem>>
        %dma_start3A_101 = arith.constant 0 : i32
        %dma_start3A_102 = tpu.memref_slice %arg6[%arg0, %mul3A_100, %dma_start3A_101] : memref<2x10112x128xf32, #tpu.memory_space<hbm>> -> memref<1x128x128xf32, #tpu.memory_space<hbm>>
        %dma_start3A_103 = tpu.memref_squeeze %dma_start3A_102 : memref<1x128x128xf32, #tpu.memory_space<hbm>> -> memref<128x128xf32, #tpu.memory_space<hbm>>
        %dma_start3A_104 = arith.constant 0 : i32
        %dma_start3A_105 = tpu.memref_slice %arg12[%mul3A_100, %dma_start3A_104] : memref<10112x128xf32, #tpu.memory_space<vmem_shared>> -> memref<128x128xf32, #tpu.memory_space<vmem_shared>>
        tpu.enqueue_dma source(%dma_start3A_105 : memref<128x128xf32, #tpu.memory_space<vmem_shared>>) target(%dma_start3A_103 : memref<128x128xf32, #tpu.memory_space<hbm>>) target_semaphore(%run_scoped3A : memref<!tpu.dma_semaphore, #tpu.memory_space<semaphore_mem>>)
        %dma_wait3A = arith.constant 0 : i32
        %dma_wait3A_106 = tpu.memref_slice %arg6[%arg0, %mul3A_100, %dma_wait3A] : memref<2x10112x128xf32, #tpu.memory_space<hbm>> -> memref<1x128x128xf32, #tpu.memory_space<hbm>>
        %dma_wait3A_107 = tpu.memref_squeeze %dma_wait3A_106 : memref<1x128x128xf32, #tpu.memory_space<hbm>> -> memref<128x128xf32, #tpu.memory_space<hbm>>
        %dma_wait3A_108 = arith.constant 0 : i32
        %dma_wait3A_109 = tpu.memref_slice %arg12[%mul3A_100, %dma_wait3A_108] : memref<10112x128xf32, #tpu.memory_space<vmem_shared>> -> memref<128x128xf32, #tpu.memory_space<vmem_shared>>
        tpu.wait_dma2 semaphore(%run_scoped3A : memref<!tpu.dma_semaphore, #tpu.memory_space<semaphore_mem>>) src(%dma_wait3A_109 : memref<128x128xf32, #tpu.memory_space<vmem_shared>>) dst(%dma_wait3A_107 : memref<128x128xf32, #tpu.memory_space<hbm>>)
        tpu.yield
      }) : () -> ()
    } else {
    }
    %add3A_85 = arith.constant 48 : i32
    %add3A_86 = arith.addi %arg1, %add3A_85 : i32
    %lt3A_87 = arith.constant 79 : i32
    %lt3A_88 = arith.cmpi slt, %add3A_86, %lt3A_87 : i32
    %convert_element_type3A_89 = arith.extui %lt3A_88 : i1 to i32
    %cond3A_90 = arith.constant 0 : i32
    %cond3A_91 = arith.cmpi ne, %convert_element_type3A_89, %cond3A_90 : i32
    scf.if %cond3A_91 {
      %mul3A_99 = arith.constant 128 : i32
      %mul3A_100 = arith.muli %add3A_86, %mul3A_99 : i32
      "tpu.region"() ({
        %run_scoped3A = tpu.sem_alloc : memref<!tpu.dma_semaphore, #tpu.memory_space<semaphore_mem>>
        %dma_start3A_101 = arith.constant 0 : i32
        %dma_start3A_102 = tpu.memref_slice %arg6[%arg0, %mul3A_100, %dma_start3A_101] : memref<2x10112x128xf32, #tpu.memory_space<hbm>> -> memref<1x128x128xf32, #tpu.memory_space<hbm>>
        %dma_start3A_103 = tpu.memref_squeeze %dma_start3A_102 : memref<1x128x128xf32, #tpu.memory_space<hbm>> -> memref<128x128xf32, #tpu.memory_space<hbm>>
        %dma_start3A_104 = arith.constant 0 : i32
        %dma_start3A_105 = tpu.memref_slice %arg12[%mul3A_100, %dma_start3A_104] : memref<10112x128xf32, #tpu.memory_space<vmem_shared>> -> memref<128x128xf32, #tpu.memory_space<vmem_shared>>
        tpu.enqueue_dma source(%dma_start3A_105 : memref<128x128xf32, #tpu.memory_space<vmem_shared>>) target(%dma_start3A_103 : memref<128x128xf32, #tpu.memory_space<hbm>>) target_semaphore(%run_scoped3A : memref<!tpu.dma_semaphore, #tpu.memory_space<semaphore_mem>>)
        %dma_wait3A = arith.constant 0 : i32
        %dma_wait3A_106 = tpu.memref_slice %arg6[%arg0, %mul3A_100, %dma_wait3A] : memref<2x10112x128xf32, #tpu.memory_space<hbm>> -> memref<1x128x128xf32, #tpu.memory_space<hbm>>
        %dma_wait3A_107 = tpu.memref_squeeze %dma_wait3A_106 : memref<1x128x128xf32, #tpu.memory_space<hbm>> -> memref<128x128xf32, #tpu.memory_space<hbm>>
        %dma_wait3A_108 = arith.constant 0 : i32
        %dma_wait3A_109 = tpu.memref_slice %arg12[%mul3A_100, %dma_wait3A_108] : memref<10112x128xf32, #tpu.memory_space<vmem_shared>> -> memref<128x128xf32, #tpu.memory_space<vmem_shared>>
        tpu.wait_dma2 semaphore(%run_scoped3A : memref<!tpu.dma_semaphore, #tpu.memory_space<semaphore_mem>>) src(%dma_wait3A_109 : memref<128x128xf32, #tpu.memory_space<vmem_shared>>) dst(%dma_wait3A_107 : memref<128x128xf32, #tpu.memory_space<hbm>>)
        tpu.yield
      }) : () -> ()
    } else {
    }
    %add3A_92 = arith.constant 64 : i32
    %add3A_93 = arith.addi %arg1, %add3A_92 : i32
    %lt3A_94 = arith.constant 79 : i32
    %lt3A_95 = arith.cmpi slt, %add3A_93, %lt3A_94 : i32
    %convert_element_type3A_96 = arith.extui %lt3A_95 : i1 to i32
    %cond3A_97 = arith.constant 0 : i32
    %cond3A_98 = arith.cmpi ne, %convert_element_type3A_96, %cond3A_97 : i32
    scf.if %cond3A_98 {
      %mul3A_99 = arith.constant 128 : i32
      %mul3A_100 = arith.muli %add3A_93, %mul3A_99 : i32
      "tpu.region"() ({
        %run_scoped3A = tpu.sem_alloc : memref<!tpu.dma_semaphore, #tpu.memory_space<semaphore_mem>>
        %dma_start3A_101 = arith.constant 0 : i32
        %dma_start3A_102 = tpu.memref_slice %arg6[%arg0, %mul3A_100, %dma_start3A_101] : memref<2x10112x128xf32, #tpu.memory_space<hbm>> -> memref<1x128x128xf32, #tpu.memory_space<hbm>>
        %dma_start3A_103 = tpu.memref_squeeze %dma_start3A_102 : memref<1x128x128xf32, #tpu.memory_space<hbm>> -> memref<128x128xf32, #tpu.memory_space<hbm>>
        %dma_start3A_104 = arith.constant 0 : i32
        %dma_start3A_105 = tpu.memref_slice %arg12[%mul3A_100, %dma_start3A_104] : memref<10112x128xf32, #tpu.memory_space<vmem_shared>> -> memref<128x128xf32, #tpu.memory_space<vmem_shared>>
        tpu.enqueue_dma source(%dma_start3A_105 : memref<128x128xf32, #tpu.memory_space<vmem_shared>>) target(%dma_start3A_103 : memref<128x128xf32, #tpu.memory_space<hbm>>) target_semaphore(%run_scoped3A : memref<!tpu.dma_semaphore, #tpu.memory_space<semaphore_mem>>)
        %dma_wait3A = arith.constant 0 : i32
        %dma_wait3A_106 = tpu.memref_slice %arg6[%arg0, %mul3A_100, %dma_wait3A] : memref<2x10112x128xf32, #tpu.memory_space<hbm>> -> memref<1x128x128xf32, #tpu.memory_space<hbm>>
        %dma_wait3A_107 = tpu.memref_squeeze %dma_wait3A_106 : memref<1x128x128xf32, #tpu.memory_space<hbm>> -> memref<128x128xf32, #tpu.memory_space<hbm>>
        %dma_wait3A_108 = arith.constant 0 : i32
        %dma_wait3A_109 = tpu.memref_slice %arg12[%mul3A_100, %dma_wait3A_108] : memref<10112x128xf32, #tpu.memory_space<vmem_shared>> -> memref<128x128xf32, #tpu.memory_space<vmem_shared>>
        tpu.wait_dma2 semaphore(%run_scoped3A : memref<!tpu.dma_semaphore, #tpu.memory_space<semaphore_mem>>) src(%dma_wait3A_109 : memref<128x128xf32, #tpu.memory_space<vmem_shared>>) dst(%dma_wait3A_107 : memref<128x128xf32, #tpu.memory_space<hbm>>)
        tpu.yield
      }) : () -> ()
    } else {
    }
    return
  }
}

module attributes {stable_mosaic.version = 14 : i64} {
  func.func @_scale_body(%arg0: i32, %arg1: memref<128x128xf32, #tpu.memory_space<vmem>>, %arg2: memref<128x1xf32, #tpu.memory_space<vmem>>, %arg3: memref<128x1xf32, #tpu.memory_space<vmem>>, %arg4: memref<128x128xf32, #tpu.memory_space<vmem>>) attributes {dimension_semantics = [#tpu.dimension_semantics<arbitrary>], iteration_bounds = array<i64: 79>, scalar_prefetch = 0 : i64, scratch_operands = 0 : i64, tpu.core_type = #tpu.core_type<tc>, window_params = [{transform_indices = @transform_0, window_bounds = array<i64: 128, 128>}, {transform_indices = @transform_1, window_bounds = array<i64: 128, 1>}, {transform_indices = @transform_2, window_bounds = array<i64: 128, 1>}, {transform_indices = @transform_3, window_bounds = array<i64: 128, 128>}]} {
    %get3A = arith.constant 0 : index
    %get3A_0 = arith.constant 0 : index
    %get3A_1 = vector.load %arg1[%get3A, %get3A_0] : memref<128x128xf32, #tpu.memory_space<vmem>>, vector<128x128xf32>
    %get3A_2 = arith.constant 0 : index
    %get3A_3 = arith.constant 0 : index
    %get3A_4 = vector.load %arg2[%get3A_2, %get3A_3] : memref<128x1xf32, #tpu.memory_space<vmem>>, vector<128x1xf32>
    %get3A_5 = arith.constant 0 : index
    %get3A_6 = arith.constant 0 : index
    %get3A_7 = vector.load %arg3[%get3A_5, %get3A_6] : memref<128x1xf32, #tpu.memory_space<vmem>>, vector<128x1xf32>
    %add3A = arith.addf %get3A_4, %get3A_7 : vector<128x1xf32>
    %jit3A = arith.constant 1.000000e+00 : f32
    %max3A = vector.broadcast %jit3A : f32 to vector<128x1xf32>
    %max3A_8 = arith.maximumf %max3A, %add3A : vector<128x1xf32>
    %rsqrt3A = math.rsqrt %max3A_8 : vector<128x1xf32>
    %mul3A = vector.broadcast %rsqrt3A : vector<128x1xf32> to vector<128x128xf32>
    %mul3A_9 = arith.mulf %get3A_1, %mul3A : vector<128x128xf32>
    %swap3A = arith.constant 0 : index
    %swap3A_10 = arith.constant 0 : index
    %swap3A_11 = vector.load %arg4[%swap3A, %swap3A_10] : memref<128x128xf32, #tpu.memory_space<vmem>>, vector<128x128xf32>
    tpu.vector_store %arg4[%swap3A, %swap3A_10], %mul3A_9 {strides = array<i32>} : memref<128x128xf32, #tpu.memory_space<vmem>>, vector<128x128xf32>,
    return
  }
  func.func @transform_0(%arg0: i32) -> (i32, i32) {
    %c0_i32 = arith.constant 0 : i32
    %c0_i32_0 = arith.constant 0 : i32
    return %arg0, %c0_i32 : i32, i32
  }
  func.func @transform_1(%arg0: i32) -> (i32, i32) {
    %c0_i32 = arith.constant 0 : i32
    %c0_i32_0 = arith.constant 0 : i32
    return %arg0, %c0_i32 : i32, i32
  }
  func.func @transform_2(%arg0: i32) -> (i32, i32) {
    %c0_i32 = arith.constant 0 : i32
    %c0_i32_0 = arith.constant 0 : i32
    return %arg0, %c0_i32 : i32, i32
  }
  func.func @transform_3(%arg0: i32) -> (i32, i32) {
    %c0_i32 = arith.constant 0 : i32
    %c0_i32_0 = arith.constant 0 : i32
    return %arg0, %c0_i32 : i32, i32
  }
}

module attributes {stable_mosaic.version = 14 : i64} {
  func.func @_post_elu_body(%arg0: i32, %arg1: memref<128x128xf32, #tpu.memory_space<vmem>>, %arg2: memref<128x128xf32, #tpu.memory_space<vmem>>, %arg3: memref<128x1xf32, #tpu.memory_space<vmem>>, %arg4: memref<128x1xf32, #tpu.memory_space<vmem>>, %arg5: memref<128x1xf32, #tpu.memory_space<vmem>>, %arg6: memref<128x1xf32, #tpu.memory_space<vmem>>, %arg7: memref<128x128xf32, #tpu.memory_space<vmem>>, %arg8: memref<1x128xf32, #tpu.memory_space<vmem>>, %arg9: memref<128x128xf32, #tpu.memory_space<vmem>>, %arg10: memref<128x128xf32, #tpu.memory_space<vmem>>) attributes {dimension_semantics = [#tpu.dimension_semantics<arbitrary>], iteration_bounds = array<i64: 79>, scalar_prefetch = 0 : i64, scratch_operands = 0 : i64, tpu.core_type = #tpu.core_type<tc>, window_params = [{transform_indices = @transform_0, window_bounds = array<i64: 128, 128>}, {transform_indices = @transform_1, window_bounds = array<i64: 128, 128>}, {transform_indices = @transform_2, window_bounds = array<i64: 128, 1>}, {transform_indices = @transform_3, window_bounds = array<i64: 128, 1>}, {transform_indices = @transform_4, window_bounds = array<i64: 128, 1>}, {transform_indices = @transform_5, window_bounds = array<i64: 128, 1>}, {pipeline_mode = #tpu.pipeline_mode<synchronous>, transform_indices = @transform_6, window_bounds = array<i64: 128, 128>}, {pipeline_mode = #tpu.pipeline_mode<synchronous>, transform_indices = @transform_7, window_bounds = array<i64: 1, 128>}, {transform_indices = @transform_8, window_bounds = array<i64: 128, 128>}, {transform_indices = @transform_9, window_bounds = array<i64: 128, 128>}]} {
    %get3A = arith.constant 0 : index
    %get3A_0 = arith.constant 0 : index
    %get3A_1 = vector.load %arg1[%get3A, %get3A_0] : memref<128x128xf32, #tpu.memory_space<vmem>>, vector<128x128xf32>
    %get3A_2 = arith.constant 0 : index
    %get3A_3 = arith.constant 0 : index
    %get3A_4 = vector.load %arg2[%get3A_2, %get3A_3] : memref<128x128xf32, #tpu.memory_space<vmem>>, vector<128x128xf32>
    %add3A = arith.addf %get3A_1, %get3A_4 : vector<128x128xf32>
    %get3A_5 = arith.constant 0 : index
    %get3A_6 = arith.constant 0 : index
    %get3A_7 = vector.load %arg3[%get3A_5, %get3A_6] : memref<128x1xf32, #tpu.memory_space<vmem>>, vector<128x1xf32>
    %get3A_8 = arith.constant 0 : index
    %get3A_9 = arith.constant 0 : index
    %get3A_10 = vector.load %arg4[%get3A_8, %get3A_9] : memref<128x1xf32, #tpu.memory_space<vmem>>, vector<128x1xf32>
    %add3A_11 = arith.addf %get3A_7, %get3A_10 : vector<128x1xf32>
    %jit3A = arith.constant 1.000000e+00 : f32
    %max3A = vector.broadcast %jit3A : f32 to vector<128x1xf32>
    %max3A_12 = arith.maximumf %max3A, %add3A_11 : vector<128x1xf32>
    %rsqrt3A = math.rsqrt %max3A_12 : vector<128x1xf32>
    %mul3A = vector.broadcast %rsqrt3A : vector<128x1xf32> to vector<128x128xf32>
    %mul3A_13 = arith.mulf %add3A, %mul3A : vector<128x128xf32>
    %get3A_14 = arith.constant 0 : index
    %get3A_15 = arith.constant 0 : index
    %get3A_16 = vector.load %arg7[%get3A_14, %get3A_15] : memref<128x128xf32, #tpu.memory_space<vmem>>, vector<128x128xf32>
    %dot_general3A = arith.constant dense<0.000000e+00> : vector<128x128xf32>
    %dot_general3A_17 = tpu.matmul %mul3A_13, %get3A_16, %dot_general3A {dimension_numbers = #tpu.dot_dimension_numbers<[1], [0], [0], [1], [0, 0, 1, 1], [], []>, transpose_lhs_hint = false} : vector<128x128xf32>, vector<128x128xf32>, vector<128x128xf32> -> vector<128x128xf32>
    %get3A_18 = arith.constant 0 : index
    %get3A_19 = arith.constant 0 : index
    %get3A_20 = vector.load %arg8[%get3A_18, %get3A_19] : memref<1x128xf32, #tpu.memory_space<vmem>>, vector<1x128xf32>
    %add3A_21 = vector.broadcast %get3A_20 : vector<1x128xf32> to vector<128x128xf32>
    %add3A_22 = arith.addf %dot_general3A_17, %add3A_21 : vector<128x128xf32>
    %gt3A = arith.constant 0.000000e+00 : f32
    %gt3A_23 = vector.broadcast %gt3A : f32 to vector<128x128xf32>
    %gt3A_24 = arith.cmpf ogt, %add3A_22, %gt3A_23 : vector<128x128xf32>
    %min3A = arith.constant 0.000000e+00 : f32
    %min3A_25 = vector.broadcast %min3A : f32 to vector<128x128xf32>
    %min3A_26 = arith.minimumf %add3A_22, %min3A_25 : vector<128x128xf32>
    %exp3A = math.exp %min3A_26 : vector<128x128xf32>
    %sub3A = arith.constant 1.000000e+00 : f32
    %sub3A_27 = vector.broadcast %sub3A : f32 to vector<128x128xf32>
    %sub3A_28 = arith.subf %exp3A, %sub3A_27 : vector<128x128xf32>
    %select_n3A = arith.select %gt3A_24, %add3A_22, %sub3A_28 : vector<128x128xi1>, vector<128x128xf32>
    %swap3A = arith.constant 0 : index
    %swap3A_29 = arith.constant 0 : index
    %swap3A_30 = vector.load %arg9[%swap3A, %swap3A_29] : memref<128x128xf32, #tpu.memory_space<vmem>>, vector<128x128xf32>
    tpu.vector_store %arg9[%swap3A, %swap3A_29], %select_n3A {strides = array<i32>} : memref<128x128xf32, #tpu.memory_space<vmem>>, vector<128x128xf32>,
    %get3A_31 = arith.constant 0 : index
    %get3A_32 = arith.constant 0 : index
    %get3A_33 = vector.load %arg5[%get3A_31, %get3A_32] : memref<128x1xf32, #tpu.memory_space<vmem>>, vector<128x1xf32>
    %get3A_34 = arith.constant 0 : index
    %get3A_35 = arith.constant 0 : index
    %get3A_36 = vector.load %arg6[%get3A_34, %get3A_35] : memref<128x1xf32, #tpu.memory_space<vmem>>, vector<128x1xf32>
    %add3A_37 = arith.addf %get3A_33, %get3A_36 : vector<128x1xf32>
    %jit3A_38 = arith.constant 1.000000e+00 : f32
    %max3A_39 = vector.broadcast %jit3A_38 : f32 to vector<128x1xf32>
    %max3A_40 = arith.maximumf %max3A_39, %add3A_37 : vector<128x1xf32>
    %rsqrt3A_41 = math.rsqrt %max3A_40 : vector<128x1xf32>
    %mul3A_42 = vector.broadcast %rsqrt3A_41 : vector<128x1xf32> to vector<128x128xf32>
    %mul3A_43 = arith.mulf %select_n3A, %mul3A_42 : vector<128x128xf32>
    %swap3A_44 = arith.constant 0 : index
    %swap3A_45 = arith.constant 0 : index
    %swap3A_46 = vector.load %arg10[%swap3A_44, %swap3A_45] : memref<128x128xf32, #tpu.memory_space<vmem>>, vector<128x128xf32>
    tpu.vector_store %arg10[%swap3A_44, %swap3A_45], %mul3A_43 {strides = array<i32>} : memref<128x128xf32, #tpu.memory_space<vmem>>, vector<128x128xf32>,
    return
  }
  func.func @transform_0(%arg0: i32) -> (i32, i32) {
    %c0_i32 = arith.constant 0 : i32
    %c0_i32_0 = arith.constant 0 : i32
    return %arg0, %c0_i32 : i32, i32
  }
  func.func @transform_1(%arg0: i32) -> (i32, i32) {
    %c0_i32 = arith.constant 0 : i32
    %c0_i32_0 = arith.constant 0 : i32
    return %arg0, %c0_i32 : i32, i32
  }
  func.func @transform_2(%arg0: i32) -> (i32, i32) {
    %c0_i32 = arith.constant 0 : i32
    %c0_i32_0 = arith.constant 0 : i32
    return %arg0, %c0_i32 : i32, i32
  }
  func.func @transform_3(%arg0: i32) -> (i32, i32) {
    %c0_i32 = arith.constant 0 : i32
    %c0_i32_0 = arith.constant 0 : i32
    return %arg0, %c0_i32 : i32, i32
  }
  func.func @transform_4(%arg0: i32) -> (i32, i32) {
    %c0_i32 = arith.constant 0 : i32
    %c0_i32_0 = arith.constant 0 : i32
    return %arg0, %c0_i32 : i32, i32
  }
  func.func @transform_5(%arg0: i32) -> (i32, i32) {
    %c0_i32 = arith.constant 0 : i32
    %c0_i32_0 = arith.constant 0 : i32
    return %arg0, %c0_i32 : i32, i32
  }
  func.func @transform_6(%arg0: i32) -> (i32, i32) {
    %c0_i32 = arith.constant 0 : i32
    %c0_i32_0 = arith.constant 0 : i32
    %c0_i32_1 = arith.constant 0 : i32
    return %c0_i32, %c0_i32_0 : i32, i32
  }
  func.func @transform_7(%arg0: i32) -> (i32, i32) {
    %c0_i32 = arith.constant 0 : i32
    %c0_i32_0 = arith.constant 0 : i32
    %c0_i32_1 = arith.constant 0 : i32
    return %c0_i32, %c0_i32_0 : i32, i32
  }
  func.func @transform_8(%arg0: i32) -> (i32, i32) {
    %c0_i32 = arith.constant 0 : i32
    %c0_i32_0 = arith.constant 0 : i32
    return %arg0, %c0_i32 : i32, i32
  }
  func.func @transform_9(%arg0: i32) -> (i32, i32) {
    %c0_i32 = arith.constant 0 : i32
    %c0_i32_0 = arith.constant 0 : i32
    return %arg0, %c0_i32 : i32, i32
  }
}

module attributes {stable_mosaic.version = 14 : i64} {
  func.func @_post_softmax_body(%arg0: i32, %arg1: memref<128x128xf32, #tpu.memory_space<vmem>>, %arg2: memref<128x128xf32, #tpu.memory_space<vmem>>, %arg3: memref<128x1xf32, #tpu.memory_space<vmem>>, %arg4: memref<128x1xf32, #tpu.memory_space<vmem>>, %arg5: memref<128x128xf32, #tpu.memory_space<vmem>>, %arg6: memref<1x128xf32, #tpu.memory_space<vmem>>, %arg7: memref<128x128xf32, #tpu.memory_space<vmem>>) attributes {dimension_semantics = [#tpu.dimension_semantics<arbitrary>], iteration_bounds = array<i64: 79>, scalar_prefetch = 0 : i64, scratch_operands = 0 : i64, tpu.core_type = #tpu.core_type<tc>, window_params = [{transform_indices = @transform_0, window_bounds = array<i64: 128, 128>}, {transform_indices = @transform_1, window_bounds = array<i64: 128, 128>}, {transform_indices = @transform_2, window_bounds = array<i64: 128, 1>}, {transform_indices = @transform_3, window_bounds = array<i64: 128, 1>}, {pipeline_mode = #tpu.pipeline_mode<synchronous>, transform_indices = @transform_4, window_bounds = array<i64: 128, 128>}, {pipeline_mode = #tpu.pipeline_mode<synchronous>, transform_indices = @transform_5, window_bounds = array<i64: 1, 128>}, {transform_indices = @transform_6, window_bounds = array<i64: 128, 128>}]} {
    %get3A = arith.constant 0 : index
    %get3A_0 = arith.constant 0 : index
    %get3A_1 = vector.load %arg1[%get3A, %get3A_0] : memref<128x128xf32, #tpu.memory_space<vmem>>, vector<128x128xf32>
    %get3A_2 = arith.constant 0 : index
    %get3A_3 = arith.constant 0 : index
    %get3A_4 = vector.load %arg2[%get3A_2, %get3A_3] : memref<128x128xf32, #tpu.memory_space<vmem>>, vector<128x128xf32>
    %add3A = arith.addf %get3A_1, %get3A_4 : vector<128x128xf32>
    %get3A_5 = arith.constant 0 : index
    %get3A_6 = arith.constant 0 : index
    %get3A_7 = vector.load %arg3[%get3A_5, %get3A_6] : memref<128x1xf32, #tpu.memory_space<vmem>>, vector<128x1xf32>
    %get3A_8 = arith.constant 0 : index
    %get3A_9 = arith.constant 0 : index
    %get3A_10 = vector.load %arg4[%get3A_8, %get3A_9] : memref<128x1xf32, #tpu.memory_space<vmem>>, vector<128x1xf32>
    %add3A_11 = arith.addf %get3A_7, %get3A_10 : vector<128x1xf32>
    %jit3A = arith.constant 1.000000e+00 : f32
    %max3A = vector.broadcast %jit3A : f32 to vector<128x1xf32>
    %max3A_12 = arith.maximumf %max3A, %add3A_11 : vector<128x1xf32>
    %rsqrt3A = math.rsqrt %max3A_12 : vector<128x1xf32>
    %mul3A = vector.broadcast %rsqrt3A : vector<128x1xf32> to vector<128x128xf32>
    %mul3A_13 = arith.mulf %add3A, %mul3A : vector<128x128xf32>
    %get3A_14 = arith.constant 0 : index
    %get3A_15 = arith.constant 0 : index
    %get3A_16 = vector.load %arg5[%get3A_14, %get3A_15] : memref<128x128xf32, #tpu.memory_space<vmem>>, vector<128x128xf32>
    %dot_general3A = arith.constant dense<0.000000e+00> : vector<128x128xf32>
    %dot_general3A_17 = tpu.matmul %mul3A_13, %get3A_16, %dot_general3A {dimension_numbers = #tpu.dot_dimension_numbers<[1], [0], [0], [1], [0, 0, 1, 1], [], []>, transpose_lhs_hint = false} : vector<128x128xf32>, vector<128x128xf32>, vector<128x128xf32> -> vector<128x128xf32>
    %get3A_18 = arith.constant 0 : index
    %get3A_19 = arith.constant 0 : index
    %get3A_20 = vector.load %arg6[%get3A_18, %get3A_19] : memref<1x128xf32, #tpu.memory_space<vmem>>, vector<1x128xf32>
    %add3A_21 = vector.broadcast %get3A_20 : vector<1x128xf32> to vector<128x128xf32>
    %add3A_22 = arith.addf %dot_general3A_17, %add3A_21 : vector<128x128xf32>
    %reduce_max3A = arith.constant dense<0xFF800000> : vector<128xf32>
    %reduce_max3A_23 = vector.multi_reduction <maximumf>, %add3A_22, %reduce_max3A [1] : vector<128x128xf32> to vector<128xf32>
    %broadcast_in_dim3A = vector.shape_cast %reduce_max3A_23 : vector<128xf32> to vector<128x1xf32>
    %sub3A = vector.broadcast %broadcast_in_dim3A : vector<128x1xf32> to vector<128x128xf32>
    %sub3A_24 = arith.subf %add3A_22, %sub3A : vector<128x128xf32>
    %exp3A = math.exp %sub3A_24 : vector<128x128xf32>
    %reduce_sum3A = arith.constant dense<0.000000e+00> : vector<128xf32>
    %reduce_sum3A_25 = vector.multi_reduction <add>, %exp3A, %reduce_sum3A [1] : vector<128x128xf32> to vector<128xf32>
    %broadcast_in_dim3A_26 = vector.shape_cast %reduce_sum3A_25 : vector<128xf32> to vector<128x1xf32>
    %div3A = vector.broadcast %broadcast_in_dim3A_26 : vector<128x1xf32> to vector<128x128xf32>
    %div3A_27 = arith.divf %exp3A, %div3A : vector<128x128xf32>
    %swap3A = arith.constant 0 : index
    %swap3A_28 = arith.constant 0 : index
    %swap3A_29 = vector.load %arg7[%swap3A, %swap3A_28] : memref<128x128xf32, #tpu.memory_space<vmem>>, vector<128x128xf32>
    tpu.vector_store %arg7[%swap3A, %swap3A_28], %div3A_27 {strides = array<i32>} : memref<128x128xf32, #tpu.memory_space<vmem>>, vector<128x128xf32>,
    return
  }
  func.func @transform_0(%arg0: i32) -> (i32, i32) {
    %c0_i32 = arith.constant 0 : i32
    %c0_i32_0 = arith.constant 0 : i32
    return %arg0, %c0_i32 : i32, i32
  }
  func.func @transform_1(%arg0: i32) -> (i32, i32) {
    %c0_i32 = arith.constant 0 : i32
    %c0_i32_0 = arith.constant 0 : i32
    return %arg0, %c0_i32 : i32, i32
  }
  func.func @transform_2(%arg0: i32) -> (i32, i32) {
    %c0_i32 = arith.constant 0 : i32
    %c0_i32_0 = arith.constant 0 : i32
    return %arg0, %c0_i32 : i32, i32
  }
  func.func @transform_3(%arg0: i32) -> (i32, i32) {
    %c0_i32 = arith.constant 0 : i32
    %c0_i32_0 = arith.constant 0 : i32
    return %arg0, %c0_i32 : i32, i32
  }
  func.func @transform_4(%arg0: i32) -> (i32, i32) {
    %c0_i32 = arith.constant 0 : i32
    %c0_i32_0 = arith.constant 0 : i32
    %c0_i32_1 = arith.constant 0 : i32
    return %c0_i32, %c0_i32_0 : i32, i32
  }
  func.func @transform_5(%arg0: i32) -> (i32, i32) {
    %c0_i32 = arith.constant 0 : i32
    %c0_i32_0 = arith.constant 0 : i32
    %c0_i32_1 = arith.constant 0 : i32
    return %c0_i32, %c0_i32_0 : i32, i32
  }
  func.func @transform_6(%arg0: i32) -> (i32, i32) {
    %c0_i32 = arith.constant 0 : i32
    %c0_i32_0 = arith.constant 0 : i32
    return %arg0, %c0_i32 : i32, i32
  }
}

</mosaic_0001>

<sc_bundles>
// kernel: kernel.10.cloned.1.call-start
scs
__scs_entry_jumppad:
0x0: {  	(pc) =	sbr.rel $0x88, $3  }
0x1: {  	(tag) =	ssettag $0x0;
	lr =	simm.s32 $0x1  }
0x2: {  	[smem:$0x3F99] =	sst lr;
	_ =	strace $0xD0000000  }
0x3: {  	_ = 	snop  }
0x4: {  	_ = 	snop  }
0x5: {  	_ = 	snop  }
0x6: {  	_ = 	snop  }
0x7: {  	_ = 	snop  }
__scs_overlays_trampoline_lowered:
0x8: {  	[smem:$0x3FA8] =	sst s0  }
0x9: {  	[smem:$0x3FA9] =	sst s1  }
0xa: {  	[smem:$0x3FAA] =	sst s2  }
0xb: {  	[smem:$0x3FAB] =	sst s3  }
0xc: {  	[smem:$0x3FAC] =	sst s4  }
0xd: {  	[smem:$0x3FAD] =	sst s5  }
0xe: {  	[smem:$0x3FAE] =	sst s6  }
0xf: {  	[smem:$0x3FAF] =	sst s7  }
0x10: {  	[smem:$0x3FB0] =	sst s8  }
0x11: {  	[smem:$0x3FB1] =	sst s9;
	s0 =	simm.s32 @!p0 $0x0  }
0x12: {  	s1 =	sld [smem:$0x3F97];
	s0 =	simm.s32 @p0 $0x1  }
0x13: {  	[smem:$0x3FB2] =	sst s0;
	s0 =	simm.s32 @!p1 $0x0  }
0x14: {  	s2 =	sld [smem:$0x3F96];
	s0 =	simm.s32 @p1 $0x1  }
0x15: {  	[smem:$0x3FB3] =	sst s0;
	s0 =	simm.s32 @!p2 $0x0  }
0x16: {  	s3 =	sld [smem:$0x3FDB];
	s0 =	simm.s32 @p2 $0x1  }
0x17: {  	s4 =	simm.s32 $0x1BF5;
	[smem:$0x3FB5] =	sst s0  }
0x18: {  	s0 =	sld [smem:$0x3F98];
	_ =	swait.ge [sflag:s4], $0x0  }
0x19: {  	s7 =	sld [smem:$0x3F99]  }
0x1a: {  	s8 =	sadd.s32 $0xFFFFE003, lr  }
0x1b: {  	s9 =	sadd.s32 $0xFFFFFEF7, lr;
	s5 =	simm.s32 $0xFFFFFFFF;
	p2 =	slt.u32 s8, $0xFFFFF086  }
0x1c: {  	p1 =	slt.u32 s9, $0xF7A;
	s5 =	simm.s32 @!p2 $0x0  }
0x1d: {  	s5 =	simm.s32 @p1 $0x1;
	p0 =	seq.s32 s7, s2  }
0x1e: {  	s7 =	smul.u32 @!p0 $0xF7A, s2;
	p2 =	seq.s32 @!p0 s5, $0x0  }
0x1f: {  	s9 =	smul.u32 $0xF7A, s1;
	s8 =	simm.s32 @!p0 $0x1BF5;
	p2 =	por !p2, p0  }
0x20: {  	[sflag:s8] =	ssyncset.s32 @!p0 $0xFFFFF086;
	s6 =	sadd.s32 @!p0 s3, s7;
	s7 =	simm.s32 @!p0 $0x108  }
0x21: {  	s3 =	sadd.s32 s3, s9;
	s6 =	sadd.s32 @!p0 $0x88, s6;
	s7 =	simm.s32 @p2 $0x1082  }
0x22: {  	[simem:s7], [sflag:s8] =	dma.local @!p0 [hbm:s6], $0xF7A  }
0x23: {  	s9 =	sor.u32 $0xD0000000, s2;
	s6 =	simm.s32 $0x108;
	_ =	swait.ge @!p0 [sflag:s8], $0x0  }
0x24: {  	s3 =	sadd.s32 $0x88, s3;
	s6 =	simm.s32 @!p1 $0x1082;
	[sflag:s4] =	ssyncset.s32 $0xFFFFF086  }
0x25: {  	[simem:s6], [sflag:s4] =	dma.local [hbm:s3], $0xF7A  }
0x26: {  	[smem:$0x3F99] =	sst s1;
	(tag) =	ssettag s2;
	_ =	strace s9  }
0x27: {  	s1 =	sld [smem:$0x3FA9]  }
0x28: {  	s2 =	sld [smem:$0x3FAA]  }
0x29: {  	s4 =	sld [smem:$0x3FAC]  }
0x2a: {  	p0 =	seq.s32 s5, $0x0;
	s5 =	sld [smem:$0x3FAD]  }
0x2b: {  	s6 =	sld [smem:$0x3FAE]  }
0x2c: {  	s7 =	sld [smem:$0x3FAF]  }
0x2d: {  	s3 =	simm.s32 $0x108;
	s8 =	sld [smem:$0x3FB0]  }
0x2e: {  	s3 =	simm.s32 @!p0 $0x1082;
	s9 =	sld [smem:$0x3FB1]  }
0x2f: {  	lr =	sadd.s32 s0, s3;
	s0 =	sld [smem:$0x3FA8]  }
0x30: {  	s3 =	sld [smem:$0x3FAB]  }
0x31: {  	[smem:$0x3FB4] =	sst s10  }
0x32: {  	s10 =	sld [smem:$0x3FB2];
	_ =	sdelay $0x3  }
0x33: {  	p0 =	seq.s32 s10, $0x1;
	s10 =	sld [smem:$0x3FB4];
	_ =	sdelay $0x3  }
0x34: {  	[smem:$0x3FB4] =	sst s10  }
0x35: {  	s10 =	sld [smem:$0x3FB3];
	_ =	sdelay $0x3  }
0x36: {  	p1 =	seq.s32 s10, $0x1;
	s10 =	sld [smem:$0x3FB4];
	_ =	sdelay $0x3  }
0x37: {  	[smem:$0x3FB4] =	sst s10  }
0x38: {  	s10 =	sld [smem:$0x3FB5]  }
0x39: {  	_ = 	snop;
	(pc) =	sbr.ind lr, $3  }
0x3a: {  	_ = 	snop  }
0x3b: {  	_ = 	snop  }
0x3c: {  	p2 =	seq.s32 s10, $0x1;
	s10 =	sld [smem:$0x3FB4]  }
0x3d: {  	_ =	shalt  }
0x3e: {  	_ =	shalt  }
0x3f: {  	_ =	shalt  }
0x40: {  	_ =	shalt  }
0x41: {  	_ =	shalt  }
0x42: {  	_ =	shalt  }
0x43: {  	_ =	shalt  }
0x44: {  	_ =	shalt  }
0x45: {  	_ =	shalt  }
0x46: {  	_ =	shalt  }
0x47: {  	_ =	shalt  }
0x48: {  	_ =	shalt  }
0x49: {  	_ =	shalt  }
0x4a: {  	_ =	shalt  }
0x4b: {  	_ =	shalt  }
0x4c: {  	_ =	shalt  }
0x4d: {  	_ =	shalt  }
0x4e: {  	_ =	shalt  }
0x4f: {  	_ =	shalt  }
0x50: {  	_ =	shalt  }
0x51: {  	_ =	shalt  }
0x52: {  	_ =	shalt  }
0x53: {  	_ =	shalt  }
0x54: {  	_ =	shalt  }
0x55: {  	_ =	shalt  }
0x56: {  	_ =	shalt  }
0x57: {  	_ =	shalt  }
0x58: {  	_ =	shalt  }
0x59: {  	_ =	shalt  }
0x5a: {  	_ =	shalt  }
0x5b: {  	_ =	shalt  }
0x5c: {  	_ =	shalt  }
0x5d: {  	_ =	shalt  }
0x5e: {  	_ =	shalt  }
0x5f: {  	_ =	shalt  }
0x60: {  	_ =	shalt  }
0x61: {  	_ =	shalt  }
0x62: {  	_ =	shalt  }
0x63: {  	_ =	shalt  }
0x64: {  	_ =	shalt  }
0x65: {  	_ =	shalt  }
0x66: {  	_ =	shalt  }
0x67: {  	_ =	shalt  }
0x68: {  	_ =	shalt  }
0x69: {  	_ =	shalt  }
0x6a: {  	_ =	shalt  }
0x6b: {  	_ =	shalt  }
0x6c: {  	_ =	shalt  }
0x6d: {  	_ =	shalt  }
0x6e: {  	_ =	shalt  }
0x6f: {  	_ =	shalt  }
0x70: {  	_ =	shalt  }
0x71: {  	_ =	shalt  }
0x72: {  	_ =	shalt  }
0x73: {  	_ =	shalt  }
0x74: {  	_ =	shalt  }
0x75: {  	_ =	shalt  }
0x76: {  	_ =	shalt  }
0x77: {  	_ =	shalt  }
0x78: {  	_ =	shalt  }
0x79: {  	_ =	shalt  }
0x7a: {  	_ =	shalt  }
0x7b: {  	_ =	shalt  }
0x7c: {  	_ =	shalt  }
0x7d: {  	_ =	shalt  }
0x7e: {  	_ =	shalt  }
0x7f: {  	_ =	shalt  }
0x80: {  	_ =	shalt  }
0x81: {  	_ =	shalt  }
0x82: {  	_ =	shalt  }
0x83: {  	_ =	shalt  }
0x84: {  	_ =	shalt  }
0x85: {  	_ =	shalt  }
0x86: {  	_ =	shalt  }
0x87: {  	_ =	shalt  }
.Lfunc_end0:
.L_simem_size_0:
called_computation_lowered:
.L_overlay_start_0:
0x88: {  	s2 =	sld [smem:$0x3FD9]  }
0x89: {  	s3 =	sld [smem:$0x3FFE];
	_ =	sdelay $0x1  }
0x8a: {  	s1 =	srdreg.scid  }
0x8b: {  	s0 =	sand.u32 $0x1, s1  }
0x8c: {  	s14 =	sshll.u32 s0, $0xA;
	s2 =	sadd.s32 s3, s2  }
0x8d: {  	s2 =	sadd.s32 s2, s14  }
0x8e: {  	[smem:$0x3FC0] =	sst s2  }
0x8f: {  	_ = 	snop  }
0x90: {  	s2 =	sld [smem:$0x3FD0];
	_ =	sdelay $0x2  }
0x91: {  	s15 =	simm.s32 $0xA;
	s4 =	simm.s32 $0x10  }
0x92: {  	[smem:s4], [sflag:s15] =	dma.local [hbm:s2], $0x1  }
0x93: {  	_ =	swait.eq [sflag:s15], $0x1  }
0x94: {  	s16 =	sld [smem:$0x10];
	[sflag:s15] =	ssyncset.done $0x0  }
0x95: {  	s17 =	sld [smem:$0x11];
	[sflag:s15] =	ssyncadd.s32 $0xFFFFFFFF  }
0x96: {  	s18 =	sld [smem:$0x12];
	(tm) =	ssettm $0x1  }
0x97: {  	s5 =	sld [smem:$0x3FFB];
	_ =	sdelay $0x3  }
0x98: {  	_ =	strace s5  }
0x99: {  	s5 =	sld [smem:$0x3FFC];
	_ =	sdelay $0x3  }
0x9a: {  	_ =	strace s5  }
0x9b: {  	s5 =	sld [smem:$0x3FFD];
	_ =	sdelay $0x3  }
0x9c: {  	_ =	strace s5  }
0x9d: {  	_ =	strace $0x8FFFFFFF  }
0x9e: {  	s19 =	sld [smem:$0x3FDB];
	_ =	sdelay $0x1  }
0x9f: {  	s6 =	simm.s32 $_scs_section_size  }
0xa0: {  	s7 =	simm.s32 $_size__tile_overlayer_lowered;
	s8 =	simm.s32 $_tile_overlayer_lowered  }
0xa1: {  	s22 =	simm.s32 $0x1BFF;
	s21 =	sshll.u32 s8, $0x1;
	s5 =	sadd.s32 s6, s19  }
0xa2: {  	s9 =	simm.s32 $0x0;
	s20 =	sshll.u32 s7, $0x1;
	s7 =	sadd.s32 s21, s5  }
0xa3: {  	[timem:s9], [sflag:s22] =	dma.local [hbm:s7], s20  }
0xa4: {  	_ =	swait.ge [sflag:s22], s20  }
0xa5: {  	s6 =	ssub.s32 $0x0, s20;
	[sflag:s22] =	ssyncset.done $0x0  }
0xa6: {  	[sflag:s22] =	ssyncadd.s32 s6;
	_ =	sdelay $0x1  }
0xa7: {  	s23 =	simm.s32 $0x1B8B  }
0xa8: {  	_ =	swait.ge [sflag:s23], $0x1  }
0xa9: {  	[sflag:s23] =	ssyncset.done $0x0  }
0xaa: {  	s25 =	simm.s32 $0x1B8E;
	s24 =	sld [smem:$0x3FFE];
	[sflag:s23] =	ssyncadd.s32 $0xFFFFFFFF  }
0xab: {  	s26 =	simm.s32 $execute0_lowered;
	[smem:$0x3FD2] =	sst s25  }
0xac: {  	s7 =	sshll.u32 s26, $0x1;
	_ =	strace $0x80000046;
	[dreg:$0x1] =	wrdreg $0xFFFFFFFF  }
0xad: {  	s28 =	simm.s32 $_size_execute0_lowered;
	s5 =	sadd.s32 s5, s7;
	[dreg:$0x0] =	wrdreg $0x0  }
0xae: {  	s7 =	sshll.u32 s28, $0x1;
	[dreg:$0x2] =	wrdreg s5  }
0xaf: {  	[dreg:$0x3] =	wrdreg s7  }
0xb0: {  	[dreg:$0x4] =	wrdreg $0xC0  }
0xb1: {  	_ =	task [dreg:s9], $0x5FFFF  }
0xb2: {  	[dreg:$0x1] =	wrdreg $0xFFFFFFFF  }
0xb3: {  	[dreg:$0x0] =	wrdreg $0x60  }
0xb4: {  	[dreg:$0x2] =	wrdreg s18  }
0xb5: {  	[dreg:$0x3] =	wrdreg s17  }
0xb6: {  	[dreg:$0x4] =	wrdreg s16  }
0xb7: {  	[dreg:$0x5] =	wrdreg s24  }
0xb8: {  	[dreg:$0x6] =	wrdreg $0x40800  }
0xb9: {  	[dreg:$0x7] =	wrdreg $0x9  }
0xba: {  	_ =	task.clear_ibuf [dreg:s9], $0x8FFFF;
	_ =	strace $0x90000046  }
0xbb: {  	s29 =	simm.s32 $0x9;
	_ =	strace $0x80000048  }
0xbc: {  	_ =	swait.ge [sflag:s29], $0x1  }
0xbd: {  	[sflag:s29] =	ssyncadd.s32 $0xFFFFFFFF  }
0xbe: {  	_ =	strace $0x90000048  }
0xbf: {  	_ =	sfence  }
0xc0: {  	s30 =	sld [smem:$0x0];
	_ =	sdelay $0x2  }
0xc1: {  	s31 =	sshll.u32 s1, $0xD;
	s1 =	sshrl.u32 s1, $0x2  }
0xc2: {  	s3 =	sand.u32 $0x4000, s31;
	s1 =	sadd.s32 s1, s30  }
0xc3: {  	s0 =	sor.u32 s3, s0;
	s1 =	sshll.u32 s1, $0x11  }
0xc4: {  	s0 =	sor.u32 s1, s0  }
0xc5: {  	s0 =	sadd.s32 $0x8F2B, s0  }
0xc6: {  	[sflag:s0] =	ssyncadd.remote.s32 $0x1  }
0xc7: {  	_ =	sfence.sel $0xFFFF  }
0xc8: {  	[dreg:$0x0] =	wrdreg $0xFFFFFFFF;
	(pc) =	sbr.abs _section_cstart, $3  }
0xc9: {  	[dreg:$0x1] =	wrdreg $0xFFFFFFFF  }
0xca: {  	_ =	task.clear_ibuf [dreg:s9], $0x2FFFF;
	_ =	strace $0x9FFFFFFF  }
0xcb: {  	(tm) =	ssettm $0x7FFFFFFF  }
tec
execute0_lowered:
.L_overlay_start_1:
0x0: {  	(tag) =	ssettag $0x1  }
0x1: {  	s0 =	rddreg [dreg:$0x0]  }
0x2: {  	s1 =	rddreg [dreg:$0x1]  }
0x3: {  	s4 =	rddreg [dreg:$0x3]  }
0x4: {  	s2 =	rddreg [dreg:$0x4];
	s3 =	simm.s32 $0x0;
	s5 =	srdreg.scid  }
0x5: {  	s24 =	stileid.u32;
	s25 =	simm.s32 $0x1;
	s26 =	simm.s32 $0x0  }
0x6: {  	[smem:$0x7FF] =	sst s3;
	s6 =	sand.u32 $0x1, s5;
	s5 =	sadd.s32 $0x3E00, s4  }
0x7: {  	s4 =	sadd.s32 $0x4600, s4;
	s10 =	sshll.u32 s24, $0xE;
	s31 =	smul.u32 $0xA00, s24  }
0x8: {  	p0 =	seq.s32 s24, $0xF;
	s24 =	simm.s32 $0x80;
	_ =	strace $0x80000047  }
0x9: {  	s7 =	ssub.s32 $0x2, s6;
	s28 =	sadd.s32 s10, s2;
	s11 =	sor.u32 $0x40000, s10  }
0xa: {  	s13 =	sor.u32 $0x80000, s10;
	s14 =	sor.u32 $0xC0000, s10;
	s15 =	smul.u32 $0x13C000, s6  }
0xb: {  	s16 =	sor.u32 $0x100000, s10;
	s6 =	smul.u32 $0x500, s6;
	s8 =	sshrl.u32 s7, $0x1  }
0xc: {  	[dreg:$0x6] =	wrdreg s28;
	s29 =	sadd.s32 s11, s2;
	s30 =	sadd.s32 s13, s2  }
0xd: {  	s9 =	sadd.s32 s14, s2;
	s0 =	sadd.s32 s31, s0;
	[dreg:$0x7] =	wrdreg s29  }
0xe: {  	s1 =	sadd.s32 s31, s1;
	s21 =	ssub.s32 s7, s8;
	[dreg:$0x8] =	wrdreg s30  }
0xf: {  	s12 =	sadd.s32 s10, s15;
	s11 =	sadd.s32 s15, s11;
	s10 =	sadd.s32 s16, s2  }
0x10: {  	s13 =	sadd.s32 s15, s13;
	s14 =	sadd.s32 s15, s14;
	s15 =	sadd.s32 s15, s16  }
0x11: {  	s22 =	sadd.s32 s6, s0;
	s23 =	sadd.s32 s6, s1;
	s12 =	sshrl.u32 s12, $0x3  }
0x12: {  	s17 =	sshrl.u32 s11, $0x3;
	s13 =	sshrl.u32 s13, $0x3;
	s14 =	sshrl.u32 s14, $0x3  }
0x13: {  	s15 =	sshrl.u32 s15, $0x3;
	s21 =	smax.u32 s21, $0x1;
	s11 =	sadd.s32 s4, s12  }
0x14: {  	s12 =	sadd.s32 s4, s17;
	s13 =	sadd.s32 s4, s13;
	s14 =	sadd.s32 s4, s14  }
0x15: {  	s15 =	sadd.s32 s4, s15;
	s16 =	sadd.s32 $0x4F000, s11;
	s17 =	sadd.s32 $0x4F000, s12  }
0x16: {  	s18 =	sadd.s32 $0x4F000, s13;
	s19 =	sadd.s32 $0x4F000, s14;
	s20 =	sadd.s32 $0x4F000, s15  }
.LBB2_1:
0x17: {  	s0 =	rddreg [dreg:$0x2]  }
0x18: {  	[tilespmem:s24], [sflag:$0x1] =	stream.linear.gather [hbm4b:s0+s3], $0x4000, $0x38;
	[tilespmem:$0x17C80] =	vst v63  }
0x19: {  	s1 =	stileid.u32;
	_ =	swait.ge [sflag:s25], $0x4000  }
0x1a: {  	s0 =	sshll.u32 s1, $0x6;
	[sflag:s25] =	ssyncset.done $0x0;
	s4 =	rddreg [dreg:$0x6]  }
0x1b: {  	s28 =	sor.u32 $0x1C01, s0;
	[sflag:s25] =	ssyncadd.s32 $0xFFFFC000;
	s29 =	sshrl.u32 s4, $0x3  }
0x1c: {  	[spmem:s29], [sflag:s28] =	dma.local [hbm:s5], $0x800  }
0x1d: {  	_ =	swait.ge [sflag:s25], $0x800  }
0x1e: {  	[sflag:s25] =	ssyncset.done $0x0;
	s6 =	rddreg [dreg:$0x7]  }
0x1f: {  	[sflag:s25] =	ssyncadd.s32 $0xFFFFF800;
	s30 =	sshrl.u32 s6, $0x3  }
0x20: {  	[spmem:s30], [sflag:s28] =	dma.local [hbm:s5], $0x800  }
0x21: {  	_ =	swait.ge [sflag:s25], $0x800  }
0x22: {  	[sflag:s25] =	ssyncset.done $0x0;
	s7 =	rddreg [dreg:$0x8]  }
0x23: {  	[sflag:s25] =	ssyncadd.s32 $0xFFFFF800;
	s31 =	sshrl.u32 s7, $0x3  }
0x24: {  	[spmem:s31], [sflag:s28] =	dma.local [hbm:s5], $0x800  }
0x25: {  	_ =	swait.ge [sflag:s25], $0x800  }
0x26: {  	[sflag:s25] =	ssyncset.done $0x0  }
0x27: {  	s0 =	sshrl.u32 s9, $0x3;
	[sflag:s25] =	ssyncadd.s32 $0xFFFFF800  }
0x28: {  	[spmem:s0], [sflag:s28] =	dma.local [hbm:s5], $0x800  }
0x29: {  	_ =	swait.ge [sflag:s25], $0x800  }
0x2a: {  	[sflag:s25] =	ssyncset.done $0x0  }
0x2b: {  	s1 =	sshrl.u32 @!p0 s10, $0x3;
	s4 =	simm.s32 @!p0 $0x1;
	[sflag:s25] =	ssyncadd.s32 $0xFFFFF800  }
0x2c: {  	[spmem:s1], [sflag:s28] =	dma.local @!p0 [hbm:s5], $0x800  }
0x2d: {  	_ =	swait.ge @!p0 [sflag:s4], $0x800  }
0x2e: {  	[sflag:s4] =	ssyncset.done @!p0 $0x0  }
0x2f: {  	[sflag:s4] =	ssyncadd.s32 @!p0 $0xFFFFF800  }
0x30: {  	s8 =	sadd.s32 $0x0, s22;
	[bflag:$0x0] =	sbarrier.arrive $0xFFFF  }
0x31: {  	[tilespmem:s3], [sflag:$0x1] =	stream.linear.gather [hbm4b:s8+s3], $0x80, $0x38;
	[tilespmem:$0x17C80] =	vst v63  }
0x32: {  	_ =	swait.ge [sflag:s25], $0x80  }
0x33: {  	[sflag:s25] =	ssyncset.done $0x0  }
0x34: {  	[sflag:s25] =	ssyncadd.s32 $0xFFFFFF80  }
0x35: {  	[spmem:s2] =	stream.indirect.scatter.add.f32 [tilespmem:s24], [sflag:$0x1], $0x80, s3, s24, $0xb8;
	[tilespmem:$0x17C80] =	vst v63  }
0x36: {  	_ =	swait.ge [sflag:s25], $0x4000  }
0x37: {  	s6 =	simm.s32 $0x20;
	s4 =	simm.s32 $0x10;
	[sflag:s25] =	ssyncset.done $0x0  }
.LBB2_2:
0x38: {  	s7 =	sadd.s32 s4, s22  }
0x39: {  	[sflag:s25] =	ssyncadd.s32 $0xFFFFC000;
	s4 =	smov.u32 s6;
	s8 =	sadd.s32 $0x10, s6  }
0x3a: {  	[tilespmem:s3], [sflag:$0x1] =	stream.linear.gather [hbm4b:s7+s3], $0x80, $0x38;
	[tilespmem:$0x17C80] =	vst v63  }
0x3b: {  	p1 =	sne.s32 s6, $0x4F0;
	_ =	swait.ge [sflag:s25], $0x80  }
.Ltmp0:
0x3c: {  	[sflag:s25] =	ssyncset.done $0x0;
	(pc) =	sbr.rel @p1 .LBB2_2-.Ltmp0, $4  }
0x3d: {  	[sflag:s25] =	ssyncadd.s32 $0xFFFFFF80  }
0x3e: {  	[spmem:s2] =	stream.indirect.scatter.add.f32 [tilespmem:s24], [sflag:$0x1], $0x80, s3, s24, $0xb8;
	[tilespmem:$0x17C80] =	vst v63  }
0x3f: {  	_ =	swait.ge [sflag:s25], $0x4000  }
0x40: {  	s6 =	smov.u32 s8;
	[sflag:s25] =	ssyncset.done $0x0  }
0x41: {  	s4 =	sadd.s32 s4, s22;
	[sflag:s25] =	ssyncadd.s32 $0xFFFFC000  }
0x42: {  	[tilespmem:s3], [sflag:$0x1] =	stream.linear.gather [hbm4b:s4+s3], $0x80, $0x38;
	[tilespmem:$0x17C80] =	vst v63  }
0x43: {  	_ =	swait.ge [sflag:s25], $0x80  }
0x44: {  	[sflag:s25] =	ssyncset.done $0x0  }
0x45: {  	[sflag:s25] =	ssyncadd.s32 $0xFFFFFF80  }
0x46: {  	[spmem:s2] =	stream.indirect.scatter.add.f32 [tilespmem:s24], [sflag:$0x1], $0x80, s3, s24, $0xb8;
	[tilespmem:$0x17C80] =	vst v63  }
0x47: {  	_ =	swait.ge [sflag:s25], $0x4000  }
0x48: {  	[sflag:s25] =	ssyncset.done $0x0  }
0x49: {  	[sflag:s25] =	ssyncadd.s32 $0xFFFFC000  }
0x4a: {  	[bflag:$0x0] =	sbarrier.arrive $0xFFFF  }
0x4b: {  	[hbm:s11], [sflag:s28] =	dma.local [spmem:s29], $0x800  }
0x4c: {  	_ =	swait.ge [sflag:s25], $0x800  }
0x4d: {  	[sflag:s25] =	ssyncset.done $0x0  }
0x4e: {  	[sflag:s25] =	ssyncadd.s32 $0xFFFFF800  }
0x4f: {  	[hbm:s12], [sflag:s28] =	dma.local [spmem:s30], $0x800  }
0x50: {  	_ =	swait.ge [sflag:s25], $0x800  }
0x51: {  	[sflag:s25] =	ssyncset.done $0x0  }
0x52: {  	[sflag:s25] =	ssyncadd.s32 $0xFFFFF800  }
0x53: {  	[hbm:s13], [sflag:s28] =	dma.local [spmem:s31], $0x800  }
0x54: {  	_ =	swait.ge [sflag:s25], $0x800  }
0x55: {  	[sflag:s25] =	ssyncset.done $0x0  }
0x56: {  	[sflag:s25] =	ssyncadd.s32 $0xFFFFF800  }
0x57: {  	[hbm:s14], [sflag:s28] =	dma.local [spmem:s0], $0x800  }
0x58: {  	_ =	swait.ge [sflag:s25], $0x800  }
0x59: {  	[sflag:s25] =	ssyncset.done $0x0  }
0x5a: {  	s4 =	simm.s32 @!p0 $0x1;
	[sflag:s25] =	ssyncadd.s32 $0xFFFFF800  }
0x5b: {  	[hbm:s15], [sflag:s28] =	dma.local @!p0 [spmem:s1], $0x800  }
0x5c: {  	_ =	swait.ge @!p0 [sflag:s4], $0x800  }
0x5d: {  	[sflag:s4] =	ssyncset.done @!p0 $0x0  }
0x5e: {  	[sflag:s4] =	ssyncadd.s32 @!p0 $0xFFFFF800  }
0x5f: {  	[bflag:$0x0] =	sbarrier.arrive $0xFFFF  }
0x60: {  	[spmem:s29], [sflag:s28] =	dma.local [hbm:s5], $0x800  }
0x61: {  	_ =	swait.ge [sflag:s25], $0x800  }
0x62: {  	[sflag:s25] =	ssyncset.done $0x0  }
0x63: {  	[sflag:s25] =	ssyncadd.s32 $0xFFFFF800  }
0x64: {  	[spmem:s30], [sflag:s28] =	dma.local [hbm:s5], $0x800  }
0x65: {  	_ =	swait.ge [sflag:s25], $0x800  }
0x66: {  	[sflag:s25] =	ssyncset.done $0x0  }
0x67: {  	[sflag:s25] =	ssyncadd.s32 $0xFFFFF800  }
0x68: {  	[spmem:s31], [sflag:s28] =	dma.local [hbm:s5], $0x800  }
0x69: {  	_ =	swait.ge [sflag:s25], $0x800  }
0x6a: {  	[sflag:s25] =	ssyncset.done $0x0  }
0x6b: {  	[sflag:s25] =	ssyncadd.s32 $0xFFFFF800  }
0x6c: {  	[spmem:s0], [sflag:s28] =	dma.local [hbm:s5], $0x800  }
0x6d: {  	_ =	swait.ge [sflag:s25], $0x800  }
0x6e: {  	[sflag:s25] =	ssyncset.done $0x0  }
0x6f: {  	[sflag:s25] =	ssyncadd.s32 $0xFFFFF800  }
0x70: {  	[spmem:s1], [sflag:s28] =	dma.local @!p0 [hbm:s5], $0x800  }
0x71: {  	_ =	swait.ge @!p0 [sflag:s4], $0x800  }
0x72: {  	[sflag:s4] =	ssyncset.done @!p0 $0x0  }
0x73: {  	[sflag:s4] =	ssyncadd.s32 @!p0 $0xFFFFF800  }
0x74: {  	s8 =	sadd.s32 $0x0, s23;
	[bflag:$0x0] =	sbarrier.arrive $0xFFFF  }
0x75: {  	[tilespmem:s3], [sflag:$0x1] =	stream.linear.gather [hbm4b:s8+s3], $0x80, $0x38;
	[tilespmem:$0x17C80] =	vst v63  }
0x76: {  	_ =	swait.ge [sflag:s25], $0x80  }
0x77: {  	[sflag:s25] =	ssyncset.done $0x0  }
0x78: {  	[sflag:s25] =	ssyncadd.s32 $0xFFFFFF80  }
0x79: {  	[spmem:s2] =	stream.indirect.scatter.add.f32 [tilespmem:s24], [sflag:$0x1], $0x80, s3, s24, $0xb8;
	[tilespmem:$0x17C80] =	vst v63  }
0x7a: {  	_ =	swait.ge [sflag:s25], $0x4000  }
0x7b: {  	s6 =	simm.s32 $0x20;
	s4 =	simm.s32 $0x10;
	[sflag:s25] =	ssyncset.done $0x0  }
.LBB2_4:
0x7c: {  	s7 =	sadd.s32 s4, s23  }
0x7d: {  	[sflag:s25] =	ssyncadd.s32 $0xFFFFC000;
	s4 =	smov.u32 s6;
	s8 =	sadd.s32 $0x10, s6  }
0x7e: {  	[tilespmem:s3], [sflag:$0x1] =	stream.linear.gather [hbm4b:s7+s3], $0x80, $0x38;
	[tilespmem:$0x17C80] =	vst v63  }
0x7f: {  	p1 =	sne.s32 s6, $0x4F0;
	_ =	swait.ge [sflag:s25], $0x80  }
.Ltmp1:
0x80: {  	[sflag:s25] =	ssyncset.done $0x0;
	(pc) =	sbr.rel @p1 .LBB2_4-.Ltmp1, $4  }
0x81: {  	[sflag:s25] =	ssyncadd.s32 $0xFFFFFF80  }
0x82: {  	[spmem:s2] =	stream.indirect.scatter.add.f32 [tilespmem:s24], [sflag:$0x1], $0x80, s3, s24, $0xb8;
	[tilespmem:$0x17C80] =	vst v63  }
0x83: {  	_ =	swait.ge [sflag:s25], $0x4000  }
0x84: {  	s6 =	smov.u32 s8;
	[sflag:s25] =	ssyncset.done $0x0  }
0x85: {  	s4 =	sadd.s32 s4, s23;
	[sflag:s25] =	ssyncadd.s32 $0xFFFFC000  }
0x86: {  	[tilespmem:s3], [sflag:$0x1] =	stream.linear.gather [hbm4b:s4+s3], $0x80, $0x38;
	[tilespmem:$0x17C80] =	vst v63  }
0x87: {  	_ =	swait.ge [sflag:s25], $0x80  }
0x88: {  	[sflag:s25] =	ssyncset.done $0x0  }
0x89: {  	[sflag:s25] =	ssyncadd.s32 $0xFFFFFF80  }
0x8a: {  	[spmem:s2] =	stream.indirect.scatter.add.f32 [tilespmem:s24], [sflag:$0x1], $0x80, s3, s24, $0xb8;
	[tilespmem:$0x17C80] =	vst v63  }
0x8b: {  	_ =	swait.ge [sflag:s25], $0x4000  }
0x8c: {  	[sflag:s25] =	ssyncset.done $0x0  }
0x8d: {  	[sflag:s25] =	ssyncadd.s32 $0xFFFFC000  }
0x8e: {  	[bflag:$0x0] =	sbarrier.arrive $0xFFFF  }
0x8f: {  	[hbm:s16], [sflag:s28] =	dma.local [spmem:s29], $0x800  }
0x90: {  	_ =	swait.ge [sflag:s25], $0x800  }
0x91: {  	[sflag:s25] =	ssyncset.done $0x0  }
0x92: {  	[sflag:s25] =	ssyncadd.s32 $0xFFFFF800  }
0x93: {  	[hbm:s17], [sflag:s28] =	dma.local [spmem:s30], $0x800  }
0x94: {  	_ =	swait.ge [sflag:s25], $0x800  }
0x95: {  	[sflag:s25] =	ssyncset.done $0x0  }
0x96: {  	[sflag:s25] =	ssyncadd.s32 $0xFFFFF800  }
0x97: {  	[hbm:s18], [sflag:s28] =	dma.local [spmem:s31], $0x800  }
0x98: {  	_ =	swait.ge [sflag:s25], $0x800  }
0x99: {  	[sflag:s25] =	ssyncset.done $0x0  }
0x9a: {  	[sflag:s25] =	ssyncadd.s32 $0xFFFFF800  }
0x9b: {  	[hbm:s19], [sflag:s28] =	dma.local [spmem:s0], $0x800  }
0x9c: {  	_ =	swait.ge [sflag:s25], $0x800  }
0x9d: {  	s26 =	sadd.s32 $0x1, s26;
	[sflag:s25] =	ssyncset.done $0x0  }
0x9e: {  	p1 =	sne.s32 s26, s21;
	s0 =	simm.s32 @!p0 $0x1;
	[sflag:s25] =	ssyncadd.s32 $0xFFFFF800  }
0x9f: {  	[hbm:s20], [sflag:s28] =	dma.local @!p0 [spmem:s1], $0x800  }
.Ltmp2:
0xa0: {  	_ =	swait.ge @!p0 [sflag:s0], $0x800;
	(pc) =	sbr.rel @p1 .LBB2_1-.Ltmp2, $3  }
0xa1: {  	[sflag:s0] =	ssyncset.done @!p0 $0x0  }
0xa2: {  	[sflag:s0] =	ssyncadd.s32 @!p0 $0xFFFFF800  }
0xa3: {  	[bflag:$0x0] =	sbarrier.arrive $0xFFFF;
	_ =	sdelay $0x1  }
0xa4: {  	_ =	sfence.sel $0x180000  }
0xa5: {  	[bflag:$0x0] =	sbarrier.arrive $0xFFFF  }
0xa6: {  	_ =	strace $0x90000047  }
0xa7: {  	s0 =	stileid.u32;
	[bflag:$0x2] =	sbarrier.arrive $0xFFFF  }
0xa8: {  	p0 =	sne.s32 s0, $0x0;
	s0 =	rddreg [dreg:$0x5]  }
0xa9: {  	s0 =	sadd.s32 @!p0 $0x100000, s0  }
0xaa: {  	[sflag:s0] =	ssyncadd.tile.s32 @!p0 $0x1;
	_ =	shalt  }
.Lfunc_end2:
_tile_overlayer_lowered:
.L_overlay_start_2:
0xab: {  	(tag) =	ssettag $0x2  }
0xac: {  	s0 =	rddreg [dreg:$0x0];
	s2 =	stileid.u32  }
0xad: {  	s1 =	rddreg [dreg:$0x1];
	p0 =	sne.s32 s2, $0x0  }
0xae: {  	s3 =	rddreg [dreg:$0x2];
	[bflag:$0x3] =	sbarrier.arrive $0xFFFF;
	s2 =	simm.s32 @!p0 $0x1C01  }
0xaf: {  	[timem:s3], [sflag:s2] =	dma.local @!p0 [hbm:s0], s1  }
0xb0: {  	s0 =	simm.s32 @!p0 $0x1  }
0xb1: {  	_ =	swait.ge @!p0 [sflag:s0], s1  }
0xb2: {  	s1 =	ssub.s32 @!p0 $0x0, s1;
	[sflag:s0] =	ssyncset.done @!p0 $0x0  }
0xb3: {  	[sflag:s0] =	ssyncadd.s32 @!p0 s1  }
0xb4: {  	[bflag:$0x3] =	sbarrier.arrive $0xFFFF  }
0xb5: {  	_ =	shalt  }

// kernel: kernel.13.cloned.1.call-start
scs
__scs_entry_jumppad:
0x0: {  	(pc) =	sbr.rel $0x88, $3  }
0x1: {  	(tag) =	ssettag $0x0;
	lr =	simm.s32 $0x1  }
0x2: {  	[smem:$0x3F99] =	sst lr;
	_ =	strace $0xD0000000  }
0x3: {  	_ = 	snop  }
0x4: {  	_ = 	snop  }
0x5: {  	_ = 	snop  }
0x6: {  	_ = 	snop  }
0x7: {  	_ = 	snop  }
__scs_overlays_trampoline_lowered:
0x8: {  	[smem:$0x3FA8] =	sst s0  }
0x9: {  	[smem:$0x3FA9] =	sst s1  }
0xa: {  	[smem:$0x3FAA] =	sst s2  }
0xb: {  	[smem:$0x3FAB] =	sst s3  }
0xc: {  	[smem:$0x3FAC] =	sst s4  }
0xd: {  	[smem:$0x3FAD] =	sst s5  }
0xe: {  	[smem:$0x3FAE] =	sst s6  }
0xf: {  	[smem:$0x3FAF] =	sst s7  }
0x10: {  	[smem:$0x3FB0] =	sst s8  }
0x11: {  	[smem:$0x3FB1] =	sst s9;
	s0 =	simm.s32 @!p0 $0x0  }
0x12: {  	s1 =	sld [smem:$0x3F97];
	s0 =	simm.s32 @p0 $0x1  }
0x13: {  	[smem:$0x3FB2] =	sst s0;
	s0 =	simm.s32 @!p1 $0x0  }
0x14: {  	s2 =	sld [smem:$0x3F96];
	s0 =	simm.s32 @p1 $0x1  }
0x15: {  	[smem:$0x3FB3] =	sst s0;
	s0 =	simm.s32 @!p2 $0x0  }
0x16: {  	s3 =	sld [smem:$0x3FDB];
	s0 =	simm.s32 @p2 $0x1  }
0x17: {  	s4 =	simm.s32 $0x1BF5;
	[smem:$0x3FB5] =	sst s0  }
0x18: {  	s0 =	sld [smem:$0x3F98];
	_ =	swait.ge [sflag:s4], $0x0  }
0x19: {  	s7 =	sld [smem:$0x3F99]  }
0x1a: {  	s8 =	sadd.s32 $0xFFFFE003, lr  }
0x1b: {  	s9 =	sadd.s32 $0xFFFFFEF7, lr;
	s5 =	simm.s32 $0xFFFFFFFF;
	p2 =	slt.u32 s8, $0xFFFFF086  }
0x1c: {  	p1 =	slt.u32 s9, $0xF7A;
	s5 =	simm.s32 @!p2 $0x0  }
0x1d: {  	s5 =	simm.s32 @p1 $0x1;
	p0 =	seq.s32 s7, s2  }
0x1e: {  	s7 =	smul.u32 @!p0 $0xF7A, s2;
	p2 =	seq.s32 @!p0 s5, $0x0  }
0x1f: {  	s9 =	smul.u32 $0xF7A, s1;
	s8 =	simm.s32 @!p0 $0x1BF5;
	p2 =	por !p2, p0  }
0x20: {  	[sflag:s8] =	ssyncset.s32 @!p0 $0xFFFFF086;
	s6 =	sadd.s32 @!p0 s3, s7;
	s7 =	simm.s32 @!p0 $0x108  }
0x21: {  	s3 =	sadd.s32 s3, s9;
	s6 =	sadd.s32 @!p0 $0x88, s6;
	s7 =	simm.s32 @p2 $0x1082  }
0x22: {  	[simem:s7], [sflag:s8] =	dma.local @!p0 [hbm:s6], $0xF7A  }
0x23: {  	s9 =	sor.u32 $0xD0000000, s2;
	s6 =	simm.s32 $0x108;
	_ =	swait.ge @!p0 [sflag:s8], $0x0  }
0x24: {  	s3 =	sadd.s32 $0x88, s3;
	s6 =	simm.s32 @!p1 $0x1082;
	[sflag:s4] =	ssyncset.s32 $0xFFFFF086  }
0x25: {  	[simem:s6], [sflag:s4] =	dma.local [hbm:s3], $0xF7A  }
0x26: {  	[smem:$0x3F99] =	sst s1;
	(tag) =	ssettag s2;
	_ =	strace s9  }
0x27: {  	s1 =	sld [smem:$0x3FA9]  }
0x28: {  	s2 =	sld [smem:$0x3FAA]  }
0x29: {  	s4 =	sld [smem:$0x3FAC]  }
0x2a: {  	p0 =	seq.s32 s5, $0x0;
	s5 =	sld [smem:$0x3FAD]  }
0x2b: {  	s6 =	sld [smem:$0x3FAE]  }
0x2c: {  	s7 =	sld [smem:$0x3FAF]  }
0x2d: {  	s3 =	simm.s32 $0x108;
	s8 =	sld [smem:$0x3FB0]  }
0x2e: {  	s3 =	simm.s32 @!p0 $0x1082;
	s9 =	sld [smem:$0x3FB1]  }
0x2f: {  	lr =	sadd.s32 s0, s3;
	s0 =	sld [smem:$0x3FA8]  }
0x30: {  	s3 =	sld [smem:$0x3FAB]  }
0x31: {  	[smem:$0x3FB4] =	sst s10  }
0x32: {  	s10 =	sld [smem:$0x3FB2];
	_ =	sdelay $0x3  }
0x33: {  	p0 =	seq.s32 s10, $0x1;
	s10 =	sld [smem:$0x3FB4];
	_ =	sdelay $0x3  }
0x34: {  	[smem:$0x3FB4] =	sst s10  }
0x35: {  	s10 =	sld [smem:$0x3FB3];
	_ =	sdelay $0x3  }
0x36: {  	p1 =	seq.s32 s10, $0x1;
	s10 =	sld [smem:$0x3FB4];
	_ =	sdelay $0x3  }
0x37: {  	[smem:$0x3FB4] =	sst s10  }
0x38: {  	s10 =	sld [smem:$0x3FB5]  }
0x39: {  	_ = 	snop;
	(pc) =	sbr.ind lr, $3  }
0x3a: {  	_ = 	snop  }
0x3b: {  	_ = 	snop  }
0x3c: {  	p2 =	seq.s32 s10, $0x1;
	s10 =	sld [smem:$0x3FB4]  }
0x3d: {  	_ =	shalt  }
0x3e: {  	_ =	shalt  }
0x3f: {  	_ =	shalt  }
0x40: {  	_ =	shalt  }
0x41: {  	_ =	shalt  }
0x42: {  	_ =	shalt  }
0x43: {  	_ =	shalt  }
0x44: {  	_ =	shalt  }
0x45: {  	_ =	shalt  }
0x46: {  	_ =	shalt  }
0x47: {  	_ =	shalt  }
0x48: {  	_ =	shalt  }
0x49: {  	_ =	shalt  }
0x4a: {  	_ =	shalt  }
0x4b: {  	_ =	shalt  }
0x4c: {  	_ =	shalt  }
0x4d: {  	_ =	shalt  }
0x4e: {  	_ =	shalt  }
0x4f: {  	_ =	shalt  }
0x50: {  	_ =	shalt  }
0x51: {  	_ =	shalt  }
0x52: {  	_ =	shalt  }
0x53: {  	_ =	shalt  }
0x54: {  	_ =	shalt  }
0x55: {  	_ =	shalt  }
0x56: {  	_ =	shalt  }
0x57: {  	_ =	shalt  }
0x58: {  	_ =	shalt  }
0x59: {  	_ =	shalt  }
0x5a: {  	_ =	shalt  }
0x5b: {  	_ =	shalt  }
0x5c: {  	_ =	shalt  }
0x5d: {  	_ =	shalt  }
0x5e: {  	_ =	shalt  }
0x5f: {  	_ =	shalt  }
0x60: {  	_ =	shalt  }
0x61: {  	_ =	shalt  }
0x62: {  	_ =	shalt  }
0x63: {  	_ =	shalt  }
0x64: {  	_ =	shalt  }
0x65: {  	_ =	shalt  }
0x66: {  	_ =	shalt  }
0x67: {  	_ =	shalt  }
0x68: {  	_ =	shalt  }
0x69: {  	_ =	shalt  }
0x6a: {  	_ =	shalt  }
0x6b: {  	_ =	shalt  }
0x6c: {  	_ =	shalt  }
0x6d: {  	_ =	shalt  }
0x6e: {  	_ =	shalt  }
0x6f: {  	_ =	shalt  }
0x70: {  	_ =	shalt  }
0x71: {  	_ =	shalt  }
0x72: {  	_ =	shalt  }
0x73: {  	_ =	shalt  }
0x74: {  	_ =	shalt  }
0x75: {  	_ =	shalt  }
0x76: {  	_ =	shalt  }
0x77: {  	_ =	shalt  }
0x78: {  	_ =	shalt  }
0x79: {  	_ =	shalt  }
0x7a: {  	_ =	shalt  }
0x7b: {  	_ =	shalt  }
0x7c: {  	_ =	shalt  }
0x7d: {  	_ =	shalt  }
0x7e: {  	_ =	shalt  }
0x7f: {  	_ =	shalt  }
0x80: {  	_ =	shalt  }
0x81: {  	_ =	shalt  }
0x82: {  	_ =	shalt  }
0x83: {  	_ =	shalt  }
0x84: {  	_ =	shalt  }
0x85: {  	_ =	shalt  }
0x86: {  	_ =	shalt  }
0x87: {  	_ =	shalt  }
.Lfunc_end0:
.L_simem_size_0:
called_computation.1_lowered:
.L_overlay_start_0:
0x88: {  	s2 =	sld [smem:$0x3FD9]  }
0x89: {  	s3 =	sld [smem:$0x3FFE];
	_ =	sdelay $0x1  }
0x8a: {  	s1 =	srdreg.scid  }
0x8b: {  	s0 =	sand.u32 $0x1, s1  }
0x8c: {  	s14 =	sshll.u32 s0, $0xA;
	s2 =	sadd.s32 s3, s2  }
0x8d: {  	s2 =	sadd.s32 s2, s14  }
0x8e: {  	[smem:$0x3FC0] =	sst s2  }
0x8f: {  	_ = 	snop  }
0x90: {  	s2 =	sld [smem:$0x3FD0];
	_ =	sdelay $0x2  }
0x91: {  	s15 =	simm.s32 $0xA;
	s4 =	simm.s32 $0x10  }
0x92: {  	[smem:s4], [sflag:s15] =	dma.local [hbm:s2], $0x1  }
0x93: {  	_ =	swait.eq [sflag:s15], $0x1  }
0x94: {  	[sflag:s15] =	ssyncset.done $0x0  }
0x95: {  	s16 =	sld [smem:$0x11];
	[sflag:s15] =	ssyncadd.s32 $0xFFFFFFFF  }
0x96: {  	s17 =	sld [smem:$0x12];
	(tm) =	ssettm $0x1  }
0x97: {  	s18 =	sld [smem:$0x3FFB];
	_ =	sdelay $0x3  }
0x98: {  	_ =	strace s18  }
0x99: {  	s4 =	sld [smem:$0x3FFC];
	_ =	sdelay $0x3  }
0x9a: {  	_ =	strace s4  }
0x9b: {  	s4 =	sld [smem:$0x3FFD];
	_ =	sdelay $0x3  }
0x9c: {  	_ =	strace s4  }
0x9d: {  	_ =	strace $0x8FFFFFFF  }
0x9e: {  	s19 =	sld [smem:$0x3FDB];
	_ =	sdelay $0x1  }
0x9f: {  	s5 =	simm.s32 $_scs_section_size  }
0xa0: {  	s6 =	simm.s32 $_size__tile_overlayer_lowered;
	s7 =	simm.s32 $_tile_overlayer_lowered  }
0xa1: {  	s22 =	simm.s32 $0x1BFF;
	s21 =	sshll.u32 s7, $0x1;
	s4 =	sadd.s32 s5, s19  }
0xa2: {  	s8 =	simm.s32 $0x0;
	s20 =	sshll.u32 s6, $0x1;
	s6 =	sadd.s32 s21, s4  }
0xa3: {  	[timem:s8], [sflag:s22] =	dma.local [hbm:s6], s20  }
0xa4: {  	_ =	swait.ge [sflag:s22], s20  }
0xa5: {  	s5 =	ssub.s32 $0x0, s20;
	[sflag:s22] =	ssyncset.done $0x0  }
0xa6: {  	[sflag:s22] =	ssyncadd.s32 s5;
	_ =	sdelay $0x1  }
0xa7: {  	s23 =	simm.s32 $0x1B8B  }
0xa8: {  	_ =	swait.ge [sflag:s23], $0x1  }
0xa9: {  	[sflag:s23] =	ssyncset.done $0x0  }
0xaa: {  	s25 =	simm.s32 $0x1B8E;
	s24 =	sld [smem:$0x3FFE];
	[sflag:s23] =	ssyncadd.s32 $0xFFFFFFFF  }
0xab: {  	s26 =	simm.s32 $execute0_lowered;
	[smem:$0x3FD2] =	sst s25  }
0xac: {  	s6 =	sshll.u32 s26, $0x1;
	_ =	strace $0x80000049;
	[dreg:$0x1] =	wrdreg $0xFFFFFFFF  }
0xad: {  	s28 =	simm.s32 $_size_execute0_lowered;
	s4 =	sadd.s32 s4, s6;
	[dreg:$0x0] =	wrdreg $0x0  }
0xae: {  	s6 =	sshll.u32 s28, $0x1;
	[dreg:$0x2] =	wrdreg s4  }
0xaf: {  	[dreg:$0x3] =	wrdreg s6  }
0xb0: {  	[dreg:$0x4] =	wrdreg $0xC0  }
0xb1: {  	_ =	task [dreg:s8], $0x5FFFF  }
0xb2: {  	[dreg:$0x1] =	wrdreg $0xFFFFFFFF  }
0xb3: {  	[dreg:$0x0] =	wrdreg $0x60  }
0xb4: {  	[dreg:$0x2] =	wrdreg s24  }
0xb5: {  	[dreg:$0x3] =	wrdreg s17  }
0xb6: {  	[dreg:$0x4] =	wrdreg s16  }
0xb7: {  	[dreg:$0x5] =	wrdreg $0x95000  }
0xb8: {  	[dreg:$0x6] =	wrdreg $0x9  }
0xb9: {  	_ =	task.clear_ibuf [dreg:s8], $0x7FFFF;
	_ =	strace $0x90000049  }
0xba: {  	s29 =	simm.s32 $0x9;
	_ =	strace $0x8000004B  }
0xbb: {  	_ =	swait.ge [sflag:s29], $0x1  }
0xbc: {  	[sflag:s29] =	ssyncadd.s32 $0xFFFFFFFF  }
0xbd: {  	_ =	strace $0x9000004B  }
0xbe: {  	_ =	sfence  }
0xbf: {  	s30 =	sld [smem:$0x0];
	_ =	sdelay $0x2  }
0xc0: {  	s31 =	sshll.u32 s1, $0xD;
	s1 =	sshrl.u32 s1, $0x2  }
0xc1: {  	s3 =	sand.u32 $0x4000, s31;
	s1 =	sadd.s32 s1, s30  }
0xc2: {  	s0 =	sor.u32 s3, s0;
	s1 =	sshll.u32 s1, $0x11  }
0xc3: {  	s0 =	sor.u32 s1, s0  }
0xc4: {  	s0 =	sadd.s32 $0x8F2B, s0  }
0xc5: {  	[sflag:s0] =	ssyncadd.remote.s32 $0x1  }
0xc6: {  	_ =	sfence.sel $0xFFFF  }
0xc7: {  	[dreg:$0x0] =	wrdreg $0xFFFFFFFF;
	(pc) =	sbr.abs _section_cstart, $3  }
0xc8: {  	[dreg:$0x1] =	wrdreg $0xFFFFFFFF  }
0xc9: {  	_ =	task.clear_ibuf [dreg:s8], $0x2FFFF;
	_ =	strace $0x9FFFFFFF  }
0xca: {  	(tm) =	ssettm $0x7FFFFFFF  }
0xcb: {  	_ =	shalt  }
tec
execute0_lowered:
.L_overlay_start_1:
0x0: {  	(tag) =	ssettag $0x1  }
0x1: {  	s0 =	rddreg [dreg:$0x0]  }
0x2: {  	s3 =	rddreg [dreg:$0x1]  }
0x3: {  	s6 =	rddreg [dreg:$0x2]  }
0x4: {  	s1 =	rddreg [dreg:$0x3]  }
0x5: {  	s2 =	simm.s32 $0x0;
	s4 =	srdreg.scid;
	s17 =	stileid.u32  }
0x6: {  	s28 =	simm.s32 $0x1500;
	s29 =	simm.s32 $0x5500;
	s30 =	simm.s32 $0x1400  }
0x7: {  	s31 =	simm.s32 $0x1;
	[smem:$0x7FF] =	sst s2;
	s8 =	sand.u32 $0x1, s4  }
0x8: {  	s4 =	sadd.s32 $0x53600, s0;
	s5 =	sadd.s32 $0x3E00, s0;
	s0 =	sadd.s32 $0xF1600, s0  }
0x9: {  	s20 =	sshll.u32 s17, $0x1;
	s10 =	sshll.u32 s17, $0xE;
	s22 =	sshll.u32 s17, $0x6  }
0xa: {  	s26 =	sadd.s32 $0x10, s6;
	p0 =	seq.s32 s17, $0xF;
	_ =	strace $0x8000004A  }
0xb: {  	s7 =	ssub.s32 $0x2, s8;
	s11 =	sor.u32 s8, s20;
	s21 =	sadd.s32 s10, s1  }
0xc: {  	s12 =	sor.u32 $0x40000, s10;
	s13 =	sor.u32 $0x80000, s10;
	s24 =	sor.u32 $0xC0000, s10  }
0xd: {  	s15 =	sor.u32 $0x100000, s10;
	[dreg:$0x5] =	wrdreg s21;
	s14 =	sadd.s32 s12, s1  }
0xe: {  	s16 =	smul.u32 $0x13C000, s8;
	s23 =	sadd.s32 s13, s1;
	[dreg:$0x6] =	wrdreg s14  }
0xf: {  	s9 =	sshrl.u32 s7, $0x1;
	s18 =	sadd.s32 s24, s1;
	[dreg:$0x7] =	wrdreg s23  }
0x10: {  	s11 =	smul.u32 $0x500, s11;
	s25 =	sadd.s32 s15, s1;
	[dreg:$0x8] =	wrdreg s18  }
0x11: {  	s9 =	ssub.s32 s7, s9;
	s7 =	sor.u32 $0x1C03, s22;
	[dreg:$0x9] =	wrdreg s25  }
0x12: {  	s10 =	sadd.s32 s10, s16;
	s12 =	sadd.s32 s16, s12;
	s13 =	sadd.s32 s16, s13  }
0x13: {  	s14 =	sadd.s32 s16, s24;
	s19 =	sadd.s32 s16, s15;
	s24 =	smul.u32 $0xA00, s17  }
0x14: {  	s25 =	smul.u32 $0x500, s8;
	s8 =	simm.s32 $0x0;
	s18 =	sadd.s32 s3, s11  }
0x15: {  	s10 =	sshrl.u32 s10, $0x3;
	s12 =	sshrl.u32 s12, $0x3;
	s13 =	sshrl.u32 s13, $0x3  }
0x16: {  	s20 =	sadd.s32 $0x260, s11;
	s23 =	sadd.s32 $0x4E0, s11;
	s10 =	sadd.s32 s0, s10  }
0x17: {  	s3 =	simm.s32 $0x2;
	s12 =	sadd.s32 s0, s12;
	[dreg:$0xa] =	wrdreg s10  }
0x18: {  	s21 =	sadd.s32 s6, s20;
	s22 =	sadd.s32 s20, s26;
	[dreg:$0xb] =	wrdreg s12  }
0x19: {  	s20 =	sadd.s32 s23, s26;
	s26 =	sadd.s32 s24, s6;
	[dreg:$0xf] =	wrdreg s21  }
0x1a: {  	s10 =	sadd.s32 s0, s13;
	s12 =	sshrl.u32 s19, $0x3;
	[dreg:$0x10] =	wrdreg s22  }
0x1b: {  	s21 =	sadd.s32 s6, s23;
	s19 =	smov.u32 s18;
	s22 =	sadd.s32 $0x280, s18  }
0x1c: {  	s23 =	smax.u32 s9, $0x1;
	[dreg:$0xc] =	wrdreg s10;
	s10 =	sshrl.u32 s14, $0x3  }
0x1d: {  	s24 =	sadd.s32 s25, s26;
	s25 =	simm.s32 $0x3;
	s10 =	sadd.s32 s0, s10  }
0x1e: {  	s26 =	simm.s32 $0x80;
	s0 =	sadd.s32 s0, s12;
	[dreg:$0xd] =	wrdreg s10  }
0x1f: {  	s6 =	simm.s32 $0x1380;
	[dreg:$0xe] =	wrdreg s0;
	s0 =	simm.s32 $0x1480  }
.LBB2_1:
0x20: {  	s9 =	rddreg [dreg:$0x5]  }
0x21: {  	s9 =	sshrl.u32 s9, $0x3  }
0x22: {  	[spmem:s9], [sflag:s7] =	dma.local [hbm:s5], $0x800  }
0x23: {  	_ =	swait.ge [sflag:s25], $0x800  }
0x24: {  	[sflag:s25] =	ssyncset.done $0x0;
	s10 =	rddreg [dreg:$0x6]  }
0x25: {  	[sflag:s25] =	ssyncadd.s32 $0xFFFFF800;
	s10 =	sshrl.u32 s10, $0x3  }
0x26: {  	[spmem:s10], [sflag:s7] =	dma.local [hbm:s5], $0x800  }
0x27: {  	_ =	swait.ge [sflag:s25], $0x800  }
0x28: {  	[sflag:s25] =	ssyncset.done $0x0;
	s11 =	rddreg [dreg:$0x7]  }
0x29: {  	[sflag:s25] =	ssyncadd.s32 $0xFFFFF800;
	s11 =	sshrl.u32 s11, $0x3  }
0x2a: {  	[spmem:s11], [sflag:s7] =	dma.local [hbm:s5], $0x800  }
0x2b: {  	_ =	swait.ge [sflag:s25], $0x800  }
0x2c: {  	[sflag:s25] =	ssyncset.done $0x0;
	s12 =	rddreg [dreg:$0x8]  }
0x2d: {  	[sflag:s25] =	ssyncadd.s32 $0xFFFFF800;
	s13 =	sshrl.u32 s12, $0x3  }
0x2e: {  	[spmem:s13], [sflag:s7] =	dma.local [hbm:s5], $0x800  }
0x2f: {  	_ =	swait.ge [sflag:s25], $0x800  }
0x30: {  	[sflag:s25] =	ssyncset.done $0x0;
	s12 =	rddreg [dreg:$0x9]  }
0x31: {  	[sflag:s25] =	ssyncadd.s32 $0xFFFFF800;
	s14 =	sshrl.u32 @!p0 s12, $0x3;
	s12 =	simm.s32 @!p0 $0x3  }
0x32: {  	[spmem:s14], [sflag:s7] =	dma.local @!p0 [hbm:s5], $0x800  }
0x33: {  	_ =	swait.ge @!p0 [sflag:s12], $0x800  }
0x34: {  	[sflag:s12] =	ssyncset.done @!p0 $0x0  }
0x35: {  	[sflag:s12] =	ssyncadd.s32 @!p0 $0xFFFFF800  }
0x36: {  	[bflag:$0x0] =	sbarrier.arrive $0xFFFF  }
0x37: {  	[tilespmem:s2], [sflag:$0x3] =	stream.linear.gather [hbm4b:s19+s2], $0x1400, $0x38;
	[tilespmem:$0x1D100] =	vst v63  }
0x38: {  	_ =	swait.ge [sflag:s25], $0x1400  }
0x39: {  	[sflag:s25] =	ssyncset.done $0x0  }
0x3a: {  	[sflag:s25] =	ssyncadd.s32 $0xFFFFEC00  }
0x3b: {  	[tilespmem:s28], [sflag:$0x1] =	stream.indirect.gather [hbm4b:s4+s26], $0x80, s2, s26, $0xb8;
	[tilespmem:$0x1D100] =	vst v63  }
0x3c: {  	s17 =	simm.s32 $0x80  }
0x3d: {  	[tilespmem:s29], [sflag:$0x2] =	stream.indirect.gather [hbm4b:s4+s26], $0x80, s17, s26, $0xb8;
	[tilespmem:$0x1D100] =	vst v63  }
0x3e: {  	s18 =	sadd.s32 $0x0, s24  }
0x3f: {  	[tilespmem:s30], [sflag:$0x3] =	stream.linear.gather [hbm4b:s18+s2], $0x80, $0x38;
	[tilespmem:$0x1D100] =	vst v63  }
0x40: {  	_ =	swait.ge [sflag:s25], $0x80  }
0x41: {  	[sflag:s25] =	ssyncset.done $0x0  }
0x42: {  	[sflag:s25] =	ssyncadd.s32 $0xFFFFFF80  }
0x43: {  	_ =	swait.ge [sflag:s31], $0x4000  }
0x44: {  	[sflag:s31] =	ssyncset.done $0x0  }
0x45: {  	[sflag:s31] =	ssyncadd.s32 $0xFFFFC000  }
0x46: {  	[spmem:s1] =	stream.indirect.scatter.add.f32 [tilespmem:s28], [sflag:$0x3], $0x80, s30, s26, $0xb8;
	[tilespmem:$0x1D100] =	vst v63  }
0x47: {  	_ =	swait.ge [sflag:s25], $0x4000  }
0x48: {  	[sflag:s25] =	ssyncset.done $0x0  }
0x49: {  	s15 =	simm.s32 $0x100;
	[sflag:s25] =	ssyncadd.s32 $0xFFFFC000  }
0x4a: {  	[tilespmem:s28], [sflag:$0x1] =	stream.indirect.gather [hbm4b:s4+s26], $0x80, s15, s26, $0xb8;
	[tilespmem:$0x1D100] =	vst v63  }
0x4b: {  	s12 =	sadd.s32 $0x10, s18  }
0x4c: {  	[tilespmem:s0], [sflag:$0x3] =	stream.linear.gather [hbm4b:s12+s2], $0x80, $0x38;
	[tilespmem:$0x1D100] =	vst v63  }
0x4d: {  	_ =	swait.ge [sflag:s25], $0x80  }
0x4e: {  	[sflag:s25] =	ssyncset.done $0x0  }
0x4f: {  	[sflag:s25] =	ssyncadd.s32 $0xFFFFFF80  }
0x50: {  	_ =	swait.ge [sflag:s3], $0x4000  }
0x51: {  	[sflag:s3] =	ssyncset.done $0x0  }
0x52: {  	[sflag:s3] =	ssyncadd.s32 $0xFFFFC000  }
0x53: {  	[spmem:s1] =	stream.indirect.scatter.add.f32 [tilespmem:s29], [sflag:$0x3], $0x80, s0, s26, $0xb8;
	[tilespmem:$0x1D100] =	vst v63  }
0x54: {  	s16 =	simm.s32 $0x40;
	_ =	swait.ge [sflag:s25], $0x4000  }
0x55: {  	s15 =	simm.s32 $0x200;
	s12 =	simm.s32 $0x20;
	[sflag:s25] =	ssyncset.done $0x0  }
.LBB2_2:
0x56: {  	p1 =	sne.s32 s16, $0x240;
	s17 =	sadd.s32 $0xFFFFFF80, s15;
	[sflag:s25] =	ssyncadd.s32 $0xFFFFC000  }
0x57: {  	[tilespmem:s29], [sflag:$0x2] =	stream.indirect.gather [hbm4b:s4+s26], $0x80, s17, s26, $0xb8;
	[tilespmem:$0x1D100] =	vst v63  }
0x58: {  	s17 =	sadd.s32 s12, s24;
	s12 =	smov.u32 s16;
	s16 =	sadd.s32 $0x20, s16  }
0x59: {  	[tilespmem:s30], [sflag:$0x3] =	stream.linear.gather [hbm4b:s17+s2], $0x80, $0x38;
	[tilespmem:$0x1D100] =	vst v63  }
0x5a: {  	_ =	swait.ge [sflag:s25], $0x80  }
0x5b: {  	[sflag:s25] =	ssyncset.done $0x0  }
0x5c: {  	[sflag:s25] =	ssyncadd.s32 $0xFFFFFF80  }
0x5d: {  	_ =	swait.ge [sflag:s31], $0x4000  }
0x5e: {  	[sflag:s31] =	ssyncset.done $0x0  }
0x5f: {  	[sflag:s31] =	ssyncadd.s32 $0xFFFFC000  }
0x60: {  	[spmem:s1] =	stream.indirect.scatter.add.f32 [tilespmem:s28], [sflag:$0x3], $0x80, s30, s26, $0xb8;
	[tilespmem:$0x1D100] =	vst v63  }
0x61: {  	_ =	swait.ge [sflag:s25], $0x4000  }
0x62: {  	[sflag:s25] =	ssyncset.done $0x0  }
0x63: {  	[sflag:s25] =	ssyncadd.s32 $0xFFFFC000  }
0x64: {  	[tilespmem:s28], [sflag:$0x1] =	stream.indirect.gather [hbm4b:s4+s26], $0x80, s15, s26, $0xb8;
	[tilespmem:$0x1D100] =	vst v63  }
0x65: {  	s17 =	sadd.s32 $0x10, s17  }
0x66: {  	[tilespmem:s0], [sflag:$0x3] =	stream.linear.gather [hbm4b:s17+s2], $0x80, $0x38;
	[tilespmem:$0x1D100] =	vst v63  }
0x67: {  	_ =	swait.ge [sflag:s25], $0x80  }
0x68: {  	[sflag:s25] =	ssyncset.done $0x0  }
0x69: {  	[sflag:s25] =	ssyncadd.s32 $0xFFFFFF80  }
0x6a: {  	_ =	swait.ge [sflag:s3], $0x4000  }
.Ltmp0:
0x6b: {  	[sflag:s3] =	ssyncset.done $0x0;
	(pc) =	sbr.rel @p1 .LBB2_2-.Ltmp0, $4  }
0x6c: {  	[sflag:s3] =	ssyncadd.s32 $0xFFFFC000  }
0x6d: {  	[spmem:s1] =	stream.indirect.scatter.add.f32 [tilespmem:s29], [sflag:$0x3], $0x80, s0, s26, $0xb8;
	[tilespmem:$0x1D100] =	vst v63  }
0x6e: {  	_ =	swait.ge [sflag:s25], $0x4000  }
0x6f: {  	s15 =	sadd.s32 $0x100, s15;
	[sflag:s25] =	ssyncset.done $0x0  }
0x70: {  	s16 =	sadd.s32 $0xFFFFFF80, s15;
	[sflag:s25] =	ssyncadd.s32 $0xFFFFC000  }
0x71: {  	[tilespmem:s29], [sflag:$0x2] =	stream.indirect.gather [hbm4b:s4+s26], $0x80, s16, s26, $0xb8;
	[tilespmem:$0x1D100] =	vst v63  }
0x72: {  	s12 =	sadd.s32 s12, s24  }
0x73: {  	[tilespmem:s30], [sflag:$0x3] =	stream.linear.gather [hbm4b:s12+s2], $0x80, $0x38;
	[tilespmem:$0x1D100] =	vst v63  }
0x74: {  	_ =	swait.ge [sflag:s25], $0x80  }
0x75: {  	[sflag:s25] =	ssyncset.done $0x0  }
0x76: {  	[sflag:s25] =	ssyncadd.s32 $0xFFFFFF80  }
0x77: {  	_ =	swait.ge [sflag:s31], $0x4000  }
0x78: {  	[sflag:s31] =	ssyncset.done $0x0  }
0x79: {  	[sflag:s31] =	ssyncadd.s32 $0xFFFFC000  }
0x7a: {  	[spmem:s1] =	stream.indirect.scatter.add.f32 [tilespmem:s28], [sflag:$0x3], $0x80, s30, s26, $0xb8;
	[tilespmem:$0x1D100] =	vst v63  }
0x7b: {  	_ =	swait.ge [sflag:s25], $0x4000  }
0x7c: {  	[sflag:s25] =	ssyncset.done $0x0  }
0x7d: {  	[sflag:s25] =	ssyncadd.s32 $0xFFFFC000  }
0x7e: {  	[tilespmem:s28], [sflag:$0x1] =	stream.indirect.gather [hbm4b:s4+s26], $0x80, s15, s26, $0xb8;
	[tilespmem:$0x1D100] =	vst v63  }
0x7f: {  	s12 =	sadd.s32 $0x10, s12  }
0x80: {  	[tilespmem:s0], [sflag:$0x3] =	stream.linear.gather [hbm4b:s12+s2], $0x80, $0x38;
	[tilespmem:$0x1D100] =	vst v63  }
0x81: {  	_ =	swait.ge [sflag:s25], $0x80  }
0x82: {  	[sflag:s25] =	ssyncset.done $0x0  }
0x83: {  	[sflag:s25] =	ssyncadd.s32 $0xFFFFFF80  }
0x84: {  	_ =	swait.ge [sflag:s3], $0x4000  }
0x85: {  	[sflag:s3] =	ssyncset.done $0x0  }
0x86: {  	[sflag:s3] =	ssyncadd.s32 $0xFFFFC000  }
0x87: {  	[spmem:s1] =	stream.indirect.scatter.add.f32 [tilespmem:s29], [sflag:$0x3], $0x80, s0, s26, $0xb8;
	[tilespmem:$0x1D100] =	vst v63  }
0x88: {  	_ =	swait.ge [sflag:s25], $0x4000  }
0x89: {  	[sflag:s25] =	ssyncset.done $0x0  }
0x8a: {  	[sflag:s25] =	ssyncadd.s32 $0xFFFFC000  }
0x8b: {  	[tilespmem:s29], [sflag:$0x2] =	stream.indirect.gather [hbm4b:s4+s26], $0x80, s6, s26, $0xb8;
	[tilespmem:$0x1D100] =	vst v63  }
0x8c: {  	s17 =	simm.s32 $0x0;
	s18 =	rddreg [dreg:$0xf]  }
0x8d: {  	[tilespmem:s30], [sflag:$0x3] =	stream.linear.gather [hbm4b:s18+s17], $0x80, $0x38;
	[tilespmem:$0x1D100] =	vst v63  }
0x8e: {  	_ =	swait.ge [sflag:s25], $0x80  }
0x8f: {  	[sflag:s25] =	ssyncset.done $0x0  }
0x90: {  	[sflag:s25] =	ssyncadd.s32 $0xFFFFFF80  }
0x91: {  	_ =	swait.ge [sflag:s31], $0x4000  }
0x92: {  	[sflag:s31] =	ssyncset.done $0x0  }
0x93: {  	[sflag:s31] =	ssyncadd.s32 $0xFFFFC000  }
0x94: {  	[spmem:s1] =	stream.indirect.scatter.add.f32 [tilespmem:s28], [sflag:$0x3], $0x80, s30, s26, $0xb8;
	[tilespmem:$0x1D100] =	vst v63  }
0x95: {  	_ =	swait.ge [sflag:s25], $0x4000  }
0x96: {  	[sflag:s25] =	ssyncset.done $0x0  }
0x97: {  	s16 =	rddreg [dreg:$0x10];
	[sflag:s25] =	ssyncadd.s32 $0xFFFFC000  }
0x98: {  	[tilespmem:s0], [sflag:$0x3] =	stream.linear.gather [hbm4b:s16+s17], $0x80, $0x38;
	[tilespmem:$0x1D100] =	vst v63  }
0x99: {  	_ =	swait.ge [sflag:s25], $0x80  }
0x9a: {  	[sflag:s25] =	ssyncset.done $0x0  }
0x9b: {  	[sflag:s25] =	ssyncadd.s32 $0xFFFFFF80  }
0x9c: {  	_ =	swait.ge [sflag:s3], $0x4000  }
0x9d: {  	[sflag:s3] =	ssyncset.done $0x0  }
0x9e: {  	[sflag:s3] =	ssyncadd.s32 $0xFFFFC000  }
0x9f: {  	[spmem:s1] =	stream.indirect.scatter.add.f32 [tilespmem:s29], [sflag:$0x3], $0x80, s0, s26, $0xb8;
	[tilespmem:$0x1D100] =	vst v63  }
0xa0: {  	_ =	swait.ge [sflag:s25], $0x4000  }
0xa1: {  	[sflag:s25] =	ssyncset.done $0x0  }
0xa2: {  	[sflag:s25] =	ssyncadd.s32 $0xFFFFC000  }
0xa3: {  	[tilespmem:s17], [sflag:$0x3] =	stream.linear.gather [hbm4b:s22+s17], $0x1400, $0x38;
	[tilespmem:$0x1D100] =	vst v63  }
0xa4: {  	_ =	swait.ge [sflag:s25], $0x1400  }
0xa5: {  	[sflag:s25] =	ssyncset.done $0x0  }
0xa6: {  	[sflag:s25] =	ssyncadd.s32 $0xFFFFEC00  }
0xa7: {  	[tilespmem:s28], [sflag:$0x1] =	stream.indirect.gather [hbm4b:s4+s26], $0x80, s17, s26, $0xb8;
	[tilespmem:$0x1D100] =	vst v63  }
0xa8: {  	s18 =	sadd.s32 $0x0, s24;
	s17 =	simm.s32 $0x80  }
0xa9: {  	[tilespmem:s29], [sflag:$0x2] =	stream.indirect.gather [hbm4b:s4+s26], $0x80, s17, s26, $0xb8;
	[tilespmem:$0x1D100] =	vst v63  }
0xaa: {  	s16 =	sadd.s32 $0x280, s18  }
0xab: {  	[tilespmem:s30], [sflag:$0x3] =	stream.linear.gather [hbm4b:s16+s2], $0x80, $0x38;
	[tilespmem:$0x1D100] =	vst v63  }
0xac: {  	_ =	swait.ge [sflag:s25], $0x80  }
0xad: {  	[sflag:s25] =	ssyncset.done $0x0  }
0xae: {  	[sflag:s25] =	ssyncadd.s32 $0xFFFFFF80  }
0xaf: {  	_ =	swait.ge [sflag:s31], $0x4000  }
0xb0: {  	[sflag:s31] =	ssyncset.done $0x0  }
0xb1: {  	[sflag:s31] =	ssyncadd.s32 $0xFFFFC000  }
0xb2: {  	[spmem:s1] =	stream.indirect.scatter.add.f32 [tilespmem:s28], [sflag:$0x3], $0x80, s30, s26, $0xb8;
	[tilespmem:$0x1D100] =	vst v63  }
0xb3: {  	_ =	swait.ge [sflag:s25], $0x4000  }
0xb4: {  	[sflag:s25] =	ssyncset.done $0x0  }
0xb5: {  	s17 =	simm.s32 $0x100;
	[sflag:s25] =	ssyncadd.s32 $0xFFFFC000  }
0xb6: {  	[tilespmem:s28], [sflag:$0x1] =	stream.indirect.gather [hbm4b:s4+s26], $0x80, s17, s26, $0xb8;
	[tilespmem:$0x1D100] =	vst v63  }
0xb7: {  	s18 =	sadd.s32 $0x290, s18  }
0xb8: {  	[tilespmem:s0], [sflag:$0x3] =	stream.linear.gather [hbm4b:s18+s2], $0x80, $0x38;
	[tilespmem:$0x1D100] =	vst v63  }
0xb9: {  	_ =	swait.ge [sflag:s25], $0x80  }
0xba: {  	[sflag:s25] =	ssyncset.done $0x0  }
0xbb: {  	[sflag:s25] =	ssyncadd.s32 $0xFFFFFF80  }
0xbc: {  	_ =	swait.ge [sflag:s3], $0x4000  }
0xbd: {  	[sflag:s3] =	ssyncset.done $0x0  }
0xbe: {  	[sflag:s3] =	ssyncadd.s32 $0xFFFFC000  }
0xbf: {  	[spmem:s1] =	stream.indirect.scatter.add.f32 [tilespmem:s29], [sflag:$0x3], $0x80, s0, s26, $0xb8;
	[tilespmem:$0x1D100] =	vst v63  }
0xc0: {  	s15 =	simm.s32 $0x200;
	_ =	swait.ge [sflag:s25], $0x4000  }
0xc1: {  	s12 =	simm.s32 $0x20;
	s16 =	simm.s32 $0x40;
	[sflag:s25] =	ssyncset.done $0x0  }
.LBB2_4:
0xc2: {  	s17 =	sadd.s32 $0xFFFFFF80, s15  }
0xc3: {  	s18 =	sadd.s32 s12, s24;
	[sflag:s25] =	ssyncadd.s32 $0xFFFFC000;
	s12 =	smov.u32 s16  }
0xc4: {  	[tilespmem:s29], [sflag:$0x2] =	stream.indirect.gather [hbm4b:s4+s26], $0x80, s17, s26, $0xb8;
	[tilespmem:$0x1D100] =	vst v63  }
0xc5: {  	p1 =	sne.s32 s16, $0x240;
	s16 =	sadd.s32 $0x20, s16;
	s17 =	sadd.s32 $0x280, s18  }
0xc6: {  	[tilespmem:s30], [sflag:$0x3] =	stream.linear.gather [hbm4b:s17+s2], $0x80, $0x38;
	[tilespmem:$0x1D100] =	vst v63  }
0xc7: {  	_ =	swait.ge [sflag:s25], $0x80  }
0xc8: {  	[sflag:s25] =	ssyncset.done $0x0  }
0xc9: {  	[sflag:s25] =	ssyncadd.s32 $0xFFFFFF80  }
0xca: {  	_ =	swait.ge [sflag:s31], $0x4000  }
0xcb: {  	[sflag:s31] =	ssyncset.done $0x0  }
0xcc: {  	[sflag:s31] =	ssyncadd.s32 $0xFFFFC000  }
0xcd: {  	[spmem:s1] =	stream.indirect.scatter.add.f32 [tilespmem:s28], [sflag:$0x3], $0x80, s30, s26, $0xb8;
	[tilespmem:$0x1D100] =	vst v63  }
0xce: {  	_ =	swait.ge [sflag:s25], $0x4000  }
0xcf: {  	[sflag:s25] =	ssyncset.done $0x0  }
0xd0: {  	[sflag:s25] =	ssyncadd.s32 $0xFFFFC000  }
0xd1: {  	[tilespmem:s28], [sflag:$0x1] =	stream.indirect.gather [hbm4b:s4+s26], $0x80, s15, s26, $0xb8;
	[tilespmem:$0x1D100] =	vst v63  }
0xd2: {  	s17 =	sadd.s32 $0x290, s18  }
0xd3: {  	[tilespmem:s0], [sflag:$0x3] =	stream.linear.gather [hbm4b:s17+s2], $0x80, $0x38;
	[tilespmem:$0x1D100] =	vst v63  }
0xd4: {  	_ =	swait.ge [sflag:s25], $0x80  }
0xd5: {  	[sflag:s25] =	ssyncset.done $0x0  }
0xd6: {  	[sflag:s25] =	ssyncadd.s32 $0xFFFFFF80  }
0xd7: {  	_ =	swait.ge [sflag:s3], $0x4000  }
.Ltmp1:
0xd8: {  	[sflag:s3] =	ssyncset.done $0x0;
	(pc) =	sbr.rel @p1 .LBB2_4-.Ltmp1, $4  }
0xd9: {  	[sflag:s3] =	ssyncadd.s32 $0xFFFFC000  }
0xda: {  	[spmem:s1] =	stream.indirect.scatter.add.f32 [tilespmem:s29], [sflag:$0x3], $0x80, s0, s26, $0xb8;
	[tilespmem:$0x1D100] =	vst v63  }
0xdb: {  	_ =	swait.ge [sflag:s25], $0x4000  }
0xdc: {  	s15 =	sadd.s32 $0x100, s15;
	[sflag:s25] =	ssyncset.done $0x0  }
0xdd: {  	s16 =	sadd.s32 $0xFFFFFF80, s15;
	s12 =	sadd.s32 s12, s24;
	[sflag:s25] =	ssyncadd.s32 $0xFFFFC000  }
0xde: {  	[tilespmem:s29], [sflag:$0x2] =	stream.indirect.gather [hbm4b:s4+s26], $0x80, s16, s26, $0xb8;
	[tilespmem:$0x1D100] =	vst v63  }
0xdf: {  	s18 =	sadd.s32 $0x280, s12  }
0xe0: {  	[tilespmem:s30], [sflag:$0x3] =	stream.linear.gather [hbm4b:s18+s2], $0x80, $0x38;
	[tilespmem:$0x1D100] =	vst v63  }
0xe1: {  	_ =	swait.ge [sflag:s25], $0x80  }
0xe2: {  	[sflag:s25] =	ssyncset.done $0x0  }
0xe3: {  	[sflag:s25] =	ssyncadd.s32 $0xFFFFFF80  }
0xe4: {  	_ =	swait.ge [sflag:s31], $0x4000  }
0xe5: {  	[sflag:s31] =	ssyncset.done $0x0  }
0xe6: {  	[sflag:s31] =	ssyncadd.s32 $0xFFFFC000  }
0xe7: {  	[spmem:s1] =	stream.indirect.scatter.add.f32 [tilespmem:s28], [sflag:$0x3], $0x80, s30, s26, $0xb8;
	[tilespmem:$0x1D100] =	vst v63  }
0xe8: {  	_ =	swait.ge [sflag:s25], $0x4000  }
0xe9: {  	[sflag:s25] =	ssyncset.done $0x0  }
0xea: {  	[sflag:s25] =	ssyncadd.s32 $0xFFFFC000  }
0xeb: {  	[tilespmem:s28], [sflag:$0x1] =	stream.indirect.gather [hbm4b:s4+s26], $0x80, s15, s26, $0xb8;
	[tilespmem:$0x1D100] =	vst v63  }
0xec: {  	s12 =	sadd.s32 $0x290, s12  }
0xed: {  	[tilespmem:s0], [sflag:$0x3] =	stream.linear.gather [hbm4b:s12+s2], $0x80, $0x38;
	[tilespmem:$0x1D100] =	vst v63  }
0xee: {  	_ =	swait.ge [sflag:s25], $0x80  }
0xef: {  	[sflag:s25] =	ssyncset.done $0x0  }
0xf0: {  	[sflag:s25] =	ssyncadd.s32 $0xFFFFFF80  }
0xf1: {  	_ =	swait.ge [sflag:s3], $0x4000  }
0xf2: {  	[sflag:s3] =	ssyncset.done $0x0  }
0xf3: {  	[sflag:s3] =	ssyncadd.s32 $0xFFFFC000  }
0xf4: {  	[spmem:s1] =	stream.indirect.scatter.add.f32 [tilespmem:s29], [sflag:$0x3], $0x80, s0, s26, $0xb8;
	[tilespmem:$0x1D100] =	vst v63  }
0xf5: {  	_ =	swait.ge [sflag:s25], $0x4000  }
0xf6: {  	[sflag:s25] =	ssyncset.done $0x0  }
0xf7: {  	[sflag:s25] =	ssyncadd.s32 $0xFFFFC000  }
0xf8: {  	[tilespmem:s29], [sflag:$0x2] =	stream.indirect.gather [hbm4b:s4+s26], $0x80, s6, s26, $0xb8;
	[tilespmem:$0x1D100] =	vst v63  }
0xf9: {  	_ = 	snop  }
0xfa: {  	[tilespmem:s30], [sflag:$0x3] =	stream.linear.gather [hbm4b:s21+s2], $0x80, $0x38;
	[tilespmem:$0x1D100] =	vst v63  }
0xfb: {  	_ =	swait.ge [sflag:s25], $0x80  }
0xfc: {  	[sflag:s25] =	ssyncset.done $0x0  }
0xfd: {  	[sflag:s25] =	ssyncadd.s32 $0xFFFFFF80  }
0xfe: {  	_ =	swait.ge [sflag:s31], $0x4000  }
0xff: {  	[sflag:s31] =	ssyncset.done $0x0  }
0x100: {  	[sflag:s31] =	ssyncadd.s32 $0xFFFFC000  }
0x101: {  	[spmem:s1] =	stream.indirect.scatter.add.f32 [tilespmem:s28], [sflag:$0x3], $0x80, s30, s26, $0xb8;
	[tilespmem:$0x1D100] =	vst v63  }
0x102: {  	_ =	swait.ge [sflag:s25], $0x4000  }
0x103: {  	[sflag:s25] =	ssyncset.done $0x0  }
0x104: {  	[sflag:s25] =	ssyncadd.s32 $0xFFFFC000  }
0x105: {  	[tilespmem:s0], [sflag:$0x3] =	stream.linear.gather [hbm4b:s20+s2], $0x80, $0x38;
	[tilespmem:$0x1D100] =	vst v63  }
0x106: {  	_ =	swait.ge [sflag:s25], $0x80  }
0x107: {  	[sflag:s25] =	ssyncset.done $0x0  }
0x108: {  	[sflag:s25] =	ssyncadd.s32 $0xFFFFFF80  }
0x109: {  	_ =	swait.ge [sflag:s3], $0x4000  }
0x10a: {  	[sflag:s3] =	ssyncset.done $0x0  }
0x10b: {  	[sflag:s3] =	ssyncadd.s32 $0xFFFFC000  }
0x10c: {  	[spmem:s1] =	stream.indirect.scatter.add.f32 [tilespmem:s29], [sflag:$0x3], $0x80, s0, s26, $0xb8;
	[tilespmem:$0x1D100] =	vst v63  }
0x10d: {  	_ =	swait.ge [sflag:s25], $0x4000  }
0x10e: {  	[sflag:s25] =	ssyncset.done $0x0  }
0x10f: {  	[sflag:s25] =	ssyncadd.s32 $0xFFFFC000  }
0x110: {  	[bflag:$0x0] =	sbarrier.arrive $0xFFFF  }
0x111: {  	s15 =	rddreg [dreg:$0xa]  }
0x112: {  	[hbm:s15], [sflag:s7] =	dma.local [spmem:s9], $0x800  }
0x113: {  	_ =	swait.ge [sflag:s25], $0x800  }
0x114: {  	[sflag:s25] =	ssyncset.done $0x0  }
0x115: {  	s16 =	rddreg [dreg:$0xb];
	[sflag:s25] =	ssyncadd.s32 $0xFFFFF800  }
0x116: {  	[hbm:s16], [sflag:s7] =	dma.local [spmem:s10], $0x800  }
0x117: {  	_ =	swait.ge [sflag:s25], $0x800  }
0x118: {  	[sflag:s25] =	ssyncset.done $0x0  }
0x119: {  	s17 =	rddreg [dreg:$0xc];
	[sflag:s25] =	ssyncadd.s32 $0xFFFFF800  }
0x11a: {  	[hbm:s17], [sflag:s7] =	dma.local [spmem:s11], $0x800  }
0x11b: {  	_ =	swait.ge [sflag:s25], $0x800  }
0x11c: {  	[sflag:s25] =	ssyncset.done $0x0  }
0x11d: {  	s18 =	rddreg [dreg:$0xd];
	[sflag:s25] =	ssyncadd.s32 $0xFFFFF800  }
0x11e: {  	[hbm:s18], [sflag:s7] =	dma.local [spmem:s13], $0x800  }
0x11f: {  	_ =	swait.ge [sflag:s25], $0x800  }
0x120: {  	s8 =	sadd.s32 $0x1, s8;
	[sflag:s25] =	ssyncset.done $0x0  }
0x121: {  	p1 =	sne.s32 s8, s23;
	s9 =	rddreg [dreg:$0xe];
	[sflag:s25] =	ssyncadd.s32 $0xFFFFF800  }
0x122: {  	[hbm:s9], [sflag:s7] =	dma.local @!p0 [spmem:s14], $0x800  }
.Ltmp2:
0x123: {  	_ = 	snop;
	(pc) =	sbr.rel @p1 .LBB2_1-.Ltmp2, $4  }
0x124: {  	s9 =	simm.s32 @!p0 $0x3  }
0x125: {  	_ =	swait.ge @!p0 [sflag:s9], $0x800  }
0x126: {  	[sflag:s9] =	ssyncset.done @!p0 $0x0  }
0x127: {  	[sflag:s9] =	ssyncadd.s32 @!p0 $0xFFFFF800  }
0x128: {  	_ =	sfence.sel $0x180000  }
0x129: {  	[bflag:$0x0] =	sbarrier.arrive $0xFFFF  }
0x12a: {  	_ =	strace $0x9000004A  }
0x12b: {  	s0 =	stileid.u32;
	[bflag:$0x2] =	sbarrier.arrive $0xFFFF  }
0x12c: {  	p0 =	sne.s32 s0, $0x0;
	s0 =	rddreg [dreg:$0x4]  }
0x12d: {  	s0 =	sadd.s32 @!p0 $0x100000, s0  }
0x12e: {  	[sflag:s0] =	ssyncadd.tile.s32 @!p0 $0x1;
	_ =	shalt  }
.Lfunc_end2:
_tile_overlayer_lowered:
.L_overlay_start_2:
0x12f: {  	(tag) =	ssettag $0x2  }
0x130: {  	s0 =	rddreg [dreg:$0x0];
	s2 =	stileid.u32  }
0x131: {  	s1 =	rddreg [dreg:$0x1];
	p0 =	sne.s32 s2, $0x0  }
0x132: {  	s3 =	rddreg [dreg:$0x2];
	[bflag:$0x3] =	sbarrier.arrive $0xFFFF;
	s2 =	simm.s32 @!p0 $0x1C03  }
0x133: {  	[timem:s3], [sflag:s2] =	dma.local @!p0 [hbm:s0], s1  }
0x134: {  	s0 =	simm.s32 @!p0 $0x3  }
0x135: {  	_ =	swait.ge @!p0 [sflag:s0], s1  }
0x136: {  	s1 =	ssub.s32 @!p0 $0x0, s1;
	[sflag:s0] =	ssyncset.done @!p0 $0x0  }
0x137: {  	[sflag:s0] =	ssyncadd.s32 @!p0 s1  }
0x138: {  	[bflag:$0x3] =	sbarrier.arrive $0xFFFF  }
0x139: {  	_ =	shalt  }

// kernel: kernel.16.cloned.1.call-start
scs
__scs_entry_jumppad:
0x0: {  	(pc) =	sbr.rel $0x88, $3  }
0x1: {  	(tag) =	ssettag $0x0;
	lr =	simm.s32 $0x1  }
0x2: {  	[smem:$0x3F99] =	sst lr;
	_ =	strace $0xD0000000  }
0x3: {  	_ = 	snop  }
0x4: {  	_ = 	snop  }
0x5: {  	_ = 	snop  }
0x6: {  	_ = 	snop  }
0x7: {  	_ = 	snop  }
__scs_overlays_trampoline_lowered:
0x8: {  	[smem:$0x3FA8] =	sst s0  }
0x9: {  	[smem:$0x3FA9] =	sst s1  }
0xa: {  	[smem:$0x3FAA] =	sst s2  }
0xb: {  	[smem:$0x3FAB] =	sst s3  }
0xc: {  	[smem:$0x3FAC] =	sst s4  }
0xd: {  	[smem:$0x3FAD] =	sst s5  }
0xe: {  	[smem:$0x3FAE] =	sst s6  }
0xf: {  	[smem:$0x3FAF] =	sst s7  }
0x10: {  	[smem:$0x3FB0] =	sst s8  }
0x11: {  	[smem:$0x3FB1] =	sst s9;
	s0 =	simm.s32 @!p0 $0x0  }
0x12: {  	s1 =	sld [smem:$0x3F97];
	s0 =	simm.s32 @p0 $0x1  }
0x13: {  	[smem:$0x3FB2] =	sst s0;
	s0 =	simm.s32 @!p1 $0x0  }
0x14: {  	s2 =	sld [smem:$0x3F96];
	s0 =	simm.s32 @p1 $0x1  }
0x15: {  	[smem:$0x3FB3] =	sst s0;
	s0 =	simm.s32 @!p2 $0x0  }
0x16: {  	s3 =	sld [smem:$0x3FDB];
	s0 =	simm.s32 @p2 $0x1  }
0x17: {  	s4 =	simm.s32 $0x1BF5;
	[smem:$0x3FB5] =	sst s0  }
0x18: {  	s0 =	sld [smem:$0x3F98];
	_ =	swait.ge [sflag:s4], $0x0  }
0x19: {  	s7 =	sld [smem:$0x3F99]  }
0x1a: {  	s8 =	sadd.s32 $0xFFFFE003, lr  }
0x1b: {  	s9 =	sadd.s32 $0xFFFFFEF7, lr;
	s5 =	simm.s32 $0xFFFFFFFF;
	p2 =	slt.u32 s8, $0xFFFFF086  }
0x1c: {  	p1 =	slt.u32 s9, $0xF7A;
	s5 =	simm.s32 @!p2 $0x0  }
0x1d: {  	s5 =	simm.s32 @p1 $0x1;
	p0 =	seq.s32 s7, s2  }
0x1e: {  	s7 =	smul.u32 @!p0 $0xF7A, s2;
	p2 =	seq.s32 @!p0 s5, $0x0  }
0x1f: {  	s9 =	smul.u32 $0xF7A, s1;
	s8 =	simm.s32 @!p0 $0x1BF5;
	p2 =	por !p2, p0  }
0x20: {  	[sflag:s8] =	ssyncset.s32 @!p0 $0xFFFFF086;
	s6 =	sadd.s32 @!p0 s3, s7;
	s7 =	simm.s32 @!p0 $0x108  }
0x21: {  	s3 =	sadd.s32 s3, s9;
	s6 =	sadd.s32 @!p0 $0x88, s6;
	s7 =	simm.s32 @p2 $0x1082  }
0x22: {  	[simem:s7], [sflag:s8] =	dma.local @!p0 [hbm:s6], $0xF7A  }
0x23: {  	s9 =	sor.u32 $0xD0000000, s2;
	s6 =	simm.s32 $0x108;
	_ =	swait.ge @!p0 [sflag:s8], $0x0  }
0x24: {  	s3 =	sadd.s32 $0x88, s3;
	s6 =	simm.s32 @!p1 $0x1082;
	[sflag:s4] =	ssyncset.s32 $0xFFFFF086  }
0x25: {  	[simem:s6], [sflag:s4] =	dma.local [hbm:s3], $0xF7A  }
0x26: {  	[smem:$0x3F99] =	sst s1;
	(tag) =	ssettag s2;
	_ =	strace s9  }
0x27: {  	s1 =	sld [smem:$0x3FA9]  }
0x28: {  	s2 =	sld [smem:$0x3FAA]  }
0x29: {  	s4 =	sld [smem:$0x3FAC]  }
0x2a: {  	p0 =	seq.s32 s5, $0x0;
	s5 =	sld [smem:$0x3FAD]  }
0x2b: {  	s6 =	sld [smem:$0x3FAE]  }
0x2c: {  	s7 =	sld [smem:$0x3FAF]  }
0x2d: {  	s3 =	simm.s32 $0x108;
	s8 =	sld [smem:$0x3FB0]  }
0x2e: {  	s3 =	simm.s32 @!p0 $0x1082;
	s9 =	sld [smem:$0x3FB1]  }
0x2f: {  	lr =	sadd.s32 s0, s3;
	s0 =	sld [smem:$0x3FA8]  }
0x30: {  	s3 =	sld [smem:$0x3FAB]  }
0x31: {  	[smem:$0x3FB4] =	sst s10  }
0x32: {  	s10 =	sld [smem:$0x3FB2];
	_ =	sdelay $0x3  }
0x33: {  	p0 =	seq.s32 s10, $0x1;
	s10 =	sld [smem:$0x3FB4];
	_ =	sdelay $0x3  }
0x34: {  	[smem:$0x3FB4] =	sst s10  }
0x35: {  	s10 =	sld [smem:$0x3FB3];
	_ =	sdelay $0x3  }
0x36: {  	p1 =	seq.s32 s10, $0x1;
	s10 =	sld [smem:$0x3FB4];
	_ =	sdelay $0x3  }
0x37: {  	[smem:$0x3FB4] =	sst s10  }
0x38: {  	s10 =	sld [smem:$0x3FB5]  }
0x39: {  	_ = 	snop;
	(pc) =	sbr.ind lr, $3  }
0x3a: {  	_ = 	snop  }
0x3b: {  	_ = 	snop  }
0x3c: {  	p2 =	seq.s32 s10, $0x1;
	s10 =	sld [smem:$0x3FB4]  }
0x3d: {  	_ =	shalt  }
0x3e: {  	_ =	shalt  }
0x3f: {  	_ =	shalt  }
0x40: {  	_ =	shalt  }
0x41: {  	_ =	shalt  }
0x42: {  	_ =	shalt  }
0x43: {  	_ =	shalt  }
0x44: {  	_ =	shalt  }
0x45: {  	_ =	shalt  }
0x46: {  	_ =	shalt  }
0x47: {  	_ =	shalt  }
0x48: {  	_ =	shalt  }
0x49: {  	_ =	shalt  }
0x4a: {  	_ =	shalt  }
0x4b: {  	_ =	shalt  }
0x4c: {  	_ =	shalt  }
0x4d: {  	_ =	shalt  }
0x4e: {  	_ =	shalt  }
0x4f: {  	_ =	shalt  }
0x50: {  	_ =	shalt  }
0x51: {  	_ =	shalt  }
0x52: {  	_ =	shalt  }
0x53: {  	_ =	shalt  }
0x54: {  	_ =	shalt  }
0x55: {  	_ =	shalt  }
0x56: {  	_ =	shalt  }
0x57: {  	_ =	shalt  }
0x58: {  	_ =	shalt  }
0x59: {  	_ =	shalt  }
0x5a: {  	_ =	shalt  }
0x5b: {  	_ =	shalt  }
0x5c: {  	_ =	shalt  }
0x5d: {  	_ =	shalt  }
0x5e: {  	_ =	shalt  }
0x5f: {  	_ =	shalt  }
0x60: {  	_ =	shalt  }
0x61: {  	_ =	shalt  }
0x62: {  	_ =	shalt  }
0x63: {  	_ =	shalt  }
0x64: {  	_ =	shalt  }
0x65: {  	_ =	shalt  }
0x66: {  	_ =	shalt  }
0x67: {  	_ =	shalt  }
0x68: {  	_ =	shalt  }
0x69: {  	_ =	shalt  }
0x6a: {  	_ =	shalt  }
0x6b: {  	_ =	shalt  }
0x6c: {  	_ =	shalt  }
0x6d: {  	_ =	shalt  }
0x6e: {  	_ =	shalt  }
0x6f: {  	_ =	shalt  }
0x70: {  	_ =	shalt  }
0x71: {  	_ =	shalt  }
0x72: {  	_ =	shalt  }
0x73: {  	_ =	shalt  }
0x74: {  	_ =	shalt  }
0x75: {  	_ =	shalt  }
0x76: {  	_ =	shalt  }
0x77: {  	_ =	shalt  }
0x78: {  	_ =	shalt  }
0x79: {  	_ =	shalt  }
0x7a: {  	_ =	shalt  }
0x7b: {  	_ =	shalt  }
0x7c: {  	_ =	shalt  }
0x7d: {  	_ =	shalt  }
0x7e: {  	_ =	shalt  }
0x7f: {  	_ =	shalt  }
0x80: {  	_ =	shalt  }
0x81: {  	_ =	shalt  }
0x82: {  	_ =	shalt  }
0x83: {  	_ =	shalt  }
0x84: {  	_ =	shalt  }
0x85: {  	_ =	shalt  }
0x86: {  	_ =	shalt  }
0x87: {  	_ =	shalt  }
.Lfunc_end0:
.L_simem_size_0:
called_computation.2_lowered:
.L_overlay_start_0:
0x88: {  	s2 =	sld [smem:$0x3FD9]  }
0x89: {  	s3 =	sld [smem:$0x3FFE];
	_ =	sdelay $0x1  }
0x8a: {  	s1 =	srdreg.scid  }
0x8b: {  	s0 =	sand.u32 $0x1, s1  }
0x8c: {  	s14 =	sshll.u32 s0, $0xA;
	s2 =	sadd.s32 s3, s2  }
0x8d: {  	s2 =	sadd.s32 s2, s14  }
0x8e: {  	[smem:$0x3FC0] =	sst s2  }
0x8f: {  	_ = 	snop  }
0x90: {  	s2 =	sld [smem:$0x3FD0];
	_ =	sdelay $0x2  }
0x91: {  	s15 =	simm.s32 $0xA;
	s4 =	simm.s32 $0x10  }
0x92: {  	[smem:s4], [sflag:s15] =	dma.local [hbm:s2], $0x1  }
0x93: {  	_ =	swait.eq [sflag:s15], $0x1  }
0x94: {  	[sflag:s15] =	ssyncset.done $0x0  }
0x95: {  	s16 =	sld [smem:$0x11];
	[sflag:s15] =	ssyncadd.s32 $0xFFFFFFFF  }
0x96: {  	s17 =	sld [smem:$0x12];
	(tm) =	ssettm $0x1  }
0x97: {  	s18 =	sld [smem:$0x3FFB];
	_ =	sdelay $0x3  }
0x98: {  	_ =	strace s18  }
0x99: {  	s4 =	sld [smem:$0x3FFC];
	_ =	sdelay $0x3  }
0x9a: {  	_ =	strace s4  }
0x9b: {  	s4 =	sld [smem:$0x3FFD];
	_ =	sdelay $0x3  }
0x9c: {  	_ =	strace s4  }
0x9d: {  	_ =	strace $0x8FFFFFFF  }
0x9e: {  	s19 =	sld [smem:$0x3FDB];
	_ =	sdelay $0x1  }
0x9f: {  	s5 =	simm.s32 $_scs_section_size  }
0xa0: {  	s6 =	simm.s32 $_size__tile_overlayer_lowered;
	s7 =	simm.s32 $_tile_overlayer_lowered  }
0xa1: {  	s22 =	simm.s32 $0x1BFF;
	s21 =	sshll.u32 s7, $0x1;
	s4 =	sadd.s32 s5, s19  }
0xa2: {  	s8 =	simm.s32 $0x0;
	s20 =	sshll.u32 s6, $0x1;
	s6 =	sadd.s32 s21, s4  }
0xa3: {  	[timem:s8], [sflag:s22] =	dma.local [hbm:s6], s20  }
0xa4: {  	_ =	swait.ge [sflag:s22], s20  }
0xa5: {  	s5 =	ssub.s32 $0x0, s20;
	[sflag:s22] =	ssyncset.done $0x0  }
0xa6: {  	[sflag:s22] =	ssyncadd.s32 s5;
	_ =	sdelay $0x1  }
0xa7: {  	s23 =	simm.s32 $0x1B8B  }
0xa8: {  	_ =	swait.ge [sflag:s23], $0x1  }
0xa9: {  	[sflag:s23] =	ssyncset.done $0x0  }
0xaa: {  	s25 =	simm.s32 $0x1B8E;
	s24 =	sld [smem:$0x3FFE];
	[sflag:s23] =	ssyncadd.s32 $0xFFFFFFFF  }
0xab: {  	s26 =	simm.s32 $execute0_lowered;
	[smem:$0x3FD2] =	sst s25  }
0xac: {  	s6 =	sshll.u32 s26, $0x1;
	_ =	strace $0x8000004C;
	[dreg:$0x1] =	wrdreg $0xFFFFFFFF  }
0xad: {  	s28 =	simm.s32 $_size_execute0_lowered;
	s4 =	sadd.s32 s4, s6;
	[dreg:$0x0] =	wrdreg $0x0  }
0xae: {  	s6 =	sshll.u32 s28, $0x1;
	[dreg:$0x2] =	wrdreg s4  }
0xaf: {  	[dreg:$0x3] =	wrdreg s6  }
0xb0: {  	[dreg:$0x4] =	wrdreg $0xC0  }
0xb1: {  	_ =	task [dreg:s8], $0x5FFFF  }
0xb2: {  	[dreg:$0x1] =	wrdreg $0xFFFFFFFF  }
0xb3: {  	[dreg:$0x0] =	wrdreg $0x60  }
0xb4: {  	[dreg:$0x2] =	wrdreg s24  }
0xb5: {  	[dreg:$0x3] =	wrdreg s17  }
0xb6: {  	[dreg:$0x4] =	wrdreg s16  }
0xb7: {  	[dreg:$0x5] =	wrdreg $0x95000  }
0xb8: {  	[dreg:$0x6] =	wrdreg $0x9  }
0xb9: {  	_ =	task.clear_ibuf [dreg:s8], $0x7FFFF;
	_ =	strace $0x9000004C  }
0xba: {  	s29 =	simm.s32 $0x9;
	_ =	strace $0x8000004E  }
0xbb: {  	_ =	swait.ge [sflag:s29], $0x1  }
0xbc: {  	[sflag:s29] =	ssyncadd.s32 $0xFFFFFFFF  }
0xbd: {  	_ =	strace $0x9000004E  }
0xbe: {  	_ =	sfence  }
0xbf: {  	s30 =	sld [smem:$0x0];
	_ =	sdelay $0x2  }
0xc0: {  	s31 =	sshll.u32 s1, $0xD;
	s1 =	sshrl.u32 s1, $0x2  }
0xc1: {  	s3 =	sand.u32 $0x4000, s31;
	s1 =	sadd.s32 s1, s30  }
0xc2: {  	s0 =	sor.u32 s3, s0;
	s1 =	sshll.u32 s1, $0x11  }
0xc3: {  	s0 =	sor.u32 s1, s0  }
0xc4: {  	s0 =	sadd.s32 $0x8F2B, s0  }
0xc5: {  	[sflag:s0] =	ssyncadd.remote.s32 $0x1  }
0xc6: {  	_ =	sfence.sel $0xFFFF  }
0xc7: {  	[dreg:$0x0] =	wrdreg $0xFFFFFFFF;
	(pc) =	sbr.abs _section_cstart, $3  }
0xc8: {  	[dreg:$0x1] =	wrdreg $0xFFFFFFFF  }
0xc9: {  	_ =	task.clear_ibuf [dreg:s8], $0x2FFFF;
	_ =	strace $0x9FFFFFFF  }
0xca: {  	(tm) =	ssettm $0x7FFFFFFF  }
0xcb: {  	_ =	shalt  }
tec
execute0_lowered:
.L_overlay_start_1:
0x0: {  	(tag) =	ssettag $0x1  }
0x1: {  	s0 =	rddreg [dreg:$0x0]  }
0x2: {  	s3 =	rddreg [dreg:$0x1]  }
0x3: {  	s6 =	rddreg [dreg:$0x2]  }
0x4: {  	s1 =	rddreg [dreg:$0x3]  }
0x5: {  	s2 =	simm.s32 $0x0;
	s4 =	srdreg.scid;
	s17 =	stileid.u32  }
0x6: {  	s28 =	simm.s32 $0x1500;
	s29 =	simm.s32 $0x5500;
	s30 =	simm.s32 $0x1400  }
0x7: {  	s31 =	simm.s32 $0x1;
	[smem:$0x7FF] =	sst s2;
	s8 =	sand.u32 $0x1, s4  }
0x8: {  	s4 =	sadd.s32 $0x53600, s0;
	s5 =	sadd.s32 $0x3E00, s0;
	s0 =	sadd.s32 $0xF1600, s0  }
0x9: {  	s20 =	sshll.u32 s17, $0x1;
	s10 =	sshll.u32 s17, $0xE;
	s22 =	sshll.u32 s17, $0x6  }
0xa: {  	s26 =	sadd.s32 $0x10, s6;
	p0 =	seq.s32 s17, $0xF;
	_ =	strace $0x8000004D  }
0xb: {  	s7 =	ssub.s32 $0x2, s8;
	s11 =	sor.u32 s8, s20;
	s21 =	sadd.s32 s10, s1  }
0xc: {  	s12 =	sor.u32 $0x40000, s10;
	s13 =	sor.u32 $0x80000, s10;
	s24 =	sor.u32 $0xC0000, s10  }
0xd: {  	s15 =	sor.u32 $0x100000, s10;
	[dreg:$0x5] =	wrdreg s21;
	s14 =	sadd.s32 s12, s1  }
0xe: {  	s16 =	smul.u32 $0x13C000, s8;
	s23 =	sadd.s32 s13, s1;
	[dreg:$0x6] =	wrdreg s14  }
0xf: {  	s9 =	sshrl.u32 s7, $0x1;
	s18 =	sadd.s32 s24, s1;
	[dreg:$0x7] =	wrdreg s23  }
0x10: {  	s11 =	smul.u32 $0x500, s11;
	s25 =	sadd.s32 s15, s1;
	[dreg:$0x8] =	wrdreg s18  }
0x11: {  	s9 =	ssub.s32 s7, s9;
	s7 =	sor.u32 $0x1C03, s22;
	[dreg:$0x9] =	wrdreg s25  }
0x12: {  	s10 =	sadd.s32 s10, s16;
	s12 =	sadd.s32 s16, s12;
	s13 =	sadd.s32 s16, s13  }
0x13: {  	s14 =	sadd.s32 s16, s24;
	s19 =	sadd.s32 s16, s15;
	s24 =	smul.u32 $0xA00, s17  }
0x14: {  	s25 =	smul.u32 $0x500, s8;
	s8 =	simm.s32 $0x0;
	s18 =	sadd.s32 s3, s11  }
0x15: {  	s10 =	sshrl.u32 s10, $0x3;
	s12 =	sshrl.u32 s12, $0x3;
	s13 =	sshrl.u32 s13, $0x3  }
0x16: {  	s20 =	sadd.s32 $0x260, s11;
	s23 =	sadd.s32 $0x4E0, s11;
	s10 =	sadd.s32 s0, s10  }
0x17: {  	s3 =	simm.s32 $0x2;
	s12 =	sadd.s32 s0, s12;
	[dreg:$0xa] =	wrdreg s10  }
0x18: {  	s21 =	sadd.s32 s6, s20;
	s22 =	sadd.s32 s20, s26;
	[dreg:$0xb] =	wrdreg s12  }
0x19: {  	s20 =	sadd.s32 s23, s26;
	s26 =	sadd.s32 s24, s6;
	[dreg:$0xf] =	wrdreg s21  }
0x1a: {  	s10 =	sadd.s32 s0, s13;
	s12 =	sshrl.u32 s19, $0x3;
	[dreg:$0x10] =	wrdreg s22  }
0x1b: {  	s21 =	sadd.s32 s6, s23;
	s19 =	smov.u32 s18;
	s22 =	sadd.s32 $0x280, s18  }
0x1c: {  	s23 =	smax.u32 s9, $0x1;
	[dreg:$0xc] =	wrdreg s10;
	s10 =	sshrl.u32 s14, $0x3  }
0x1d: {  	s24 =	sadd.s32 s25, s26;
	s25 =	simm.s32 $0x3;
	s10 =	sadd.s32 s0, s10  }
0x1e: {  	s26 =	simm.s32 $0x80;
	s0 =	sadd.s32 s0, s12;
	[dreg:$0xd] =	wrdreg s10  }
0x1f: {  	s6 =	simm.s32 $0x1380;
	[dreg:$0xe] =	wrdreg s0;
	s0 =	simm.s32 $0x1480  }
.LBB2_1:
0x20: {  	s9 =	rddreg [dreg:$0x5]  }
0x21: {  	s9 =	sshrl.u32 s9, $0x3  }
0x22: {  	[spmem:s9], [sflag:s7] =	dma.local [hbm:s5], $0x800  }
0x23: {  	_ =	swait.ge [sflag:s25], $0x800  }
0x24: {  	[sflag:s25] =	ssyncset.done $0x0;
	s10 =	rddreg [dreg:$0x6]  }
0x25: {  	[sflag:s25] =	ssyncadd.s32 $0xFFFFF800;
	s10 =	sshrl.u32 s10, $0x3  }
0x26: {  	[spmem:s10], [sflag:s7] =	dma.local [hbm:s5], $0x800  }
0x27: {  	_ =	swait.ge [sflag:s25], $0x800  }
0x28: {  	[sflag:s25] =	ssyncset.done $0x0;
	s11 =	rddreg [dreg:$0x7]  }
0x29: {  	[sflag:s25] =	ssyncadd.s32 $0xFFFFF800;
	s11 =	sshrl.u32 s11, $0x3  }
0x2a: {  	[spmem:s11], [sflag:s7] =	dma.local [hbm:s5], $0x800  }
0x2b: {  	_ =	swait.ge [sflag:s25], $0x800  }
0x2c: {  	[sflag:s25] =	ssyncset.done $0x0;
	s12 =	rddreg [dreg:$0x8]  }
0x2d: {  	[sflag:s25] =	ssyncadd.s32 $0xFFFFF800;
	s13 =	sshrl.u32 s12, $0x3  }
0x2e: {  	[spmem:s13], [sflag:s7] =	dma.local [hbm:s5], $0x800  }
0x2f: {  	_ =	swait.ge [sflag:s25], $0x800  }
0x30: {  	[sflag:s25] =	ssyncset.done $0x0;
	s12 =	rddreg [dreg:$0x9]  }
0x31: {  	[sflag:s25] =	ssyncadd.s32 $0xFFFFF800;
	s14 =	sshrl.u32 @!p0 s12, $0x3;
	s12 =	simm.s32 @!p0 $0x3  }
0x32: {  	[spmem:s14], [sflag:s7] =	dma.local @!p0 [hbm:s5], $0x800  }
0x33: {  	_ =	swait.ge @!p0 [sflag:s12], $0x800  }
0x34: {  	[sflag:s12] =	ssyncset.done @!p0 $0x0  }
0x35: {  	[sflag:s12] =	ssyncadd.s32 @!p0 $0xFFFFF800  }
0x36: {  	[bflag:$0x0] =	sbarrier.arrive $0xFFFF  }
0x37: {  	[tilespmem:s2], [sflag:$0x3] =	stream.linear.gather [hbm4b:s19+s2], $0x1400, $0x38;
	[tilespmem:$0x1D100] =	vst v63  }
0x38: {  	_ =	swait.ge [sflag:s25], $0x1400  }
0x39: {  	[sflag:s25] =	ssyncset.done $0x0  }
0x3a: {  	[sflag:s25] =	ssyncadd.s32 $0xFFFFEC00  }
0x3b: {  	[tilespmem:s28], [sflag:$0x1] =	stream.indirect.gather [hbm4b:s4+s26], $0x80, s2, s26, $0xb8;
	[tilespmem:$0x1D100] =	vst v63  }
0x3c: {  	s17 =	simm.s32 $0x80  }
0x3d: {  	[tilespmem:s29], [sflag:$0x2] =	stream.indirect.gather [hbm4b:s4+s26], $0x80, s17, s26, $0xb8;
	[tilespmem:$0x1D100] =	vst v63  }
0x3e: {  	s18 =	sadd.s32 $0x0, s24  }
0x3f: {  	[tilespmem:s30], [sflag:$0x3] =	stream.linear.gather [hbm4b:s18+s2], $0x80, $0x38;
	[tilespmem:$0x1D100] =	vst v63  }
0x40: {  	_ =	swait.ge [sflag:s25], $0x80  }
0x41: {  	[sflag:s25] =	ssyncset.done $0x0  }
0x42: {  	[sflag:s25] =	ssyncadd.s32 $0xFFFFFF80  }
0x43: {  	_ =	swait.ge [sflag:s31], $0x4000  }
0x44: {  	[sflag:s31] =	ssyncset.done $0x0  }
0x45: {  	[sflag:s31] =	ssyncadd.s32 $0xFFFFC000  }
0x46: {  	[spmem:s1] =	stream.indirect.scatter.add.f32 [tilespmem:s28], [sflag:$0x3], $0x80, s30, s26, $0xb8;
	[tilespmem:$0x1D100] =	vst v63  }
0x47: {  	_ =	swait.ge [sflag:s25], $0x4000  }
0x48: {  	[sflag:s25] =	ssyncset.done $0x0  }
0x49: {  	s15 =	simm.s32 $0x100;
	[sflag:s25] =	ssyncadd.s32 $0xFFFFC000  }
0x4a: {  	[tilespmem:s28], [sflag:$0x1] =	stream.indirect.gather [hbm4b:s4+s26], $0x80, s15, s26, $0xb8;
	[tilespmem:$0x1D100] =	vst v63  }
0x4b: {  	s12 =	sadd.s32 $0x10, s18  }
0x4c: {  	[tilespmem:s0], [sflag:$0x3] =	stream.linear.gather [hbm4b:s12+s2], $0x80, $0x38;
	[tilespmem:$0x1D100] =	vst v63  }
0x4d: {  	_ =	swait.ge [sflag:s25], $0x80  }
0x4e: {  	[sflag:s25] =	ssyncset.done $0x0  }
0x4f: {  	[sflag:s25] =	ssyncadd.s32 $0xFFFFFF80  }
0x50: {  	_ =	swait.ge [sflag:s3], $0x4000  }
0x51: {  	[sflag:s3] =	ssyncset.done $0x0  }
0x52: {  	[sflag:s3] =	ssyncadd.s32 $0xFFFFC000  }
0x53: {  	[spmem:s1] =	stream.indirect.scatter.add.f32 [tilespmem:s29], [sflag:$0x3], $0x80, s0, s26, $0xb8;
	[tilespmem:$0x1D100] =	vst v63  }
0x54: {  	s16 =	simm.s32 $0x40;
	_ =	swait.ge [sflag:s25], $0x4000  }
0x55: {  	s15 =	simm.s32 $0x200;
	s12 =	simm.s32 $0x20;
	[sflag:s25] =	ssyncset.done $0x0  }
.LBB2_2:
0x56: {  	p1 =	sne.s32 s16, $0x240;
	s17 =	sadd.s32 $0xFFFFFF80, s15;
	[sflag:s25] =	ssyncadd.s32 $0xFFFFC000  }
0x57: {  	[tilespmem:s29], [sflag:$0x2] =	stream.indirect.gather [hbm4b:s4+s26], $0x80, s17, s26, $0xb8;
	[tilespmem:$0x1D100] =	vst v63  }
0x58: {  	s17 =	sadd.s32 s12, s24;
	s12 =	smov.u32 s16;
	s16 =	sadd.s32 $0x20, s16  }
0x59: {  	[tilespmem:s30], [sflag:$0x3] =	stream.linear.gather [hbm4b:s17+s2], $0x80, $0x38;
	[tilespmem:$0x1D100] =	vst v63  }
0x5a: {  	_ =	swait.ge [sflag:s25], $0x80  }
0x5b: {  	[sflag:s25] =	ssyncset.done $0x0  }
0x5c: {  	[sflag:s25] =	ssyncadd.s32 $0xFFFFFF80  }
0x5d: {  	_ =	swait.ge [sflag:s31], $0x4000  }
0x5e: {  	[sflag:s31] =	ssyncset.done $0x0  }
0x5f: {  	[sflag:s31] =	ssyncadd.s32 $0xFFFFC000  }
0x60: {  	[spmem:s1] =	stream.indirect.scatter.add.f32 [tilespmem:s28], [sflag:$0x3], $0x80, s30, s26, $0xb8;
	[tilespmem:$0x1D100] =	vst v63  }
0x61: {  	_ =	swait.ge [sflag:s25], $0x4000  }
0x62: {  	[sflag:s25] =	ssyncset.done $0x0  }
0x63: {  	[sflag:s25] =	ssyncadd.s32 $0xFFFFC000  }
0x64: {  	[tilespmem:s28], [sflag:$0x1] =	stream.indirect.gather [hbm4b:s4+s26], $0x80, s15, s26, $0xb8;
	[tilespmem:$0x1D100] =	vst v63  }
0x65: {  	s17 =	sadd.s32 $0x10, s17  }
0x66: {  	[tilespmem:s0], [sflag:$0x3] =	stream.linear.gather [hbm4b:s17+s2], $0x80, $0x38;
	[tilespmem:$0x1D100] =	vst v63  }
0x67: {  	_ =	swait.ge [sflag:s25], $0x80  }
0x68: {  	[sflag:s25] =	ssyncset.done $0x0  }
0x69: {  	[sflag:s25] =	ssyncadd.s32 $0xFFFFFF80  }
0x6a: {  	_ =	swait.ge [sflag:s3], $0x4000  }
.Ltmp0:
0x6b: {  	[sflag:s3] =	ssyncset.done $0x0;
	(pc) =	sbr.rel @p1 .LBB2_2-.Ltmp0, $4  }
0x6c: {  	[sflag:s3] =	ssyncadd.s32 $0xFFFFC000  }
0x6d: {  	[spmem:s1] =	stream.indirect.scatter.add.f32 [tilespmem:s29], [sflag:$0x3], $0x80, s0, s26, $0xb8;
	[tilespmem:$0x1D100] =	vst v63  }
0x6e: {  	_ =	swait.ge [sflag:s25], $0x4000  }
0x6f: {  	s15 =	sadd.s32 $0x100, s15;
	[sflag:s25] =	ssyncset.done $0x0  }
0x70: {  	s16 =	sadd.s32 $0xFFFFFF80, s15;
	[sflag:s25] =	ssyncadd.s32 $0xFFFFC000  }
0x71: {  	[tilespmem:s29], [sflag:$0x2] =	stream.indirect.gather [hbm4b:s4+s26], $0x80, s16, s26, $0xb8;
	[tilespmem:$0x1D100] =	vst v63  }
0x72: {  	s12 =	sadd.s32 s12, s24  }
0x73: {  	[tilespmem:s30], [sflag:$0x3] =	stream.linear.gather [hbm4b:s12+s2], $0x80, $0x38;
	[tilespmem:$0x1D100] =	vst v63  }
0x74: {  	_ =	swait.ge [sflag:s25], $0x80  }
0x75: {  	[sflag:s25] =	ssyncset.done $0x0  }
0x76: {  	[sflag:s25] =	ssyncadd.s32 $0xFFFFFF80  }
0x77: {  	_ =	swait.ge [sflag:s31], $0x4000  }
0x78: {  	[sflag:s31] =	ssyncset.done $0x0  }
0x79: {  	[sflag:s31] =	ssyncadd.s32 $0xFFFFC000  }
0x7a: {  	[spmem:s1] =	stream.indirect.scatter.add.f32 [tilespmem:s28], [sflag:$0x3], $0x80, s30, s26, $0xb8;
	[tilespmem:$0x1D100] =	vst v63  }
0x7b: {  	_ =	swait.ge [sflag:s25], $0x4000  }
0x7c: {  	[sflag:s25] =	ssyncset.done $0x0  }
0x7d: {  	[sflag:s25] =	ssyncadd.s32 $0xFFFFC000  }
0x7e: {  	[tilespmem:s28], [sflag:$0x1] =	stream.indirect.gather [hbm4b:s4+s26], $0x80, s15, s26, $0xb8;
	[tilespmem:$0x1D100] =	vst v63  }
0x7f: {  	s12 =	sadd.s32 $0x10, s12  }
0x80: {  	[tilespmem:s0], [sflag:$0x3] =	stream.linear.gather [hbm4b:s12+s2], $0x80, $0x38;
	[tilespmem:$0x1D100] =	vst v63  }
0x81: {  	_ =	swait.ge [sflag:s25], $0x80  }
0x82: {  	[sflag:s25] =	ssyncset.done $0x0  }
0x83: {  	[sflag:s25] =	ssyncadd.s32 $0xFFFFFF80  }
0x84: {  	_ =	swait.ge [sflag:s3], $0x4000  }
0x85: {  	[sflag:s3] =	ssyncset.done $0x0  }
0x86: {  	[sflag:s3] =	ssyncadd.s32 $0xFFFFC000  }
0x87: {  	[spmem:s1] =	stream.indirect.scatter.add.f32 [tilespmem:s29], [sflag:$0x3], $0x80, s0, s26, $0xb8;
	[tilespmem:$0x1D100] =	vst v63  }
0x88: {  	_ =	swait.ge [sflag:s25], $0x4000  }
0x89: {  	[sflag:s25] =	ssyncset.done $0x0  }
0x8a: {  	[sflag:s25] =	ssyncadd.s32 $0xFFFFC000  }
0x8b: {  	[tilespmem:s29], [sflag:$0x2] =	stream.indirect.gather [hbm4b:s4+s26], $0x80, s6, s26, $0xb8;
	[tilespmem:$0x1D100] =	vst v63  }
0x8c: {  	s17 =	simm.s32 $0x0;
	s18 =	rddreg [dreg:$0xf]  }
0x8d: {  	[tilespmem:s30], [sflag:$0x3] =	stream.linear.gather [hbm4b:s18+s17], $0x80, $0x38;
	[tilespmem:$0x1D100] =	vst v63  }
0x8e: {  	_ =	swait.ge [sflag:s25], $0x80  }
0x8f: {  	[sflag:s25] =	ssyncset.done $0x0  }
0x90: {  	[sflag:s25] =	ssyncadd.s32 $0xFFFFFF80  }
0x91: {  	_ =	swait.ge [sflag:s31], $0x4000  }
0x92: {  	[sflag:s31] =	ssyncset.done $0x0  }
0x93: {  	[sflag:s31] =	ssyncadd.s32 $0xFFFFC000  }
0x94: {  	[spmem:s1] =	stream.indirect.scatter.add.f32 [tilespmem:s28], [sflag:$0x3], $0x80, s30, s26, $0xb8;
	[tilespmem:$0x1D100] =	vst v63  }
0x95: {  	_ =	swait.ge [sflag:s25], $0x4000  }
0x96: {  	[sflag:s25] =	ssyncset.done $0x0  }
0x97: {  	s16 =	rddreg [dreg:$0x10];
	[sflag:s25] =	ssyncadd.s32 $0xFFFFC000  }
0x98: {  	[tilespmem:s0], [sflag:$0x3] =	stream.linear.gather [hbm4b:s16+s17], $0x80, $0x38;
	[tilespmem:$0x1D100] =	vst v63  }
0x99: {  	_ =	swait.ge [sflag:s25], $0x80  }
0x9a: {  	[sflag:s25] =	ssyncset.done $0x0  }
0x9b: {  	[sflag:s25] =	ssyncadd.s32 $0xFFFFFF80  }
0x9c: {  	_ =	swait.ge [sflag:s3], $0x4000  }
0x9d: {  	[sflag:s3] =	ssyncset.done $0x0  }
0x9e: {  	[sflag:s3] =	ssyncadd.s32 $0xFFFFC000  }
0x9f: {  	[spmem:s1] =	stream.indirect.scatter.add.f32 [tilespmem:s29], [sflag:$0x3], $0x80, s0, s26, $0xb8;
	[tilespmem:$0x1D100] =	vst v63  }
0xa0: {  	_ =	swait.ge [sflag:s25], $0x4000  }
0xa1: {  	[sflag:s25] =	ssyncset.done $0x0  }
0xa2: {  	[sflag:s25] =	ssyncadd.s32 $0xFFFFC000  }
0xa3: {  	[tilespmem:s17], [sflag:$0x3] =	stream.linear.gather [hbm4b:s22+s17], $0x1400, $0x38;
	[tilespmem:$0x1D100] =	vst v63  }
0xa4: {  	_ =	swait.ge [sflag:s25], $0x1400  }
0xa5: {  	[sflag:s25] =	ssyncset.done $0x0  }
0xa6: {  	[sflag:s25] =	ssyncadd.s32 $0xFFFFEC00  }
0xa7: {  	[tilespmem:s28], [sflag:$0x1] =	stream.indirect.gather [hbm4b:s4+s26], $0x80, s17, s26, $0xb8;
	[tilespmem:$0x1D100] =	vst v63  }
0xa8: {  	s18 =	sadd.s32 $0x0, s24;
	s17 =	simm.s32 $0x80  }
0xa9: {  	[tilespmem:s29], [sflag:$0x2] =	stream.indirect.gather [hbm4b:s4+s26], $0x80, s17, s26, $0xb8;
	[tilespmem:$0x1D100] =	vst v63  }
0xaa: {  	s16 =	sadd.s32 $0x280, s18  }
0xab: {  	[tilespmem:s30], [sflag:$0x3] =	stream.linear.gather [hbm4b:s16+s2], $0x80, $0x38;
	[tilespmem:$0x1D100] =	vst v63  }
0xac: {  	_ =	swait.ge [sflag:s25], $0x80  }
0xad: {  	[sflag:s25] =	ssyncset.done $0x0  }
0xae: {  	[sflag:s25] =	ssyncadd.s32 $0xFFFFFF80  }
0xaf: {  	_ =	swait.ge [sflag:s31], $0x4000  }
0xb0: {  	[sflag:s31] =	ssyncset.done $0x0  }
0xb1: {  	[sflag:s31] =	ssyncadd.s32 $0xFFFFC000  }
0xb2: {  	[spmem:s1] =	stream.indirect.scatter.add.f32 [tilespmem:s28], [sflag:$0x3], $0x80, s30, s26, $0xb8;
	[tilespmem:$0x1D100] =	vst v63  }
0xb3: {  	_ =	swait.ge [sflag:s25], $0x4000  }
0xb4: {  	[sflag:s25] =	ssyncset.done $0x0  }
0xb5: {  	s17 =	simm.s32 $0x100;
	[sflag:s25] =	ssyncadd.s32 $0xFFFFC000  }
0xb6: {  	[tilespmem:s28], [sflag:$0x1] =	stream.indirect.gather [hbm4b:s4+s26], $0x80, s17, s26, $0xb8;
	[tilespmem:$0x1D100] =	vst v63  }
0xb7: {  	s18 =	sadd.s32 $0x290, s18  }
0xb8: {  	[tilespmem:s0], [sflag:$0x3] =	stream.linear.gather [hbm4b:s18+s2], $0x80, $0x38;
	[tilespmem:$0x1D100] =	vst v63  }
0xb9: {  	_ =	swait.ge [sflag:s25], $0x80  }
0xba: {  	[sflag:s25] =	ssyncset.done $0x0  }
0xbb: {  	[sflag:s25] =	ssyncadd.s32 $0xFFFFFF80  }
0xbc: {  	_ =	swait.ge [sflag:s3], $0x4000  }
0xbd: {  	[sflag:s3] =	ssyncset.done $0x0  }
0xbe: {  	[sflag:s3] =	ssyncadd.s32 $0xFFFFC000  }
0xbf: {  	[spmem:s1] =	stream.indirect.scatter.add.f32 [tilespmem:s29], [sflag:$0x3], $0x80, s0, s26, $0xb8;
	[tilespmem:$0x1D100] =	vst v63  }
0xc0: {  	s15 =	simm.s32 $0x200;
	_ =	swait.ge [sflag:s25], $0x4000  }
0xc1: {  	s12 =	simm.s32 $0x20;
	s16 =	simm.s32 $0x40;
	[sflag:s25] =	ssyncset.done $0x0  }
.LBB2_4:
0xc2: {  	s17 =	sadd.s32 $0xFFFFFF80, s15  }
0xc3: {  	s18 =	sadd.s32 s12, s24;
	[sflag:s25] =	ssyncadd.s32 $0xFFFFC000;
	s12 =	smov.u32 s16  }
0xc4: {  	[tilespmem:s29], [sflag:$0x2] =	stream.indirect.gather [hbm4b:s4+s26], $0x80, s17, s26, $0xb8;
	[tilespmem:$0x1D100] =	vst v63  }
0xc5: {  	p1 =	sne.s32 s16, $0x240;
	s16 =	sadd.s32 $0x20, s16;
	s17 =	sadd.s32 $0x280, s18  }
0xc6: {  	[tilespmem:s30], [sflag:$0x3] =	stream.linear.gather [hbm4b:s17+s2], $0x80, $0x38;
	[tilespmem:$0x1D100] =	vst v63  }
0xc7: {  	_ =	swait.ge [sflag:s25], $0x80  }
0xc8: {  	[sflag:s25] =	ssyncset.done $0x0  }
0xc9: {  	[sflag:s25] =	ssyncadd.s32 $0xFFFFFF80  }
0xca: {  	_ =	swait.ge [sflag:s31], $0x4000  }
0xcb: {  	[sflag:s31] =	ssyncset.done $0x0  }
0xcc: {  	[sflag:s31] =	ssyncadd.s32 $0xFFFFC000  }
0xcd: {  	[spmem:s1] =	stream.indirect.scatter.add.f32 [tilespmem:s28], [sflag:$0x3], $0x80, s30, s26, $0xb8;
	[tilespmem:$0x1D100] =	vst v63  }
0xce: {  	_ =	swait.ge [sflag:s25], $0x4000  }
0xcf: {  	[sflag:s25] =	ssyncset.done $0x0  }
0xd0: {  	[sflag:s25] =	ssyncadd.s32 $0xFFFFC000  }
0xd1: {  	[tilespmem:s28], [sflag:$0x1] =	stream.indirect.gather [hbm4b:s4+s26], $0x80, s15, s26, $0xb8;
	[tilespmem:$0x1D100] =	vst v63  }
0xd2: {  	s17 =	sadd.s32 $0x290, s18  }
0xd3: {  	[tilespmem:s0], [sflag:$0x3] =	stream.linear.gather [hbm4b:s17+s2], $0x80, $0x38;
	[tilespmem:$0x1D100] =	vst v63  }
0xd4: {  	_ =	swait.ge [sflag:s25], $0x80  }
0xd5: {  	[sflag:s25] =	ssyncset.done $0x0  }
0xd6: {  	[sflag:s25] =	ssyncadd.s32 $0xFFFFFF80  }
0xd7: {  	_ =	swait.ge [sflag:s3], $0x4000  }
.Ltmp1:
0xd8: {  	[sflag:s3] =	ssyncset.done $0x0;
	(pc) =	sbr.rel @p1 .LBB2_4-.Ltmp1, $4  }
0xd9: {  	[sflag:s3] =	ssyncadd.s32 $0xFFFFC000  }
0xda: {  	[spmem:s1] =	stream.indirect.scatter.add.f32 [tilespmem:s29], [sflag:$0x3], $0x80, s0, s26, $0xb8;
	[tilespmem:$0x1D100] =	vst v63  }
0xdb: {  	_ =	swait.ge [sflag:s25], $0x4000  }
0xdc: {  	s15 =	sadd.s32 $0x100, s15;
	[sflag:s25] =	ssyncset.done $0x0  }
0xdd: {  	s16 =	sadd.s32 $0xFFFFFF80, s15;
	s12 =	sadd.s32 s12, s24;
	[sflag:s25] =	ssyncadd.s32 $0xFFFFC000  }
0xde: {  	[tilespmem:s29], [sflag:$0x2] =	stream.indirect.gather [hbm4b:s4+s26], $0x80, s16, s26, $0xb8;
	[tilespmem:$0x1D100] =	vst v63  }
0xdf: {  	s18 =	sadd.s32 $0x280, s12  }
0xe0: {  	[tilespmem:s30], [sflag:$0x3] =	stream.linear.gather [hbm4b:s18+s2], $0x80, $0x38;
	[tilespmem:$0x1D100] =	vst v63  }
0xe1: {  	_ =	swait.ge [sflag:s25], $0x80  }
0xe2: {  	[sflag:s25] =	ssyncset.done $0x0  }
0xe3: {  	[sflag:s25] =	ssyncadd.s32 $0xFFFFFF80  }
0xe4: {  	_ =	swait.ge [sflag:s31], $0x4000  }
0xe5: {  	[sflag:s31] =	ssyncset.done $0x0  }
0xe6: {  	[sflag:s31] =	ssyncadd.s32 $0xFFFFC000  }
0xe7: {  	[spmem:s1] =	stream.indirect.scatter.add.f32 [tilespmem:s28], [sflag:$0x3], $0x80, s30, s26, $0xb8;
	[tilespmem:$0x1D100] =	vst v63  }
0xe8: {  	_ =	swait.ge [sflag:s25], $0x4000  }
0xe9: {  	[sflag:s25] =	ssyncset.done $0x0  }
0xea: {  	[sflag:s25] =	ssyncadd.s32 $0xFFFFC000  }
0xeb: {  	[tilespmem:s28], [sflag:$0x1] =	stream.indirect.gather [hbm4b:s4+s26], $0x80, s15, s26, $0xb8;
	[tilespmem:$0x1D100] =	vst v63  }
0xec: {  	s12 =	sadd.s32 $0x290, s12  }
0xed: {  	[tilespmem:s0], [sflag:$0x3] =	stream.linear.gather [hbm4b:s12+s2], $0x80, $0x38;
	[tilespmem:$0x1D100] =	vst v63  }
0xee: {  	_ =	swait.ge [sflag:s25], $0x80  }
0xef: {  	[sflag:s25] =	ssyncset.done $0x0  }
0xf0: {  	[sflag:s25] =	ssyncadd.s32 $0xFFFFFF80  }
0xf1: {  	_ =	swait.ge [sflag:s3], $0x4000  }
0xf2: {  	[sflag:s3] =	ssyncset.done $0x0  }
0xf3: {  	[sflag:s3] =	ssyncadd.s32 $0xFFFFC000  }
0xf4: {  	[spmem:s1] =	stream.indirect.scatter.add.f32 [tilespmem:s29], [sflag:$0x3], $0x80, s0, s26, $0xb8;
	[tilespmem:$0x1D100] =	vst v63  }
0xf5: {  	_ =	swait.ge [sflag:s25], $0x4000  }
0xf6: {  	[sflag:s25] =	ssyncset.done $0x0  }
0xf7: {  	[sflag:s25] =	ssyncadd.s32 $0xFFFFC000  }
0xf8: {  	[tilespmem:s29], [sflag:$0x2] =	stream.indirect.gather [hbm4b:s4+s26], $0x80, s6, s26, $0xb8;
	[tilespmem:$0x1D100] =	vst v63  }
0xf9: {  	_ = 	snop  }
0xfa: {  	[tilespmem:s30], [sflag:$0x3] =	stream.linear.gather [hbm4b:s21+s2], $0x80, $0x38;
	[tilespmem:$0x1D100] =	vst v63  }
0xfb: {  	_ =	swait.ge [sflag:s25], $0x80  }
0xfc: {  	[sflag:s25] =	ssyncset.done $0x0  }
0xfd: {  	[sflag:s25] =	ssyncadd.s32 $0xFFFFFF80  }
0xfe: {  	_ =	swait.ge [sflag:s31], $0x4000  }
0xff: {  	[sflag:s31] =	ssyncset.done $0x0  }
0x100: {  	[sflag:s31] =	ssyncadd.s32 $0xFFFFC000  }
0x101: {  	[spmem:s1] =	stream.indirect.scatter.add.f32 [tilespmem:s28], [sflag:$0x3], $0x80, s30, s26, $0xb8;
	[tilespmem:$0x1D100] =	vst v63  }
0x102: {  	_ =	swait.ge [sflag:s25], $0x4000  }
0x103: {  	[sflag:s25] =	ssyncset.done $0x0  }
0x104: {  	[sflag:s25] =	ssyncadd.s32 $0xFFFFC000  }
0x105: {  	[tilespmem:s0], [sflag:$0x3] =	stream.linear.gather [hbm4b:s20+s2], $0x80, $0x38;
	[tilespmem:$0x1D100] =	vst v63  }
0x106: {  	_ =	swait.ge [sflag:s25], $0x80  }
0x107: {  	[sflag:s25] =	ssyncset.done $0x0  }
0x108: {  	[sflag:s25] =	ssyncadd.s32 $0xFFFFFF80  }
0x109: {  	_ =	swait.ge [sflag:s3], $0x4000  }
0x10a: {  	[sflag:s3] =	ssyncset.done $0x0  }
0x10b: {  	[sflag:s3] =	ssyncadd.s32 $0xFFFFC000  }
0x10c: {  	[spmem:s1] =	stream.indirect.scatter.add.f32 [tilespmem:s29], [sflag:$0x3], $0x80, s0, s26, $0xb8;
	[tilespmem:$0x1D100] =	vst v63  }
0x10d: {  	_ =	swait.ge [sflag:s25], $0x4000  }
0x10e: {  	[sflag:s25] =	ssyncset.done $0x0  }
0x10f: {  	[sflag:s25] =	ssyncadd.s32 $0xFFFFC000  }
0x110: {  	[bflag:$0x0] =	sbarrier.arrive $0xFFFF  }
0x111: {  	s15 =	rddreg [dreg:$0xa]  }
0x112: {  	[hbm:s15], [sflag:s7] =	dma.local [spmem:s9], $0x800  }
0x113: {  	_ =	swait.ge [sflag:s25], $0x800  }
0x114: {  	[sflag:s25] =	ssyncset.done $0x0  }
0x115: {  	s16 =	rddreg [dreg:$0xb];
	[sflag:s25] =	ssyncadd.s32 $0xFFFFF800  }
0x116: {  	[hbm:s16], [sflag:s7] =	dma.local [spmem:s10], $0x800  }
0x117: {  	_ =	swait.ge [sflag:s25], $0x800  }
0x118: {  	[sflag:s25] =	ssyncset.done $0x0  }
0x119: {  	s17 =	rddreg [dreg:$0xc];
	[sflag:s25] =	ssyncadd.s32 $0xFFFFF800  }
0x11a: {  	[hbm:s17], [sflag:s7] =	dma.local [spmem:s11], $0x800  }
0x11b: {  	_ =	swait.ge [sflag:s25], $0x800  }
0x11c: {  	[sflag:s25] =	ssyncset.done $0x0  }
0x11d: {  	s18 =	rddreg [dreg:$0xd];
	[sflag:s25] =	ssyncadd.s32 $0xFFFFF800  }
0x11e: {  	[hbm:s18], [sflag:s7] =	dma.local [spmem:s13], $0x800  }
0x11f: {  	_ =	swait.ge [sflag:s25], $0x800  }
0x120: {  	s8 =	sadd.s32 $0x1, s8;
	[sflag:s25] =	ssyncset.done $0x0  }
0x121: {  	p1 =	sne.s32 s8, s23;
	s9 =	rddreg [dreg:$0xe];
	[sflag:s25] =	ssyncadd.s32 $0xFFFFF800  }
0x122: {  	[hbm:s9], [sflag:s7] =	dma.local @!p0 [spmem:s14], $0x800  }
.Ltmp2:
0x123: {  	_ = 	snop;
	(pc) =	sbr.rel @p1 .LBB2_1-.Ltmp2, $4  }
0x124: {  	s9 =	simm.s32 @!p0 $0x3  }
0x125: {  	_ =	swait.ge @!p0 [sflag:s9], $0x800  }
0x126: {  	[sflag:s9] =	ssyncset.done @!p0 $0x0  }
0x127: {  	[sflag:s9] =	ssyncadd.s32 @!p0 $0xFFFFF800  }
0x128: {  	_ =	sfence.sel $0x180000  }
0x129: {  	[bflag:$0x0] =	sbarrier.arrive $0xFFFF  }
0x12a: {  	_ =	strace $0x9000004D  }
0x12b: {  	s0 =	stileid.u32;
	[bflag:$0x2] =	sbarrier.arrive $0xFFFF  }
0x12c: {  	p0 =	sne.s32 s0, $0x0;
	s0 =	rddreg [dreg:$0x4]  }
0x12d: {  	s0 =	sadd.s32 @!p0 $0x100000, s0  }
0x12e: {  	[sflag:s0] =	ssyncadd.tile.s32 @!p0 $0x1;
	_ =	shalt  }
.Lfunc_end2:
_tile_overlayer_lowered:
.L_overlay_start_2:
0x12f: {  	(tag) =	ssettag $0x2  }
0x130: {  	s0 =	rddreg [dreg:$0x0];
	s2 =	stileid.u32  }
0x131: {  	s1 =	rddreg [dreg:$0x1];
	p0 =	sne.s32 s2, $0x0  }
0x132: {  	s3 =	rddreg [dreg:$0x2];
	[bflag:$0x3] =	sbarrier.arrive $0xFFFF;
	s2 =	simm.s32 @!p0 $0x1C03  }
0x133: {  	[timem:s3], [sflag:s2] =	dma.local @!p0 [hbm:s0], s1  }
0x134: {  	s0 =	simm.s32 @!p0 $0x3  }
0x135: {  	_ =	swait.ge @!p0 [sflag:s0], s1  }
0x136: {  	s1 =	ssub.s32 @!p0 $0x0, s1;
	[sflag:s0] =	ssyncset.done @!p0 $0x0  }
0x137: {  	[sflag:s0] =	ssyncadd.s32 @!p0 s1  }
0x138: {  	[bflag:$0x3] =	sbarrier.arrive $0xFFFF  }
0x139: {  	_ =	shalt  }

// kernel: kernel.19.cloned.1.call-start
scs
__scs_entry_jumppad:
0x0: {  	(pc) =	sbr.rel $0x88, $3  }
0x1: {  	(tag) =	ssettag $0x0;
	lr =	simm.s32 $0x1  }
0x2: {  	[smem:$0x3F99] =	sst lr;
	_ =	strace $0xD0000000  }
0x3: {  	_ = 	snop  }
0x4: {  	_ = 	snop  }
0x5: {  	_ = 	snop  }
0x6: {  	_ = 	snop  }
0x7: {  	_ = 	snop  }
__scs_overlays_trampoline_lowered:
0x8: {  	[smem:$0x3FA8] =	sst s0  }
0x9: {  	[smem:$0x3FA9] =	sst s1  }
0xa: {  	[smem:$0x3FAA] =	sst s2  }
0xb: {  	[smem:$0x3FAB] =	sst s3  }
0xc: {  	[smem:$0x3FAC] =	sst s4  }
0xd: {  	[smem:$0x3FAD] =	sst s5  }
0xe: {  	[smem:$0x3FAE] =	sst s6  }
0xf: {  	[smem:$0x3FAF] =	sst s7  }
0x10: {  	[smem:$0x3FB0] =	sst s8  }
0x11: {  	[smem:$0x3FB1] =	sst s9;
	s0 =	simm.s32 @!p0 $0x0  }
0x12: {  	s1 =	sld [smem:$0x3F97];
	s0 =	simm.s32 @p0 $0x1  }
0x13: {  	[smem:$0x3FB2] =	sst s0;
	s0 =	simm.s32 @!p1 $0x0  }
0x14: {  	s2 =	sld [smem:$0x3F96];
	s0 =	simm.s32 @p1 $0x1  }
0x15: {  	[smem:$0x3FB3] =	sst s0;
	s0 =	simm.s32 @!p2 $0x0  }
0x16: {  	s3 =	sld [smem:$0x3FDB];
	s0 =	simm.s32 @p2 $0x1  }
0x17: {  	s4 =	simm.s32 $0x1BF5;
	[smem:$0x3FB5] =	sst s0  }
0x18: {  	s0 =	sld [smem:$0x3F98];
	_ =	swait.ge [sflag:s4], $0x0  }
0x19: {  	s7 =	sld [smem:$0x3F99]  }
0x1a: {  	s8 =	sadd.s32 $0xFFFFE003, lr  }
0x1b: {  	s9 =	sadd.s32 $0xFFFFFEF7, lr;
	s5 =	simm.s32 $0xFFFFFFFF;
	p2 =	slt.u32 s8, $0xFFFFF086  }
0x1c: {  	p1 =	slt.u32 s9, $0xF7A;
	s5 =	simm.s32 @!p2 $0x0  }
0x1d: {  	s5 =	simm.s32 @p1 $0x1;
	p0 =	seq.s32 s7, s2  }
0x1e: {  	s7 =	smul.u32 @!p0 $0xF7A, s2;
	p2 =	seq.s32 @!p0 s5, $0x0  }
0x1f: {  	s9 =	smul.u32 $0xF7A, s1;
	s8 =	simm.s32 @!p0 $0x1BF5;
	p2 =	por !p2, p0  }
0x20: {  	[sflag:s8] =	ssyncset.s32 @!p0 $0xFFFFF086;
	s6 =	sadd.s32 @!p0 s3, s7;
	s7 =	simm.s32 @!p0 $0x108  }
0x21: {  	s3 =	sadd.s32 s3, s9;
	s6 =	sadd.s32 @!p0 $0x88, s6;
	s7 =	simm.s32 @p2 $0x1082  }
0x22: {  	[simem:s7], [sflag:s8] =	dma.local @!p0 [hbm:s6], $0xF7A  }
0x23: {  	s9 =	sor.u32 $0xD0000000, s2;
	s6 =	simm.s32 $0x108;
	_ =	swait.ge @!p0 [sflag:s8], $0x0  }
0x24: {  	s3 =	sadd.s32 $0x88, s3;
	s6 =	simm.s32 @!p1 $0x1082;
	[sflag:s4] =	ssyncset.s32 $0xFFFFF086  }
0x25: {  	[simem:s6], [sflag:s4] =	dma.local [hbm:s3], $0xF7A  }
0x26: {  	[smem:$0x3F99] =	sst s1;
	(tag) =	ssettag s2;
	_ =	strace s9  }
0x27: {  	s1 =	sld [smem:$0x3FA9]  }
0x28: {  	s2 =	sld [smem:$0x3FAA]  }
0x29: {  	s4 =	sld [smem:$0x3FAC]  }
0x2a: {  	p0 =	seq.s32 s5, $0x0;
	s5 =	sld [smem:$0x3FAD]  }
0x2b: {  	s6 =	sld [smem:$0x3FAE]  }
0x2c: {  	s7 =	sld [smem:$0x3FAF]  }
0x2d: {  	s3 =	simm.s32 $0x108;
	s8 =	sld [smem:$0x3FB0]  }
0x2e: {  	s3 =	simm.s32 @!p0 $0x1082;
	s9 =	sld [smem:$0x3FB1]  }
0x2f: {  	lr =	sadd.s32 s0, s3;
	s0 =	sld [smem:$0x3FA8]  }
0x30: {  	s3 =	sld [smem:$0x3FAB]  }
0x31: {  	[smem:$0x3FB4] =	sst s10  }
0x32: {  	s10 =	sld [smem:$0x3FB2];
	_ =	sdelay $0x3  }
0x33: {  	p0 =	seq.s32 s10, $0x1;
	s10 =	sld [smem:$0x3FB4];
	_ =	sdelay $0x3  }
0x34: {  	[smem:$0x3FB4] =	sst s10  }
0x35: {  	s10 =	sld [smem:$0x3FB3];
	_ =	sdelay $0x3  }
0x36: {  	p1 =	seq.s32 s10, $0x1;
	s10 =	sld [smem:$0x3FB4];
	_ =	sdelay $0x3  }
0x37: {  	[smem:$0x3FB4] =	sst s10  }
0x38: {  	s10 =	sld [smem:$0x3FB5]  }
0x39: {  	_ = 	snop;
	(pc) =	sbr.ind lr, $3  }
0x3a: {  	_ = 	snop  }
0x3b: {  	_ = 	snop  }
0x3c: {  	p2 =	seq.s32 s10, $0x1;
	s10 =	sld [smem:$0x3FB4]  }
0x3d: {  	_ =	shalt  }
0x3e: {  	_ =	shalt  }
0x3f: {  	_ =	shalt  }
0x40: {  	_ =	shalt  }
0x41: {  	_ =	shalt  }
0x42: {  	_ =	shalt  }
0x43: {  	_ =	shalt  }
0x44: {  	_ =	shalt  }
0x45: {  	_ =	shalt  }
0x46: {  	_ =	shalt  }
0x47: {  	_ =	shalt  }
0x48: {  	_ =	shalt  }
0x49: {  	_ =	shalt  }
0x4a: {  	_ =	shalt  }
0x4b: {  	_ =	shalt  }
0x4c: {  	_ =	shalt  }
0x4d: {  	_ =	shalt  }
0x4e: {  	_ =	shalt  }
0x4f: {  	_ =	shalt  }
0x50: {  	_ =	shalt  }
0x51: {  	_ =	shalt  }
0x52: {  	_ =	shalt  }
0x53: {  	_ =	shalt  }
0x54: {  	_ =	shalt  }
0x55: {  	_ =	shalt  }
0x56: {  	_ =	shalt  }
0x57: {  	_ =	shalt  }
0x58: {  	_ =	shalt  }
0x59: {  	_ =	shalt  }
0x5a: {  	_ =	shalt  }
0x5b: {  	_ =	shalt  }
0x5c: {  	_ =	shalt  }
0x5d: {  	_ =	shalt  }
0x5e: {  	_ =	shalt  }
0x5f: {  	_ =	shalt  }
0x60: {  	_ =	shalt  }
0x61: {  	_ =	shalt  }
0x62: {  	_ =	shalt  }
0x63: {  	_ =	shalt  }
0x64: {  	_ =	shalt  }
0x65: {  	_ =	shalt  }
0x66: {  	_ =	shalt  }
0x67: {  	_ =	shalt  }
0x68: {  	_ =	shalt  }
0x69: {  	_ =	shalt  }
0x6a: {  	_ =	shalt  }
0x6b: {  	_ =	shalt  }
0x6c: {  	_ =	shalt  }
0x6d: {  	_ =	shalt  }
0x6e: {  	_ =	shalt  }
0x6f: {  	_ =	shalt  }
0x70: {  	_ =	shalt  }
0x71: {  	_ =	shalt  }
0x72: {  	_ =	shalt  }
0x73: {  	_ =	shalt  }
0x74: {  	_ =	shalt  }
0x75: {  	_ =	shalt  }
0x76: {  	_ =	shalt  }
0x77: {  	_ =	shalt  }
0x78: {  	_ =	shalt  }
0x79: {  	_ =	shalt  }
0x7a: {  	_ =	shalt  }
0x7b: {  	_ =	shalt  }
0x7c: {  	_ =	shalt  }
0x7d: {  	_ =	shalt  }
0x7e: {  	_ =	shalt  }
0x7f: {  	_ =	shalt  }
0x80: {  	_ =	shalt  }
0x81: {  	_ =	shalt  }
0x82: {  	_ =	shalt  }
0x83: {  	_ =	shalt  }
0x84: {  	_ =	shalt  }
0x85: {  	_ =	shalt  }
0x86: {  	_ =	shalt  }
0x87: {  	_ =	shalt  }
.Lfunc_end0:
.L_simem_size_0:
called_computation.3_lowered:
.L_overlay_start_0:
0x88: {  	s2 =	sld [smem:$0x3FD9]  }
0x89: {  	s3 =	sld [smem:$0x3FFE];
	_ =	sdelay $0x1  }
0x8a: {  	s1 =	srdreg.scid  }
0x8b: {  	s0 =	sand.u32 $0x1, s1  }
0x8c: {  	s14 =	sshll.u32 s0, $0xA;
	s2 =	sadd.s32 s3, s2  }
0x8d: {  	s2 =	sadd.s32 s2, s14  }
0x8e: {  	[smem:$0x3FC0] =	sst s2  }
0x8f: {  	_ = 	snop  }
0x90: {  	s2 =	sld [smem:$0x3FD0];
	_ =	sdelay $0x2  }
0x91: {  	s15 =	simm.s32 $0xA;
	s4 =	simm.s32 $0x10  }
0x92: {  	[smem:s4], [sflag:s15] =	dma.local [hbm:s2], $0x1  }
0x93: {  	_ =	swait.eq [sflag:s15], $0x1  }
0x94: {  	[sflag:s15] =	ssyncset.done $0x0  }
0x95: {  	s16 =	sld [smem:$0x11];
	[sflag:s15] =	ssyncadd.s32 $0xFFFFFFFF  }
0x96: {  	s17 =	sld [smem:$0x12];
	(tm) =	ssettm $0x1  }
0x97: {  	s18 =	sld [smem:$0x3FFB];
	_ =	sdelay $0x3  }
0x98: {  	_ =	strace s18  }
0x99: {  	s4 =	sld [smem:$0x3FFC];
	_ =	sdelay $0x3  }
0x9a: {  	_ =	strace s4  }
0x9b: {  	s4 =	sld [smem:$0x3FFD];
	_ =	sdelay $0x3  }
0x9c: {  	_ =	strace s4  }
0x9d: {  	_ =	strace $0x8FFFFFFF  }
0x9e: {  	s19 =	sld [smem:$0x3FDB];
	_ =	sdelay $0x1  }
0x9f: {  	s5 =	simm.s32 $_scs_section_size  }
0xa0: {  	s6 =	simm.s32 $_size__tile_overlayer_lowered;
	s7 =	simm.s32 $_tile_overlayer_lowered  }
0xa1: {  	s22 =	simm.s32 $0x1BFF;
	s21 =	sshll.u32 s7, $0x1;
	s4 =	sadd.s32 s5, s19  }
0xa2: {  	s8 =	simm.s32 $0x0;
	s20 =	sshll.u32 s6, $0x1;
	s6 =	sadd.s32 s21, s4  }
0xa3: {  	[timem:s8], [sflag:s22] =	dma.local [hbm:s6], s20  }
0xa4: {  	_ =	swait.ge [sflag:s22], s20  }
0xa5: {  	s5 =	ssub.s32 $0x0, s20;
	[sflag:s22] =	ssyncset.done $0x0  }
0xa6: {  	[sflag:s22] =	ssyncadd.s32 s5;
	_ =	sdelay $0x1  }
0xa7: {  	s23 =	simm.s32 $0x1B8B  }
0xa8: {  	_ =	swait.ge [sflag:s23], $0x1  }
0xa9: {  	[sflag:s23] =	ssyncset.done $0x0  }
0xaa: {  	s25 =	simm.s32 $0x1B8E;
	s24 =	sld [smem:$0x3FFE];
	[sflag:s23] =	ssyncadd.s32 $0xFFFFFFFF  }
0xab: {  	s26 =	simm.s32 $execute0_lowered;
	[smem:$0x3FD2] =	sst s25  }
0xac: {  	s6 =	sshll.u32 s26, $0x1;
	_ =	strace $0x8000004F;
	[dreg:$0x1] =	wrdreg $0xFFFFFFFF  }
0xad: {  	s28 =	simm.s32 $_size_execute0_lowered;
	s4 =	sadd.s32 s4, s6;
	[dreg:$0x0] =	wrdreg $0x0  }
0xae: {  	s6 =	sshll.u32 s28, $0x1;
	[dreg:$0x2] =	wrdreg s4  }
0xaf: {  	[dreg:$0x3] =	wrdreg s6  }
0xb0: {  	[dreg:$0x4] =	wrdreg $0xC0  }
0xb1: {  	_ =	task [dreg:s8], $0x5FFFF  }
0xb2: {  	[dreg:$0x1] =	wrdreg $0xFFFFFFFF  }
0xb3: {  	[dreg:$0x0] =	wrdreg $0x60  }
0xb4: {  	[dreg:$0x2] =	wrdreg s24  }
0xb5: {  	[dreg:$0x3] =	wrdreg s17  }
0xb6: {  	[dreg:$0x4] =	wrdreg s16  }
0xb7: {  	[dreg:$0x5] =	wrdreg $0x95000  }
0xb8: {  	[dreg:$0x6] =	wrdreg $0x9  }
0xb9: {  	_ =	task.clear_ibuf [dreg:s8], $0x7FFFF;
	_ =	strace $0x9000004F  }
0xba: {  	s29 =	simm.s32 $0x9;
	_ =	strace $0x80000051  }
0xbb: {  	_ =	swait.ge [sflag:s29], $0x1  }
0xbc: {  	[sflag:s29] =	ssyncadd.s32 $0xFFFFFFFF  }
0xbd: {  	_ =	strace $0x90000051  }
0xbe: {  	_ =	sfence  }
0xbf: {  	s30 =	sld [smem:$0x0];
	_ =	sdelay $0x2  }
0xc0: {  	s31 =	sshll.u32 s1, $0xD;
	s1 =	sshrl.u32 s1, $0x2  }
0xc1: {  	s3 =	sand.u32 $0x4000, s31;
	s1 =	sadd.s32 s1, s30  }
0xc2: {  	s0 =	sor.u32 s3, s0;
	s1 =	sshll.u32 s1, $0x11  }
0xc3: {  	s0 =	sor.u32 s1, s0  }
0xc4: {  	s0 =	sadd.s32 $0x8F2B, s0  }
0xc5: {  	[sflag:s0] =	ssyncadd.remote.s32 $0x1  }
0xc6: {  	_ =	sfence.sel $0xFFFF  }
0xc7: {  	[dreg:$0x0] =	wrdreg $0xFFFFFFFF;
	(pc) =	sbr.abs _section_cstart, $3  }
0xc8: {  	[dreg:$0x1] =	wrdreg $0xFFFFFFFF  }
0xc9: {  	_ =	task.clear_ibuf [dreg:s8], $0x2FFFF;
	_ =	strace $0x9FFFFFFF  }
0xca: {  	(tm) =	ssettm $0x7FFFFFFF  }
0xcb: {  	_ =	shalt  }
tec
execute0_lowered:
.L_overlay_start_1:
0x0: {  	(tag) =	ssettag $0x1  }
0x1: {  	s0 =	rddreg [dreg:$0x0]  }
0x2: {  	s3 =	rddreg [dreg:$0x1]  }
0x3: {  	s6 =	rddreg [dreg:$0x2]  }
0x4: {  	s1 =	rddreg [dreg:$0x3]  }
0x5: {  	s2 =	simm.s32 $0x0;
	s4 =	srdreg.scid;
	s17 =	stileid.u32  }
0x6: {  	s28 =	simm.s32 $0x1500;
	s29 =	simm.s32 $0x5500;
	s30 =	simm.s32 $0x1400  }
0x7: {  	s31 =	simm.s32 $0x1;
	[smem:$0x7FF] =	sst s2;
	s8 =	sand.u32 $0x1, s4  }
0x8: {  	s4 =	sadd.s32 $0x4600, s0;
	s5 =	sadd.s32 $0x3E00, s0;
	s0 =	sadd.s32 $0x2BE00, s0  }
0x9: {  	s20 =	sshll.u32 s17, $0x1;
	s10 =	sshll.u32 s17, $0xE;
	s22 =	sshll.u32 s17, $0x6  }
0xa: {  	s26 =	sadd.s32 $0x10, s6;
	p0 =	seq.s32 s17, $0xF;
	_ =	strace $0x80000050  }
0xb: {  	s7 =	ssub.s32 $0x2, s8;
	s11 =	sor.u32 s8, s20;
	s21 =	sadd.s32 s10, s1  }
0xc: {  	s12 =	sor.u32 $0x40000, s10;
	s13 =	sor.u32 $0x80000, s10;
	s24 =	sor.u32 $0xC0000, s10  }
0xd: {  	s15 =	sor.u32 $0x100000, s10;
	[dreg:$0x5] =	wrdreg s21;
	s14 =	sadd.s32 s12, s1  }
0xe: {  	s16 =	smul.u32 $0x13C000, s8;
	s23 =	sadd.s32 s13, s1;
	[dreg:$0x6] =	wrdreg s14  }
0xf: {  	s9 =	sshrl.u32 s7, $0x1;
	s18 =	sadd.s32 s24, s1;
	[dreg:$0x7] =	wrdreg s23  }
0x10: {  	s11 =	smul.u32 $0x500, s11;
	s25 =	sadd.s32 s15, s1;
	[dreg:$0x8] =	wrdreg s18  }
0x11: {  	s9 =	ssub.s32 s7, s9;
	s7 =	sor.u32 $0x1C03, s22;
	[dreg:$0x9] =	wrdreg s25  }
0x12: {  	s10 =	sadd.s32 s10, s16;
	s12 =	sadd.s32 s16, s12;
	s13 =	sadd.s32 s16, s13  }
0x13: {  	s14 =	sadd.s32 s16, s24;
	s19 =	sadd.s32 s16, s15;
	s24 =	smul.u32 $0xA00, s17  }
0x14: {  	s25 =	smul.u32 $0x500, s8;
	s8 =	simm.s32 $0x0;
	s18 =	sadd.s32 s3, s11  }
0x15: {  	s10 =	sshrl.u32 s10, $0x3;
	s12 =	sshrl.u32 s12, $0x3;
	s13 =	sshrl.u32 s13, $0x3  }
0x16: {  	s20 =	sadd.s32 $0x260, s11;
	s23 =	sadd.s32 $0x4E0, s11;
	s10 =	sadd.s32 s0, s10  }
0x17: {  	s3 =	simm.s32 $0x2;
	s12 =	sadd.s32 s0, s12;
	[dreg:$0xa] =	wrdreg s10  }
0x18: {  	s21 =	sadd.s32 s6, s20;
	s22 =	sadd.s32 s20, s26;
	[dreg:$0xb] =	wrdreg s12  }
0x19: {  	s20 =	sadd.s32 s23, s26;
	s26 =	sadd.s32 s24, s6;
	[dreg:$0xf] =	wrdreg s21  }
0x1a: {  	s10 =	sadd.s32 s0, s13;
	s12 =	sshrl.u32 s19, $0x3;
	[dreg:$0x10] =	wrdreg s22  }
0x1b: {  	s21 =	sadd.s32 s6, s23;
	s19 =	smov.u32 s18;
	s22 =	sadd.s32 $0x280, s18  }
0x1c: {  	s23 =	smax.u32 s9, $0x1;
	[dreg:$0xc] =	wrdreg s10;
	s10 =	sshrl.u32 s14, $0x3  }
0x1d: {  	s24 =	sadd.s32 s25, s26;
	s25 =	simm.s32 $0x3;
	s10 =	sadd.s32 s0, s10  }
0x1e: {  	s26 =	simm.s32 $0x80;
	s0 =	sadd.s32 s0, s12;
	[dreg:$0xd] =	wrdreg s10  }
0x1f: {  	s6 =	simm.s32 $0x1380;
	[dreg:$0xe] =	wrdreg s0;
	s0 =	simm.s32 $0x1480  }
.LBB2_1:
0x20: {  	s9 =	rddreg [dreg:$0x5]  }
0x21: {  	s9 =	sshrl.u32 s9, $0x3  }
0x22: {  	[spmem:s9], [sflag:s7] =	dma.local [hbm:s5], $0x800  }
0x23: {  	_ =	swait.ge [sflag:s25], $0x800  }
0x24: {  	[sflag:s25] =	ssyncset.done $0x0;
	s10 =	rddreg [dreg:$0x6]  }
0x25: {  	[sflag:s25] =	ssyncadd.s32 $0xFFFFF800;
	s10 =	sshrl.u32 s10, $0x3  }
0x26: {  	[spmem:s10], [sflag:s7] =	dma.local [hbm:s5], $0x800  }
0x27: {  	_ =	swait.ge [sflag:s25], $0x800  }
0x28: {  	[sflag:s25] =	ssyncset.done $0x0;
	s11 =	rddreg [dreg:$0x7]  }
0x29: {  	[sflag:s25] =	ssyncadd.s32 $0xFFFFF800;
	s11 =	sshrl.u32 s11, $0x3  }
0x2a: {  	[spmem:s11], [sflag:s7] =	dma.local [hbm:s5], $0x800  }
0x2b: {  	_ =	swait.ge [sflag:s25], $0x800  }
0x2c: {  	[sflag:s25] =	ssyncset.done $0x0;
	s12 =	rddreg [dreg:$0x8]  }
0x2d: {  	[sflag:s25] =	ssyncadd.s32 $0xFFFFF800;
	s13 =	sshrl.u32 s12, $0x3  }
0x2e: {  	[spmem:s13], [sflag:s7] =	dma.local [hbm:s5], $0x800  }
0x2f: {  	_ =	swait.ge [sflag:s25], $0x800  }
0x30: {  	[sflag:s25] =	ssyncset.done $0x0;
	s12 =	rddreg [dreg:$0x9]  }
0x31: {  	[sflag:s25] =	ssyncadd.s32 $0xFFFFF800;
	s14 =	sshrl.u32 @!p0 s12, $0x3;
	s12 =	simm.s32 @!p0 $0x3  }
0x32: {  	[spmem:s14], [sflag:s7] =	dma.local @!p0 [hbm:s5], $0x800  }
0x33: {  	_ =	swait.ge @!p0 [sflag:s12], $0x800  }
0x34: {  	[sflag:s12] =	ssyncset.done @!p0 $0x0  }
0x35: {  	[sflag:s12] =	ssyncadd.s32 @!p0 $0xFFFFF800  }
0x36: {  	[bflag:$0x0] =	sbarrier.arrive $0xFFFF  }
0x37: {  	[tilespmem:s2], [sflag:$0x3] =	stream.linear.gather [hbm4b:s19+s2], $0x1400, $0x38;
	[tilespmem:$0x1D100] =	vst v63  }
0x38: {  	_ =	swait.ge [sflag:s25], $0x1400  }
0x39: {  	[sflag:s25] =	ssyncset.done $0x0  }
0x3a: {  	[sflag:s25] =	ssyncadd.s32 $0xFFFFEC00  }
0x3b: {  	[tilespmem:s28], [sflag:$0x1] =	stream.indirect.gather [hbm4b:s4+s26], $0x80, s2, s26, $0xb8;
	[tilespmem:$0x1D100] =	vst v63  }
0x3c: {  	s17 =	simm.s32 $0x80  }
0x3d: {  	[tilespmem:s29], [sflag:$0x2] =	stream.indirect.gather [hbm4b:s4+s26], $0x80, s17, s26, $0xb8;
	[tilespmem:$0x1D100] =	vst v63  }
0x3e: {  	s18 =	sadd.s32 $0x0, s24  }
0x3f: {  	[tilespmem:s30], [sflag:$0x3] =	stream.linear.gather [hbm4b:s18+s2], $0x80, $0x38;
	[tilespmem:$0x1D100] =	vst v63  }
0x40: {  	_ =	swait.ge [sflag:s25], $0x80  }
0x41: {  	[sflag:s25] =	ssyncset.done $0x0  }
0x42: {  	[sflag:s25] =	ssyncadd.s32 $0xFFFFFF80  }
0x43: {  	_ =	swait.ge [sflag:s31], $0x4000  }
0x44: {  	[sflag:s31] =	ssyncset.done $0x0  }
0x45: {  	[sflag:s31] =	ssyncadd.s32 $0xFFFFC000  }
0x46: {  	[spmem:s1] =	stream.indirect.scatter.add.f32 [tilespmem:s28], [sflag:$0x3], $0x80, s30, s26, $0xb8;
	[tilespmem:$0x1D100] =	vst v63  }
0x47: {  	_ =	swait.ge [sflag:s25], $0x4000  }
0x48: {  	[sflag:s25] =	ssyncset.done $0x0  }
0x49: {  	s15 =	simm.s32 $0x100;
	[sflag:s25] =	ssyncadd.s32 $0xFFFFC000  }
0x4a: {  	[tilespmem:s28], [sflag:$0x1] =	stream.indirect.gather [hbm4b:s4+s26], $0x80, s15, s26, $0xb8;
	[tilespmem:$0x1D100] =	vst v63  }
0x4b: {  	s12 =	sadd.s32 $0x10, s18  }
0x4c: {  	[tilespmem:s0], [sflag:$0x3] =	stream.linear.gather [hbm4b:s12+s2], $0x80, $0x38;
	[tilespmem:$0x1D100] =	vst v63  }
0x4d: {  	_ =	swait.ge [sflag:s25], $0x80  }
0x4e: {  	[sflag:s25] =	ssyncset.done $0x0  }
0x4f: {  	[sflag:s25] =	ssyncadd.s32 $0xFFFFFF80  }
0x50: {  	_ =	swait.ge [sflag:s3], $0x4000  }
0x51: {  	[sflag:s3] =	ssyncset.done $0x0  }
0x52: {  	[sflag:s3] =	ssyncadd.s32 $0xFFFFC000  }
0x53: {  	[spmem:s1] =	stream.indirect.scatter.add.f32 [tilespmem:s29], [sflag:$0x3], $0x80, s0, s26, $0xb8;
	[tilespmem:$0x1D100] =	vst v63  }
0x54: {  	s16 =	simm.s32 $0x40;
	_ =	swait.ge [sflag:s25], $0x4000  }
0x55: {  	s15 =	simm.s32 $0x200;
	s12 =	simm.s32 $0x20;
	[sflag:s25] =	ssyncset.done $0x0  }
.LBB2_2:
0x56: {  	p1 =	sne.s32 s16, $0x240;
	s17 =	sadd.s32 $0xFFFFFF80, s15;
	[sflag:s25] =	ssyncadd.s32 $0xFFFFC000  }
0x57: {  	[tilespmem:s29], [sflag:$0x2] =	stream.indirect.gather [hbm4b:s4+s26], $0x80, s17, s26, $0xb8;
	[tilespmem:$0x1D100] =	vst v63  }
0x58: {  	s17 =	sadd.s32 s12, s24;
	s12 =	smov.u32 s16;
	s16 =	sadd.s32 $0x20, s16  }
0x59: {  	[tilespmem:s30], [sflag:$0x3] =	stream.linear.gather [hbm4b:s17+s2], $0x80, $0x38;
	[tilespmem:$0x1D100] =	vst v63  }
0x5a: {  	_ =	swait.ge [sflag:s25], $0x80  }
0x5b: {  	[sflag:s25] =	ssyncset.done $0x0  }
0x5c: {  	[sflag:s25] =	ssyncadd.s32 $0xFFFFFF80  }
0x5d: {  	_ =	swait.ge [sflag:s31], $0x4000  }
0x5e: {  	[sflag:s31] =	ssyncset.done $0x0  }
0x5f: {  	[sflag:s31] =	ssyncadd.s32 $0xFFFFC000  }
0x60: {  	[spmem:s1] =	stream.indirect.scatter.add.f32 [tilespmem:s28], [sflag:$0x3], $0x80, s30, s26, $0xb8;
	[tilespmem:$0x1D100] =	vst v63  }
0x61: {  	_ =	swait.ge [sflag:s25], $0x4000  }
0x62: {  	[sflag:s25] =	ssyncset.done $0x0  }
0x63: {  	[sflag:s25] =	ssyncadd.s32 $0xFFFFC000  }
0x64: {  	[tilespmem:s28], [sflag:$0x1] =	stream.indirect.gather [hbm4b:s4+s26], $0x80, s15, s26, $0xb8;
	[tilespmem:$0x1D100] =	vst v63  }
0x65: {  	s17 =	sadd.s32 $0x10, s17  }
0x66: {  	[tilespmem:s0], [sflag:$0x3] =	stream.linear.gather [hbm4b:s17+s2], $0x80, $0x38;
	[tilespmem:$0x1D100] =	vst v63  }
0x67: {  	_ =	swait.ge [sflag:s25], $0x80  }
0x68: {  	[sflag:s25] =	ssyncset.done $0x0  }
0x69: {  	[sflag:s25] =	ssyncadd.s32 $0xFFFFFF80  }
0x6a: {  	_ =	swait.ge [sflag:s3], $0x4000  }
.Ltmp0:
0x6b: {  	[sflag:s3] =	ssyncset.done $0x0;
	(pc) =	sbr.rel @p1 .LBB2_2-.Ltmp0, $4  }
0x6c: {  	[sflag:s3] =	ssyncadd.s32 $0xFFFFC000  }
0x6d: {  	[spmem:s1] =	stream.indirect.scatter.add.f32 [tilespmem:s29], [sflag:$0x3], $0x80, s0, s26, $0xb8;
	[tilespmem:$0x1D100] =	vst v63  }
0x6e: {  	_ =	swait.ge [sflag:s25], $0x4000  }
0x6f: {  	s15 =	sadd.s32 $0x100, s15;
	[sflag:s25] =	ssyncset.done $0x0  }
0x70: {  	s16 =	sadd.s32 $0xFFFFFF80, s15;
	[sflag:s25] =	ssyncadd.s32 $0xFFFFC000  }
0x71: {  	[tilespmem:s29], [sflag:$0x2] =	stream.indirect.gather [hbm4b:s4+s26], $0x80, s16, s26, $0xb8;
	[tilespmem:$0x1D100] =	vst v63  }
0x72: {  	s12 =	sadd.s32 s12, s24  }
0x73: {  	[tilespmem:s30], [sflag:$0x3] =	stream.linear.gather [hbm4b:s12+s2], $0x80, $0x38;
	[tilespmem:$0x1D100] =	vst v63  }
0x74: {  	_ =	swait.ge [sflag:s25], $0x80  }
0x75: {  	[sflag:s25] =	ssyncset.done $0x0  }
0x76: {  	[sflag:s25] =	ssyncadd.s32 $0xFFFFFF80  }
0x77: {  	_ =	swait.ge [sflag:s31], $0x4000  }
0x78: {  	[sflag:s31] =	ssyncset.done $0x0  }
0x79: {  	[sflag:s31] =	ssyncadd.s32 $0xFFFFC000  }
0x7a: {  	[spmem:s1] =	stream.indirect.scatter.add.f32 [tilespmem:s28], [sflag:$0x3], $0x80, s30, s26, $0xb8;
	[tilespmem:$0x1D100] =	vst v63  }
0x7b: {  	_ =	swait.ge [sflag:s25], $0x4000  }
0x7c: {  	[sflag:s25] =	ssyncset.done $0x0  }
0x7d: {  	[sflag:s25] =	ssyncadd.s32 $0xFFFFC000  }
0x7e: {  	[tilespmem:s28], [sflag:$0x1] =	stream.indirect.gather [hbm4b:s4+s26], $0x80, s15, s26, $0xb8;
	[tilespmem:$0x1D100] =	vst v63  }
0x7f: {  	s12 =	sadd.s32 $0x10, s12  }
0x80: {  	[tilespmem:s0], [sflag:$0x3] =	stream.linear.gather [hbm4b:s12+s2], $0x80, $0x38;
	[tilespmem:$0x1D100] =	vst v63  }
0x81: {  	_ =	swait.ge [sflag:s25], $0x80  }
0x82: {  	[sflag:s25] =	ssyncset.done $0x0  }
0x83: {  	[sflag:s25] =	ssyncadd.s32 $0xFFFFFF80  }
0x84: {  	_ =	swait.ge [sflag:s3], $0x4000  }
0x85: {  	[sflag:s3] =	ssyncset.done $0x0  }
0x86: {  	[sflag:s3] =	ssyncadd.s32 $0xFFFFC000  }
0x87: {  	[spmem:s1] =	stream.indirect.scatter.add.f32 [tilespmem:s29], [sflag:$0x3], $0x80, s0, s26, $0xb8;
	[tilespmem:$0x1D100] =	vst v63  }
0x88: {  	_ =	swait.ge [sflag:s25], $0x4000  }
0x89: {  	[sflag:s25] =	ssyncset.done $0x0  }
0x8a: {  	[sflag:s25] =	ssyncadd.s32 $0xFFFFC000  }
0x8b: {  	[tilespmem:s29], [sflag:$0x2] =	stream.indirect.gather [hbm4b:s4+s26], $0x80, s6, s26, $0xb8;
	[tilespmem:$0x1D100] =	vst v63  }
0x8c: {  	s17 =	simm.s32 $0x0;
	s18 =	rddreg [dreg:$0xf]  }
0x8d: {  	[tilespmem:s30], [sflag:$0x3] =	stream.linear.gather [hbm4b:s18+s17], $0x80, $0x38;
	[tilespmem:$0x1D100] =	vst v63  }
0x8e: {  	_ =	swait.ge [sflag:s25], $0x80  }
0x8f: {  	[sflag:s25] =	ssyncset.done $0x0  }
0x90: {  	[sflag:s25] =	ssyncadd.s32 $0xFFFFFF80  }
0x91: {  	_ =	swait.ge [sflag:s31], $0x4000  }
0x92: {  	[sflag:s31] =	ssyncset.done $0x0  }
0x93: {  	[sflag:s31] =	ssyncadd.s32 $0xFFFFC000  }
0x94: {  	[spmem:s1] =	stream.indirect.scatter.add.f32 [tilespmem:s28], [sflag:$0x3], $0x80, s30, s26, $0xb8;
	[tilespmem:$0x1D100] =	vst v63  }
0x95: {  	_ =	swait.ge [sflag:s25], $0x4000  }
0x96: {  	[sflag:s25] =	ssyncset.done $0x0  }
0x97: {  	s16 =	rddreg [dreg:$0x10];
	[sflag:s25] =	ssyncadd.s32 $0xFFFFC000  }
0x98: {  	[tilespmem:s0], [sflag:$0x3] =	stream.linear.gather [hbm4b:s16+s17], $0x80, $0x38;
	[tilespmem:$0x1D100] =	vst v63  }
0x99: {  	_ =	swait.ge [sflag:s25], $0x80  }
0x9a: {  	[sflag:s25] =	ssyncset.done $0x0  }
0x9b: {  	[sflag:s25] =	ssyncadd.s32 $0xFFFFFF80  }
0x9c: {  	_ =	swait.ge [sflag:s3], $0x4000  }
0x9d: {  	[sflag:s3] =	ssyncset.done $0x0  }
0x9e: {  	[sflag:s3] =	ssyncadd.s32 $0xFFFFC000  }
0x9f: {  	[spmem:s1] =	stream.indirect.scatter.add.f32 [tilespmem:s29], [sflag:$0x3], $0x80, s0, s26, $0xb8;
	[tilespmem:$0x1D100] =	vst v63  }
0xa0: {  	_ =	swait.ge [sflag:s25], $0x4000  }
0xa1: {  	[sflag:s25] =	ssyncset.done $0x0  }
0xa2: {  	[sflag:s25] =	ssyncadd.s32 $0xFFFFC000  }
0xa3: {  	[tilespmem:s17], [sflag:$0x3] =	stream.linear.gather [hbm4b:s22+s17], $0x1400, $0x38;
	[tilespmem:$0x1D100] =	vst v63  }
0xa4: {  	_ =	swait.ge [sflag:s25], $0x1400  }
0xa5: {  	[sflag:s25] =	ssyncset.done $0x0  }
0xa6: {  	[sflag:s25] =	ssyncadd.s32 $0xFFFFEC00  }
0xa7: {  	[tilespmem:s28], [sflag:$0x1] =	stream.indirect.gather [hbm4b:s4+s26], $0x80, s17, s26, $0xb8;
	[tilespmem:$0x1D100] =	vst v63  }
0xa8: {  	s18 =	sadd.s32 $0x0, s24;
	s17 =	simm.s32 $0x80  }
0xa9: {  	[tilespmem:s29], [sflag:$0x2] =	stream.indirect.gather [hbm4b:s4+s26], $0x80, s17, s26, $0xb8;
	[tilespmem:$0x1D100] =	vst v63  }
0xaa: {  	s16 =	sadd.s32 $0x280, s18  }
0xab: {  	[tilespmem:s30], [sflag:$0x3] =	stream.linear.gather [hbm4b:s16+s2], $0x80, $0x38;
	[tilespmem:$0x1D100] =	vst v63  }
0xac: {  	_ =	swait.ge [sflag:s25], $0x80  }
0xad: {  	[sflag:s25] =	ssyncset.done $0x0  }
0xae: {  	[sflag:s25] =	ssyncadd.s32 $0xFFFFFF80  }
0xaf: {  	_ =	swait.ge [sflag:s31], $0x4000  }
0xb0: {  	[sflag:s31] =	ssyncset.done $0x0  }
0xb1: {  	[sflag:s31] =	ssyncadd.s32 $0xFFFFC000  }
0xb2: {  	[spmem:s1] =	stream.indirect.scatter.add.f32 [tilespmem:s28], [sflag:$0x3], $0x80, s30, s26, $0xb8;
	[tilespmem:$0x1D100] =	vst v63  }
0xb3: {  	_ =	swait.ge [sflag:s25], $0x4000  }
0xb4: {  	[sflag:s25] =	ssyncset.done $0x0  }
0xb5: {  	s17 =	simm.s32 $0x100;
	[sflag:s25] =	ssyncadd.s32 $0xFFFFC000  }
0xb6: {  	[tilespmem:s28], [sflag:$0x1] =	stream.indirect.gather [hbm4b:s4+s26], $0x80, s17, s26, $0xb8;
	[tilespmem:$0x1D100] =	vst v63  }
0xb7: {  	s18 =	sadd.s32 $0x290, s18  }
0xb8: {  	[tilespmem:s0], [sflag:$0x3] =	stream.linear.gather [hbm4b:s18+s2], $0x80, $0x38;
	[tilespmem:$0x1D100] =	vst v63  }
0xb9: {  	_ =	swait.ge [sflag:s25], $0x80  }
0xba: {  	[sflag:s25] =	ssyncset.done $0x0  }
0xbb: {  	[sflag:s25] =	ssyncadd.s32 $0xFFFFFF80  }
0xbc: {  	_ =	swait.ge [sflag:s3], $0x4000  }
0xbd: {  	[sflag:s3] =	ssyncset.done $0x0  }
0xbe: {  	[sflag:s3] =	ssyncadd.s32 $0xFFFFC000  }
0xbf: {  	[spmem:s1] =	stream.indirect.scatter.add.f32 [tilespmem:s29], [sflag:$0x3], $0x80, s0, s26, $0xb8;
	[tilespmem:$0x1D100] =	vst v63  }
0xc0: {  	s15 =	simm.s32 $0x200;
	_ =	swait.ge [sflag:s25], $0x4000  }
0xc1: {  	s12 =	simm.s32 $0x20;
	s16 =	simm.s32 $0x40;
	[sflag:s25] =	ssyncset.done $0x0  }
.LBB2_4:
0xc2: {  	s17 =	sadd.s32 $0xFFFFFF80, s15  }
0xc3: {  	s18 =	sadd.s32 s12, s24;
	[sflag:s25] =	ssyncadd.s32 $0xFFFFC000;
	s12 =	smov.u32 s16  }
0xc4: {  	[tilespmem:s29], [sflag:$0x2] =	stream.indirect.gather [hbm4b:s4+s26], $0x80, s17, s26, $0xb8;
	[tilespmem:$0x1D100] =	vst v63  }
0xc5: {  	p1 =	sne.s32 s16, $0x240;
	s16 =	sadd.s32 $0x20, s16;
	s17 =	sadd.s32 $0x280, s18  }
0xc6: {  	[tilespmem:s30], [sflag:$0x3] =	stream.linear.gather [hbm4b:s17+s2], $0x80, $0x38;
	[tilespmem:$0x1D100] =	vst v63  }
0xc7: {  	_ =	swait.ge [sflag:s25], $0x80  }
0xc8: {  	[sflag:s25] =	ssyncset.done $0x0  }
0xc9: {  	[sflag:s25] =	ssyncadd.s32 $0xFFFFFF80  }
0xca: {  	_ =	swait.ge [sflag:s31], $0x4000  }
0xcb: {  	[sflag:s31] =	ssyncset.done $0x0  }
0xcc: {  	[sflag:s31] =	ssyncadd.s32 $0xFFFFC000  }
0xcd: {  	[spmem:s1] =	stream.indirect.scatter.add.f32 [tilespmem:s28], [sflag:$0x3], $0x80, s30, s26, $0xb8;
	[tilespmem:$0x1D100] =	vst v63  }
0xce: {  	_ =	swait.ge [sflag:s25], $0x4000  }
0xcf: {  	[sflag:s25] =	ssyncset.done $0x0  }
0xd0: {  	[sflag:s25] =	ssyncadd.s32 $0xFFFFC000  }
0xd1: {  	[tilespmem:s28], [sflag:$0x1] =	stream.indirect.gather [hbm4b:s4+s26], $0x80, s15, s26, $0xb8;
	[tilespmem:$0x1D100] =	vst v63  }
0xd2: {  	s17 =	sadd.s32 $0x290, s18  }
0xd3: {  	[tilespmem:s0], [sflag:$0x3] =	stream.linear.gather [hbm4b:s17+s2], $0x80, $0x38;
	[tilespmem:$0x1D100] =	vst v63  }
0xd4: {  	_ =	swait.ge [sflag:s25], $0x80  }
0xd5: {  	[sflag:s25] =	ssyncset.done $0x0  }
0xd6: {  	[sflag:s25] =	ssyncadd.s32 $0xFFFFFF80  }
0xd7: {  	_ =	swait.ge [sflag:s3], $0x4000  }
.Ltmp1:
0xd8: {  	[sflag:s3] =	ssyncset.done $0x0;
	(pc) =	sbr.rel @p1 .LBB2_4-.Ltmp1, $4  }
0xd9: {  	[sflag:s3] =	ssyncadd.s32 $0xFFFFC000  }
0xda: {  	[spmem:s1] =	stream.indirect.scatter.add.f32 [tilespmem:s29], [sflag:$0x3], $0x80, s0, s26, $0xb8;
	[tilespmem:$0x1D100] =	vst v63  }
0xdb: {  	_ =	swait.ge [sflag:s25], $0x4000  }
0xdc: {  	s15 =	sadd.s32 $0x100, s15;
	[sflag:s25] =	ssyncset.done $0x0  }
0xdd: {  	s16 =	sadd.s32 $0xFFFFFF80, s15;
	s12 =	sadd.s32 s12, s24;
	[sflag:s25] =	ssyncadd.s32 $0xFFFFC000  }
0xde: {  	[tilespmem:s29], [sflag:$0x2] =	stream.indirect.gather [hbm4b:s4+s26], $0x80, s16, s26, $0xb8;
	[tilespmem:$0x1D100] =	vst v63  }
0xdf: {  	s18 =	sadd.s32 $0x280, s12  }
0xe0: {  	[tilespmem:s30], [sflag:$0x3] =	stream.linear.gather [hbm4b:s18+s2], $0x80, $0x38;
	[tilespmem:$0x1D100] =	vst v63  }
0xe1: {  	_ =	swait.ge [sflag:s25], $0x80  }
0xe2: {  	[sflag:s25] =	ssyncset.done $0x0  }
0xe3: {  	[sflag:s25] =	ssyncadd.s32 $0xFFFFFF80  }
0xe4: {  	_ =	swait.ge [sflag:s31], $0x4000  }
0xe5: {  	[sflag:s31] =	ssyncset.done $0x0  }
0xe6: {  	[sflag:s31] =	ssyncadd.s32 $0xFFFFC000  }
0xe7: {  	[spmem:s1] =	stream.indirect.scatter.add.f32 [tilespmem:s28], [sflag:$0x3], $0x80, s30, s26, $0xb8;
	[tilespmem:$0x1D100] =	vst v63  }
0xe8: {  	_ =	swait.ge [sflag:s25], $0x4000  }
0xe9: {  	[sflag:s25] =	ssyncset.done $0x0  }
0xea: {  	[sflag:s25] =	ssyncadd.s32 $0xFFFFC000  }
0xeb: {  	[tilespmem:s28], [sflag:$0x1] =	stream.indirect.gather [hbm4b:s4+s26], $0x80, s15, s26, $0xb8;
	[tilespmem:$0x1D100] =	vst v63  }
0xec: {  	s12 =	sadd.s32 $0x290, s12  }
0xed: {  	[tilespmem:s0], [sflag:$0x3] =	stream.linear.gather [hbm4b:s12+s2], $0x80, $0x38;
	[tilespmem:$0x1D100] =	vst v63  }
0xee: {  	_ =	swait.ge [sflag:s25], $0x80  }
0xef: {  	[sflag:s25] =	ssyncset.done $0x0  }
0xf0: {  	[sflag:s25] =	ssyncadd.s32 $0xFFFFFF80  }
0xf1: {  	_ =	swait.ge [sflag:s3], $0x4000  }
0xf2: {  	[sflag:s3] =	ssyncset.done $0x0  }
0xf3: {  	[sflag:s3] =	ssyncadd.s32 $0xFFFFC000  }
0xf4: {  	[spmem:s1] =	stream.indirect.scatter.add.f32 [tilespmem:s29], [sflag:$0x3], $0x80, s0, s26, $0xb8;
	[tilespmem:$0x1D100] =	vst v63  }
0xf5: {  	_ =	swait.ge [sflag:s25], $0x4000  }
0xf6: {  	[sflag:s25] =	ssyncset.done $0x0  }
0xf7: {  	[sflag:s25] =	ssyncadd.s32 $0xFFFFC000  }
0xf8: {  	[tilespmem:s29], [sflag:$0x2] =	stream.indirect.gather [hbm4b:s4+s26], $0x80, s6, s26, $0xb8;
	[tilespmem:$0x1D100] =	vst v63  }
0xf9: {  	_ = 	snop  }
0xfa: {  	[tilespmem:s30], [sflag:$0x3] =	stream.linear.gather [hbm4b:s21+s2], $0x80, $0x38;
	[tilespmem:$0x1D100] =	vst v63  }
0xfb: {  	_ =	swait.ge [sflag:s25], $0x80  }
0xfc: {  	[sflag:s25] =	ssyncset.done $0x0  }
0xfd: {  	[sflag:s25] =	ssyncadd.s32 $0xFFFFFF80  }
0xfe: {  	_ =	swait.ge [sflag:s31], $0x4000  }
0xff: {  	[sflag:s31] =	ssyncset.done $0x0  }
0x100: {  	[sflag:s31] =	ssyncadd.s32 $0xFFFFC000  }
0x101: {  	[spmem:s1] =	stream.indirect.scatter.add.f32 [tilespmem:s28], [sflag:$0x3], $0x80, s30, s26, $0xb8;
	[tilespmem:$0x1D100] =	vst v63  }
0x102: {  	_ =	swait.ge [sflag:s25], $0x4000  }
0x103: {  	[sflag:s25] =	ssyncset.done $0x0  }
0x104: {  	[sflag:s25] =	ssyncadd.s32 $0xFFFFC000  }
0x105: {  	[tilespmem:s0], [sflag:$0x3] =	stream.linear.gather [hbm4b:s20+s2], $0x80, $0x38;
	[tilespmem:$0x1D100] =	vst v63  }
0x106: {  	_ =	swait.ge [sflag:s25], $0x80  }
0x107: {  	[sflag:s25] =	ssyncset.done $0x0  }
0x108: {  	[sflag:s25] =	ssyncadd.s32 $0xFFFFFF80  }
0x109: {  	_ =	swait.ge [sflag:s3], $0x4000  }
0x10a: {  	[sflag:s3] =	ssyncset.done $0x0  }
0x10b: {  	[sflag:s3] =	ssyncadd.s32 $0xFFFFC000  }
0x10c: {  	[spmem:s1] =	stream.indirect.scatter.add.f32 [tilespmem:s29], [sflag:$0x3], $0x80, s0, s26, $0xb8;
	[tilespmem:$0x1D100] =	vst v63  }
0x10d: {  	_ =	swait.ge [sflag:s25], $0x4000  }
0x10e: {  	[sflag:s25] =	ssyncset.done $0x0  }
0x10f: {  	[sflag:s25] =	ssyncadd.s32 $0xFFFFC000  }
0x110: {  	[bflag:$0x0] =	sbarrier.arrive $0xFFFF  }
0x111: {  	s15 =	rddreg [dreg:$0xa]  }
0x112: {  	[hbm:s15], [sflag:s7] =	dma.local [spmem:s9], $0x800  }
0x113: {  	_ =	swait.ge [sflag:s25], $0x800  }
0x114: {  	[sflag:s25] =	ssyncset.done $0x0  }
0x115: {  	s16 =	rddreg [dreg:$0xb];
	[sflag:s25] =	ssyncadd.s32 $0xFFFFF800  }
0x116: {  	[hbm:s16], [sflag:s7] =	dma.local [spmem:s10], $0x800  }
0x117: {  	_ =	swait.ge [sflag:s25], $0x800  }
0x118: {  	[sflag:s25] =	ssyncset.done $0x0  }
0x119: {  	s17 =	rddreg [dreg:$0xc];
	[sflag:s25] =	ssyncadd.s32 $0xFFFFF800  }
0x11a: {  	[hbm:s17], [sflag:s7] =	dma.local [spmem:s11], $0x800  }
0x11b: {  	_ =	swait.ge [sflag:s25], $0x800  }
0x11c: {  	[sflag:s25] =	ssyncset.done $0x0  }
0x11d: {  	s18 =	rddreg [dreg:$0xd];
	[sflag:s25] =	ssyncadd.s32 $0xFFFFF800  }
0x11e: {  	[hbm:s18], [sflag:s7] =	dma.local [spmem:s13], $0x800  }
0x11f: {  	_ =	swait.ge [sflag:s25], $0x800  }
0x120: {  	s8 =	sadd.s32 $0x1, s8;
	[sflag:s25] =	ssyncset.done $0x0  }
0x121: {  	p1 =	sne.s32 s8, s23;
	s9 =	rddreg [dreg:$0xe];
	[sflag:s25] =	ssyncadd.s32 $0xFFFFF800  }
0x122: {  	[hbm:s9], [sflag:s7] =	dma.local @!p0 [spmem:s14], $0x800  }
.Ltmp2:
0x123: {  	_ = 	snop;
	(pc) =	sbr.rel @p1 .LBB2_1-.Ltmp2, $4  }
0x124: {  	s9 =	simm.s32 @!p0 $0x3  }
0x125: {  	_ =	swait.ge @!p0 [sflag:s9], $0x800  }
0x126: {  	[sflag:s9] =	ssyncset.done @!p0 $0x0  }
0x127: {  	[sflag:s9] =	ssyncadd.s32 @!p0 $0xFFFFF800  }
0x128: {  	_ =	sfence.sel $0x180000  }
0x129: {  	[bflag:$0x0] =	sbarrier.arrive $0xFFFF  }
0x12a: {  	_ =	strace $0x90000050  }
0x12b: {  	s0 =	stileid.u32;
	[bflag:$0x2] =	sbarrier.arrive $0xFFFF  }
0x12c: {  	p0 =	sne.s32 s0, $0x0;
	s0 =	rddreg [dreg:$0x4]  }
0x12d: {  	s0 =	sadd.s32 @!p0 $0x100000, s0  }
0x12e: {  	[sflag:s0] =	ssyncadd.tile.s32 @!p0 $0x1;
	_ =	shalt  }
.Lfunc_end2:
_tile_overlayer_lowered:
.L_overlay_start_2:
0x12f: {  	(tag) =	ssettag $0x2  }
0x130: {  	s0 =	rddreg [dreg:$0x0];
	s2 =	stileid.u32  }
0x131: {  	s1 =	rddreg [dreg:$0x1];
	p0 =	sne.s32 s2, $0x0  }
0x132: {  	s3 =	rddreg [dreg:$0x2];
	[bflag:$0x3] =	sbarrier.arrive $0xFFFF;
	s2 =	simm.s32 @!p0 $0x1C03  }
0x133: {  	[timem:s3], [sflag:s2] =	dma.local @!p0 [hbm:s0], s1  }
0x134: {  	s0 =	simm.s32 @!p0 $0x3  }
0x135: {  	_ =	swait.ge @!p0 [sflag:s0], s1  }
0x136: {  	s1 =	ssub.s32 @!p0 $0x0, s1;
	[sflag:s0] =	ssyncset.done @!p0 $0x0  }
0x137: {  	[sflag:s0] =	ssyncadd.s32 @!p0 s1  }
0x138: {  	[bflag:$0x3] =	sbarrier.arrive $0xFFFF  }
0x139: {  	_ =	shalt  }

</sc_bundles>
